<compile_context>
chip_gen: v7x
topology: tpu7x:2x2x1
jax: 0.10.2.dev20260603
libtpu: 0.0.44.dev20260713+nightly
codegen_flags: <defaults>
</compile_context>

<pallas_src>
import functools

import jax
import jax.numpy as jnp
from jax import lax
from jax.experimental import pallas as pl
from jax.experimental.pallas import tpu as pltpu
from jax.experimental.pallas import tpu_sc as plsc

HIDDEN = 64
NUM_COLORS = 10
EPS = 1e-5

_B = 1024
_HW = 900
_L = 16
_NBLK = _B // _L

_NC = 2
_NS = 16
_NW = _NC * _NS

_CELLS_BASE = _HW // _NW
_CELLS_EXTRA = _HW % _NW

_DQ = 16
_NQ = HIDDEN // _DQ


def _prep_body(table_ref, gamma_ref, beta_ref, out_ref):
    t = table_ref[...]
    mean = jnp.mean(t, axis=-1, keepdims=True)
    var = jnp.mean((t - mean) * (t - mean), axis=-1, keepdims=True)
    nt = (t - mean) / jnp.sqrt(var + EPS) * gamma_ref[...] + beta_ref[...]
    out_ref[...] = jnp.concatenate(
        [nt.T, jnp.zeros((HIDDEN, _L - NUM_COLORS), jnp.float32)], axis=1)


def _prep(table, gamma, beta):
    return pl.pallas_call(
        _prep_body,
        out_shape=jax.ShapeDtypeStruct((HIDDEN, _L), jnp.float32),
    )(table, gamma.reshape(1, HIDDEN), beta.reshape(1, HIDDEN))


def _make_lookup():
    mesh = plsc.VectorSubcoreMesh(core_axis_name="c", subcore_axis_name="s")

    @functools.partial(
        pl.kernel,
        out_type=jax.ShapeDtypeStruct((_HW, HIDDEN, _B), jnp.float32),
        mesh=mesh,
        scratch_types=[
            pltpu.VMEM((HIDDEN, _L), jnp.float32),
            pltpu.VMEM((2, _B), jnp.int32),
            pltpu.VMEM((2, _DQ, _B), jnp.float32),
            pltpu.SemaphoreType.DMA,
            pltpu.SemaphoreType.DMA,
            pltpu.SemaphoreType.DMA,
        ],
    )
    def lookup(ntt_hbm, idxt_hbm, out_hbm, ntt_v, idx_v, rows_v,
               sem_t, sem_i, sem_o):
        wid = lax.axis_index("s") * _NC + lax.axis_index("c")
        ncells = _CELLS_BASE + jnp.where(wid < _CELLS_EXTRA, 1, 0)
        p0 = wid * _CELLS_BASE + jnp.minimum(wid, _CELLS_EXTRA)

        pltpu.make_async_copy(ntt_hbm, ntt_v, sem_t).start()

        def idx_copy(k):
            return pltpu.make_async_copy(
                idxt_hbm.at[p0 + k], idx_v.at[k % 2], sem_i)

        def out_copy(p, q):
            return pltpu.make_async_copy(
                rows_v.at[q % 2], out_hbm.at[p, pl.ds(q * _DQ, _DQ)], sem_o)

        idx_copy(0).start()
        pltpu.make_async_copy(ntt_hbm, ntt_v, sem_t).wait()

        def cell_body(k, carry):
            b = k % 2
            p = p0 + k
            idx_copy(k).wait()

            @pl.when(k + 1 < ncells)
            def _():
                idx_copy(k + 1).start()

            for q in range(_NQ):
                @pl.when(k * _NQ + q >= 2)
                def _():
                    out_copy(p, q).wait()

                cols = [ntt_v[q * _DQ + d] for d in range(_DQ)]

                def blk_body(ib, c2):
                    idx16 = idx_v[b, pl.ds(ib * _L, _L)]
                    for d in range(_DQ):
                        rows_v[q % 2, d, pl.ds(ib * _L, _L)] = (
                            cols[d].at[idx16].get(mode="promise_in_bounds"))
                    return c2

                lax.fori_loop(0, _NBLK, blk_body, 0)
                out_copy(p, q).start()
            return carry

        lax.fori_loop(0, ncells, cell_body, 0)
        out_copy(p0, 0).wait()
        out_copy(p0, 0).wait()

    return lookup


def kernel(grid, table, gamma, beta):
    b, h, w = grid.shape
    ntt = _prep(table, gamma, beta)
    idxt = grid.astype(jnp.int32).reshape(b, h * w).T
    outt = _make_lookup()(ntt, idxt)
    return jnp.transpose(outt, (2, 0, 1))

# --- scband reference (transcript-rebuilt; emitter-appended) ---
"""Pipeline reference for scband-grid-embedding-81269371175184 (READ-ONLY COPY).

The authoritative reference and input builder live on the scoring server;
editing this copy changes nothing except your own understanding.
"""

import jax, jax.numpy as jnp
import numpy as np

HIDDEN_DIM = 64
NUM_COLORS = 10
BATCH = 1024
H = 30
W = 30
EPS = 1e-5


def setup_inputs(seed: int = 0) -> dict:
    key = jax.random.key(seed)
    k1, k2 = jax.random.split(key)
    grid = jax.random.randint(k1, (BATCH, H, W), 0, 10, dtype=jnp.int64) if jax.config.jax_enable_x64 else jax.random.randint(k1, (BATCH, H, W), 0, 10, dtype=jnp.int32)
    # embedding table initialized like nn.Embedding (N(0,1))
    table = jax.random.normal(k2, (NUM_COLORS, HIDDEN_DIM), dtype=jnp.float32)
    # LayerNorm params (default init: weight=1, bias=0)
    gamma = jnp.ones((HIDDEN_DIM,), dtype=jnp.float32)
    beta = jnp.zeros((HIDDEN_DIM,), dtype=jnp.float32)
    return {"grid": grid, "table": table, "gamma": gamma, "beta": beta}


def reference(grid, table, gamma, beta):
    # flat = grid.reshape(B, -1).clamp(0, num_colors-1)
    flat = jnp.clip(grid.reshape(grid.shape[0], -1), 0, NUM_COLORS - 1)
    # embedding lookup (gather)
    emb = jnp.take(table, flat, axis=0)  # [B, H*W, hidden_dim]
    # LayerNorm over last dim
    mean = jnp.mean(emb, axis=-1, keepdims=True)
    var = jnp.var(emb, axis=-1, keepdims=True)
    out = (emb - mean) / jnp.sqrt(var + EPS) * gamma + beta
    return out

if __name__ == "__main__":
    import jax
    _d = setup_inputs()
    print(jax.jit(kernel)(*tuple(_d.values())))

</pallas_src>

<mosaic_0001>
#map = affine_map<(d0, d1) -> (0, 0)>
#map1 = affine_map<(d0, d1) -> (0, 0, 0)>
module attributes {stable_mosaic.version = 14 : i64} {
  func.func @lookup(%arg0: i32, %arg1: i32, %arg2: memref<64x16xf32, #tpu.memory_space<hbm>>, %arg3: memref<900x1024xi32, #tpu.memory_space<hbm>>, %arg4: memref<900x64x1024xf32, #tpu.memory_space<hbm>>, %arg5: memref<64x16xf32, #tpu.memory_space<vmem>>, %arg6: memref<2x1024xi32, #tpu.memory_space<vmem>>, %arg7: memref<2x16x1024xf32, #tpu.memory_space<vmem>>, %arg8: memref<!tpu.dma_semaphore, #tpu.memory_space<semaphore_mem>>, %arg9: memref<!tpu.dma_semaphore, #tpu.memory_space<semaphore_mem>>, %arg10: memref<!tpu.dma_semaphore, #tpu.memory_space<semaphore_mem>>) attributes {dimension_semantics = [#tpu.dimension_semantics<core_parallel>, #tpu.dimension_semantics<subcore_parallel>], iteration_bounds = array<i64: 2, 16>, scalar_prefetch = 0 : i64, scratch_operands = 6 : i64, tpu.core_type = #tpu.core_type<sc_vector_subcore>, window_params = [{transform_indices = #map}, {transform_indices = #map}, {transform_indices = #map1}]} {
    %mul3A = arith.constant 2 : i32
    %mul3A_0 = arith.muli %arg1, %mul3A : i32
    %add3A = arith.addi %mul3A_0, %arg0 : i32
    %lt3A = arith.constant 4 : i32
    %lt3A_1 = arith.cmpi slt, %add3A, %lt3A : i32
    %jit3A = arith.constant 1 : i32
    %jit3A_2 = arith.constant 0 : i32
    %select_n3A = arith.select %lt3A_1, %jit3A, %jit3A_2 : i32
    %add3A_3 = arith.constant 28 : i32
    %add3A_4 = arith.addi %add3A_3, %select_n3A : i32
    %mul3A_5 = arith.constant 28 : i32
    %mul3A_6 = arith.muli %add3A, %mul3A_5 : i32
    %min3A = arith.constant 4 : i32
    %min3A_7 = arith.minsi %add3A, %min3A : i32
    %add3A_8 = arith.addi %mul3A_6, %min3A_7 : i32
    tpu.enqueue_dma source(%arg2 : memref<64x16xf32, #tpu.memory_space<hbm>>) target(%arg5 : memref<64x16xf32, #tpu.memory_space<vmem>>) target_semaphore(%arg8 : memref<!tpu.dma_semaphore, #tpu.memory_space<semaphore_mem>>)
    %add3A_9 = arith.constant 0 : i32
    %add3A_10 = arith.addi %add3A_8, %add3A_9 : i32
    %dma_start3A = arith.constant 0 : i32
    %dma_start3A_11 = arith.constant 0 : i32
    %dma_start3A_12 = tpu.memref_slice %arg6[%dma_start3A, %dma_start3A_11] : memref<2x1024xi32, #tpu.memory_space<vmem>> -> memref<1x1024xi32, #tpu.memory_space<vmem>>
    %dma_start3A_13 = tpu.memref_squeeze %dma_start3A_12 : memref<1x1024xi32, #tpu.memory_space<vmem>> -> memref<1024xi32, #tpu.memory_space<vmem>>
    %dma_start3A_14 = arith.constant 0 : i32
    %dma_start3A_15 = tpu.memref_slice %arg3[%add3A_10, %dma_start3A_14] : memref<900x1024xi32, #tpu.memory_space<hbm>> -> memref<1x1024xi32, #tpu.memory_space<hbm>>
    %dma_start3A_16 = tpu.memref_squeeze %dma_start3A_15 : memref<1x1024xi32, #tpu.memory_space<hbm>> -> memref<1024xi32, #tpu.memory_space<hbm>>
    %dma_start3A_17 = arith.constant 0 : i32
    %dma_start3A_18 = tpu.memref_slice %arg6[%dma_start3A, %dma_start3A_17] : memref<2x1024xi32, #tpu.memory_space<vmem>> -> memref<1x1024xi32, #tpu.memory_space<vmem>>
    %dma_start3A_19 = tpu.memref_squeeze %dma_start3A_18 : memref<1x1024xi32, #tpu.memory_space<vmem>> -> memref<1024xi32, #tpu.memory_space<vmem>>
    %dma_start3A_20 = arith.constant 0 : i32
    %dma_start3A_21 = tpu.memref_slice %arg3[%add3A_10, %dma_start3A_20] : memref<900x1024xi32, #tpu.memory_space<hbm>> -> memref<1x1024xi32, #tpu.memory_space<hbm>>
    %dma_start3A_22 = tpu.memref_squeeze %dma_start3A_21 : memref<1x1024xi32, #tpu.memory_space<hbm>> -> memref<1024xi32, #tpu.memory_space<hbm>>
    tpu.enqueue_dma source(%dma_start3A_22 : memref<1024xi32, #tpu.memory_space<hbm>>) target(%dma_start3A_19 : memref<1024xi32, #tpu.memory_space<vmem>>) target_semaphore(%arg9 : memref<!tpu.dma_semaphore, #tpu.memory_space<semaphore_mem>>)
    tpu.wait_dma2 semaphore(%arg8 : memref<!tpu.dma_semaphore, #tpu.memory_space<semaphore_mem>>) src(%arg2 : memref<64x16xf32, #tpu.memory_space<hbm>>) dst(%arg5 : memref<64x16xf32, #tpu.memory_space<vmem>>)
    %while3A = arith.constant 0 : i32
    %while3A_23 = arith.constant 0 : i32
    %while3A_24 = arith.subi %add3A_4, %while3A_23 : i32
    %while3A_25 = arith.addi %while3A_23, %while3A_24 : i32
    %while3A_26 = arith.constant 1 : i32
    %while3A_27 = arith.divsi %while3A_24, %while3A_26 : i32
    %while3A_28 = arith.muli %while3A_27, %while3A_26 : i32
    %while3A_29 = arith.addi %while3A_23, %while3A_28 : i32
    %while3A_30 = arith.constant 1 : i32
    scf.for %while3A_65 = %while3A_23 to %while3A_29 step %while3A_30  : i32 {
      %jit3A_66 = arith.constant 2 : i32
      %eq3A = arith.constant 0 : i32
      %eq3A_67 = arith.cmpi eq, %jit3A_66, %eq3A : i32
      %jit3A_68 = arith.constant 1 : i32
      %select_n3A_69 = arith.select %eq3A_67, %jit3A_68, %jit3A_66 : i32
      %rem3A = arith.remsi %while3A_65, %select_n3A_69 : i32
      %ne3A = arith.constant 0 : i32
      %ne3A_70 = arith.cmpi ne, %rem3A, %ne3A : i32
      %lt3A_71 = arith.constant 0 : i32
      %lt3A_72 = arith.cmpi slt, %rem3A, %lt3A_71 : i32
      %lt3A_73 = arith.constant 0 : i32
      %lt3A_74 = arith.cmpi slt, %select_n3A_69, %lt3A_73 : i32
      %ne3A_75 = arith.xori %lt3A_72, %lt3A_74 : i1
      %and3A = arith.andi %ne3A_75, %ne3A_70 : i1
      %add3A_76 = arith.addi %rem3A, %select_n3A_69 : i32
      %select_n3A_77 = arith.select %and3A, %add3A_76, %rem3A : i32
      %add3A_78 = arith.addi %add3A_8, %while3A_65 : i32
      %add3A_79 = arith.addi %add3A_8, %while3A_65 : i32
      %jit3A_80 = arith.constant 2 : i32
      %eq3A_81 = arith.constant 0 : i32
      %eq3A_82 = arith.cmpi eq, %jit3A_80, %eq3A_81 : i32
      %jit3A_83 = arith.constant 1 : i32
      %select_n3A_84 = arith.select %eq3A_82, %jit3A_83, %jit3A_80 : i32
      %rem3A_85 = arith.remsi %while3A_65, %select_n3A_84 : i32
      %ne3A_86 = arith.constant 0 : i32
      %ne3A_87 = arith.cmpi ne, %rem3A_85, %ne3A_86 : i32
      %lt3A_88 = arith.constant 0 : i32
      %lt3A_89 = arith.cmpi slt, %rem3A_85, %lt3A_88 : i32
      %lt3A_90 = arith.constant 0 : i32
      %lt3A_91 = arith.cmpi slt, %select_n3A_84, %lt3A_90 : i32
      %ne3A_92 = arith.xori %lt3A_89, %lt3A_91 : i1
      %and3A_93 = arith.andi %ne3A_92, %ne3A_87 : i1
      %add3A_94 = arith.addi %rem3A_85, %select_n3A_84 : i32
      %select_n3A_95 = arith.select %and3A_93, %add3A_94, %rem3A_85 : i32
      %dma_wait3A_96 = arith.constant 0 : i32
      %dma_wait3A_97 = tpu.memref_slice %arg6[%select_n3A_95, %dma_wait3A_96] : memref<2x1024xi32, #tpu.memory_space<vmem>> -> memref<1x1024xi32, #tpu.memory_space<vmem>>
      %dma_wait3A_98 = tpu.memref_squeeze %dma_wait3A_97 : memref<1x1024xi32, #tpu.memory_space<vmem>> -> memref<1024xi32, #tpu.memory_space<vmem>>
      %dma_wait3A_99 = arith.constant 0 : i32
      %dma_wait3A_100 = tpu.memref_slice %arg3[%add3A_79, %dma_wait3A_99] : memref<900x1024xi32, #tpu.memory_space<hbm>> -> memref<1x1024xi32, #tpu.memory_space<hbm>>
      %dma_wait3A_101 = tpu.memref_squeeze %dma_wait3A_100 : memref<1x1024xi32, #tpu.memory_space<hbm>> -> memref<1024xi32, #tpu.memory_space<hbm>>
      %dma_wait3A_102 = arith.constant 0 : i32
      %dma_wait3A_103 = tpu.memref_slice %arg6[%select_n3A_95, %dma_wait3A_102] : memref<2x1024xi32, #tpu.memory_space<vmem>> -> memref<1x1024xi32, #tpu.memory_space<vmem>>
      %dma_wait3A_104 = tpu.memref_squeeze %dma_wait3A_103 : memref<1x1024xi32, #tpu.memory_space<vmem>> -> memref<1024xi32, #tpu.memory_space<vmem>>
      %dma_wait3A_105 = arith.constant 0 : i32
      %dma_wait3A_106 = tpu.memref_slice %arg3[%add3A_79, %dma_wait3A_105] : memref<900x1024xi32, #tpu.memory_space<hbm>> -> memref<1x1024xi32, #tpu.memory_space<hbm>>
      %dma_wait3A_107 = tpu.memref_squeeze %dma_wait3A_106 : memref<1x1024xi32, #tpu.memory_space<hbm>> -> memref<1024xi32, #tpu.memory_space<hbm>>
      tpu.wait_dma2 semaphore(%arg9 : memref<!tpu.dma_semaphore, #tpu.memory_space<semaphore_mem>>) src(%dma_wait3A_107 : memref<1024xi32, #tpu.memory_space<hbm>>) dst(%dma_wait3A_104 : memref<1024xi32, #tpu.memory_space<vmem>>)
      %add3A_108 = arith.constant 1 : i32
      %add3A_109 = arith.addi %while3A_65, %add3A_108 : i32
      %lt3A_110 = arith.cmpi slt, %add3A_109, %add3A_4 : i32
      %convert_element_type3A = arith.extui %lt3A_110 : i1 to i32
      %cond3A = arith.constant 0 : i32
      %cond3A_111 = arith.cmpi ne, %convert_element_type3A, %cond3A : i32
      scf.if %cond3A_111 {
        %add3A_557 = arith.constant 1 : i32
        %add3A_558 = arith.addi %while3A_65, %add3A_557 : i32
        %add3A_559 = arith.addi %add3A_8, %add3A_558 : i32
        %jit3A_560 = arith.constant 2 : i32
        %eq3A_561 = arith.constant 0 : i32
        %eq3A_562 = arith.cmpi eq, %jit3A_560, %eq3A_561 : i32
        %jit3A_563 = arith.constant 1 : i32
        %select_n3A_564 = arith.select %eq3A_562, %jit3A_563, %jit3A_560 : i32
        %rem3A_565 = arith.remsi %add3A_558, %select_n3A_564 : i32
        %ne3A_566 = arith.constant 0 : i32
        %ne3A_567 = arith.cmpi ne, %rem3A_565, %ne3A_566 : i32
        %lt3A_568 = arith.constant 0 : i32
        %lt3A_569 = arith.cmpi slt, %rem3A_565, %lt3A_568 : i32
        %lt3A_570 = arith.constant 0 : i32
        %lt3A_571 = arith.cmpi slt, %select_n3A_564, %lt3A_570 : i32
        %ne3A_572 = arith.xori %lt3A_569, %lt3A_571 : i1
        %and3A_573 = arith.andi %ne3A_572, %ne3A_567 : i1
        %add3A_574 = arith.addi %rem3A_565, %select_n3A_564 : i32
        %select_n3A_575 = arith.select %and3A_573, %add3A_574, %rem3A_565 : i32
        %dma_start3A_576 = arith.constant 0 : i32
        %dma_start3A_577 = tpu.memref_slice %arg6[%select_n3A_575, %dma_start3A_576] : memref<2x1024xi32, #tpu.memory_space<vmem>> -> memref<1x1024xi32, #tpu.memory_space<vmem>>
        %dma_start3A_578 = tpu.memref_squeeze %dma_start3A_577 : memref<1x1024xi32, #tpu.memory_space<vmem>> -> memref<1024xi32, #tpu.memory_space<vmem>>
        %dma_start3A_579 = arith.constant 0 : i32
        %dma_start3A_580 = tpu.memref_slice %arg3[%add3A_559, %dma_start3A_579] : memref<900x1024xi32, #tpu.memory_space<hbm>> -> memref<1x1024xi32, #tpu.memory_space<hbm>>
        %dma_start3A_581 = tpu.memref_squeeze %dma_start3A_580 : memref<1x1024xi32, #tpu.memory_space<hbm>> -> memref<1024xi32, #tpu.memory_space<hbm>>
        %dma_start3A_582 = arith.constant 0 : i32
        %dma_start3A_583 = tpu.memref_slice %arg6[%select_n3A_575, %dma_start3A_582] : memref<2x1024xi32, #tpu.memory_space<vmem>> -> memref<1x1024xi32, #tpu.memory_space<vmem>>
        %dma_start3A_584 = tpu.memref_squeeze %dma_start3A_583 : memref<1x1024xi32, #tpu.memory_space<vmem>> -> memref<1024xi32, #tpu.memory_space<vmem>>
        %dma_start3A_585 = arith.constant 0 : i32
        %dma_start3A_586 = tpu.memref_slice %arg3[%add3A_559, %dma_start3A_585] : memref<900x1024xi32, #tpu.memory_space<hbm>> -> memref<1x1024xi32, #tpu.memory_space<hbm>>
        %dma_start3A_587 = tpu.memref_squeeze %dma_start3A_586 : memref<1x1024xi32, #tpu.memory_space<hbm>> -> memref<1024xi32, #tpu.memory_space<hbm>>
        tpu.enqueue_dma source(%dma_start3A_587 : memref<1024xi32, #tpu.memory_space<hbm>>) target(%dma_start3A_584 : memref<1024xi32, #tpu.memory_space<vmem>>) target_semaphore(%arg9 : memref<!tpu.dma_semaphore, #tpu.memory_space<semaphore_mem>>)
      } else {
      }
      %mul3A_112 = arith.constant 4 : i32
      %mul3A_113 = arith.muli %while3A_65, %mul3A_112 : i32
      %add3A_114 = arith.constant 0 : i32
      %add3A_115 = arith.addi %mul3A_113, %add3A_114 : i32
      %ge3A = arith.constant 2 : i32
      %ge3A_116 = arith.cmpi sge, %add3A_115, %ge3A : i32
      %convert_element_type3A_117 = arith.extui %ge3A_116 : i1 to i32
      %cond3A_118 = arith.constant 0 : i32
      %cond3A_119 = arith.cmpi ne, %convert_element_type3A_117, %cond3A_118 : i32
      scf.if %cond3A_119 {
        %dma_wait3A_557 = arith.constant 0 : i32
        %dma_wait3A_558 = arith.constant 0 : i32
        %dma_wait3A_559 = arith.constant 0 : i32
        %dma_wait3A_560 = tpu.memref_slice %arg7[%dma_wait3A_557, %dma_wait3A_558, %dma_wait3A_559] : memref<2x16x1024xf32, #tpu.memory_space<vmem>> -> memref<1x16x1024xf32, #tpu.memory_space<vmem>>
        %dma_wait3A_561 = tpu.memref_squeeze %dma_wait3A_560 : memref<1x16x1024xf32, #tpu.memory_space<vmem>> -> memref<16x1024xf32, #tpu.memory_space<vmem>>
        %dma_wait3A_562 = arith.constant 0 : i32
        %dma_wait3A_563 = arith.constant 0 : i32
        %dma_wait3A_564 = tpu.memref_slice %arg4[%add3A_78, %dma_wait3A_562, %dma_wait3A_563] : memref<900x64x1024xf32, #tpu.memory_space<hbm>> -> memref<1x16x1024xf32, #tpu.memory_space<hbm>>
        %dma_wait3A_565 = tpu.memref_squeeze %dma_wait3A_564 : memref<1x16x1024xf32, #tpu.memory_space<hbm>> -> memref<16x1024xf32, #tpu.memory_space<hbm>>
        %dma_wait3A_566 = arith.constant 0 : i32
        %dma_wait3A_567 = arith.constant 0 : i32
        %dma_wait3A_568 = tpu.memref_slice %arg4[%add3A_78, %dma_wait3A_566, %dma_wait3A_567] : memref<900x64x1024xf32, #tpu.memory_space<hbm>> -> memref<1x16x1024xf32, #tpu.memory_space<hbm>>
        %dma_wait3A_569 = tpu.memref_squeeze %dma_wait3A_568 : memref<1x16x1024xf32, #tpu.memory_space<hbm>> -> memref<16x1024xf32, #tpu.memory_space<hbm>>
        %dma_wait3A_570 = arith.constant 0 : i32
        %dma_wait3A_571 = arith.constant 0 : i32
        %dma_wait3A_572 = tpu.memref_slice %arg7[%dma_wait3A_557, %dma_wait3A_570, %dma_wait3A_571] : memref<2x16x1024xf32, #tpu.memory_space<vmem>> -> memref<1x16x1024xf32, #tpu.memory_space<vmem>>
        %dma_wait3A_573 = tpu.memref_squeeze %dma_wait3A_572 : memref<1x16x1024xf32, #tpu.memory_space<vmem>> -> memref<16x1024xf32, #tpu.memory_space<vmem>>
        tpu.wait_dma2 semaphore(%arg10 : memref<!tpu.dma_semaphore, #tpu.memory_space<semaphore_mem>>) src(%dma_wait3A_573 : memref<16x1024xf32, #tpu.memory_space<vmem>>) dst(%dma_wait3A_569 : memref<16x1024xf32, #tpu.memory_space<hbm>>)
      } else {
      }
      %get3A = arith.constant 0 : i32
      %get3A_120 = arith.index_cast %get3A : i32 to index
      %get3A_121 = arith.constant 0 : index
      %get3A_122 = tpu.vector_load %arg5[%get3A_120, %get3A_121] {strides = array<i32>} : memref<64x16xf32, #tpu.memory_space<vmem>>, vector<1x16xf32>,
      %get3A_123 = vector.shape_cast %get3A_122 : vector<1x16xf32> to vector<16xf32>
      %get3A_124 = arith.constant 1 : i32
      %get3A_125 = arith.index_cast %get3A_124 : i32 to index
      %get3A_126 = arith.constant 0 : index
      %get3A_127 = tpu.vector_load %arg5[%get3A_125, %get3A_126] {strides = array<i32>} : memref<64x16xf32, #tpu.memory_space<vmem>>, vector<1x16xf32>,
      %get3A_128 = vector.shape_cast %get3A_127 : vector<1x16xf32> to vector<16xf32>
      %get3A_129 = arith.constant 2 : i32
      %get3A_130 = arith.index_cast %get3A_129 : i32 to index
      %get3A_131 = arith.constant 0 : index
      %get3A_132 = tpu.vector_load %arg5[%get3A_130, %get3A_131] {strides = array<i32>} : memref<64x16xf32, #tpu.memory_space<vmem>>, vector<1x16xf32>,
      %get3A_133 = vector.shape_cast %get3A_132 : vector<1x16xf32> to vector<16xf32>
      %get3A_134 = arith.constant 3 : i32
      %get3A_135 = arith.index_cast %get3A_134 : i32 to index
      %get3A_136 = arith.constant 0 : index
      %get3A_137 = tpu.vector_load %arg5[%get3A_135, %get3A_136] {strides = array<i32>} : memref<64x16xf32, #tpu.memory_space<vmem>>, vector<1x16xf32>,
      %get3A_138 = vector.shape_cast %get3A_137 : vector<1x16xf32> to vector<16xf32>
      %get3A_139 = arith.constant 4 : i32
      %get3A_140 = arith.index_cast %get3A_139 : i32 to index
      %get3A_141 = arith.constant 0 : index
      %get3A_142 = tpu.vector_load %arg5[%get3A_140, %get3A_141] {strides = array<i32>} : memref<64x16xf32, #tpu.memory_space<vmem>>, vector<1x16xf32>,
      %get3A_143 = vector.shape_cast %get3A_142 : vector<1x16xf32> to vector<16xf32>
      %get3A_144 = arith.constant 5 : i32
      %get3A_145 = arith.index_cast %get3A_144 : i32 to index
      %get3A_146 = arith.constant 0 : index
      %get3A_147 = tpu.vector_load %arg5[%get3A_145, %get3A_146] {strides = array<i32>} : memref<64x16xf32, #tpu.memory_space<vmem>>, vector<1x16xf32>,
      %get3A_148 = vector.shape_cast %get3A_147 : vector<1x16xf32> to vector<16xf32>
      %get3A_149 = arith.constant 6 : i32
      %get3A_150 = arith.index_cast %get3A_149 : i32 to index
      %get3A_151 = arith.constant 0 : index
      %get3A_152 = tpu.vector_load %arg5[%get3A_150, %get3A_151] {strides = array<i32>} : memref<64x16xf32, #tpu.memory_space<vmem>>, vector<1x16xf32>,
      %get3A_153 = vector.shape_cast %get3A_152 : vector<1x16xf32> to vector<16xf32>
      %get3A_154 = arith.constant 7 : i32
      %get3A_155 = arith.index_cast %get3A_154 : i32 to index
      %get3A_156 = arith.constant 0 : index
      %get3A_157 = tpu.vector_load %arg5[%get3A_155, %get3A_156] {strides = array<i32>} : memref<64x16xf32, #tpu.memory_space<vmem>>, vector<1x16xf32>,
      %get3A_158 = vector.shape_cast %get3A_157 : vector<1x16xf32> to vector<16xf32>
      %get3A_159 = arith.constant 8 : i32
      %get3A_160 = arith.index_cast %get3A_159 : i32 to index
      %get3A_161 = arith.constant 0 : index
      %get3A_162 = tpu.vector_load %arg5[%get3A_160, %get3A_161] {strides = array<i32>} : memref<64x16xf32, #tpu.memory_space<vmem>>, vector<1x16xf32>,
      %get3A_163 = vector.shape_cast %get3A_162 : vector<1x16xf32> to vector<16xf32>
      %get3A_164 = arith.constant 9 : i32
      %get3A_165 = arith.index_cast %get3A_164 : i32 to index
      %get3A_166 = arith.constant 0 : index
      %get3A_167 = tpu.vector_load %arg5[%get3A_165, %get3A_166] {strides = array<i32>} : memref<64x16xf32, #tpu.memory_space<vmem>>, vector<1x16xf32>,
      %get3A_168 = vector.shape_cast %get3A_167 : vector<1x16xf32> to vector<16xf32>
      %get3A_169 = arith.constant 10 : i32
      %get3A_170 = arith.index_cast %get3A_169 : i32 to index
      %get3A_171 = arith.constant 0 : index
      %get3A_172 = tpu.vector_load %arg5[%get3A_170, %get3A_171] {strides = array<i32>} : memref<64x16xf32, #tpu.memory_space<vmem>>, vector<1x16xf32>,
      %get3A_173 = vector.shape_cast %get3A_172 : vector<1x16xf32> to vector<16xf32>
      %get3A_174 = arith.constant 11 : i32
      %get3A_175 = arith.index_cast %get3A_174 : i32 to index
      %get3A_176 = arith.constant 0 : index
      %get3A_177 = tpu.vector_load %arg5[%get3A_175, %get3A_176] {strides = array<i32>} : memref<64x16xf32, #tpu.memory_space<vmem>>, vector<1x16xf32>,
      %get3A_178 = vector.shape_cast %get3A_177 : vector<1x16xf32> to vector<16xf32>
      %get3A_179 = arith.constant 12 : i32
      %get3A_180 = arith.index_cast %get3A_179 : i32 to index
      %get3A_181 = arith.constant 0 : index
      %get3A_182 = tpu.vector_load %arg5[%get3A_180, %get3A_181] {strides = array<i32>} : memref<64x16xf32, #tpu.memory_space<vmem>>, vector<1x16xf32>,
      %get3A_183 = vector.shape_cast %get3A_182 : vector<1x16xf32> to vector<16xf32>
      %get3A_184 = arith.constant 13 : i32
      %get3A_185 = arith.index_cast %get3A_184 : i32 to index
      %get3A_186 = arith.constant 0 : index
      %get3A_187 = tpu.vector_load %arg5[%get3A_185, %get3A_186] {strides = array<i32>} : memref<64x16xf32, #tpu.memory_space<vmem>>, vector<1x16xf32>,
      %get3A_188 = vector.shape_cast %get3A_187 : vector<1x16xf32> to vector<16xf32>
      %get3A_189 = arith.constant 14 : i32
      %get3A_190 = arith.index_cast %get3A_189 : i32 to index
      %get3A_191 = arith.constant 0 : index
      %get3A_192 = tpu.vector_load %arg5[%get3A_190, %get3A_191] {strides = array<i32>} : memref<64x16xf32, #tpu.memory_space<vmem>>, vector<1x16xf32>,
      %get3A_193 = vector.shape_cast %get3A_192 : vector<1x16xf32> to vector<16xf32>
      %get3A_194 = arith.constant 15 : i32
      %get3A_195 = arith.index_cast %get3A_194 : i32 to index
      %get3A_196 = arith.constant 0 : index
      %get3A_197 = tpu.vector_load %arg5[%get3A_195, %get3A_196] {strides = array<i32>} : memref<64x16xf32, #tpu.memory_space<vmem>>, vector<1x16xf32>,
      %get3A_198 = vector.shape_cast %get3A_197 : vector<1x16xf32> to vector<16xf32>
      %scan3A = arith.constant 0 : i32
      %scan3A_199 = arith.constant 0 : i32
      %scan3A_200 = arith.constant 64 : i32
      %scan3A_201 = arith.addi %scan3A_199, %scan3A_200 : i32
      %scan3A_202 = arith.constant 1 : i32
      scf.for %scan3A_557 = %scan3A_199 to %scan3A_201 step %scan3A_202  : i32 {
        %mul3A_558 = arith.constant 16 : i32
        %mul3A_559 = arith.muli %scan3A_557, %mul3A_558 : i32
        %get3A_560 = arith.index_cast %select_n3A_77 : i32 to index
        %get3A_561 = arith.index_cast %mul3A_559 : i32 to index
        %get3A_562 = tpu.vector_load %arg6[%get3A_560, %get3A_561] {strides = array<i32>} : memref<2x1024xi32, #tpu.memory_space<vmem>>, vector<1x16xi32>,
        %get3A_563 = vector.shape_cast %get3A_562 : vector<1x16xi32> to vector<16xi32>
        %lt3A_564 = arith.constant 0 : i32
        %lt3A_565 = vector.broadcast %lt3A_564 : i32 to vector<16xi32>
        %lt3A_566 = arith.cmpi slt, %get3A_563, %lt3A_565 : vector<16xi32>
        %add3A_567 = arith.constant 16 : i32
        %add3A_568 = vector.broadcast %add3A_567 : i32 to vector<16xi32>
        %add3A_569 = arith.addi %get3A_563, %add3A_568 : vector<16xi32>
        %select_n3A_570 = arith.select %lt3A_566, %add3A_569, %get3A_563 : vector<16xi1>, vector<16xi32>
        %broadcast_in_dim3A = vector.shape_cast %select_n3A_570 : vector<16xi32> to vector<16x1xi32>
        %gather3A = vector.shape_cast %broadcast_in_dim3A : vector<16x1xi32> to vector<16xi32>
        %gather3A_571 = tpu.dynamic_gather %get3A_123[%gather3A] in [0] : vector<16xf32>, vector<16xi32> -> vector<16xf32>
        %mul3A_572 = arith.constant 16 : i32
        %mul3A_573 = arith.muli %scan3A_557, %mul3A_572 : i32
        %swap3A = arith.constant 0 : i32
        %swap3A_574 = arith.constant 0 : i32
        %swap3A_575 = arith.index_cast %swap3A : i32 to index
        %swap3A_576 = arith.index_cast %swap3A_574 : i32 to index
        %swap3A_577 = arith.index_cast %mul3A_573 : i32 to index
        %swap3A_578 = tpu.vector_load %arg7[%swap3A_575, %swap3A_576, %swap3A_577] {strides = array<i32>} : memref<2x16x1024xf32, #tpu.memory_space<vmem>>, vector<1x1x16xf32>,
        %swap3A_579 = vector.shape_cast %swap3A_578 : vector<1x1x16xf32> to vector<16xf32>
        %swap3A_580 = vector.shape_cast %gather3A_571 : vector<16xf32> to vector<1x1x16xf32>
        tpu.vector_store %arg7[%swap3A_575, %swap3A_576, %swap3A_577], %swap3A_580 {strides = array<i32>} : memref<2x16x1024xf32, #tpu.memory_space<vmem>>, vector<1x1x16xf32>,
        %lt3A_581 = arith.constant 0 : i32
        %lt3A_582 = vector.broadcast %lt3A_581 : i32 to vector<16xi32>
        %lt3A_583 = arith.cmpi slt, %get3A_563, %lt3A_582 : vector<16xi32>
        %add3A_584 = arith.constant 16 : i32
        %add3A_585 = vector.broadcast %add3A_584 : i32 to vector<16xi32>
        %add3A_586 = arith.addi %get3A_563, %add3A_585 : vector<16xi32>
        %select_n3A_587 = arith.select %lt3A_583, %add3A_586, %get3A_563 : vector<16xi1>, vector<16xi32>
        %broadcast_in_dim3A_588 = vector.shape_cast %select_n3A_587 : vector<16xi32> to vector<16x1xi32>
        %gather3A_589 = vector.shape_cast %broadcast_in_dim3A_588 : vector<16x1xi32> to vector<16xi32>
        %gather3A_590 = tpu.dynamic_gather %get3A_128[%gather3A_589] in [0] : vector<16xf32>, vector<16xi32> -> vector<16xf32>
        %mul3A_591 = arith.constant 16 : i32
        %mul3A_592 = arith.muli %scan3A_557, %mul3A_591 : i32
        %swap3A_593 = arith.constant 0 : i32
        %swap3A_594 = arith.constant 1 : i32
        %swap3A_595 = arith.index_cast %swap3A_593 : i32 to index
        %swap3A_596 = arith.index_cast %swap3A_594 : i32 to index
        %swap3A_597 = arith.index_cast %mul3A_592 : i32 to index
        %swap3A_598 = tpu.vector_load %arg7[%swap3A_595, %swap3A_596, %swap3A_597] {strides = array<i32>} : memref<2x16x1024xf32, #tpu.memory_space<vmem>>, vector<1x1x16xf32>,
        %swap3A_599 = vector.shape_cast %swap3A_598 : vector<1x1x16xf32> to vector<16xf32>
        %swap3A_600 = vector.shape_cast %gather3A_590 : vector<16xf32> to vector<1x1x16xf32>
        tpu.vector_store %arg7[%swap3A_595, %swap3A_596, %swap3A_597], %swap3A_600 {strides = array<i32>} : memref<2x16x1024xf32, #tpu.memory_space<vmem>>, vector<1x1x16xf32>,
        %lt3A_601 = arith.constant 0 : i32
        %lt3A_602 = vector.broadcast %lt3A_601 : i32 to vector<16xi32>
        %lt3A_603 = arith.cmpi slt, %get3A_563, %lt3A_602 : vector<16xi32>
        %add3A_604 = arith.constant 16 : i32
        %add3A_605 = vector.broadcast %add3A_604 : i32 to vector<16xi32>
        %add3A_606 = arith.addi %get3A_563, %add3A_605 : vector<16xi32>
        %select_n3A_607 = arith.select %lt3A_603, %add3A_606, %get3A_563 : vector<16xi1>, vector<16xi32>
        %broadcast_in_dim3A_608 = vector.shape_cast %select_n3A_607 : vector<16xi32> to vector<16x1xi32>
        %gather3A_609 = vector.shape_cast %broadcast_in_dim3A_608 : vector<16x1xi32> to vector<16xi32>
        %gather3A_610 = tpu.dynamic_gather %get3A_133[%gather3A_609] in [0] : vector<16xf32>, vector<16xi32> -> vector<16xf32>
        %mul3A_611 = arith.constant 16 : i32
        %mul3A_612 = arith.muli %scan3A_557, %mul3A_611 : i32
        %swap3A_613 = arith.constant 0 : i32
        %swap3A_614 = arith.constant 2 : i32
        %swap3A_615 = arith.index_cast %swap3A_613 : i32 to index
        %swap3A_616 = arith.index_cast %swap3A_614 : i32 to index
        %swap3A_617 = arith.index_cast %mul3A_612 : i32 to index
        %swap3A_618 = tpu.vector_load %arg7[%swap3A_615, %swap3A_616, %swap3A_617] {strides = array<i32>} : memref<2x16x1024xf32, #tpu.memory_space<vmem>>, vector<1x1x16xf32>,
        %swap3A_619 = vector.shape_cast %swap3A_618 : vector<1x1x16xf32> to vector<16xf32>
        %swap3A_620 = vector.shape_cast %gather3A_610 : vector<16xf32> to vector<1x1x16xf32>
        tpu.vector_store %arg7[%swap3A_615, %swap3A_616, %swap3A_617], %swap3A_620 {strides = array<i32>} : memref<2x16x1024xf32, #tpu.memory_space<vmem>>, vector<1x1x16xf32>,
        %lt3A_621 = arith.constant 0 : i32
        %lt3A_622 = vector.broadcast %lt3A_621 : i32 to vector<16xi32>
        %lt3A_623 = arith.cmpi slt, %get3A_563, %lt3A_622 : vector<16xi32>
        %add3A_624 = arith.constant 16 : i32
        %add3A_625 = vector.broadcast %add3A_624 : i32 to vector<16xi32>
        %add3A_626 = arith.addi %get3A_563, %add3A_625 : vector<16xi32>
        %select_n3A_627 = arith.select %lt3A_623, %add3A_626, %get3A_563 : vector<16xi1>, vector<16xi32>
        %broadcast_in_dim3A_628 = vector.shape_cast %select_n3A_627 : vector<16xi32> to vector<16x1xi32>
        %gather3A_629 = vector.shape_cast %broadcast_in_dim3A_628 : vector<16x1xi32> to vector<16xi32>
        %gather3A_630 = tpu.dynamic_gather %get3A_138[%gather3A_629] in [0] : vector<16xf32>, vector<16xi32> -> vector<16xf32>
        %mul3A_631 = arith.constant 16 : i32
        %mul3A_632 = arith.muli %scan3A_557, %mul3A_631 : i32
        %swap3A_633 = arith.constant 0 : i32
        %swap3A_634 = arith.constant 3 : i32
        %swap3A_635 = arith.index_cast %swap3A_633 : i32 to index
        %swap3A_636 = arith.index_cast %swap3A_634 : i32 to index
        %swap3A_637 = arith.index_cast %mul3A_632 : i32 to index
        %swap3A_638 = tpu.vector_load %arg7[%swap3A_635, %swap3A_636, %swap3A_637] {strides = array<i32>} : memref<2x16x1024xf32, #tpu.memory_space<vmem>>, vector<1x1x16xf32>,
        %swap3A_639 = vector.shape_cast %swap3A_638 : vector<1x1x16xf32> to vector<16xf32>
        %swap3A_640 = vector.shape_cast %gather3A_630 : vector<16xf32> to vector<1x1x16xf32>
        tpu.vector_store %arg7[%swap3A_635, %swap3A_636, %swap3A_637], %swap3A_640 {strides = array<i32>} : memref<2x16x1024xf32, #tpu.memory_space<vmem>>, vector<1x1x16xf32>,
        %lt3A_641 = arith.constant 0 : i32
        %lt3A_642 = vector.broadcast %lt3A_641 : i32 to vector<16xi32>
        %lt3A_643 = arith.cmpi slt, %get3A_563, %lt3A_642 : vector<16xi32>
        %add3A_644 = arith.constant 16 : i32
        %add3A_645 = vector.broadcast %add3A_644 : i32 to vector<16xi32>
        %add3A_646 = arith.addi %get3A_563, %add3A_645 : vector<16xi32>
        %select_n3A_647 = arith.select %lt3A_643, %add3A_646, %get3A_563 : vector<16xi1>, vector<16xi32>
        %broadcast_in_dim3A_648 = vector.shape_cast %select_n3A_647 : vector<16xi32> to vector<16x1xi32>
        %gather3A_649 = vector.shape_cast %broadcast_in_dim3A_648 : vector<16x1xi32> to vector<16xi32>
        %gather3A_650 = tpu.dynamic_gather %get3A_143[%gather3A_649] in [0] : vector<16xf32>, vector<16xi32> -> vector<16xf32>
        %mul3A_651 = arith.constant 16 : i32
        %mul3A_652 = arith.muli %scan3A_557, %mul3A_651 : i32
        %swap3A_653 = arith.constant 0 : i32
        %swap3A_654 = arith.constant 4 : i32
        %swap3A_655 = arith.index_cast %swap3A_653 : i32 to index
        %swap3A_656 = arith.index_cast %swap3A_654 : i32 to index
        %swap3A_657 = arith.index_cast %mul3A_652 : i32 to index
        %swap3A_658 = tpu.vector_load %arg7[%swap3A_655, %swap3A_656, %swap3A_657] {strides = array<i32>} : memref<2x16x1024xf32, #tpu.memory_space<vmem>>, vector<1x1x16xf32>,
        %swap3A_659 = vector.shape_cast %swap3A_658 : vector<1x1x16xf32> to vector<16xf32>
        %swap3A_660 = vector.shape_cast %gather3A_650 : vector<16xf32> to vector<1x1x16xf32>
        tpu.vector_store %arg7[%swap3A_655, %swap3A_656, %swap3A_657], %swap3A_660 {strides = array<i32>} : memref<2x16x1024xf32, #tpu.memory_space<vmem>>, vector<1x1x16xf32>,
        %lt3A_661 = arith.constant 0 : i32
        %lt3A_662 = vector.broadcast %lt3A_661 : i32 to vector<16xi32>
        %lt3A_663 = arith.cmpi slt, %get3A_563, %lt3A_662 : vector<16xi32>
        %add3A_664 = arith.constant 16 : i32
        %add3A_665 = vector.broadcast %add3A_664 : i32 to vector<16xi32>
        %add3A_666 = arith.addi %get3A_563, %add3A_665 : vector<16xi32>
        %select_n3A_667 = arith.select %lt3A_663, %add3A_666, %get3A_563 : vector<16xi1>, vector<16xi32>
        %broadcast_in_dim3A_668 = vector.shape_cast %select_n3A_667 : vector<16xi32> to vector<16x1xi32>
        %gather3A_669 = vector.shape_cast %broadcast_in_dim3A_668 : vector<16x1xi32> to vector<16xi32>
        %gather3A_670 = tpu.dynamic_gather %get3A_148[%gather3A_669] in [0] : vector<16xf32>, vector<16xi32> -> vector<16xf32>
        %mul3A_671 = arith.constant 16 : i32
        %mul3A_672 = arith.muli %scan3A_557, %mul3A_671 : i32
        %swap3A_673 = arith.constant 0 : i32
        %swap3A_674 = arith.constant 5 : i32
        %swap3A_675 = arith.index_cast %swap3A_673 : i32 to index
        %swap3A_676 = arith.index_cast %swap3A_674 : i32 to index
        %swap3A_677 = arith.index_cast %mul3A_672 : i32 to index
        %swap3A_678 = tpu.vector_load %arg7[%swap3A_675, %swap3A_676, %swap3A_677] {strides = array<i32>} : memref<2x16x1024xf32, #tpu.memory_space<vmem>>, vector<1x1x16xf32>,
        %swap3A_679 = vector.shape_cast %swap3A_678 : vector<1x1x16xf32> to vector<16xf32>
        %swap3A_680 = vector.shape_cast %gather3A_670 : vector<16xf32> to vector<1x1x16xf32>
        tpu.vector_store %arg7[%swap3A_675, %swap3A_676, %swap3A_677], %swap3A_680 {strides = array<i32>} : memref<2x16x1024xf32, #tpu.memory_space<vmem>>, vector<1x1x16xf32>,
        %lt3A_681 = arith.constant 0 : i32
        %lt3A_682 = vector.broadcast %lt3A_681 : i32 to vector<16xi32>
        %lt3A_683 = arith.cmpi slt, %get3A_563, %lt3A_682 : vector<16xi32>
        %add3A_684 = arith.constant 16 : i32
        %add3A_685 = vector.broadcast %add3A_684 : i32 to vector<16xi32>
        %add3A_686 = arith.addi %get3A_563, %add3A_685 : vector<16xi32>
        %select_n3A_687 = arith.select %lt3A_683, %add3A_686, %get3A_563 : vector<16xi1>, vector<16xi32>
        %broadcast_in_dim3A_688 = vector.shape_cast %select_n3A_687 : vector<16xi32> to vector<16x1xi32>
        %gather3A_689 = vector.shape_cast %broadcast_in_dim3A_688 : vector<16x1xi32> to vector<16xi32>
        %gather3A_690 = tpu.dynamic_gather %get3A_153[%gather3A_689] in [0] : vector<16xf32>, vector<16xi32> -> vector<16xf32>
        %mul3A_691 = arith.constant 16 : i32
        %mul3A_692 = arith.muli %scan3A_557, %mul3A_691 : i32
        %swap3A_693 = arith.constant 0 : i32
        %swap3A_694 = arith.constant 6 : i32
        %swap3A_695 = arith.index_cast %swap3A_693 : i32 to index
        %swap3A_696 = arith.index_cast %swap3A_694 : i32 to index
        %swap3A_697 = arith.index_cast %mul3A_692 : i32 to index
        %swap3A_698 = tpu.vector_load %arg7[%swap3A_695, %swap3A_696, %swap3A_697] {strides = array<i32>} : memref<2x16x1024xf32, #tpu.memory_space<vmem>>, vector<1x1x16xf32>,
        %swap3A_699 = vector.shape_cast %swap3A_698 : vector<1x1x16xf32> to vector<16xf32>
        %swap3A_700 = vector.shape_cast %gather3A_690 : vector<16xf32> to vector<1x1x16xf32>
        tpu.vector_store %arg7[%swap3A_695, %swap3A_696, %swap3A_697], %swap3A_700 {strides = array<i32>} : memref<2x16x1024xf32, #tpu.memory_space<vmem>>, vector<1x1x16xf32>,
        %lt3A_701 = arith.constant 0 : i32
        %lt3A_702 = vector.broadcast %lt3A_701 : i32 to vector<16xi32>
        %lt3A_703 = arith.cmpi slt, %get3A_563, %lt3A_702 : vector<16xi32>
        %add3A_704 = arith.constant 16 : i32
        %add3A_705 = vector.broadcast %add3A_704 : i32 to vector<16xi32>
        %add3A_706 = arith.addi %get3A_563, %add3A_705 : vector<16xi32>
        %select_n3A_707 = arith.select %lt3A_703, %add3A_706, %get3A_563 : vector<16xi1>, vector<16xi32>
        %broadcast_in_dim3A_708 = vector.shape_cast %select_n3A_707 : vector<16xi32> to vector<16x1xi32>
        %gather3A_709 = vector.shape_cast %broadcast_in_dim3A_708 : vector<16x1xi32> to vector<16xi32>
        %gather3A_710 = tpu.dynamic_gather %get3A_158[%gather3A_709] in [0] : vector<16xf32>, vector<16xi32> -> vector<16xf32>
        %mul3A_711 = arith.constant 16 : i32
        %mul3A_712 = arith.muli %scan3A_557, %mul3A_711 : i32
        %swap3A_713 = arith.constant 0 : i32
        %swap3A_714 = arith.constant 7 : i32
        %swap3A_715 = arith.index_cast %swap3A_713 : i32 to index
        %swap3A_716 = arith.index_cast %swap3A_714 : i32 to index
        %swap3A_717 = arith.index_cast %mul3A_712 : i32 to index
        %swap3A_718 = tpu.vector_load %arg7[%swap3A_715, %swap3A_716, %swap3A_717] {strides = array<i32>} : memref<2x16x1024xf32, #tpu.memory_space<vmem>>, vector<1x1x16xf32>,
        %swap3A_719 = vector.shape_cast %swap3A_718 : vector<1x1x16xf32> to vector<16xf32>
        %swap3A_720 = vector.shape_cast %gather3A_710 : vector<16xf32> to vector<1x1x16xf32>
        tpu.vector_store %arg7[%swap3A_715, %swap3A_716, %swap3A_717], %swap3A_720 {strides = array<i32>} : memref<2x16x1024xf32, #tpu.memory_space<vmem>>, vector<1x1x16xf32>,
        %lt3A_721 = arith.constant 0 : i32
        %lt3A_722 = vector.broadcast %lt3A_721 : i32 to vector<16xi32>
        %lt3A_723 = arith.cmpi slt, %get3A_563, %lt3A_722 : vector<16xi32>
        %add3A_724 = arith.constant 16 : i32
        %add3A_725 = vector.broadcast %add3A_724 : i32 to vector<16xi32>
        %add3A_726 = arith.addi %get3A_563, %add3A_725 : vector<16xi32>
        %select_n3A_727 = arith.select %lt3A_723, %add3A_726, %get3A_563 : vector<16xi1>, vector<16xi32>
        %broadcast_in_dim3A_728 = vector.shape_cast %select_n3A_727 : vector<16xi32> to vector<16x1xi32>
        %gather3A_729 = vector.shape_cast %broadcast_in_dim3A_728 : vector<16x1xi32> to vector<16xi32>
        %gather3A_730 = tpu.dynamic_gather %get3A_163[%gather3A_729] in [0] : vector<16xf32>, vector<16xi32> -> vector<16xf32>
        %mul3A_731 = arith.constant 16 : i32
        %mul3A_732 = arith.muli %scan3A_557, %mul3A_731 : i32
        %swap3A_733 = arith.constant 0 : i32
        %swap3A_734 = arith.constant 8 : i32
        %swap3A_735 = arith.index_cast %swap3A_733 : i32 to index
        %swap3A_736 = arith.index_cast %swap3A_734 : i32 to index
        %swap3A_737 = arith.index_cast %mul3A_732 : i32 to index
        %swap3A_738 = tpu.vector_load %arg7[%swap3A_735, %swap3A_736, %swap3A_737] {strides = array<i32>} : memref<2x16x1024xf32, #tpu.memory_space<vmem>>, vector<1x1x16xf32>,
        %swap3A_739 = vector.shape_cast %swap3A_738 : vector<1x1x16xf32> to vector<16xf32>
        %swap3A_740 = vector.shape_cast %gather3A_730 : vector<16xf32> to vector<1x1x16xf32>
        tpu.vector_store %arg7[%swap3A_735, %swap3A_736, %swap3A_737], %swap3A_740 {strides = array<i32>} : memref<2x16x1024xf32, #tpu.memory_space<vmem>>, vector<1x1x16xf32>,
        %lt3A_741 = arith.constant 0 : i32
        %lt3A_742 = vector.broadcast %lt3A_741 : i32 to vector<16xi32>
        %lt3A_743 = arith.cmpi slt, %get3A_563, %lt3A_742 : vector<16xi32>
        %add3A_744 = arith.constant 16 : i32
        %add3A_745 = vector.broadcast %add3A_744 : i32 to vector<16xi32>
        %add3A_746 = arith.addi %get3A_563, %add3A_745 : vector<16xi32>
        %select_n3A_747 = arith.select %lt3A_743, %add3A_746, %get3A_563 : vector<16xi1>, vector<16xi32>
        %broadcast_in_dim3A_748 = vector.shape_cast %select_n3A_747 : vector<16xi32> to vector<16x1xi32>
        %gather3A_749 = vector.shape_cast %broadcast_in_dim3A_748 : vector<16x1xi32> to vector<16xi32>
        %gather3A_750 = tpu.dynamic_gather %get3A_168[%gather3A_749] in [0] : vector<16xf32>, vector<16xi32> -> vector<16xf32>
        %mul3A_751 = arith.constant 16 : i32
        %mul3A_752 = arith.muli %scan3A_557, %mul3A_751 : i32
        %swap3A_753 = arith.constant 0 : i32
        %swap3A_754 = arith.constant 9 : i32
        %swap3A_755 = arith.index_cast %swap3A_753 : i32 to index
        %swap3A_756 = arith.index_cast %swap3A_754 : i32 to index
        %swap3A_757 = arith.index_cast %mul3A_752 : i32 to index
        %swap3A_758 = tpu.vector_load %arg7[%swap3A_755, %swap3A_756, %swap3A_757] {strides = array<i32>} : memref<2x16x1024xf32, #tpu.memory_space<vmem>>, vector<1x1x16xf32>,
        %swap3A_759 = vector.shape_cast %swap3A_758 : vector<1x1x16xf32> to vector<16xf32>
        %swap3A_760 = vector.shape_cast %gather3A_750 : vector<16xf32> to vector<1x1x16xf32>
        tpu.vector_store %arg7[%swap3A_755, %swap3A_756, %swap3A_757], %swap3A_760 {strides = array<i32>} : memref<2x16x1024xf32, #tpu.memory_space<vmem>>, vector<1x1x16xf32>,
        %lt3A_761 = arith.constant 0 : i32
        %lt3A_762 = vector.broadcast %lt3A_761 : i32 to vector<16xi32>
        %lt3A_763 = arith.cmpi slt, %get3A_563, %lt3A_762 : vector<16xi32>
        %add3A_764 = arith.constant 16 : i32
        %add3A_765 = vector.broadcast %add3A_764 : i32 to vector<16xi32>
        %add3A_766 = arith.addi %get3A_563, %add3A_765 : vector<16xi32>
        %select_n3A_767 = arith.select %lt3A_763, %add3A_766, %get3A_563 : vector<16xi1>, vector<16xi32>
        %broadcast_in_dim3A_768 = vector.shape_cast %select_n3A_767 : vector<16xi32> to vector<16x1xi32>
        %gather3A_769 = vector.shape_cast %broadcast_in_dim3A_768 : vector<16x1xi32> to vector<16xi32>
        %gather3A_770 = tpu.dynamic_gather %get3A_173[%gather3A_769] in [0] : vector<16xf32>, vector<16xi32> -> vector<16xf32>
        %mul3A_771 = arith.constant 16 : i32
        %mul3A_772 = arith.muli %scan3A_557, %mul3A_771 : i32
        %swap3A_773 = arith.constant 0 : i32
        %swap3A_774 = arith.constant 10 : i32
        %swap3A_775 = arith.index_cast %swap3A_773 : i32 to index
        %swap3A_776 = arith.index_cast %swap3A_774 : i32 to index
        %swap3A_777 = arith.index_cast %mul3A_772 : i32 to index
        %swap3A_778 = tpu.vector_load %arg7[%swap3A_775, %swap3A_776, %swap3A_777] {strides = array<i32>} : memref<2x16x1024xf32, #tpu.memory_space<vmem>>, vector<1x1x16xf32>,
        %swap3A_779 = vector.shape_cast %swap3A_778 : vector<1x1x16xf32> to vector<16xf32>
        %swap3A_780 = vector.shape_cast %gather3A_770 : vector<16xf32> to vector<1x1x16xf32>
        tpu.vector_store %arg7[%swap3A_775, %swap3A_776, %swap3A_777], %swap3A_780 {strides = array<i32>} : memref<2x16x1024xf32, #tpu.memory_space<vmem>>, vector<1x1x16xf32>,
        %lt3A_781 = arith.constant 0 : i32
        %lt3A_782 = vector.broadcast %lt3A_781 : i32 to vector<16xi32>
        %lt3A_783 = arith.cmpi slt, %get3A_563, %lt3A_782 : vector<16xi32>
        %add3A_784 = arith.constant 16 : i32
        %add3A_785 = vector.broadcast %add3A_784 : i32 to vector<16xi32>
        %add3A_786 = arith.addi %get3A_563, %add3A_785 : vector<16xi32>
        %select_n3A_787 = arith.select %lt3A_783, %add3A_786, %get3A_563 : vector<16xi1>, vector<16xi32>
        %broadcast_in_dim3A_788 = vector.shape_cast %select_n3A_787 : vector<16xi32> to vector<16x1xi32>
        %gather3A_789 = vector.shape_cast %broadcast_in_dim3A_788 : vector<16x1xi32> to vector<16xi32>
        %gather3A_790 = tpu.dynamic_gather %get3A_178[%gather3A_789] in [0] : vector<16xf32>, vector<16xi32> -> vector<16xf32>
        %mul3A_791 = arith.constant 16 : i32
        %mul3A_792 = arith.muli %scan3A_557, %mul3A_791 : i32
        %swap3A_793 = arith.constant 0 : i32
        %swap3A_794 = arith.constant 11 : i32
        %swap3A_795 = arith.index_cast %swap3A_793 : i32 to index
        %swap3A_796 = arith.index_cast %swap3A_794 : i32 to index
        %swap3A_797 = arith.index_cast %mul3A_792 : i32 to index
        %swap3A_798 = tpu.vector_load %arg7[%swap3A_795, %swap3A_796, %swap3A_797] {strides = array<i32>} : memref<2x16x1024xf32, #tpu.memory_space<vmem>>, vector<1x1x16xf32>,
        %swap3A_799 = vector.shape_cast %swap3A_798 : vector<1x1x16xf32> to vector<16xf32>
        %swap3A_800 = vector.shape_cast %gather3A_790 : vector<16xf32> to vector<1x1x16xf32>
        tpu.vector_store %arg7[%swap3A_795, %swap3A_796, %swap3A_797], %swap3A_800 {strides = array<i32>} : memref<2x16x1024xf32, #tpu.memory_space<vmem>>, vector<1x1x16xf32>,
        %lt3A_801 = arith.constant 0 : i32
        %lt3A_802 = vector.broadcast %lt3A_801 : i32 to vector<16xi32>
        %lt3A_803 = arith.cmpi slt, %get3A_563, %lt3A_802 : vector<16xi32>
        %add3A_804 = arith.constant 16 : i32
        %add3A_805 = vector.broadcast %add3A_804 : i32 to vector<16xi32>
        %add3A_806 = arith.addi %get3A_563, %add3A_805 : vector<16xi32>
        %select_n3A_807 = arith.select %lt3A_803, %add3A_806, %get3A_563 : vector<16xi1>, vector<16xi32>
        %broadcast_in_dim3A_808 = vector.shape_cast %select_n3A_807 : vector<16xi32> to vector<16x1xi32>
        %gather3A_809 = vector.shape_cast %broadcast_in_dim3A_808 : vector<16x1xi32> to vector<16xi32>
        %gather3A_810 = tpu.dynamic_gather %get3A_183[%gather3A_809] in [0] : vector<16xf32>, vector<16xi32> -> vector<16xf32>
        %mul3A_811 = arith.constant 16 : i32
        %mul3A_812 = arith.muli %scan3A_557, %mul3A_811 : i32
        %swap3A_813 = arith.constant 0 : i32
        %swap3A_814 = arith.constant 12 : i32
        %swap3A_815 = arith.index_cast %swap3A_813 : i32 to index
        %swap3A_816 = arith.index_cast %swap3A_814 : i32 to index
        %swap3A_817 = arith.index_cast %mul3A_812 : i32 to index
        %swap3A_818 = tpu.vector_load %arg7[%swap3A_815, %swap3A_816, %swap3A_817] {strides = array<i32>} : memref<2x16x1024xf32, #tpu.memory_space<vmem>>, vector<1x1x16xf32>,
        %swap3A_819 = vector.shape_cast %swap3A_818 : vector<1x1x16xf32> to vector<16xf32>
        %swap3A_820 = vector.shape_cast %gather3A_810 : vector<16xf32> to vector<1x1x16xf32>
        tpu.vector_store %arg7[%swap3A_815, %swap3A_816, %swap3A_817], %swap3A_820 {strides = array<i32>} : memref<2x16x1024xf32, #tpu.memory_space<vmem>>, vector<1x1x16xf32>,
        %lt3A_821 = arith.constant 0 : i32
        %lt3A_822 = vector.broadcast %lt3A_821 : i32 to vector<16xi32>
        %lt3A_823 = arith.cmpi slt, %get3A_563, %lt3A_822 : vector<16xi32>
        %add3A_824 = arith.constant 16 : i32
        %add3A_825 = vector.broadcast %add3A_824 : i32 to vector<16xi32>
        %add3A_826 = arith.addi %get3A_563, %add3A_825 : vector<16xi32>
        %select_n3A_827 = arith.select %lt3A_823, %add3A_826, %get3A_563 : vector<16xi1>, vector<16xi32>
        %broadcast_in_dim3A_828 = vector.shape_cast %select_n3A_827 : vector<16xi32> to vector<16x1xi32>
        %gather3A_829 = vector.shape_cast %broadcast_in_dim3A_828 : vector<16x1xi32> to vector<16xi32>
        %gather3A_830 = tpu.dynamic_gather %get3A_188[%gather3A_829] in [0] : vector<16xf32>, vector<16xi32> -> vector<16xf32>
        %mul3A_831 = arith.constant 16 : i32
        %mul3A_832 = arith.muli %scan3A_557, %mul3A_831 : i32
        %swap3A_833 = arith.constant 0 : i32
        %swap3A_834 = arith.constant 13 : i32
        %swap3A_835 = arith.index_cast %swap3A_833 : i32 to index
        %swap3A_836 = arith.index_cast %swap3A_834 : i32 to index
        %swap3A_837 = arith.index_cast %mul3A_832 : i32 to index
        %swap3A_838 = tpu.vector_load %arg7[%swap3A_835, %swap3A_836, %swap3A_837] {strides = array<i32>} : memref<2x16x1024xf32, #tpu.memory_space<vmem>>, vector<1x1x16xf32>,
        %swap3A_839 = vector.shape_cast %swap3A_838 : vector<1x1x16xf32> to vector<16xf32>
        %swap3A_840 = vector.shape_cast %gather3A_830 : vector<16xf32> to vector<1x1x16xf32>
        tpu.vector_store %arg7[%swap3A_835, %swap3A_836, %swap3A_837], %swap3A_840 {strides = array<i32>} : memref<2x16x1024xf32, #tpu.memory_space<vmem>>, vector<1x1x16xf32>,
        %lt3A_841 = arith.constant 0 : i32
        %lt3A_842 = vector.broadcast %lt3A_841 : i32 to vector<16xi32>
        %lt3A_843 = arith.cmpi slt, %get3A_563, %lt3A_842 : vector<16xi32>
        %add3A_844 = arith.constant 16 : i32
        %add3A_845 = vector.broadcast %add3A_844 : i32 to vector<16xi32>
        %add3A_846 = arith.addi %get3A_563, %add3A_845 : vector<16xi32>
        %select_n3A_847 = arith.select %lt3A_843, %add3A_846, %get3A_563 : vector<16xi1>, vector<16xi32>
        %broadcast_in_dim3A_848 = vector.shape_cast %select_n3A_847 : vector<16xi32> to vector<16x1xi32>
        %gather3A_849 = vector.shape_cast %broadcast_in_dim3A_848 : vector<16x1xi32> to vector<16xi32>
        %gather3A_850 = tpu.dynamic_gather %get3A_193[%gather3A_849] in [0] : vector<16xf32>, vector<16xi32> -> vector<16xf32>
        %mul3A_851 = arith.constant 16 : i32
        %mul3A_852 = arith.muli %scan3A_557, %mul3A_851 : i32
        %swap3A_853 = arith.constant 0 : i32
        %swap3A_854 = arith.constant 14 : i32
        %swap3A_855 = arith.index_cast %swap3A_853 : i32 to index
        %swap3A_856 = arith.index_cast %swap3A_854 : i32 to index
        %swap3A_857 = arith.index_cast %mul3A_852 : i32 to index
        %swap3A_858 = tpu.vector_load %arg7[%swap3A_855, %swap3A_856, %swap3A_857] {strides = array<i32>} : memref<2x16x1024xf32, #tpu.memory_space<vmem>>, vector<1x1x16xf32>,
        %swap3A_859 = vector.shape_cast %swap3A_858 : vector<1x1x16xf32> to vector<16xf32>
        %swap3A_860 = vector.shape_cast %gather3A_850 : vector<16xf32> to vector<1x1x16xf32>
        tpu.vector_store %arg7[%swap3A_855, %swap3A_856, %swap3A_857], %swap3A_860 {strides = array<i32>} : memref<2x16x1024xf32, #tpu.memory_space<vmem>>, vector<1x1x16xf32>,
        %lt3A_861 = arith.constant 0 : i32
        %lt3A_862 = vector.broadcast %lt3A_861 : i32 to vector<16xi32>
        %lt3A_863 = arith.cmpi slt, %get3A_563, %lt3A_862 : vector<16xi32>
        %add3A_864 = arith.constant 16 : i32
        %add3A_865 = vector.broadcast %add3A_864 : i32 to vector<16xi32>
        %add3A_866 = arith.addi %get3A_563, %add3A_865 : vector<16xi32>
        %select_n3A_867 = arith.select %lt3A_863, %add3A_866, %get3A_563 : vector<16xi1>, vector<16xi32>
        %broadcast_in_dim3A_868 = vector.shape_cast %select_n3A_867 : vector<16xi32> to vector<16x1xi32>
        %gather3A_869 = vector.shape_cast %broadcast_in_dim3A_868 : vector<16x1xi32> to vector<16xi32>
        %gather3A_870 = tpu.dynamic_gather %get3A_198[%gather3A_869] in [0] : vector<16xf32>, vector<16xi32> -> vector<16xf32>
        %mul3A_871 = arith.constant 16 : i32
        %mul3A_872 = arith.muli %scan3A_557, %mul3A_871 : i32
        %swap3A_873 = arith.constant 0 : i32
        %swap3A_874 = arith.constant 15 : i32
        %swap3A_875 = arith.index_cast %swap3A_873 : i32 to index
        %swap3A_876 = arith.index_cast %swap3A_874 : i32 to index
        %swap3A_877 = arith.index_cast %mul3A_872 : i32 to index
        %swap3A_878 = tpu.vector_load %arg7[%swap3A_875, %swap3A_876, %swap3A_877] {strides = array<i32>} : memref<2x16x1024xf32, #tpu.memory_space<vmem>>, vector<1x1x16xf32>,
        %swap3A_879 = vector.shape_cast %swap3A_878 : vector<1x1x16xf32> to vector<16xf32>
        %swap3A_880 = vector.shape_cast %gather3A_870 : vector<16xf32> to vector<1x1x16xf32>
        tpu.vector_store %arg7[%swap3A_875, %swap3A_876, %swap3A_877], %swap3A_880 {strides = array<i32>} : memref<2x16x1024xf32, #tpu.memory_space<vmem>>, vector<1x1x16xf32>,
      }
      %scan3A_203 = arith.constant 64 : i32
      %dma_start3A_204 = arith.constant 0 : i32
      %dma_start3A_205 = arith.constant 0 : i32
      %dma_start3A_206 = arith.constant 0 : i32
      %dma_start3A_207 = tpu.memref_slice %arg7[%dma_start3A_204, %dma_start3A_205, %dma_start3A_206] : memref<2x16x1024xf32, #tpu.memory_space<vmem>> -> memref<1x16x1024xf32, #tpu.memory_space<vmem>>
      %dma_start3A_208 = tpu.memref_squeeze %dma_start3A_207 : memref<1x16x1024xf32, #tpu.memory_space<vmem>> -> memref<16x1024xf32, #tpu.memory_space<vmem>>
      %dma_start3A_209 = arith.constant 0 : i32
      %dma_start3A_210 = arith.constant 0 : i32
      %dma_start3A_211 = tpu.memref_slice %arg4[%add3A_78, %dma_start3A_209, %dma_start3A_210] : memref<900x64x1024xf32, #tpu.memory_space<hbm>> -> memref<1x16x1024xf32, #tpu.memory_space<hbm>>
      %dma_start3A_212 = tpu.memref_squeeze %dma_start3A_211 : memref<1x16x1024xf32, #tpu.memory_space<hbm>> -> memref<16x1024xf32, #tpu.memory_space<hbm>>
      %dma_start3A_213 = arith.constant 0 : i32
      %dma_start3A_214 = arith.constant 0 : i32
      %dma_start3A_215 = tpu.memref_slice %arg4[%add3A_78, %dma_start3A_213, %dma_start3A_214] : memref<900x64x1024xf32, #tpu.memory_space<hbm>> -> memref<1x16x1024xf32, #tpu.memory_space<hbm>>
      %dma_start3A_216 = tpu.memref_squeeze %dma_start3A_215 : memref<1x16x1024xf32, #tpu.memory_space<hbm>> -> memref<16x1024xf32, #tpu.memory_space<hbm>>
      %dma_start3A_217 = arith.constant 0 : i32
      %dma_start3A_218 = arith.constant 0 : i32
      %dma_start3A_219 = tpu.memref_slice %arg7[%dma_start3A_204, %dma_start3A_217, %dma_start3A_218] : memref<2x16x1024xf32, #tpu.memory_space<vmem>> -> memref<1x16x1024xf32, #tpu.memory_space<vmem>>
      %dma_start3A_220 = tpu.memref_squeeze %dma_start3A_219 : memref<1x16x1024xf32, #tpu.memory_space<vmem>> -> memref<16x1024xf32, #tpu.memory_space<vmem>>
      tpu.enqueue_dma source(%dma_start3A_220 : memref<16x1024xf32, #tpu.memory_space<vmem>>) target(%dma_start3A_216 : memref<16x1024xf32, #tpu.memory_space<hbm>>) target_semaphore(%arg10 : memref<!tpu.dma_semaphore, #tpu.memory_space<semaphore_mem>>)
      %mul3A_221 = arith.constant 4 : i32
      %mul3A_222 = arith.muli %while3A_65, %mul3A_221 : i32
      %add3A_223 = arith.constant 1 : i32
      %add3A_224 = arith.addi %mul3A_222, %add3A_223 : i32
      %ge3A_225 = arith.constant 2 : i32
      %ge3A_226 = arith.cmpi sge, %add3A_224, %ge3A_225 : i32
      %convert_element_type3A_227 = arith.extui %ge3A_226 : i1 to i32
      %cond3A_228 = arith.constant 0 : i32
      %cond3A_229 = arith.cmpi ne, %convert_element_type3A_227, %cond3A_228 : i32
      scf.if %cond3A_229 {
        %dma_wait3A_557 = arith.constant 1 : i32
        %dma_wait3A_558 = arith.constant 0 : i32
        %dma_wait3A_559 = arith.constant 0 : i32
        %dma_wait3A_560 = tpu.memref_slice %arg7[%dma_wait3A_557, %dma_wait3A_558, %dma_wait3A_559] : memref<2x16x1024xf32, #tpu.memory_space<vmem>> -> memref<1x16x1024xf32, #tpu.memory_space<vmem>>
        %dma_wait3A_561 = tpu.memref_squeeze %dma_wait3A_560 : memref<1x16x1024xf32, #tpu.memory_space<vmem>> -> memref<16x1024xf32, #tpu.memory_space<vmem>>
        %dma_wait3A_562 = arith.constant 16 : i32
        %dma_wait3A_563 = arith.constant 0 : i32
        %dma_wait3A_564 = tpu.memref_slice %arg4[%add3A_78, %dma_wait3A_562, %dma_wait3A_563] : memref<900x64x1024xf32, #tpu.memory_space<hbm>> -> memref<1x16x1024xf32, #tpu.memory_space<hbm>>
        %dma_wait3A_565 = tpu.memref_squeeze %dma_wait3A_564 : memref<1x16x1024xf32, #tpu.memory_space<hbm>> -> memref<16x1024xf32, #tpu.memory_space<hbm>>
        %dma_wait3A_566 = arith.constant 16 : i32
        %dma_wait3A_567 = arith.constant 0 : i32
        %dma_wait3A_568 = tpu.memref_slice %arg4[%add3A_78, %dma_wait3A_566, %dma_wait3A_567] : memref<900x64x1024xf32, #tpu.memory_space<hbm>> -> memref<1x16x1024xf32, #tpu.memory_space<hbm>>
        %dma_wait3A_569 = tpu.memref_squeeze %dma_wait3A_568 : memref<1x16x1024xf32, #tpu.memory_space<hbm>> -> memref<16x1024xf32, #tpu.memory_space<hbm>>
        %dma_wait3A_570 = arith.constant 0 : i32
        %dma_wait3A_571 = arith.constant 0 : i32
        %dma_wait3A_572 = tpu.memref_slice %arg7[%dma_wait3A_557, %dma_wait3A_570, %dma_wait3A_571] : memref<2x16x1024xf32, #tpu.memory_space<vmem>> -> memref<1x16x1024xf32, #tpu.memory_space<vmem>>
        %dma_wait3A_573 = tpu.memref_squeeze %dma_wait3A_572 : memref<1x16x1024xf32, #tpu.memory_space<vmem>> -> memref<16x1024xf32, #tpu.memory_space<vmem>>
        tpu.wait_dma2 semaphore(%arg10 : memref<!tpu.dma_semaphore, #tpu.memory_space<semaphore_mem>>) src(%dma_wait3A_573 : memref<16x1024xf32, #tpu.memory_space<vmem>>) dst(%dma_wait3A_569 : memref<16x1024xf32, #tpu.memory_space<hbm>>)
      } else {
      }
      %get3A_230 = arith.constant 16 : i32
      %get3A_231 = arith.index_cast %get3A_230 : i32 to index
      %get3A_232 = arith.constant 0 : index
      %get3A_233 = tpu.vector_load %arg5[%get3A_231, %get3A_232] {strides = array<i32>} : memref<64x16xf32, #tpu.memory_space<vmem>>, vector<1x16xf32>,
      %get3A_234 = vector.shape_cast %get3A_233 : vector<1x16xf32> to vector<16xf32>
      %get3A_235 = arith.constant 17 : i32
      %get3A_236 = arith.index_cast %get3A_235 : i32 to index
      %get3A_237 = arith.constant 0 : index
      %get3A_238 = tpu.vector_load %arg5[%get3A_236, %get3A_237] {strides = array<i32>} : memref<64x16xf32, #tpu.memory_space<vmem>>, vector<1x16xf32>,
      %get3A_239 = vector.shape_cast %get3A_238 : vector<1x16xf32> to vector<16xf32>
      %get3A_240 = arith.constant 18 : i32
      %get3A_241 = arith.index_cast %get3A_240 : i32 to index
      %get3A_242 = arith.constant 0 : index
      %get3A_243 = tpu.vector_load %arg5[%get3A_241, %get3A_242] {strides = array<i32>} : memref<64x16xf32, #tpu.memory_space<vmem>>, vector<1x16xf32>,
      %get3A_244 = vector.shape_cast %get3A_243 : vector<1x16xf32> to vector<16xf32>
      %get3A_245 = arith.constant 19 : i32
      %get3A_246 = arith.index_cast %get3A_245 : i32 to index
      %get3A_247 = arith.constant 0 : index
      %get3A_248 = tpu.vector_load %arg5[%get3A_246, %get3A_247] {strides = array<i32>} : memref<64x16xf32, #tpu.memory_space<vmem>>, vector<1x16xf32>,
      %get3A_249 = vector.shape_cast %get3A_248 : vector<1x16xf32> to vector<16xf32>
      %get3A_250 = arith.constant 20 : i32
      %get3A_251 = arith.index_cast %get3A_250 : i32 to index
      %get3A_252 = arith.constant 0 : index
      %get3A_253 = tpu.vector_load %arg5[%get3A_251, %get3A_252] {strides = array<i32>} : memref<64x16xf32, #tpu.memory_space<vmem>>, vector<1x16xf32>,
      %get3A_254 = vector.shape_cast %get3A_253 : vector<1x16xf32> to vector<16xf32>
      %get3A_255 = arith.constant 21 : i32
      %get3A_256 = arith.index_cast %get3A_255 : i32 to index
      %get3A_257 = arith.constant 0 : index
      %get3A_258 = tpu.vector_load %arg5[%get3A_256, %get3A_257] {strides = array<i32>} : memref<64x16xf32, #tpu.memory_space<vmem>>, vector<1x16xf32>,
      %get3A_259 = vector.shape_cast %get3A_258 : vector<1x16xf32> to vector<16xf32>
      %get3A_260 = arith.constant 22 : i32
      %get3A_261 = arith.index_cast %get3A_260 : i32 to index
      %get3A_262 = arith.constant 0 : index
      %get3A_263 = tpu.vector_load %arg5[%get3A_261, %get3A_262] {strides = array<i32>} : memref<64x16xf32, #tpu.memory_space<vmem>>, vector<1x16xf32>,
      %get3A_264 = vector.shape_cast %get3A_263 : vector<1x16xf32> to vector<16xf32>
      %get3A_265 = arith.constant 23 : i32
      %get3A_266 = arith.index_cast %get3A_265 : i32 to index
      %get3A_267 = arith.constant 0 : index
      %get3A_268 = tpu.vector_load %arg5[%get3A_266, %get3A_267] {strides = array<i32>} : memref<64x16xf32, #tpu.memory_space<vmem>>, vector<1x16xf32>,
      %get3A_269 = vector.shape_cast %get3A_268 : vector<1x16xf32> to vector<16xf32>
      %get3A_270 = arith.constant 24 : i32
      %get3A_271 = arith.index_cast %get3A_270 : i32 to index
      %get3A_272 = arith.constant 0 : index
      %get3A_273 = tpu.vector_load %arg5[%get3A_271, %get3A_272] {strides = array<i32>} : memref<64x16xf32, #tpu.memory_space<vmem>>, vector<1x16xf32>,
      %get3A_274 = vector.shape_cast %get3A_273 : vector<1x16xf32> to vector<16xf32>
      %get3A_275 = arith.constant 25 : i32
      %get3A_276 = arith.index_cast %get3A_275 : i32 to index
      %get3A_277 = arith.constant 0 : index
      %get3A_278 = tpu.vector_load %arg5[%get3A_276, %get3A_277] {strides = array<i32>} : memref<64x16xf32, #tpu.memory_space<vmem>>, vector<1x16xf32>,
      %get3A_279 = vector.shape_cast %get3A_278 : vector<1x16xf32> to vector<16xf32>
      %get3A_280 = arith.constant 26 : i32
      %get3A_281 = arith.index_cast %get3A_280 : i32 to index
      %get3A_282 = arith.constant 0 : index
      %get3A_283 = tpu.vector_load %arg5[%get3A_281, %get3A_282] {strides = array<i32>} : memref<64x16xf32, #tpu.memory_space<vmem>>, vector<1x16xf32>,
      %get3A_284 = vector.shape_cast %get3A_283 : vector<1x16xf32> to vector<16xf32>
      %get3A_285 = arith.constant 27 : i32
      %get3A_286 = arith.index_cast %get3A_285 : i32 to index
      %get3A_287 = arith.constant 0 : index
      %get3A_288 = tpu.vector_load %arg5[%get3A_286, %get3A_287] {strides = array<i32>} : memref<64x16xf32, #tpu.memory_space<vmem>>, vector<1x16xf32>,
      %get3A_289 = vector.shape_cast %get3A_288 : vector<1x16xf32> to vector<16xf32>
      %get3A_290 = arith.constant 28 : i32
      %get3A_291 = arith.index_cast %get3A_290 : i32 to index
      %get3A_292 = arith.constant 0 : index
      %get3A_293 = tpu.vector_load %arg5[%get3A_291, %get3A_292] {strides = array<i32>} : memref<64x16xf32, #tpu.memory_space<vmem>>, vector<1x16xf32>,
      %get3A_294 = vector.shape_cast %get3A_293 : vector<1x16xf32> to vector<16xf32>
      %get3A_295 = arith.constant 29 : i32
      %get3A_296 = arith.index_cast %get3A_295 : i32 to index
      %get3A_297 = arith.constant 0 : index
      %get3A_298 = tpu.vector_load %arg5[%get3A_296, %get3A_297] {strides = array<i32>} : memref<64x16xf32, #tpu.memory_space<vmem>>, vector<1x16xf32>,
      %get3A_299 = vector.shape_cast %get3A_298 : vector<1x16xf32> to vector<16xf32>
      %get3A_300 = arith.constant 30 : i32
      %get3A_301 = arith.index_cast %get3A_300 : i32 to index
      %get3A_302 = arith.constant 0 : index
      %get3A_303 = tpu.vector_load %arg5[%get3A_301, %get3A_302] {strides = array<i32>} : memref<64x16xf32, #tpu.memory_space<vmem>>, vector<1x16xf32>,
      %get3A_304 = vector.shape_cast %get3A_303 : vector<1x16xf32> to vector<16xf32>
      %get3A_305 = arith.constant 31 : i32
      %get3A_306 = arith.index_cast %get3A_305 : i32 to index
      %get3A_307 = arith.constant 0 : index
      %get3A_308 = tpu.vector_load %arg5[%get3A_306, %get3A_307] {strides = array<i32>} : memref<64x16xf32, #tpu.memory_space<vmem>>, vector<1x16xf32>,
      %get3A_309 = vector.shape_cast %get3A_308 : vector<1x16xf32> to vector<16xf32>
      %scan3A_310 = arith.constant 0 : i32
      %scan3A_311 = arith.constant 0 : i32
      %scan3A_312 = arith.constant 64 : i32
      %scan3A_313 = arith.addi %scan3A_311, %scan3A_312 : i32
      %scan3A_314 = arith.constant 1 : i32
      scf.for %scan3A_557 = %scan3A_311 to %scan3A_313 step %scan3A_314  : i32 {
        %mul3A_558 = arith.constant 16 : i32
        %mul3A_559 = arith.muli %scan3A_557, %mul3A_558 : i32
        %get3A_560 = arith.index_cast %select_n3A_77 : i32 to index
        %get3A_561 = arith.index_cast %mul3A_559 : i32 to index
        %get3A_562 = tpu.vector_load %arg6[%get3A_560, %get3A_561] {strides = array<i32>} : memref<2x1024xi32, #tpu.memory_space<vmem>>, vector<1x16xi32>,
        %get3A_563 = vector.shape_cast %get3A_562 : vector<1x16xi32> to vector<16xi32>
        %lt3A_564 = arith.constant 0 : i32
        %lt3A_565 = vector.broadcast %lt3A_564 : i32 to vector<16xi32>
        %lt3A_566 = arith.cmpi slt, %get3A_563, %lt3A_565 : vector<16xi32>
        %add3A_567 = arith.constant 16 : i32
        %add3A_568 = vector.broadcast %add3A_567 : i32 to vector<16xi32>
        %add3A_569 = arith.addi %get3A_563, %add3A_568 : vector<16xi32>
        %select_n3A_570 = arith.select %lt3A_566, %add3A_569, %get3A_563 : vector<16xi1>, vector<16xi32>
        %broadcast_in_dim3A = vector.shape_cast %select_n3A_570 : vector<16xi32> to vector<16x1xi32>
        %gather3A = vector.shape_cast %broadcast_in_dim3A : vector<16x1xi32> to vector<16xi32>
        %gather3A_571 = tpu.dynamic_gather %get3A_234[%gather3A] in [0] : vector<16xf32>, vector<16xi32> -> vector<16xf32>
        %mul3A_572 = arith.constant 16 : i32
        %mul3A_573 = arith.muli %scan3A_557, %mul3A_572 : i32
        %swap3A = arith.constant 1 : i32
        %swap3A_574 = arith.constant 0 : i32
        %swap3A_575 = arith.index_cast %swap3A : i32 to index
        %swap3A_576 = arith.index_cast %swap3A_574 : i32 to index
        %swap3A_577 = arith.index_cast %mul3A_573 : i32 to index
        %swap3A_578 = tpu.vector_load %arg7[%swap3A_575, %swap3A_576, %swap3A_577] {strides = array<i32>} : memref<2x16x1024xf32, #tpu.memory_space<vmem>>, vector<1x1x16xf32>,
        %swap3A_579 = vector.shape_cast %swap3A_578 : vector<1x1x16xf32> to vector<16xf32>
        %swap3A_580 = vector.shape_cast %gather3A_571 : vector<16xf32> to vector<1x1x16xf32>
        tpu.vector_store %arg7[%swap3A_575, %swap3A_576, %swap3A_577], %swap3A_580 {strides = array<i32>} : memref<2x16x1024xf32, #tpu.memory_space<vmem>>, vector<1x1x16xf32>,
        %lt3A_581 = arith.constant 0 : i32
        %lt3A_582 = vector.broadcast %lt3A_581 : i32 to vector<16xi32>
        %lt3A_583 = arith.cmpi slt, %get3A_563, %lt3A_582 : vector<16xi32>
        %add3A_584 = arith.constant 16 : i32
        %add3A_585 = vector.broadcast %add3A_584 : i32 to vector<16xi32>
        %add3A_586 = arith.addi %get3A_563, %add3A_585 : vector<16xi32>
        %select_n3A_587 = arith.select %lt3A_583, %add3A_586, %get3A_563 : vector<16xi1>, vector<16xi32>
        %broadcast_in_dim3A_588 = vector.shape_cast %select_n3A_587 : vector<16xi32> to vector<16x1xi32>
        %gather3A_589 = vector.shape_cast %broadcast_in_dim3A_588 : vector<16x1xi32> to vector<16xi32>
        %gather3A_590 = tpu.dynamic_gather %get3A_239[%gather3A_589] in [0] : vector<16xf32>, vector<16xi32> -> vector<16xf32>
        %mul3A_591 = arith.constant 16 : i32
        %mul3A_592 = arith.muli %scan3A_557, %mul3A_591 : i32
        %swap3A_593 = arith.constant 1 : i32
        %swap3A_594 = arith.constant 1 : i32
        %swap3A_595 = arith.index_cast %swap3A_593 : i32 to index
        %swap3A_596 = arith.index_cast %swap3A_594 : i32 to index
        %swap3A_597 = arith.index_cast %mul3A_592 : i32 to index
        %swap3A_598 = tpu.vector_load %arg7[%swap3A_595, %swap3A_596, %swap3A_597] {strides = array<i32>} : memref<2x16x1024xf32, #tpu.memory_space<vmem>>, vector<1x1x16xf32>,
        %swap3A_599 = vector.shape_cast %swap3A_598 : vector<1x1x16xf32> to vector<16xf32>
        %swap3A_600 = vector.shape_cast %gather3A_590 : vector<16xf32> to vector<1x1x16xf32>
        tpu.vector_store %arg7[%swap3A_595, %swap3A_596, %swap3A_597], %swap3A_600 {strides = array<i32>} : memref<2x16x1024xf32, #tpu.memory_space<vmem>>, vector<1x1x16xf32>,
        %lt3A_601 = arith.constant 0 : i32
        %lt3A_602 = vector.broadcast %lt3A_601 : i32 to vector<16xi32>
        %lt3A_603 = arith.cmpi slt, %get3A_563, %lt3A_602 : vector<16xi32>
        %add3A_604 = arith.constant 16 : i32
        %add3A_605 = vector.broadcast %add3A_604 : i32 to vector<16xi32>
        %add3A_606 = arith.addi %get3A_563, %add3A_605 : vector<16xi32>
        %select_n3A_607 = arith.select %lt3A_603, %add3A_606, %get3A_563 : vector<16xi1>, vector<16xi32>
        %broadcast_in_dim3A_608 = vector.shape_cast %select_n3A_607 : vector<16xi32> to vector<16x1xi32>
        %gather3A_609 = vector.shape_cast %broadcast_in_dim3A_608 : vector<16x1xi32> to vector<16xi32>
        %gather3A_610 = tpu.dynamic_gather %get3A_244[%gather3A_609] in [0] : vector<16xf32>, vector<16xi32> -> vector<16xf32>
        %mul3A_611 = arith.constant 16 : i32
        %mul3A_612 = arith.muli %scan3A_557, %mul3A_611 : i32
        %swap3A_613 = arith.constant 1 : i32
        %swap3A_614 = arith.constant 2 : i32
        %swap3A_615 = arith.index_cast %swap3A_613 : i32 to index
        %swap3A_616 = arith.index_cast %swap3A_614 : i32 to index
        %swap3A_617 = arith.index_cast %mul3A_612 : i32 to index
        %swap3A_618 = tpu.vector_load %arg7[%swap3A_615, %swap3A_616, %swap3A_617] {strides = array<i32>} : memref<2x16x1024xf32, #tpu.memory_space<vmem>>, vector<1x1x16xf32>,
        %swap3A_619 = vector.shape_cast %swap3A_618 : vector<1x1x16xf32> to vector<16xf32>
        %swap3A_620 = vector.shape_cast %gather3A_610 : vector<16xf32> to vector<1x1x16xf32>
        tpu.vector_store %arg7[%swap3A_615, %swap3A_616, %swap3A_617], %swap3A_620 {strides = array<i32>} : memref<2x16x1024xf32, #tpu.memory_space<vmem>>, vector<1x1x16xf32>,
        %lt3A_621 = arith.constant 0 : i32
        %lt3A_622 = vector.broadcast %lt3A_621 : i32 to vector<16xi32>
        %lt3A_623 = arith.cmpi slt, %get3A_563, %lt3A_622 : vector<16xi32>
        %add3A_624 = arith.constant 16 : i32
        %add3A_625 = vector.broadcast %add3A_624 : i32 to vector<16xi32>
        %add3A_626 = arith.addi %get3A_563, %add3A_625 : vector<16xi32>
        %select_n3A_627 = arith.select %lt3A_623, %add3A_626, %get3A_563 : vector<16xi1>, vector<16xi32>
        %broadcast_in_dim3A_628 = vector.shape_cast %select_n3A_627 : vector<16xi32> to vector<16x1xi32>
        %gather3A_629 = vector.shape_cast %broadcast_in_dim3A_628 : vector<16x1xi32> to vector<16xi32>
        %gather3A_630 = tpu.dynamic_gather %get3A_249[%gather3A_629] in [0] : vector<16xf32>, vector<16xi32> -> vector<16xf32>
        %mul3A_631 = arith.constant 16 : i32
        %mul3A_632 = arith.muli %scan3A_557, %mul3A_631 : i32
        %swap3A_633 = arith.constant 1 : i32
        %swap3A_634 = arith.constant 3 : i32
        %swap3A_635 = arith.index_cast %swap3A_633 : i32 to index
        %swap3A_636 = arith.index_cast %swap3A_634 : i32 to index
        %swap3A_637 = arith.index_cast %mul3A_632 : i32 to index
        %swap3A_638 = tpu.vector_load %arg7[%swap3A_635, %swap3A_636, %swap3A_637] {strides = array<i32>} : memref<2x16x1024xf32, #tpu.memory_space<vmem>>, vector<1x1x16xf32>,
        %swap3A_639 = vector.shape_cast %swap3A_638 : vector<1x1x16xf32> to vector<16xf32>
        %swap3A_640 = vector.shape_cast %gather3A_630 : vector<16xf32> to vector<1x1x16xf32>
        tpu.vector_store %arg7[%swap3A_635, %swap3A_636, %swap3A_637], %swap3A_640 {strides = array<i32>} : memref<2x16x1024xf32, #tpu.memory_space<vmem>>, vector<1x1x16xf32>,
        %lt3A_641 = arith.constant 0 : i32
        %lt3A_642 = vector.broadcast %lt3A_641 : i32 to vector<16xi32>
        %lt3A_643 = arith.cmpi slt, %get3A_563, %lt3A_642 : vector<16xi32>
        %add3A_644 = arith.constant 16 : i32
        %add3A_645 = vector.broadcast %add3A_644 : i32 to vector<16xi32>
        %add3A_646 = arith.addi %get3A_563, %add3A_645 : vector<16xi32>
        %select_n3A_647 = arith.select %lt3A_643, %add3A_646, %get3A_563 : vector<16xi1>, vector<16xi32>
        %broadcast_in_dim3A_648 = vector.shape_cast %select_n3A_647 : vector<16xi32> to vector<16x1xi32>
        %gather3A_649 = vector.shape_cast %broadcast_in_dim3A_648 : vector<16x1xi32> to vector<16xi32>
        %gather3A_650 = tpu.dynamic_gather %get3A_254[%gather3A_649] in [0] : vector<16xf32>, vector<16xi32> -> vector<16xf32>
        %mul3A_651 = arith.constant 16 : i32
        %mul3A_652 = arith.muli %scan3A_557, %mul3A_651 : i32
        %swap3A_653 = arith.constant 1 : i32
        %swap3A_654 = arith.constant 4 : i32
        %swap3A_655 = arith.index_cast %swap3A_653 : i32 to index
        %swap3A_656 = arith.index_cast %swap3A_654 : i32 to index
        %swap3A_657 = arith.index_cast %mul3A_652 : i32 to index
        %swap3A_658 = tpu.vector_load %arg7[%swap3A_655, %swap3A_656, %swap3A_657] {strides = array<i32>} : memref<2x16x1024xf32, #tpu.memory_space<vmem>>, vector<1x1x16xf32>,
        %swap3A_659 = vector.shape_cast %swap3A_658 : vector<1x1x16xf32> to vector<16xf32>
        %swap3A_660 = vector.shape_cast %gather3A_650 : vector<16xf32> to vector<1x1x16xf32>
        tpu.vector_store %arg7[%swap3A_655, %swap3A_656, %swap3A_657], %swap3A_660 {strides = array<i32>} : memref<2x16x1024xf32, #tpu.memory_space<vmem>>, vector<1x1x16xf32>,
        %lt3A_661 = arith.constant 0 : i32
        %lt3A_662 = vector.broadcast %lt3A_661 : i32 to vector<16xi32>
        %lt3A_663 = arith.cmpi slt, %get3A_563, %lt3A_662 : vector<16xi32>
        %add3A_664 = arith.constant 16 : i32
        %add3A_665 = vector.broadcast %add3A_664 : i32 to vector<16xi32>
        %add3A_666 = arith.addi %get3A_563, %add3A_665 : vector<16xi32>
        %select_n3A_667 = arith.select %lt3A_663, %add3A_666, %get3A_563 : vector<16xi1>, vector<16xi32>
        %broadcast_in_dim3A_668 = vector.shape_cast %select_n3A_667 : vector<16xi32> to vector<16x1xi32>
        %gather3A_669 = vector.shape_cast %broadcast_in_dim3A_668 : vector<16x1xi32> to vector<16xi32>
        %gather3A_670 = tpu.dynamic_gather %get3A_259[%gather3A_669] in [0] : vector<16xf32>, vector<16xi32> -> vector<16xf32>
        %mul3A_671 = arith.constant 16 : i32
        %mul3A_672 = arith.muli %scan3A_557, %mul3A_671 : i32
        %swap3A_673 = arith.constant 1 : i32
        %swap3A_674 = arith.constant 5 : i32
        %swap3A_675 = arith.index_cast %swap3A_673 : i32 to index
        %swap3A_676 = arith.index_cast %swap3A_674 : i32 to index
        %swap3A_677 = arith.index_cast %mul3A_672 : i32 to index
        %swap3A_678 = tpu.vector_load %arg7[%swap3A_675, %swap3A_676, %swap3A_677] {strides = array<i32>} : memref<2x16x1024xf32, #tpu.memory_space<vmem>>, vector<1x1x16xf32>,
        %swap3A_679 = vector.shape_cast %swap3A_678 : vector<1x1x16xf32> to vector<16xf32>
        %swap3A_680 = vector.shape_cast %gather3A_670 : vector<16xf32> to vector<1x1x16xf32>
        tpu.vector_store %arg7[%swap3A_675, %swap3A_676, %swap3A_677], %swap3A_680 {strides = array<i32>} : memref<2x16x1024xf32, #tpu.memory_space<vmem>>, vector<1x1x16xf32>,
        %lt3A_681 = arith.constant 0 : i32
        %lt3A_682 = vector.broadcast %lt3A_681 : i32 to vector<16xi32>
        %lt3A_683 = arith.cmpi slt, %get3A_563, %lt3A_682 : vector<16xi32>
        %add3A_684 = arith.constant 16 : i32
        %add3A_685 = vector.broadcast %add3A_684 : i32 to vector<16xi32>
        %add3A_686 = arith.addi %get3A_563, %add3A_685 : vector<16xi32>
        %select_n3A_687 = arith.select %lt3A_683, %add3A_686, %get3A_563 : vector<16xi1>, vector<16xi32>
        %broadcast_in_dim3A_688 = vector.shape_cast %select_n3A_687 : vector<16xi32> to vector<16x1xi32>
        %gather3A_689 = vector.shape_cast %broadcast_in_dim3A_688 : vector<16x1xi32> to vector<16xi32>
        %gather3A_690 = tpu.dynamic_gather %get3A_264[%gather3A_689] in [0] : vector<16xf32>, vector<16xi32> -> vector<16xf32>
        %mul3A_691 = arith.constant 16 : i32
        %mul3A_692 = arith.muli %scan3A_557, %mul3A_691 : i32
        %swap3A_693 = arith.constant 1 : i32
        %swap3A_694 = arith.constant 6 : i32
        %swap3A_695 = arith.index_cast %swap3A_693 : i32 to index
        %swap3A_696 = arith.index_cast %swap3A_694 : i32 to index
        %swap3A_697 = arith.index_cast %mul3A_692 : i32 to index
        %swap3A_698 = tpu.vector_load %arg7[%swap3A_695, %swap3A_696, %swap3A_697] {strides = array<i32>} : memref<2x16x1024xf32, #tpu.memory_space<vmem>>, vector<1x1x16xf32>,
        %swap3A_699 = vector.shape_cast %swap3A_698 : vector<1x1x16xf32> to vector<16xf32>
        %swap3A_700 = vector.shape_cast %gather3A_690 : vector<16xf32> to vector<1x1x16xf32>
        tpu.vector_store %arg7[%swap3A_695, %swap3A_696, %swap3A_697], %swap3A_700 {strides = array<i32>} : memref<2x16x1024xf32, #tpu.memory_space<vmem>>, vector<1x1x16xf32>,
        %lt3A_701 = arith.constant 0 : i32
        %lt3A_702 = vector.broadcast %lt3A_701 : i32 to vector<16xi32>
        %lt3A_703 = arith.cmpi slt, %get3A_563, %lt3A_702 : vector<16xi32>
        %add3A_704 = arith.constant 16 : i32
        %add3A_705 = vector.broadcast %add3A_704 : i32 to vector<16xi32>
        %add3A_706 = arith.addi %get3A_563, %add3A_705 : vector<16xi32>
        %select_n3A_707 = arith.select %lt3A_703, %add3A_706, %get3A_563 : vector<16xi1>, vector<16xi32>
        %broadcast_in_dim3A_708 = vector.shape_cast %select_n3A_707 : vector<16xi32> to vector<16x1xi32>
        %gather3A_709 = vector.shape_cast %broadcast_in_dim3A_708 : vector<16x1xi32> to vector<16xi32>
        %gather3A_710 = tpu.dynamic_gather %get3A_269[%gather3A_709] in [0] : vector<16xf32>, vector<16xi32> -> vector<16xf32>
        %mul3A_711 = arith.constant 16 : i32
        %mul3A_712 = arith.muli %scan3A_557, %mul3A_711 : i32
        %swap3A_713 = arith.constant 1 : i32
        %swap3A_714 = arith.constant 7 : i32
        %swap3A_715 = arith.index_cast %swap3A_713 : i32 to index
        %swap3A_716 = arith.index_cast %swap3A_714 : i32 to index
        %swap3A_717 = arith.index_cast %mul3A_712 : i32 to index
        %swap3A_718 = tpu.vector_load %arg7[%swap3A_715, %swap3A_716, %swap3A_717] {strides = array<i32>} : memref<2x16x1024xf32, #tpu.memory_space<vmem>>, vector<1x1x16xf32>,
        %swap3A_719 = vector.shape_cast %swap3A_718 : vector<1x1x16xf32> to vector<16xf32>
        %swap3A_720 = vector.shape_cast %gather3A_710 : vector<16xf32> to vector<1x1x16xf32>
        tpu.vector_store %arg7[%swap3A_715, %swap3A_716, %swap3A_717], %swap3A_720 {strides = array<i32>} : memref<2x16x1024xf32, #tpu.memory_space<vmem>>, vector<1x1x16xf32>,
        %lt3A_721 = arith.constant 0 : i32
        %lt3A_722 = vector.broadcast %lt3A_721 : i32 to vector<16xi32>
        %lt3A_723 = arith.cmpi slt, %get3A_563, %lt3A_722 : vector<16xi32>
        %add3A_724 = arith.constant 16 : i32
        %add3A_725 = vector.broadcast %add3A_724 : i32 to vector<16xi32>
        %add3A_726 = arith.addi %get3A_563, %add3A_725 : vector<16xi32>
        %select_n3A_727 = arith.select %lt3A_723, %add3A_726, %get3A_563 : vector<16xi1>, vector<16xi32>
        %broadcast_in_dim3A_728 = vector.shape_cast %select_n3A_727 : vector<16xi32> to vector<16x1xi32>
        %gather3A_729 = vector.shape_cast %broadcast_in_dim3A_728 : vector<16x1xi32> to vector<16xi32>
        %gather3A_730 = tpu.dynamic_gather %get3A_274[%gather3A_729] in [0] : vector<16xf32>, vector<16xi32> -> vector<16xf32>
        %mul3A_731 = arith.constant 16 : i32
        %mul3A_732 = arith.muli %scan3A_557, %mul3A_731 : i32
        %swap3A_733 = arith.constant 1 : i32
        %swap3A_734 = arith.constant 8 : i32
        %swap3A_735 = arith.index_cast %swap3A_733 : i32 to index
        %swap3A_736 = arith.index_cast %swap3A_734 : i32 to index
        %swap3A_737 = arith.index_cast %mul3A_732 : i32 to index
        %swap3A_738 = tpu.vector_load %arg7[%swap3A_735, %swap3A_736, %swap3A_737] {strides = array<i32>} : memref<2x16x1024xf32, #tpu.memory_space<vmem>>, vector<1x1x16xf32>,
        %swap3A_739 = vector.shape_cast %swap3A_738 : vector<1x1x16xf32> to vector<16xf32>
        %swap3A_740 = vector.shape_cast %gather3A_730 : vector<16xf32> to vector<1x1x16xf32>
        tpu.vector_store %arg7[%swap3A_735, %swap3A_736, %swap3A_737], %swap3A_740 {strides = array<i32>} : memref<2x16x1024xf32, #tpu.memory_space<vmem>>, vector<1x1x16xf32>,
        %lt3A_741 = arith.constant 0 : i32
        %lt3A_742 = vector.broadcast %lt3A_741 : i32 to vector<16xi32>
        %lt3A_743 = arith.cmpi slt, %get3A_563, %lt3A_742 : vector<16xi32>
        %add3A_744 = arith.constant 16 : i32
        %add3A_745 = vector.broadcast %add3A_744 : i32 to vector<16xi32>
        %add3A_746 = arith.addi %get3A_563, %add3A_745 : vector<16xi32>
        %select_n3A_747 = arith.select %lt3A_743, %add3A_746, %get3A_563 : vector<16xi1>, vector<16xi32>
        %broadcast_in_dim3A_748 = vector.shape_cast %select_n3A_747 : vector<16xi32> to vector<16x1xi32>
        %gather3A_749 = vector.shape_cast %broadcast_in_dim3A_748 : vector<16x1xi32> to vector<16xi32>
        %gather3A_750 = tpu.dynamic_gather %get3A_279[%gather3A_749] in [0] : vector<16xf32>, vector<16xi32> -> vector<16xf32>
        %mul3A_751 = arith.constant 16 : i32
        %mul3A_752 = arith.muli %scan3A_557, %mul3A_751 : i32
        %swap3A_753 = arith.constant 1 : i32
        %swap3A_754 = arith.constant 9 : i32
        %swap3A_755 = arith.index_cast %swap3A_753 : i32 to index
        %swap3A_756 = arith.index_cast %swap3A_754 : i32 to index
        %swap3A_757 = arith.index_cast %mul3A_752 : i32 to index
        %swap3A_758 = tpu.vector_load %arg7[%swap3A_755, %swap3A_756, %swap3A_757] {strides = array<i32>} : memref<2x16x1024xf32, #tpu.memory_space<vmem>>, vector<1x1x16xf32>,
        %swap3A_759 = vector.shape_cast %swap3A_758 : vector<1x1x16xf32> to vector<16xf32>
        %swap3A_760 = vector.shape_cast %gather3A_750 : vector<16xf32> to vector<1x1x16xf32>
        tpu.vector_store %arg7[%swap3A_755, %swap3A_756, %swap3A_757], %swap3A_760 {strides = array<i32>} : memref<2x16x1024xf32, #tpu.memory_space<vmem>>, vector<1x1x16xf32>,
        %lt3A_761 = arith.constant 0 : i32
        %lt3A_762 = vector.broadcast %lt3A_761 : i32 to vector<16xi32>
        %lt3A_763 = arith.cmpi slt, %get3A_563, %lt3A_762 : vector<16xi32>
        %add3A_764 = arith.constant 16 : i32
        %add3A_765 = vector.broadcast %add3A_764 : i32 to vector<16xi32>
        %add3A_766 = arith.addi %get3A_563, %add3A_765 : vector<16xi32>
        %select_n3A_767 = arith.select %lt3A_763, %add3A_766, %get3A_563 : vector<16xi1>, vector<16xi32>
        %broadcast_in_dim3A_768 = vector.shape_cast %select_n3A_767 : vector<16xi32> to vector<16x1xi32>
        %gather3A_769 = vector.shape_cast %broadcast_in_dim3A_768 : vector<16x1xi32> to vector<16xi32>
        %gather3A_770 = tpu.dynamic_gather %get3A_284[%gather3A_769] in [0] : vector<16xf32>, vector<16xi32> -> vector<16xf32>
        %mul3A_771 = arith.constant 16 : i32
        %mul3A_772 = arith.muli %scan3A_557, %mul3A_771 : i32
        %swap3A_773 = arith.constant 1 : i32
        %swap3A_774 = arith.constant 10 : i32
        %swap3A_775 = arith.index_cast %swap3A_773 : i32 to index
        %swap3A_776 = arith.index_cast %swap3A_774 : i32 to index
        %swap3A_777 = arith.index_cast %mul3A_772 : i32 to index
        %swap3A_778 = tpu.vector_load %arg7[%swap3A_775, %swap3A_776, %swap3A_777] {strides = array<i32>} : memref<2x16x1024xf32, #tpu.memory_space<vmem>>, vector<1x1x16xf32>,
        %swap3A_779 = vector.shape_cast %swap3A_778 : vector<1x1x16xf32> to vector<16xf32>
        %swap3A_780 = vector.shape_cast %gather3A_770 : vector<16xf32> to vector<1x1x16xf32>
        tpu.vector_store %arg7[%swap3A_775, %swap3A_776, %swap3A_777], %swap3A_780 {strides = array<i32>} : memref<2x16x1024xf32, #tpu.memory_space<vmem>>, vector<1x1x16xf32>,
        %lt3A_781 = arith.constant 0 : i32
        %lt3A_782 = vector.broadcast %lt3A_781 : i32 to vector<16xi32>
        %lt3A_783 = arith.cmpi slt, %get3A_563, %lt3A_782 : vector<16xi32>
        %add3A_784 = arith.constant 16 : i32
        %add3A_785 = vector.broadcast %add3A_784 : i32 to vector<16xi32>
        %add3A_786 = arith.addi %get3A_563, %add3A_785 : vector<16xi32>
        %select_n3A_787 = arith.select %lt3A_783, %add3A_786, %get3A_563 : vector<16xi1>, vector<16xi32>
        %broadcast_in_dim3A_788 = vector.shape_cast %select_n3A_787 : vector<16xi32> to vector<16x1xi32>
        %gather3A_789 = vector.shape_cast %broadcast_in_dim3A_788 : vector<16x1xi32> to vector<16xi32>
        %gather3A_790 = tpu.dynamic_gather %get3A_289[%gather3A_789] in [0] : vector<16xf32>, vector<16xi32> -> vector<16xf32>
        %mul3A_791 = arith.constant 16 : i32
        %mul3A_792 = arith.muli %scan3A_557, %mul3A_791 : i32
        %swap3A_793 = arith.constant 1 : i32
        %swap3A_794 = arith.constant 11 : i32
        %swap3A_795 = arith.index_cast %swap3A_793 : i32 to index
        %swap3A_796 = arith.index_cast %swap3A_794 : i32 to index
        %swap3A_797 = arith.index_cast %mul3A_792 : i32 to index
        %swap3A_798 = tpu.vector_load %arg7[%swap3A_795, %swap3A_796, %swap3A_797] {strides = array<i32>} : memref<2x16x1024xf32, #tpu.memory_space<vmem>>, vector<1x1x16xf32>,
        %swap3A_799 = vector.shape_cast %swap3A_798 : vector<1x1x16xf32> to vector<16xf32>
        %swap3A_800 = vector.shape_cast %gather3A_790 : vector<16xf32> to vector<1x1x16xf32>
        tpu.vector_store %arg7[%swap3A_795, %swap3A_796, %swap3A_797], %swap3A_800 {strides = array<i32>} : memref<2x16x1024xf32, #tpu.memory_space<vmem>>, vector<1x1x16xf32>,
        %lt3A_801 = arith.constant 0 : i32
        %lt3A_802 = vector.broadcast %lt3A_801 : i32 to vector<16xi32>
        %lt3A_803 = arith.cmpi slt, %get3A_563, %lt3A_802 : vector<16xi32>
        %add3A_804 = arith.constant 16 : i32
        %add3A_805 = vector.broadcast %add3A_804 : i32 to vector<16xi32>
        %add3A_806 = arith.addi %get3A_563, %add3A_805 : vector<16xi32>
        %select_n3A_807 = arith.select %lt3A_803, %add3A_806, %get3A_563 : vector<16xi1>, vector<16xi32>
        %broadcast_in_dim3A_808 = vector.shape_cast %select_n3A_807 : vector<16xi32> to vector<16x1xi32>
        %gather3A_809 = vector.shape_cast %broadcast_in_dim3A_808 : vector<16x1xi32> to vector<16xi32>
        %gather3A_810 = tpu.dynamic_gather %get3A_294[%gather3A_809] in [0] : vector<16xf32>, vector<16xi32> -> vector<16xf32>
        %mul3A_811 = arith.constant 16 : i32
        %mul3A_812 = arith.muli %scan3A_557, %mul3A_811 : i32
        %swap3A_813 = arith.constant 1 : i32
        %swap3A_814 = arith.constant 12 : i32
        %swap3A_815 = arith.index_cast %swap3A_813 : i32 to index
        %swap3A_816 = arith.index_cast %swap3A_814 : i32 to index
        %swap3A_817 = arith.index_cast %mul3A_812 : i32 to index
        %swap3A_818 = tpu.vector_load %arg7[%swap3A_815, %swap3A_816, %swap3A_817] {strides = array<i32>} : memref<2x16x1024xf32, #tpu.memory_space<vmem>>, vector<1x1x16xf32>,
        %swap3A_819 = vector.shape_cast %swap3A_818 : vector<1x1x16xf32> to vector<16xf32>
        %swap3A_820 = vector.shape_cast %gather3A_810 : vector<16xf32> to vector<1x1x16xf32>
        tpu.vector_store %arg7[%swap3A_815, %swap3A_816, %swap3A_817], %swap3A_820 {strides = array<i32>} : memref<2x16x1024xf32, #tpu.memory_space<vmem>>, vector<1x1x16xf32>,
        %lt3A_821 = arith.constant 0 : i32
        %lt3A_822 = vector.broadcast %lt3A_821 : i32 to vector<16xi32>
        %lt3A_823 = arith.cmpi slt, %get3A_563, %lt3A_822 : vector<16xi32>
        %add3A_824 = arith.constant 16 : i32
        %add3A_825 = vector.broadcast %add3A_824 : i32 to vector<16xi32>
        %add3A_826 = arith.addi %get3A_563, %add3A_825 : vector<16xi32>
        %select_n3A_827 = arith.select %lt3A_823, %add3A_826, %get3A_563 : vector<16xi1>, vector<16xi32>
        %broadcast_in_dim3A_828 = vector.shape_cast %select_n3A_827 : vector<16xi32> to vector<16x1xi32>
        %gather3A_829 = vector.shape_cast %broadcast_in_dim3A_828 : vector<16x1xi32> to vector<16xi32>
        %gather3A_830 = tpu.dynamic_gather %get3A_299[%gather3A_829] in [0] : vector<16xf32>, vector<16xi32> -> vector<16xf32>
        %mul3A_831 = arith.constant 16 : i32
        %mul3A_832 = arith.muli %scan3A_557, %mul3A_831 : i32
        %swap3A_833 = arith.constant 1 : i32
        %swap3A_834 = arith.constant 13 : i32
        %swap3A_835 = arith.index_cast %swap3A_833 : i32 to index
        %swap3A_836 = arith.index_cast %swap3A_834 : i32 to index
        %swap3A_837 = arith.index_cast %mul3A_832 : i32 to index
        %swap3A_838 = tpu.vector_load %arg7[%swap3A_835, %swap3A_836, %swap3A_837] {strides = array<i32>} : memref<2x16x1024xf32, #tpu.memory_space<vmem>>, vector<1x1x16xf32>,
        %swap3A_839 = vector.shape_cast %swap3A_838 : vector<1x1x16xf32> to vector<16xf32>
        %swap3A_840 = vector.shape_cast %gather3A_830 : vector<16xf32> to vector<1x1x16xf32>
        tpu.vector_store %arg7[%swap3A_835, %swap3A_836, %swap3A_837], %swap3A_840 {strides = array<i32>} : memref<2x16x1024xf32, #tpu.memory_space<vmem>>, vector<1x1x16xf32>,
        %lt3A_841 = arith.constant 0 : i32
        %lt3A_842 = vector.broadcast %lt3A_841 : i32 to vector<16xi32>
        %lt3A_843 = arith.cmpi slt, %get3A_563, %lt3A_842 : vector<16xi32>
        %add3A_844 = arith.constant 16 : i32
        %add3A_845 = vector.broadcast %add3A_844 : i32 to vector<16xi32>
        %add3A_846 = arith.addi %get3A_563, %add3A_845 : vector<16xi32>
        %select_n3A_847 = arith.select %lt3A_843, %add3A_846, %get3A_563 : vector<16xi1>, vector<16xi32>
        %broadcast_in_dim3A_848 = vector.shape_cast %select_n3A_847 : vector<16xi32> to vector<16x1xi32>
        %gather3A_849 = vector.shape_cast %broadcast_in_dim3A_848 : vector<16x1xi32> to vector<16xi32>
        %gather3A_850 = tpu.dynamic_gather %get3A_304[%gather3A_849] in [0] : vector<16xf32>, vector<16xi32> -> vector<16xf32>
        %mul3A_851 = arith.constant 16 : i32
        %mul3A_852 = arith.muli %scan3A_557, %mul3A_851 : i32
        %swap3A_853 = arith.constant 1 : i32
        %swap3A_854 = arith.constant 14 : i32
        %swap3A_855 = arith.index_cast %swap3A_853 : i32 to index
        %swap3A_856 = arith.index_cast %swap3A_854 : i32 to index
        %swap3A_857 = arith.index_cast %mul3A_852 : i32 to index
        %swap3A_858 = tpu.vector_load %arg7[%swap3A_855, %swap3A_856, %swap3A_857] {strides = array<i32>} : memref<2x16x1024xf32, #tpu.memory_space<vmem>>, vector<1x1x16xf32>,
        %swap3A_859 = vector.shape_cast %swap3A_858 : vector<1x1x16xf32> to vector<16xf32>
        %swap3A_860 = vector.shape_cast %gather3A_850 : vector<16xf32> to vector<1x1x16xf32>
        tpu.vector_store %arg7[%swap3A_855, %swap3A_856, %swap3A_857], %swap3A_860 {strides = array<i32>} : memref<2x16x1024xf32, #tpu.memory_space<vmem>>, vector<1x1x16xf32>,
        %lt3A_861 = arith.constant 0 : i32
        %lt3A_862 = vector.broadcast %lt3A_861 : i32 to vector<16xi32>
        %lt3A_863 = arith.cmpi slt, %get3A_563, %lt3A_862 : vector<16xi32>
        %add3A_864 = arith.constant 16 : i32
        %add3A_865 = vector.broadcast %add3A_864 : i32 to vector<16xi32>
        %add3A_866 = arith.addi %get3A_563, %add3A_865 : vector<16xi32>
        %select_n3A_867 = arith.select %lt3A_863, %add3A_866, %get3A_563 : vector<16xi1>, vector<16xi32>
        %broadcast_in_dim3A_868 = vector.shape_cast %select_n3A_867 : vector<16xi32> to vector<16x1xi32>
        %gather3A_869 = vector.shape_cast %broadcast_in_dim3A_868 : vector<16x1xi32> to vector<16xi32>
        %gather3A_870 = tpu.dynamic_gather %get3A_309[%gather3A_869] in [0] : vector<16xf32>, vector<16xi32> -> vector<16xf32>
        %mul3A_871 = arith.constant 16 : i32
        %mul3A_872 = arith.muli %scan3A_557, %mul3A_871 : i32
        %swap3A_873 = arith.constant 1 : i32
        %swap3A_874 = arith.constant 15 : i32
        %swap3A_875 = arith.index_cast %swap3A_873 : i32 to index
        %swap3A_876 = arith.index_cast %swap3A_874 : i32 to index
        %swap3A_877 = arith.index_cast %mul3A_872 : i32 to index
        %swap3A_878 = tpu.vector_load %arg7[%swap3A_875, %swap3A_876, %swap3A_877] {strides = array<i32>} : memref<2x16x1024xf32, #tpu.memory_space<vmem>>, vector<1x1x16xf32>,
        %swap3A_879 = vector.shape_cast %swap3A_878 : vector<1x1x16xf32> to vector<16xf32>
        %swap3A_880 = vector.shape_cast %gather3A_870 : vector<16xf32> to vector<1x1x16xf32>
        tpu.vector_store %arg7[%swap3A_875, %swap3A_876, %swap3A_877], %swap3A_880 {strides = array<i32>} : memref<2x16x1024xf32, #tpu.memory_space<vmem>>, vector<1x1x16xf32>,
      }
      %scan3A_315 = arith.constant 64 : i32
      %dma_start3A_316 = arith.constant 1 : i32
      %dma_start3A_317 = arith.constant 0 : i32
      %dma_start3A_318 = arith.constant 0 : i32
      %dma_start3A_319 = tpu.memref_slice %arg7[%dma_start3A_316, %dma_start3A_317, %dma_start3A_318] : memref<2x16x1024xf32, #tpu.memory_space<vmem>> -> memref<1x16x1024xf32, #tpu.memory_space<vmem>>
      %dma_start3A_320 = tpu.memref_squeeze %dma_start3A_319 : memref<1x16x1024xf32, #tpu.memory_space<vmem>> -> memref<16x1024xf32, #tpu.memory_space<vmem>>
      %dma_start3A_321 = arith.constant 16 : i32
      %dma_start3A_322 = arith.constant 0 : i32
      %dma_start3A_323 = tpu.memref_slice %arg4[%add3A_78, %dma_start3A_321, %dma_start3A_322] : memref<900x64x1024xf32, #tpu.memory_space<hbm>> -> memref<1x16x1024xf32, #tpu.memory_space<hbm>>
      %dma_start3A_324 = tpu.memref_squeeze %dma_start3A_323 : memref<1x16x1024xf32, #tpu.memory_space<hbm>> -> memref<16x1024xf32, #tpu.memory_space<hbm>>
      %dma_start3A_325 = arith.constant 16 : i32
      %dma_start3A_326 = arith.constant 0 : i32
      %dma_start3A_327 = tpu.memref_slice %arg4[%add3A_78, %dma_start3A_325, %dma_start3A_326] : memref<900x64x1024xf32, #tpu.memory_space<hbm>> -> memref<1x16x1024xf32, #tpu.memory_space<hbm>>
      %dma_start3A_328 = tpu.memref_squeeze %dma_start3A_327 : memref<1x16x1024xf32, #tpu.memory_space<hbm>> -> memref<16x1024xf32, #tpu.memory_space<hbm>>
      %dma_start3A_329 = arith.constant 0 : i32
      %dma_start3A_330 = arith.constant 0 : i32
      %dma_start3A_331 = tpu.memref_slice %arg7[%dma_start3A_316, %dma_start3A_329, %dma_start3A_330] : memref<2x16x1024xf32, #tpu.memory_space<vmem>> -> memref<1x16x1024xf32, #tpu.memory_space<vmem>>
      %dma_start3A_332 = tpu.memref_squeeze %dma_start3A_331 : memref<1x16x1024xf32, #tpu.memory_space<vmem>> -> memref<16x1024xf32, #tpu.memory_space<vmem>>
      tpu.enqueue_dma source(%dma_start3A_332 : memref<16x1024xf32, #tpu.memory_space<vmem>>) target(%dma_start3A_328 : memref<16x1024xf32, #tpu.memory_space<hbm>>) target_semaphore(%arg10 : memref<!tpu.dma_semaphore, #tpu.memory_space<semaphore_mem>>)
      %mul3A_333 = arith.constant 4 : i32
      %mul3A_334 = arith.muli %while3A_65, %mul3A_333 : i32
      %add3A_335 = arith.constant 2 : i32
      %add3A_336 = arith.addi %mul3A_334, %add3A_335 : i32
      %ge3A_337 = arith.constant 2 : i32
      %ge3A_338 = arith.cmpi sge, %add3A_336, %ge3A_337 : i32
      %convert_element_type3A_339 = arith.extui %ge3A_338 : i1 to i32
      %cond3A_340 = arith.constant 0 : i32
      %cond3A_341 = arith.cmpi ne, %convert_element_type3A_339, %cond3A_340 : i32
      scf.if %cond3A_341 {
        %dma_wait3A_557 = arith.constant 0 : i32
        %dma_wait3A_558 = arith.constant 0 : i32
        %dma_wait3A_559 = arith.constant 0 : i32
        %dma_wait3A_560 = tpu.memref_slice %arg7[%dma_wait3A_557, %dma_wait3A_558, %dma_wait3A_559] : memref<2x16x1024xf32, #tpu.memory_space<vmem>> -> memref<1x16x1024xf32, #tpu.memory_space<vmem>>
        %dma_wait3A_561 = tpu.memref_squeeze %dma_wait3A_560 : memref<1x16x1024xf32, #tpu.memory_space<vmem>> -> memref<16x1024xf32, #tpu.memory_space<vmem>>
        %dma_wait3A_562 = arith.constant 32 : i32
        %dma_wait3A_563 = arith.constant 0 : i32
        %dma_wait3A_564 = tpu.memref_slice %arg4[%add3A_78, %dma_wait3A_562, %dma_wait3A_563] : memref<900x64x1024xf32, #tpu.memory_space<hbm>> -> memref<1x16x1024xf32, #tpu.memory_space<hbm>>
        %dma_wait3A_565 = tpu.memref_squeeze %dma_wait3A_564 : memref<1x16x1024xf32, #tpu.memory_space<hbm>> -> memref<16x1024xf32, #tpu.memory_space<hbm>>
        %dma_wait3A_566 = arith.constant 32 : i32
        %dma_wait3A_567 = arith.constant 0 : i32
        %dma_wait3A_568 = tpu.memref_slice %arg4[%add3A_78, %dma_wait3A_566, %dma_wait3A_567] : memref<900x64x1024xf32, #tpu.memory_space<hbm>> -> memref<1x16x1024xf32, #tpu.memory_space<hbm>>
        %dma_wait3A_569 = tpu.memref_squeeze %dma_wait3A_568 : memref<1x16x1024xf32, #tpu.memory_space<hbm>> -> memref<16x1024xf32, #tpu.memory_space<hbm>>
        %dma_wait3A_570 = arith.constant 0 : i32
        %dma_wait3A_571 = arith.constant 0 : i32
        %dma_wait3A_572 = tpu.memref_slice %arg7[%dma_wait3A_557, %dma_wait3A_570, %dma_wait3A_571] : memref<2x16x1024xf32, #tpu.memory_space<vmem>> -> memref<1x16x1024xf32, #tpu.memory_space<vmem>>
        %dma_wait3A_573 = tpu.memref_squeeze %dma_wait3A_572 : memref<1x16x1024xf32, #tpu.memory_space<vmem>> -> memref<16x1024xf32, #tpu.memory_space<vmem>>
        tpu.wait_dma2 semaphore(%arg10 : memref<!tpu.dma_semaphore, #tpu.memory_space<semaphore_mem>>) src(%dma_wait3A_573 : memref<16x1024xf32, #tpu.memory_space<vmem>>) dst(%dma_wait3A_569 : memref<16x1024xf32, #tpu.memory_space<hbm>>)
      } else {
      }
      %get3A_342 = arith.constant 32 : i32
      %get3A_343 = arith.index_cast %get3A_342 : i32 to index
      %get3A_344 = arith.constant 0 : index
      %get3A_345 = tpu.vector_load %arg5[%get3A_343, %get3A_344] {strides = array<i32>} : memref<64x16xf32, #tpu.memory_space<vmem>>, vector<1x16xf32>,
      %get3A_346 = vector.shape_cast %get3A_345 : vector<1x16xf32> to vector<16xf32>
      %get3A_347 = arith.constant 33 : i32
      %get3A_348 = arith.index_cast %get3A_347 : i32 to index
      %get3A_349 = arith.constant 0 : index
      %get3A_350 = tpu.vector_load %arg5[%get3A_348, %get3A_349] {strides = array<i32>} : memref<64x16xf32, #tpu.memory_space<vmem>>, vector<1x16xf32>,
      %get3A_351 = vector.shape_cast %get3A_350 : vector<1x16xf32> to vector<16xf32>
      %get3A_352 = arith.constant 34 : i32
      %get3A_353 = arith.index_cast %get3A_352 : i32 to index
      %get3A_354 = arith.constant 0 : index
      %get3A_355 = tpu.vector_load %arg5[%get3A_353, %get3A_354] {strides = array<i32>} : memref<64x16xf32, #tpu.memory_space<vmem>>, vector<1x16xf32>,
      %get3A_356 = vector.shape_cast %get3A_355 : vector<1x16xf32> to vector<16xf32>
      %get3A_357 = arith.constant 35 : i32
      %get3A_358 = arith.index_cast %get3A_357 : i32 to index
      %get3A_359 = arith.constant 0 : index
      %get3A_360 = tpu.vector_load %arg5[%get3A_358, %get3A_359] {strides = array<i32>} : memref<64x16xf32, #tpu.memory_space<vmem>>, vector<1x16xf32>,
      %get3A_361 = vector.shape_cast %get3A_360 : vector<1x16xf32> to vector<16xf32>
      %get3A_362 = arith.constant 36 : i32
      %get3A_363 = arith.index_cast %get3A_362 : i32 to index
      %get3A_364 = arith.constant 0 : index
      %get3A_365 = tpu.vector_load %arg5[%get3A_363, %get3A_364] {strides = array<i32>} : memref<64x16xf32, #tpu.memory_space<vmem>>, vector<1x16xf32>,
      %get3A_366 = vector.shape_cast %get3A_365 : vector<1x16xf32> to vector<16xf32>
      %get3A_367 = arith.constant 37 : i32
      %get3A_368 = arith.index_cast %get3A_367 : i32 to index
      %get3A_369 = arith.constant 0 : index
      %get3A_370 = tpu.vector_load %arg5[%get3A_368, %get3A_369] {strides = array<i32>} : memref<64x16xf32, #tpu.memory_space<vmem>>, vector<1x16xf32>,
      %get3A_371 = vector.shape_cast %get3A_370 : vector<1x16xf32> to vector<16xf32>
      %get3A_372 = arith.constant 38 : i32
      %get3A_373 = arith.index_cast %get3A_372 : i32 to index
      %get3A_374 = arith.constant 0 : index
      %get3A_375 = tpu.vector_load %arg5[%get3A_373, %get3A_374] {strides = array<i32>} : memref<64x16xf32, #tpu.memory_space<vmem>>, vector<1x16xf32>,
      %get3A_376 = vector.shape_cast %get3A_375 : vector<1x16xf32> to vector<16xf32>
      %get3A_377 = arith.constant 39 : i32
      %get3A_378 = arith.index_cast %get3A_377 : i32 to index
      %get3A_379 = arith.constant 0 : index
      %get3A_380 = tpu.vector_load %arg5[%get3A_378, %get3A_379] {strides = array<i32>} : memref<64x16xf32, #tpu.memory_space<vmem>>, vector<1x16xf32>,
      %get3A_381 = vector.shape_cast %get3A_380 : vector<1x16xf32> to vector<16xf32>
      %get3A_382 = arith.constant 40 : i32
      %get3A_383 = arith.index_cast %get3A_382 : i32 to index
      %get3A_384 = arith.constant 0 : index
      %get3A_385 = tpu.vector_load %arg5[%get3A_383, %get3A_384] {strides = array<i32>} : memref<64x16xf32, #tpu.memory_space<vmem>>, vector<1x16xf32>,
      %get3A_386 = vector.shape_cast %get3A_385 : vector<1x16xf32> to vector<16xf32>
      %get3A_387 = arith.constant 41 : i32
      %get3A_388 = arith.index_cast %get3A_387 : i32 to index
      %get3A_389 = arith.constant 0 : index
      %get3A_390 = tpu.vector_load %arg5[%get3A_388, %get3A_389] {strides = array<i32>} : memref<64x16xf32, #tpu.memory_space<vmem>>, vector<1x16xf32>,
      %get3A_391 = vector.shape_cast %get3A_390 : vector<1x16xf32> to vector<16xf32>
      %get3A_392 = arith.constant 42 : i32
      %get3A_393 = arith.index_cast %get3A_392 : i32 to index
      %get3A_394 = arith.constant 0 : index
      %get3A_395 = tpu.vector_load %arg5[%get3A_393, %get3A_394] {strides = array<i32>} : memref<64x16xf32, #tpu.memory_space<vmem>>, vector<1x16xf32>,
      %get3A_396 = vector.shape_cast %get3A_395 : vector<1x16xf32> to vector<16xf32>
      %get3A_397 = arith.constant 43 : i32
      %get3A_398 = arith.index_cast %get3A_397 : i32 to index
      %get3A_399 = arith.constant 0 : index
      %get3A_400 = tpu.vector_load %arg5[%get3A_398, %get3A_399] {strides = array<i32>} : memref<64x16xf32, #tpu.memory_space<vmem>>, vector<1x16xf32>,
      %get3A_401 = vector.shape_cast %get3A_400 : vector<1x16xf32> to vector<16xf32>
      %get3A_402 = arith.constant 44 : i32
      %get3A_403 = arith.index_cast %get3A_402 : i32 to index
      %get3A_404 = arith.constant 0 : index
      %get3A_405 = tpu.vector_load %arg5[%get3A_403, %get3A_404] {strides = array<i32>} : memref<64x16xf32, #tpu.memory_space<vmem>>, vector<1x16xf32>,
      %get3A_406 = vector.shape_cast %get3A_405 : vector<1x16xf32> to vector<16xf32>
      %get3A_407 = arith.constant 45 : i32
      %get3A_408 = arith.index_cast %get3A_407 : i32 to index
      %get3A_409 = arith.constant 0 : index
      %get3A_410 = tpu.vector_load %arg5[%get3A_408, %get3A_409] {strides = array<i32>} : memref<64x16xf32, #tpu.memory_space<vmem>>, vector<1x16xf32>,
      %get3A_411 = vector.shape_cast %get3A_410 : vector<1x16xf32> to vector<16xf32>
      %get3A_412 = arith.constant 46 : i32
      %get3A_413 = arith.index_cast %get3A_412 : i32 to index
      %get3A_414 = arith.constant 0 : index
      %get3A_415 = tpu.vector_load %arg5[%get3A_413, %get3A_414] {strides = array<i32>} : memref<64x16xf32, #tpu.memory_space<vmem>>, vector<1x16xf32>,
      %get3A_416 = vector.shape_cast %get3A_415 : vector<1x16xf32> to vector<16xf32>
      %get3A_417 = arith.constant 47 : i32
      %get3A_418 = arith.index_cast %get3A_417 : i32 to index
      %get3A_419 = arith.constant 0 : index
      %get3A_420 = tpu.vector_load %arg5[%get3A_418, %get3A_419] {strides = array<i32>} : memref<64x16xf32, #tpu.memory_space<vmem>>, vector<1x16xf32>,
      %get3A_421 = vector.shape_cast %get3A_420 : vector<1x16xf32> to vector<16xf32>
      %scan3A_422 = arith.constant 0 : i32
      %scan3A_423 = arith.constant 0 : i32
      %scan3A_424 = arith.constant 64 : i32
      %scan3A_425 = arith.addi %scan3A_423, %scan3A_424 : i32
      %scan3A_426 = arith.constant 1 : i32
      scf.for %scan3A_557 = %scan3A_423 to %scan3A_425 step %scan3A_426  : i32 {
        %mul3A_558 = arith.constant 16 : i32
        %mul3A_559 = arith.muli %scan3A_557, %mul3A_558 : i32
        %get3A_560 = arith.index_cast %select_n3A_77 : i32 to index
        %get3A_561 = arith.index_cast %mul3A_559 : i32 to index
        %get3A_562 = tpu.vector_load %arg6[%get3A_560, %get3A_561] {strides = array<i32>} : memref<2x1024xi32, #tpu.memory_space<vmem>>, vector<1x16xi32>,
        %get3A_563 = vector.shape_cast %get3A_562 : vector<1x16xi32> to vector<16xi32>
        %lt3A_564 = arith.constant 0 : i32
        %lt3A_565 = vector.broadcast %lt3A_564 : i32 to vector<16xi32>
        %lt3A_566 = arith.cmpi slt, %get3A_563, %lt3A_565 : vector<16xi32>
        %add3A_567 = arith.constant 16 : i32
        %add3A_568 = vector.broadcast %add3A_567 : i32 to vector<16xi32>
        %add3A_569 = arith.addi %get3A_563, %add3A_568 : vector<16xi32>
        %select_n3A_570 = arith.select %lt3A_566, %add3A_569, %get3A_563 : vector<16xi1>, vector<16xi32>
        %broadcast_in_dim3A = vector.shape_cast %select_n3A_570 : vector<16xi32> to vector<16x1xi32>
        %gather3A = vector.shape_cast %broadcast_in_dim3A : vector<16x1xi32> to vector<16xi32>
        %gather3A_571 = tpu.dynamic_gather %get3A_346[%gather3A] in [0] : vector<16xf32>, vector<16xi32> -> vector<16xf32>
        %mul3A_572 = arith.constant 16 : i32
        %mul3A_573 = arith.muli %scan3A_557, %mul3A_572 : i32
        %swap3A = arith.constant 0 : i32
        %swap3A_574 = arith.constant 0 : i32
        %swap3A_575 = arith.index_cast %swap3A : i32 to index
        %swap3A_576 = arith.index_cast %swap3A_574 : i32 to index
        %swap3A_577 = arith.index_cast %mul3A_573 : i32 to index
        %swap3A_578 = tpu.vector_load %arg7[%swap3A_575, %swap3A_576, %swap3A_577] {strides = array<i32>} : memref<2x16x1024xf32, #tpu.memory_space<vmem>>, vector<1x1x16xf32>,
        %swap3A_579 = vector.shape_cast %swap3A_578 : vector<1x1x16xf32> to vector<16xf32>
        %swap3A_580 = vector.shape_cast %gather3A_571 : vector<16xf32> to vector<1x1x16xf32>
        tpu.vector_store %arg7[%swap3A_575, %swap3A_576, %swap3A_577], %swap3A_580 {strides = array<i32>} : memref<2x16x1024xf32, #tpu.memory_space<vmem>>, vector<1x1x16xf32>,
        %lt3A_581 = arith.constant 0 : i32
        %lt3A_582 = vector.broadcast %lt3A_581 : i32 to vector<16xi32>
        %lt3A_583 = arith.cmpi slt, %get3A_563, %lt3A_582 : vector<16xi32>
        %add3A_584 = arith.constant 16 : i32
        %add3A_585 = vector.broadcast %add3A_584 : i32 to vector<16xi32>
        %add3A_586 = arith.addi %get3A_563, %add3A_585 : vector<16xi32>
        %select_n3A_587 = arith.select %lt3A_583, %add3A_586, %get3A_563 : vector<16xi1>, vector<16xi32>
        %broadcast_in_dim3A_588 = vector.shape_cast %select_n3A_587 : vector<16xi32> to vector<16x1xi32>
        %gather3A_589 = vector.shape_cast %broadcast_in_dim3A_588 : vector<16x1xi32> to vector<16xi32>
        %gather3A_590 = tpu.dynamic_gather %get3A_351[%gather3A_589] in [0] : vector<16xf32>, vector<16xi32> -> vector<16xf32>
        %mul3A_591 = arith.constant 16 : i32
        %mul3A_592 = arith.muli %scan3A_557, %mul3A_591 : i32
        %swap3A_593 = arith.constant 0 : i32
        %swap3A_594 = arith.constant 1 : i32
        %swap3A_595 = arith.index_cast %swap3A_593 : i32 to index
        %swap3A_596 = arith.index_cast %swap3A_594 : i32 to index
        %swap3A_597 = arith.index_cast %mul3A_592 : i32 to index
        %swap3A_598 = tpu.vector_load %arg7[%swap3A_595, %swap3A_596, %swap3A_597] {strides = array<i32>} : memref<2x16x1024xf32, #tpu.memory_space<vmem>>, vector<1x1x16xf32>,
        %swap3A_599 = vector.shape_cast %swap3A_598 : vector<1x1x16xf32> to vector<16xf32>
        %swap3A_600 = vector.shape_cast %gather3A_590 : vector<16xf32> to vector<1x1x16xf32>
        tpu.vector_store %arg7[%swap3A_595, %swap3A_596, %swap3A_597], %swap3A_600 {strides = array<i32>} : memref<2x16x1024xf32, #tpu.memory_space<vmem>>, vector<1x1x16xf32>,
        %lt3A_601 = arith.constant 0 : i32
        %lt3A_602 = vector.broadcast %lt3A_601 : i32 to vector<16xi32>
        %lt3A_603 = arith.cmpi slt, %get3A_563, %lt3A_602 : vector<16xi32>
        %add3A_604 = arith.constant 16 : i32
        %add3A_605 = vector.broadcast %add3A_604 : i32 to vector<16xi32>
        %add3A_606 = arith.addi %get3A_563, %add3A_605 : vector<16xi32>
        %select_n3A_607 = arith.select %lt3A_603, %add3A_606, %get3A_563 : vector<16xi1>, vector<16xi32>
        %broadcast_in_dim3A_608 = vector.shape_cast %select_n3A_607 : vector<16xi32> to vector<16x1xi32>
        %gather3A_609 = vector.shape_cast %broadcast_in_dim3A_608 : vector<16x1xi32> to vector<16xi32>
        %gather3A_610 = tpu.dynamic_gather %get3A_356[%gather3A_609] in [0] : vector<16xf32>, vector<16xi32> -> vector<16xf32>
        %mul3A_611 = arith.constant 16 : i32
        %mul3A_612 = arith.muli %scan3A_557, %mul3A_611 : i32
        %swap3A_613 = arith.constant 0 : i32
        %swap3A_614 = arith.constant 2 : i32
        %swap3A_615 = arith.index_cast %swap3A_613 : i32 to index
        %swap3A_616 = arith.index_cast %swap3A_614 : i32 to index
        %swap3A_617 = arith.index_cast %mul3A_612 : i32 to index
        %swap3A_618 = tpu.vector_load %arg7[%swap3A_615, %swap3A_616, %swap3A_617] {strides = array<i32>} : memref<2x16x1024xf32, #tpu.memory_space<vmem>>, vector<1x1x16xf32>,
        %swap3A_619 = vector.shape_cast %swap3A_618 : vector<1x1x16xf32> to vector<16xf32>
        %swap3A_620 = vector.shape_cast %gather3A_610 : vector<16xf32> to vector<1x1x16xf32>
        tpu.vector_store %arg7[%swap3A_615, %swap3A_616, %swap3A_617], %swap3A_620 {strides = array<i32>} : memref<2x16x1024xf32, #tpu.memory_space<vmem>>, vector<1x1x16xf32>,
        %lt3A_621 = arith.constant 0 : i32
        %lt3A_622 = vector.broadcast %lt3A_621 : i32 to vector<16xi32>
        %lt3A_623 = arith.cmpi slt, %get3A_563, %lt3A_622 : vector<16xi32>
        %add3A_624 = arith.constant 16 : i32
        %add3A_625 = vector.broadcast %add3A_624 : i32 to vector<16xi32>
        %add3A_626 = arith.addi %get3A_563, %add3A_625 : vector<16xi32>
        %select_n3A_627 = arith.select %lt3A_623, %add3A_626, %get3A_563 : vector<16xi1>, vector<16xi32>
        %broadcast_in_dim3A_628 = vector.shape_cast %select_n3A_627 : vector<16xi32> to vector<16x1xi32>
        %gather3A_629 = vector.shape_cast %broadcast_in_dim3A_628 : vector<16x1xi32> to vector<16xi32>
        %gather3A_630 = tpu.dynamic_gather %get3A_361[%gather3A_629] in [0] : vector<16xf32>, vector<16xi32> -> vector<16xf32>
        %mul3A_631 = arith.constant 16 : i32
        %mul3A_632 = arith.muli %scan3A_557, %mul3A_631 : i32
        %swap3A_633 = arith.constant 0 : i32
        %swap3A_634 = arith.constant 3 : i32
        %swap3A_635 = arith.index_cast %swap3A_633 : i32 to index
        %swap3A_636 = arith.index_cast %swap3A_634 : i32 to index
        %swap3A_637 = arith.index_cast %mul3A_632 : i32 to index
        %swap3A_638 = tpu.vector_load %arg7[%swap3A_635, %swap3A_636, %swap3A_637] {strides = array<i32>} : memref<2x16x1024xf32, #tpu.memory_space<vmem>>, vector<1x1x16xf32>,
        %swap3A_639 = vector.shape_cast %swap3A_638 : vector<1x1x16xf32> to vector<16xf32>
        %swap3A_640 = vector.shape_cast %gather3A_630 : vector<16xf32> to vector<1x1x16xf32>
        tpu.vector_store %arg7[%swap3A_635, %swap3A_636, %swap3A_637], %swap3A_640 {strides = array<i32>} : memref<2x16x1024xf32, #tpu.memory_space<vmem>>, vector<1x1x16xf32>,
        %lt3A_641 = arith.constant 0 : i32
        %lt3A_642 = vector.broadcast %lt3A_641 : i32 to vector<16xi32>
        %lt3A_643 = arith.cmpi slt, %get3A_563, %lt3A_642 : vector<16xi32>
        %add3A_644 = arith.constant 16 : i32
        %add3A_645 = vector.broadcast %add3A_644 : i32 to vector<16xi32>
        %add3A_646 = arith.addi %get3A_563, %add3A_645 : vector<16xi32>
        %select_n3A_647 = arith.select %lt3A_643, %add3A_646, %get3A_563 : vector<16xi1>, vector<16xi32>
        %broadcast_in_dim3A_648 = vector.shape_cast %select_n3A_647 : vector<16xi32> to vector<16x1xi32>
        %gather3A_649 = vector.shape_cast %broadcast_in_dim3A_648 : vector<16x1xi32> to vector<16xi32>
        %gather3A_650 = tpu.dynamic_gather %get3A_366[%gather3A_649] in [0] : vector<16xf32>, vector<16xi32> -> vector<16xf32>
        %mul3A_651 = arith.constant 16 : i32
        %mul3A_652 = arith.muli %scan3A_557, %mul3A_651 : i32
        %swap3A_653 = arith.constant 0 : i32
        %swap3A_654 = arith.constant 4 : i32
        %swap3A_655 = arith.index_cast %swap3A_653 : i32 to index
        %swap3A_656 = arith.index_cast %swap3A_654 : i32 to index
        %swap3A_657 = arith.index_cast %mul3A_652 : i32 to index
        %swap3A_658 = tpu.vector_load %arg7[%swap3A_655, %swap3A_656, %swap3A_657] {strides = array<i32>} : memref<2x16x1024xf32, #tpu.memory_space<vmem>>, vector<1x1x16xf32>,
        %swap3A_659 = vector.shape_cast %swap3A_658 : vector<1x1x16xf32> to vector<16xf32>
        %swap3A_660 = vector.shape_cast %gather3A_650 : vector<16xf32> to vector<1x1x16xf32>
        tpu.vector_store %arg7[%swap3A_655, %swap3A_656, %swap3A_657], %swap3A_660 {strides = array<i32>} : memref<2x16x1024xf32, #tpu.memory_space<vmem>>, vector<1x1x16xf32>,
        %lt3A_661 = arith.constant 0 : i32
        %lt3A_662 = vector.broadcast %lt3A_661 : i32 to vector<16xi32>
        %lt3A_663 = arith.cmpi slt, %get3A_563, %lt3A_662 : vector<16xi32>
        %add3A_664 = arith.constant 16 : i32
        %add3A_665 = vector.broadcast %add3A_664 : i32 to vector<16xi32>
        %add3A_666 = arith.addi %get3A_563, %add3A_665 : vector<16xi32>
        %select_n3A_667 = arith.select %lt3A_663, %add3A_666, %get3A_563 : vector<16xi1>, vector<16xi32>
        %broadcast_in_dim3A_668 = vector.shape_cast %select_n3A_667 : vector<16xi32> to vector<16x1xi32>
        %gather3A_669 = vector.shape_cast %broadcast_in_dim3A_668 : vector<16x1xi32> to vector<16xi32>
        %gather3A_670 = tpu.dynamic_gather %get3A_371[%gather3A_669] in [0] : vector<16xf32>, vector<16xi32> -> vector<16xf32>
        %mul3A_671 = arith.constant 16 : i32
        %mul3A_672 = arith.muli %scan3A_557, %mul3A_671 : i32
        %swap3A_673 = arith.constant 0 : i32
        %swap3A_674 = arith.constant 5 : i32
        %swap3A_675 = arith.index_cast %swap3A_673 : i32 to index
        %swap3A_676 = arith.index_cast %swap3A_674 : i32 to index
        %swap3A_677 = arith.index_cast %mul3A_672 : i32 to index
        %swap3A_678 = tpu.vector_load %arg7[%swap3A_675, %swap3A_676, %swap3A_677] {strides = array<i32>} : memref<2x16x1024xf32, #tpu.memory_space<vmem>>, vector<1x1x16xf32>,
        %swap3A_679 = vector.shape_cast %swap3A_678 : vector<1x1x16xf32> to vector<16xf32>
        %swap3A_680 = vector.shape_cast %gather3A_670 : vector<16xf32> to vector<1x1x16xf32>
        tpu.vector_store %arg7[%swap3A_675, %swap3A_676, %swap3A_677], %swap3A_680 {strides = array<i32>} : memref<2x16x1024xf32, #tpu.memory_space<vmem>>, vector<1x1x16xf32>,
        %lt3A_681 = arith.constant 0 : i32
        %lt3A_682 = vector.broadcast %lt3A_681 : i32 to vector<16xi32>
        %lt3A_683 = arith.cmpi slt, %get3A_563, %lt3A_682 : vector<16xi32>
        %add3A_684 = arith.constant 16 : i32
        %add3A_685 = vector.broadcast %add3A_684 : i32 to vector<16xi32>
        %add3A_686 = arith.addi %get3A_563, %add3A_685 : vector<16xi32>
        %select_n3A_687 = arith.select %lt3A_683, %add3A_686, %get3A_563 : vector<16xi1>, vector<16xi32>
        %broadcast_in_dim3A_688 = vector.shape_cast %select_n3A_687 : vector<16xi32> to vector<16x1xi32>
        %gather3A_689 = vector.shape_cast %broadcast_in_dim3A_688 : vector<16x1xi32> to vector<16xi32>
        %gather3A_690 = tpu.dynamic_gather %get3A_376[%gather3A_689] in [0] : vector<16xf32>, vector<16xi32> -> vector<16xf32>
        %mul3A_691 = arith.constant 16 : i32
        %mul3A_692 = arith.muli %scan3A_557, %mul3A_691 : i32
        %swap3A_693 = arith.constant 0 : i32
        %swap3A_694 = arith.constant 6 : i32
        %swap3A_695 = arith.index_cast %swap3A_693 : i32 to index
        %swap3A_696 = arith.index_cast %swap3A_694 : i32 to index
        %swap3A_697 = arith.index_cast %mul3A_692 : i32 to index
        %swap3A_698 = tpu.vector_load %arg7[%swap3A_695, %swap3A_696, %swap3A_697] {strides = array<i32>} : memref<2x16x1024xf32, #tpu.memory_space<vmem>>, vector<1x1x16xf32>,
        %swap3A_699 = vector.shape_cast %swap3A_698 : vector<1x1x16xf32> to vector<16xf32>
        %swap3A_700 = vector.shape_cast %gather3A_690 : vector<16xf32> to vector<1x1x16xf32>
        tpu.vector_store %arg7[%swap3A_695, %swap3A_696, %swap3A_697], %swap3A_700 {strides = array<i32>} : memref<2x16x1024xf32, #tpu.memory_space<vmem>>, vector<1x1x16xf32>,
        %lt3A_701 = arith.constant 0 : i32
        %lt3A_702 = vector.broadcast %lt3A_701 : i32 to vector<16xi32>
        %lt3A_703 = arith.cmpi slt, %get3A_563, %lt3A_702 : vector<16xi32>
        %add3A_704 = arith.constant 16 : i32
        %add3A_705 = vector.broadcast %add3A_704 : i32 to vector<16xi32>
        %add3A_706 = arith.addi %get3A_563, %add3A_705 : vector<16xi32>
        %select_n3A_707 = arith.select %lt3A_703, %add3A_706, %get3A_563 : vector<16xi1>, vector<16xi32>
        %broadcast_in_dim3A_708 = vector.shape_cast %select_n3A_707 : vector<16xi32> to vector<16x1xi32>
        %gather3A_709 = vector.shape_cast %broadcast_in_dim3A_708 : vector<16x1xi32> to vector<16xi32>
        %gather3A_710 = tpu.dynamic_gather %get3A_381[%gather3A_709] in [0] : vector<16xf32>, vector<16xi32> -> vector<16xf32>
        %mul3A_711 = arith.constant 16 : i32
        %mul3A_712 = arith.muli %scan3A_557, %mul3A_711 : i32
        %swap3A_713 = arith.constant 0 : i32
        %swap3A_714 = arith.constant 7 : i32
        %swap3A_715 = arith.index_cast %swap3A_713 : i32 to index
        %swap3A_716 = arith.index_cast %swap3A_714 : i32 to index
        %swap3A_717 = arith.index_cast %mul3A_712 : i32 to index
        %swap3A_718 = tpu.vector_load %arg7[%swap3A_715, %swap3A_716, %swap3A_717] {strides = array<i32>} : memref<2x16x1024xf32, #tpu.memory_space<vmem>>, vector<1x1x16xf32>,
        %swap3A_719 = vector.shape_cast %swap3A_718 : vector<1x1x16xf32> to vector<16xf32>
        %swap3A_720 = vector.shape_cast %gather3A_710 : vector<16xf32> to vector<1x1x16xf32>
        tpu.vector_store %arg7[%swap3A_715, %swap3A_716, %swap3A_717], %swap3A_720 {strides = array<i32>} : memref<2x16x1024xf32, #tpu.memory_space<vmem>>, vector<1x1x16xf32>,
        %lt3A_721 = arith.constant 0 : i32
        %lt3A_722 = vector.broadcast %lt3A_721 : i32 to vector<16xi32>
        %lt3A_723 = arith.cmpi slt, %get3A_563, %lt3A_722 : vector<16xi32>
        %add3A_724 = arith.constant 16 : i32
        %add3A_725 = vector.broadcast %add3A_724 : i32 to vector<16xi32>
        %add3A_726 = arith.addi %get3A_563, %add3A_725 : vector<16xi32>
        %select_n3A_727 = arith.select %lt3A_723, %add3A_726, %get3A_563 : vector<16xi1>, vector<16xi32>
        %broadcast_in_dim3A_728 = vector.shape_cast %select_n3A_727 : vector<16xi32> to vector<16x1xi32>
        %gather3A_729 = vector.shape_cast %broadcast_in_dim3A_728 : vector<16x1xi32> to vector<16xi32>
        %gather3A_730 = tpu.dynamic_gather %get3A_386[%gather3A_729] in [0] : vector<16xf32>, vector<16xi32> -> vector<16xf32>
        %mul3A_731 = arith.constant 16 : i32
        %mul3A_732 = arith.muli %scan3A_557, %mul3A_731 : i32
        %swap3A_733 = arith.constant 0 : i32
        %swap3A_734 = arith.constant 8 : i32
        %swap3A_735 = arith.index_cast %swap3A_733 : i32 to index
        %swap3A_736 = arith.index_cast %swap3A_734 : i32 to index
        %swap3A_737 = arith.index_cast %mul3A_732 : i32 to index
        %swap3A_738 = tpu.vector_load %arg7[%swap3A_735, %swap3A_736, %swap3A_737] {strides = array<i32>} : memref<2x16x1024xf32, #tpu.memory_space<vmem>>, vector<1x1x16xf32>,
        %swap3A_739 = vector.shape_cast %swap3A_738 : vector<1x1x16xf32> to vector<16xf32>
        %swap3A_740 = vector.shape_cast %gather3A_730 : vector<16xf32> to vector<1x1x16xf32>
        tpu.vector_store %arg7[%swap3A_735, %swap3A_736, %swap3A_737], %swap3A_740 {strides = array<i32>} : memref<2x16x1024xf32, #tpu.memory_space<vmem>>, vector<1x1x16xf32>,
        %lt3A_741 = arith.constant 0 : i32
        %lt3A_742 = vector.broadcast %lt3A_741 : i32 to vector<16xi32>
        %lt3A_743 = arith.cmpi slt, %get3A_563, %lt3A_742 : vector<16xi32>
        %add3A_744 = arith.constant 16 : i32
        %add3A_745 = vector.broadcast %add3A_744 : i32 to vector<16xi32>
        %add3A_746 = arith.addi %get3A_563, %add3A_745 : vector<16xi32>
        %select_n3A_747 = arith.select %lt3A_743, %add3A_746, %get3A_563 : vector<16xi1>, vector<16xi32>
        %broadcast_in_dim3A_748 = vector.shape_cast %select_n3A_747 : vector<16xi32> to vector<16x1xi32>
        %gather3A_749 = vector.shape_cast %broadcast_in_dim3A_748 : vector<16x1xi32> to vector<16xi32>
        %gather3A_750 = tpu.dynamic_gather %get3A_391[%gather3A_749] in [0] : vector<16xf32>, vector<16xi32> -> vector<16xf32>
        %mul3A_751 = arith.constant 16 : i32
        %mul3A_752 = arith.muli %scan3A_557, %mul3A_751 : i32
        %swap3A_753 = arith.constant 0 : i32
        %swap3A_754 = arith.constant 9 : i32
        %swap3A_755 = arith.index_cast %swap3A_753 : i32 to index
        %swap3A_756 = arith.index_cast %swap3A_754 : i32 to index
        %swap3A_757 = arith.index_cast %mul3A_752 : i32 to index
        %swap3A_758 = tpu.vector_load %arg7[%swap3A_755, %swap3A_756, %swap3A_757] {strides = array<i32>} : memref<2x16x1024xf32, #tpu.memory_space<vmem>>, vector<1x1x16xf32>,
        %swap3A_759 = vector.shape_cast %swap3A_758 : vector<1x1x16xf32> to vector<16xf32>
        %swap3A_760 = vector.shape_cast %gather3A_750 : vector<16xf32> to vector<1x1x16xf32>
        tpu.vector_store %arg7[%swap3A_755, %swap3A_756, %swap3A_757], %swap3A_760 {strides = array<i32>} : memref<2x16x1024xf32, #tpu.memory_space<vmem>>, vector<1x1x16xf32>,
        %lt3A_761 = arith.constant 0 : i32
        %lt3A_762 = vector.broadcast %lt3A_761 : i32 to vector<16xi32>
        %lt3A_763 = arith.cmpi slt, %get3A_563, %lt3A_762 : vector<16xi32>
        %add3A_764 = arith.constant 16 : i32
        %add3A_765 = vector.broadcast %add3A_764 : i32 to vector<16xi32>
        %add3A_766 = arith.addi %get3A_563, %add3A_765 : vector<16xi32>
        %select_n3A_767 = arith.select %lt3A_763, %add3A_766, %get3A_563 : vector<16xi1>, vector<16xi32>
        %broadcast_in_dim3A_768 = vector.shape_cast %select_n3A_767 : vector<16xi32> to vector<16x1xi32>
        %gather3A_769 = vector.shape_cast %broadcast_in_dim3A_768 : vector<16x1xi32> to vector<16xi32>
        %gather3A_770 = tpu.dynamic_gather %get3A_396[%gather3A_769] in [0] : vector<16xf32>, vector<16xi32> -> vector<16xf32>
        %mul3A_771 = arith.constant 16 : i32
        %mul3A_772 = arith.muli %scan3A_557, %mul3A_771 : i32
        %swap3A_773 = arith.constant 0 : i32
        %swap3A_774 = arith.constant 10 : i32
        %swap3A_775 = arith.index_cast %swap3A_773 : i32 to index
        %swap3A_776 = arith.index_cast %swap3A_774 : i32 to index
        %swap3A_777 = arith.index_cast %mul3A_772 : i32 to index
        %swap3A_778 = tpu.vector_load %arg7[%swap3A_775, %swap3A_776, %swap3A_777] {strides = array<i32>} : memref<2x16x1024xf32, #tpu.memory_space<vmem>>, vector<1x1x16xf32>,
        %swap3A_779 = vector.shape_cast %swap3A_778 : vector<1x1x16xf32> to vector<16xf32>
        %swap3A_780 = vector.shape_cast %gather3A_770 : vector<16xf32> to vector<1x1x16xf32>
        tpu.vector_store %arg7[%swap3A_775, %swap3A_776, %swap3A_777], %swap3A_780 {strides = array<i32>} : memref<2x16x1024xf32, #tpu.memory_space<vmem>>, vector<1x1x16xf32>,
        %lt3A_781 = arith.constant 0 : i32
        %lt3A_782 = vector.broadcast %lt3A_781 : i32 to vector<16xi32>
        %lt3A_783 = arith.cmpi slt, %get3A_563, %lt3A_782 : vector<16xi32>
        %add3A_784 = arith.constant 16 : i32
        %add3A_785 = vector.broadcast %add3A_784 : i32 to vector<16xi32>
        %add3A_786 = arith.addi %get3A_563, %add3A_785 : vector<16xi32>
        %select_n3A_787 = arith.select %lt3A_783, %add3A_786, %get3A_563 : vector<16xi1>, vector<16xi32>
        %broadcast_in_dim3A_788 = vector.shape_cast %select_n3A_787 : vector<16xi32> to vector<16x1xi32>
        %gather3A_789 = vector.shape_cast %broadcast_in_dim3A_788 : vector<16x1xi32> to vector<16xi32>
        %gather3A_790 = tpu.dynamic_gather %get3A_401[%gather3A_789] in [0] : vector<16xf32>, vector<16xi32> -> vector<16xf32>
        %mul3A_791 = arith.constant 16 : i32
        %mul3A_792 = arith.muli %scan3A_557, %mul3A_791 : i32
        %swap3A_793 = arith.constant 0 : i32
        %swap3A_794 = arith.constant 11 : i32
        %swap3A_795 = arith.index_cast %swap3A_793 : i32 to index
        %swap3A_796 = arith.index_cast %swap3A_794 : i32 to index
        %swap3A_797 = arith.index_cast %mul3A_792 : i32 to index
        %swap3A_798 = tpu.vector_load %arg7[%swap3A_795, %swap3A_796, %swap3A_797] {strides = array<i32>} : memref<2x16x1024xf32, #tpu.memory_space<vmem>>, vector<1x1x16xf32>,
        %swap3A_799 = vector.shape_cast %swap3A_798 : vector<1x1x16xf32> to vector<16xf32>
        %swap3A_800 = vector.shape_cast %gather3A_790 : vector<16xf32> to vector<1x1x16xf32>
        tpu.vector_store %arg7[%swap3A_795, %swap3A_796, %swap3A_797], %swap3A_800 {strides = array<i32>} : memref<2x16x1024xf32, #tpu.memory_space<vmem>>, vector<1x1x16xf32>,
        %lt3A_801 = arith.constant 0 : i32
        %lt3A_802 = vector.broadcast %lt3A_801 : i32 to vector<16xi32>
        %lt3A_803 = arith.cmpi slt, %get3A_563, %lt3A_802 : vector<16xi32>
        %add3A_804 = arith.constant 16 : i32
        %add3A_805 = vector.broadcast %add3A_804 : i32 to vector<16xi32>
        %add3A_806 = arith.addi %get3A_563, %add3A_805 : vector<16xi32>
        %select_n3A_807 = arith.select %lt3A_803, %add3A_806, %get3A_563 : vector<16xi1>, vector<16xi32>
        %broadcast_in_dim3A_808 = vector.shape_cast %select_n3A_807 : vector<16xi32> to vector<16x1xi32>
        %gather3A_809 = vector.shape_cast %broadcast_in_dim3A_808 : vector<16x1xi32> to vector<16xi32>
        %gather3A_810 = tpu.dynamic_gather %get3A_406[%gather3A_809] in [0] : vector<16xf32>, vector<16xi32> -> vector<16xf32>
        %mul3A_811 = arith.constant 16 : i32
        %mul3A_812 = arith.muli %scan3A_557, %mul3A_811 : i32
        %swap3A_813 = arith.constant 0 : i32
        %swap3A_814 = arith.constant 12 : i32
        %swap3A_815 = arith.index_cast %swap3A_813 : i32 to index
        %swap3A_816 = arith.index_cast %swap3A_814 : i32 to index
        %swap3A_817 = arith.index_cast %mul3A_812 : i32 to index
        %swap3A_818 = tpu.vector_load %arg7[%swap3A_815, %swap3A_816, %swap3A_817] {strides = array<i32>} : memref<2x16x1024xf32, #tpu.memory_space<vmem>>, vector<1x1x16xf32>,
        %swap3A_819 = vector.shape_cast %swap3A_818 : vector<1x1x16xf32> to vector<16xf32>
        %swap3A_820 = vector.shape_cast %gather3A_810 : vector<16xf32> to vector<1x1x16xf32>
        tpu.vector_store %arg7[%swap3A_815, %swap3A_816, %swap3A_817], %swap3A_820 {strides = array<i32>} : memref<2x16x1024xf32, #tpu.memory_space<vmem>>, vector<1x1x16xf32>,
        %lt3A_821 = arith.constant 0 : i32
        %lt3A_822 = vector.broadcast %lt3A_821 : i32 to vector<16xi32>
        %lt3A_823 = arith.cmpi slt, %get3A_563, %lt3A_822 : vector<16xi32>
        %add3A_824 = arith.constant 16 : i32
        %add3A_825 = vector.broadcast %add3A_824 : i32 to vector<16xi32>
        %add3A_826 = arith.addi %get3A_563, %add3A_825 : vector<16xi32>
        %select_n3A_827 = arith.select %lt3A_823, %add3A_826, %get3A_563 : vector<16xi1>, vector<16xi32>
        %broadcast_in_dim3A_828 = vector.shape_cast %select_n3A_827 : vector<16xi32> to vector<16x1xi32>
        %gather3A_829 = vector.shape_cast %broadcast_in_dim3A_828 : vector<16x1xi32> to vector<16xi32>
        %gather3A_830 = tpu.dynamic_gather %get3A_411[%gather3A_829] in [0] : vector<16xf32>, vector<16xi32> -> vector<16xf32>
        %mul3A_831 = arith.constant 16 : i32
        %mul3A_832 = arith.muli %scan3A_557, %mul3A_831 : i32
        %swap3A_833 = arith.constant 0 : i32
        %swap3A_834 = arith.constant 13 : i32
        %swap3A_835 = arith.index_cast %swap3A_833 : i32 to index
        %swap3A_836 = arith.index_cast %swap3A_834 : i32 to index
        %swap3A_837 = arith.index_cast %mul3A_832 : i32 to index
        %swap3A_838 = tpu.vector_load %arg7[%swap3A_835, %swap3A_836, %swap3A_837] {strides = array<i32>} : memref<2x16x1024xf32, #tpu.memory_space<vmem>>, vector<1x1x16xf32>,
        %swap3A_839 = vector.shape_cast %swap3A_838 : vector<1x1x16xf32> to vector<16xf32>
        %swap3A_840 = vector.shape_cast %gather3A_830 : vector<16xf32> to vector<1x1x16xf32>
        tpu.vector_store %arg7[%swap3A_835, %swap3A_836, %swap3A_837], %swap3A_840 {strides = array<i32>} : memref<2x16x1024xf32, #tpu.memory_space<vmem>>, vector<1x1x16xf32>,
        %lt3A_841 = arith.constant 0 : i32
        %lt3A_842 = vector.broadcast %lt3A_841 : i32 to vector<16xi32>
        %lt3A_843 = arith.cmpi slt, %get3A_563, %lt3A_842 : vector<16xi32>
        %add3A_844 = arith.constant 16 : i32
        %add3A_845 = vector.broadcast %add3A_844 : i32 to vector<16xi32>
        %add3A_846 = arith.addi %get3A_563, %add3A_845 : vector<16xi32>
        %select_n3A_847 = arith.select %lt3A_843, %add3A_846, %get3A_563 : vector<16xi1>, vector<16xi32>
        %broadcast_in_dim3A_848 = vector.shape_cast %select_n3A_847 : vector<16xi32> to vector<16x1xi32>
        %gather3A_849 = vector.shape_cast %broadcast_in_dim3A_848 : vector<16x1xi32> to vector<16xi32>
        %gather3A_850 = tpu.dynamic_gather %get3A_416[%gather3A_849] in [0] : vector<16xf32>, vector<16xi32> -> vector<16xf32>
        %mul3A_851 = arith.constant 16 : i32
        %mul3A_852 = arith.muli %scan3A_557, %mul3A_851 : i32
        %swap3A_853 = arith.constant 0 : i32
        %swap3A_854 = arith.constant 14 : i32
        %swap3A_855 = arith.index_cast %swap3A_853 : i32 to index
        %swap3A_856 = arith.index_cast %swap3A_854 : i32 to index
        %swap3A_857 = arith.index_cast %mul3A_852 : i32 to index
        %swap3A_858 = tpu.vector_load %arg7[%swap3A_855, %swap3A_856, %swap3A_857] {strides = array<i32>} : memref<2x16x1024xf32, #tpu.memory_space<vmem>>, vector<1x1x16xf32>,
        %swap3A_859 = vector.shape_cast %swap3A_858 : vector<1x1x16xf32> to vector<16xf32>
        %swap3A_860 = vector.shape_cast %gather3A_850 : vector<16xf32> to vector<1x1x16xf32>
        tpu.vector_store %arg7[%swap3A_855, %swap3A_856, %swap3A_857], %swap3A_860 {strides = array<i32>} : memref<2x16x1024xf32, #tpu.memory_space<vmem>>, vector<1x1x16xf32>,
        %lt3A_861 = arith.constant 0 : i32
        %lt3A_862 = vector.broadcast %lt3A_861 : i32 to vector<16xi32>
        %lt3A_863 = arith.cmpi slt, %get3A_563, %lt3A_862 : vector<16xi32>
        %add3A_864 = arith.constant 16 : i32
        %add3A_865 = vector.broadcast %add3A_864 : i32 to vector<16xi32>
        %add3A_866 = arith.addi %get3A_563, %add3A_865 : vector<16xi32>
        %select_n3A_867 = arith.select %lt3A_863, %add3A_866, %get3A_563 : vector<16xi1>, vector<16xi32>
        %broadcast_in_dim3A_868 = vector.shape_cast %select_n3A_867 : vector<16xi32> to vector<16x1xi32>
        %gather3A_869 = vector.shape_cast %broadcast_in_dim3A_868 : vector<16x1xi32> to vector<16xi32>
        %gather3A_870 = tpu.dynamic_gather %get3A_421[%gather3A_869] in [0] : vector<16xf32>, vector<16xi32> -> vector<16xf32>
        %mul3A_871 = arith.constant 16 : i32
        %mul3A_872 = arith.muli %scan3A_557, %mul3A_871 : i32
        %swap3A_873 = arith.constant 0 : i32
        %swap3A_874 = arith.constant 15 : i32
        %swap3A_875 = arith.index_cast %swap3A_873 : i32 to index
        %swap3A_876 = arith.index_cast %swap3A_874 : i32 to index
        %swap3A_877 = arith.index_cast %mul3A_872 : i32 to index
        %swap3A_878 = tpu.vector_load %arg7[%swap3A_875, %swap3A_876, %swap3A_877] {strides = array<i32>} : memref<2x16x1024xf32, #tpu.memory_space<vmem>>, vector<1x1x16xf32>,
        %swap3A_879 = vector.shape_cast %swap3A_878 : vector<1x1x16xf32> to vector<16xf32>
        %swap3A_880 = vector.shape_cast %gather3A_870 : vector<16xf32> to vector<1x1x16xf32>
        tpu.vector_store %arg7[%swap3A_875, %swap3A_876, %swap3A_877], %swap3A_880 {strides = array<i32>} : memref<2x16x1024xf32, #tpu.memory_space<vmem>>, vector<1x1x16xf32>,
      }
      %scan3A_427 = arith.constant 64 : i32
      %dma_start3A_428 = arith.constant 0 : i32
      %dma_start3A_429 = arith.constant 0 : i32
      %dma_start3A_430 = arith.constant 0 : i32
      %dma_start3A_431 = tpu.memref_slice %arg7[%dma_start3A_428, %dma_start3A_429, %dma_start3A_430] : memref<2x16x1024xf32, #tpu.memory_space<vmem>> -> memref<1x16x1024xf32, #tpu.memory_space<vmem>>
      %dma_start3A_432 = tpu.memref_squeeze %dma_start3A_431 : memref<1x16x1024xf32, #tpu.memory_space<vmem>> -> memref<16x1024xf32, #tpu.memory_space<vmem>>
      %dma_start3A_433 = arith.constant 32 : i32
      %dma_start3A_434 = arith.constant 0 : i32
      %dma_start3A_435 = tpu.memref_slice %arg4[%add3A_78, %dma_start3A_433, %dma_start3A_434] : memref<900x64x1024xf32, #tpu.memory_space<hbm>> -> memref<1x16x1024xf32, #tpu.memory_space<hbm>>
      %dma_start3A_436 = tpu.memref_squeeze %dma_start3A_435 : memref<1x16x1024xf32, #tpu.memory_space<hbm>> -> memref<16x1024xf32, #tpu.memory_space<hbm>>
      %dma_start3A_437 = arith.constant 32 : i32
      %dma_start3A_438 = arith.constant 0 : i32
      %dma_start3A_439 = tpu.memref_slice %arg4[%add3A_78, %dma_start3A_437, %dma_start3A_438] : memref<900x64x1024xf32, #tpu.memory_space<hbm>> -> memref<1x16x1024xf32, #tpu.memory_space<hbm>>
      %dma_start3A_440 = tpu.memref_squeeze %dma_start3A_439 : memref<1x16x1024xf32, #tpu.memory_space<hbm>> -> memref<16x1024xf32, #tpu.memory_space<hbm>>
      %dma_start3A_441 = arith.constant 0 : i32
      %dma_start3A_442 = arith.constant 0 : i32
      %dma_start3A_443 = tpu.memref_slice %arg7[%dma_start3A_428, %dma_start3A_441, %dma_start3A_442] : memref<2x16x1024xf32, #tpu.memory_space<vmem>> -> memref<1x16x1024xf32, #tpu.memory_space<vmem>>
      %dma_start3A_444 = tpu.memref_squeeze %dma_start3A_443 : memref<1x16x1024xf32, #tpu.memory_space<vmem>> -> memref<16x1024xf32, #tpu.memory_space<vmem>>
      tpu.enqueue_dma source(%dma_start3A_444 : memref<16x1024xf32, #tpu.memory_space<vmem>>) target(%dma_start3A_440 : memref<16x1024xf32, #tpu.memory_space<hbm>>) target_semaphore(%arg10 : memref<!tpu.dma_semaphore, #tpu.memory_space<semaphore_mem>>)
      %mul3A_445 = arith.constant 4 : i32
      %mul3A_446 = arith.muli %while3A_65, %mul3A_445 : i32
      %add3A_447 = arith.constant 3 : i32
      %add3A_448 = arith.addi %mul3A_446, %add3A_447 : i32
      %ge3A_449 = arith.constant 2 : i32
      %ge3A_450 = arith.cmpi sge, %add3A_448, %ge3A_449 : i32
      %convert_element_type3A_451 = arith.extui %ge3A_450 : i1 to i32
      %cond3A_452 = arith.constant 0 : i32
      %cond3A_453 = arith.cmpi ne, %convert_element_type3A_451, %cond3A_452 : i32
      scf.if %cond3A_453 {
        %dma_wait3A_557 = arith.constant 1 : i32
        %dma_wait3A_558 = arith.constant 0 : i32
        %dma_wait3A_559 = arith.constant 0 : i32
        %dma_wait3A_560 = tpu.memref_slice %arg7[%dma_wait3A_557, %dma_wait3A_558, %dma_wait3A_559] : memref<2x16x1024xf32, #tpu.memory_space<vmem>> -> memref<1x16x1024xf32, #tpu.memory_space<vmem>>
        %dma_wait3A_561 = tpu.memref_squeeze %dma_wait3A_560 : memref<1x16x1024xf32, #tpu.memory_space<vmem>> -> memref<16x1024xf32, #tpu.memory_space<vmem>>
        %dma_wait3A_562 = arith.constant 48 : i32
        %dma_wait3A_563 = arith.constant 0 : i32
        %dma_wait3A_564 = tpu.memref_slice %arg4[%add3A_78, %dma_wait3A_562, %dma_wait3A_563] : memref<900x64x1024xf32, #tpu.memory_space<hbm>> -> memref<1x16x1024xf32, #tpu.memory_space<hbm>>
        %dma_wait3A_565 = tpu.memref_squeeze %dma_wait3A_564 : memref<1x16x1024xf32, #tpu.memory_space<hbm>> -> memref<16x1024xf32, #tpu.memory_space<hbm>>
        %dma_wait3A_566 = arith.constant 48 : i32
        %dma_wait3A_567 = arith.constant 0 : i32
        %dma_wait3A_568 = tpu.memref_slice %arg4[%add3A_78, %dma_wait3A_566, %dma_wait3A_567] : memref<900x64x1024xf32, #tpu.memory_space<hbm>> -> memref<1x16x1024xf32, #tpu.memory_space<hbm>>
        %dma_wait3A_569 = tpu.memref_squeeze %dma_wait3A_568 : memref<1x16x1024xf32, #tpu.memory_space<hbm>> -> memref<16x1024xf32, #tpu.memory_space<hbm>>
        %dma_wait3A_570 = arith.constant 0 : i32
        %dma_wait3A_571 = arith.constant 0 : i32
        %dma_wait3A_572 = tpu.memref_slice %arg7[%dma_wait3A_557, %dma_wait3A_570, %dma_wait3A_571] : memref<2x16x1024xf32, #tpu.memory_space<vmem>> -> memref<1x16x1024xf32, #tpu.memory_space<vmem>>
        %dma_wait3A_573 = tpu.memref_squeeze %dma_wait3A_572 : memref<1x16x1024xf32, #tpu.memory_space<vmem>> -> memref<16x1024xf32, #tpu.memory_space<vmem>>
        tpu.wait_dma2 semaphore(%arg10 : memref<!tpu.dma_semaphore, #tpu.memory_space<semaphore_mem>>) src(%dma_wait3A_573 : memref<16x1024xf32, #tpu.memory_space<vmem>>) dst(%dma_wait3A_569 : memref<16x1024xf32, #tpu.memory_space<hbm>>)
      } else {
      }
      %get3A_454 = arith.constant 48 : i32
      %get3A_455 = arith.index_cast %get3A_454 : i32 to index
      %get3A_456 = arith.constant 0 : index
      %get3A_457 = tpu.vector_load %arg5[%get3A_455, %get3A_456] {strides = array<i32>} : memref<64x16xf32, #tpu.memory_space<vmem>>, vector<1x16xf32>,
      %get3A_458 = vector.shape_cast %get3A_457 : vector<1x16xf32> to vector<16xf32>
      %get3A_459 = arith.constant 49 : i32
      %get3A_460 = arith.index_cast %get3A_459 : i32 to index
      %get3A_461 = arith.constant 0 : index
      %get3A_462 = tpu.vector_load %arg5[%get3A_460, %get3A_461] {strides = array<i32>} : memref<64x16xf32, #tpu.memory_space<vmem>>, vector<1x16xf32>,
      %get3A_463 = vector.shape_cast %get3A_462 : vector<1x16xf32> to vector<16xf32>
      %get3A_464 = arith.constant 50 : i32
      %get3A_465 = arith.index_cast %get3A_464 : i32 to index
      %get3A_466 = arith.constant 0 : index
      %get3A_467 = tpu.vector_load %arg5[%get3A_465, %get3A_466] {strides = array<i32>} : memref<64x16xf32, #tpu.memory_space<vmem>>, vector<1x16xf32>,
      %get3A_468 = vector.shape_cast %get3A_467 : vector<1x16xf32> to vector<16xf32>
      %get3A_469 = arith.constant 51 : i32
      %get3A_470 = arith.index_cast %get3A_469 : i32 to index
      %get3A_471 = arith.constant 0 : index
      %get3A_472 = tpu.vector_load %arg5[%get3A_470, %get3A_471] {strides = array<i32>} : memref<64x16xf32, #tpu.memory_space<vmem>>, vector<1x16xf32>,
      %get3A_473 = vector.shape_cast %get3A_472 : vector<1x16xf32> to vector<16xf32>
      %get3A_474 = arith.constant 52 : i32
      %get3A_475 = arith.index_cast %get3A_474 : i32 to index
      %get3A_476 = arith.constant 0 : index
      %get3A_477 = tpu.vector_load %arg5[%get3A_475, %get3A_476] {strides = array<i32>} : memref<64x16xf32, #tpu.memory_space<vmem>>, vector<1x16xf32>,
      %get3A_478 = vector.shape_cast %get3A_477 : vector<1x16xf32> to vector<16xf32>
      %get3A_479 = arith.constant 53 : i32
      %get3A_480 = arith.index_cast %get3A_479 : i32 to index
      %get3A_481 = arith.constant 0 : index
      %get3A_482 = tpu.vector_load %arg5[%get3A_480, %get3A_481] {strides = array<i32>} : memref<64x16xf32, #tpu.memory_space<vmem>>, vector<1x16xf32>,
      %get3A_483 = vector.shape_cast %get3A_482 : vector<1x16xf32> to vector<16xf32>
      %get3A_484 = arith.constant 54 : i32
      %get3A_485 = arith.index_cast %get3A_484 : i32 to index
      %get3A_486 = arith.constant 0 : index
      %get3A_487 = tpu.vector_load %arg5[%get3A_485, %get3A_486] {strides = array<i32>} : memref<64x16xf32, #tpu.memory_space<vmem>>, vector<1x16xf32>,
      %get3A_488 = vector.shape_cast %get3A_487 : vector<1x16xf32> to vector<16xf32>
      %get3A_489 = arith.constant 55 : i32
      %get3A_490 = arith.index_cast %get3A_489 : i32 to index
      %get3A_491 = arith.constant 0 : index
      %get3A_492 = tpu.vector_load %arg5[%get3A_490, %get3A_491] {strides = array<i32>} : memref<64x16xf32, #tpu.memory_space<vmem>>, vector<1x16xf32>,
      %get3A_493 = vector.shape_cast %get3A_492 : vector<1x16xf32> to vector<16xf32>
      %get3A_494 = arith.constant 56 : i32
      %get3A_495 = arith.index_cast %get3A_494 : i32 to index
      %get3A_496 = arith.constant 0 : index
      %get3A_497 = tpu.vector_load %arg5[%get3A_495, %get3A_496] {strides = array<i32>} : memref<64x16xf32, #tpu.memory_space<vmem>>, vector<1x16xf32>,
      %get3A_498 = vector.shape_cast %get3A_497 : vector<1x16xf32> to vector<16xf32>
      %get3A_499 = arith.constant 57 : i32
      %get3A_500 = arith.index_cast %get3A_499 : i32 to index
      %get3A_501 = arith.constant 0 : index
      %get3A_502 = tpu.vector_load %arg5[%get3A_500, %get3A_501] {strides = array<i32>} : memref<64x16xf32, #tpu.memory_space<vmem>>, vector<1x16xf32>,
      %get3A_503 = vector.shape_cast %get3A_502 : vector<1x16xf32> to vector<16xf32>
      %get3A_504 = arith.constant 58 : i32
      %get3A_505 = arith.index_cast %get3A_504 : i32 to index
      %get3A_506 = arith.constant 0 : index
      %get3A_507 = tpu.vector_load %arg5[%get3A_505, %get3A_506] {strides = array<i32>} : memref<64x16xf32, #tpu.memory_space<vmem>>, vector<1x16xf32>,
      %get3A_508 = vector.shape_cast %get3A_507 : vector<1x16xf32> to vector<16xf32>
      %get3A_509 = arith.constant 59 : i32
      %get3A_510 = arith.index_cast %get3A_509 : i32 to index
      %get3A_511 = arith.constant 0 : index
      %get3A_512 = tpu.vector_load %arg5[%get3A_510, %get3A_511] {strides = array<i32>} : memref<64x16xf32, #tpu.memory_space<vmem>>, vector<1x16xf32>,
      %get3A_513 = vector.shape_cast %get3A_512 : vector<1x16xf32> to vector<16xf32>
      %get3A_514 = arith.constant 60 : i32
      %get3A_515 = arith.index_cast %get3A_514 : i32 to index
      %get3A_516 = arith.constant 0 : index
      %get3A_517 = tpu.vector_load %arg5[%get3A_515, %get3A_516] {strides = array<i32>} : memref<64x16xf32, #tpu.memory_space<vmem>>, vector<1x16xf32>,
      %get3A_518 = vector.shape_cast %get3A_517 : vector<1x16xf32> to vector<16xf32>
      %get3A_519 = arith.constant 61 : i32
      %get3A_520 = arith.index_cast %get3A_519 : i32 to index
      %get3A_521 = arith.constant 0 : index
      %get3A_522 = tpu.vector_load %arg5[%get3A_520, %get3A_521] {strides = array<i32>} : memref<64x16xf32, #tpu.memory_space<vmem>>, vector<1x16xf32>,
      %get3A_523 = vector.shape_cast %get3A_522 : vector<1x16xf32> to vector<16xf32>
      %get3A_524 = arith.constant 62 : i32
      %get3A_525 = arith.index_cast %get3A_524 : i32 to index
      %get3A_526 = arith.constant 0 : index
      %get3A_527 = tpu.vector_load %arg5[%get3A_525, %get3A_526] {strides = array<i32>} : memref<64x16xf32, #tpu.memory_space<vmem>>, vector<1x16xf32>,
      %get3A_528 = vector.shape_cast %get3A_527 : vector<1x16xf32> to vector<16xf32>
      %get3A_529 = arith.constant 63 : i32
      %get3A_530 = arith.index_cast %get3A_529 : i32 to index
      %get3A_531 = arith.constant 0 : index
      %get3A_532 = tpu.vector_load %arg5[%get3A_530, %get3A_531] {strides = array<i32>} : memref<64x16xf32, #tpu.memory_space<vmem>>, vector<1x16xf32>,
      %get3A_533 = vector.shape_cast %get3A_532 : vector<1x16xf32> to vector<16xf32>
      %scan3A_534 = arith.constant 0 : i32
      %scan3A_535 = arith.constant 0 : i32
      %scan3A_536 = arith.constant 64 : i32
      %scan3A_537 = arith.addi %scan3A_535, %scan3A_536 : i32
      %scan3A_538 = arith.constant 1 : i32
      scf.for %scan3A_557 = %scan3A_535 to %scan3A_537 step %scan3A_538  : i32 {
        %mul3A_558 = arith.constant 16 : i32
        %mul3A_559 = arith.muli %scan3A_557, %mul3A_558 : i32
        %get3A_560 = arith.index_cast %select_n3A_77 : i32 to index
        %get3A_561 = arith.index_cast %mul3A_559 : i32 to index
        %get3A_562 = tpu.vector_load %arg6[%get3A_560, %get3A_561] {strides = array<i32>} : memref<2x1024xi32, #tpu.memory_space<vmem>>, vector<1x16xi32>,
        %get3A_563 = vector.shape_cast %get3A_562 : vector<1x16xi32> to vector<16xi32>
        %lt3A_564 = arith.constant 0 : i32
        %lt3A_565 = vector.broadcast %lt3A_564 : i32 to vector<16xi32>
        %lt3A_566 = arith.cmpi slt, %get3A_563, %lt3A_565 : vector<16xi32>
        %add3A_567 = arith.constant 16 : i32
        %add3A_568 = vector.broadcast %add3A_567 : i32 to vector<16xi32>
        %add3A_569 = arith.addi %get3A_563, %add3A_568 : vector<16xi32>
        %select_n3A_570 = arith.select %lt3A_566, %add3A_569, %get3A_563 : vector<16xi1>, vector<16xi32>
        %broadcast_in_dim3A = vector.shape_cast %select_n3A_570 : vector<16xi32> to vector<16x1xi32>
        %gather3A = vector.shape_cast %broadcast_in_dim3A : vector<16x1xi32> to vector<16xi32>
        %gather3A_571 = tpu.dynamic_gather %get3A_458[%gather3A] in [0] : vector<16xf32>, vector<16xi32> -> vector<16xf32>
        %mul3A_572 = arith.constant 16 : i32
        %mul3A_573 = arith.muli %scan3A_557, %mul3A_572 : i32
        %swap3A = arith.constant 1 : i32
        %swap3A_574 = arith.constant 0 : i32
        %swap3A_575 = arith.index_cast %swap3A : i32 to index
        %swap3A_576 = arith.index_cast %swap3A_574 : i32 to index
        %swap3A_577 = arith.index_cast %mul3A_573 : i32 to index
        %swap3A_578 = tpu.vector_load %arg7[%swap3A_575, %swap3A_576, %swap3A_577] {strides = array<i32>} : memref<2x16x1024xf32, #tpu.memory_space<vmem>>, vector<1x1x16xf32>,
        %swap3A_579 = vector.shape_cast %swap3A_578 : vector<1x1x16xf32> to vector<16xf32>
        %swap3A_580 = vector.shape_cast %gather3A_571 : vector<16xf32> to vector<1x1x16xf32>
        tpu.vector_store %arg7[%swap3A_575, %swap3A_576, %swap3A_577], %swap3A_580 {strides = array<i32>} : memref<2x16x1024xf32, #tpu.memory_space<vmem>>, vector<1x1x16xf32>,
        %lt3A_581 = arith.constant 0 : i32
        %lt3A_582 = vector.broadcast %lt3A_581 : i32 to vector<16xi32>
        %lt3A_583 = arith.cmpi slt, %get3A_563, %lt3A_582 : vector<16xi32>
        %add3A_584 = arith.constant 16 : i32
        %add3A_585 = vector.broadcast %add3A_584 : i32 to vector<16xi32>
        %add3A_586 = arith.addi %get3A_563, %add3A_585 : vector<16xi32>
        %select_n3A_587 = arith.select %lt3A_583, %add3A_586, %get3A_563 : vector<16xi1>, vector<16xi32>
        %broadcast_in_dim3A_588 = vector.shape_cast %select_n3A_587 : vector<16xi32> to vector<16x1xi32>
        %gather3A_589 = vector.shape_cast %broadcast_in_dim3A_588 : vector<16x1xi32> to vector<16xi32>
        %gather3A_590 = tpu.dynamic_gather %get3A_463[%gather3A_589] in [0] : vector<16xf32>, vector<16xi32> -> vector<16xf32>
        %mul3A_591 = arith.constant 16 : i32
        %mul3A_592 = arith.muli %scan3A_557, %mul3A_591 : i32
        %swap3A_593 = arith.constant 1 : i32
        %swap3A_594 = arith.constant 1 : i32
        %swap3A_595 = arith.index_cast %swap3A_593 : i32 to index
        %swap3A_596 = arith.index_cast %swap3A_594 : i32 to index
        %swap3A_597 = arith.index_cast %mul3A_592 : i32 to index
        %swap3A_598 = tpu.vector_load %arg7[%swap3A_595, %swap3A_596, %swap3A_597] {strides = array<i32>} : memref<2x16x1024xf32, #tpu.memory_space<vmem>>, vector<1x1x16xf32>,
        %swap3A_599 = vector.shape_cast %swap3A_598 : vector<1x1x16xf32> to vector<16xf32>
        %swap3A_600 = vector.shape_cast %gather3A_590 : vector<16xf32> to vector<1x1x16xf32>
        tpu.vector_store %arg7[%swap3A_595, %swap3A_596, %swap3A_597], %swap3A_600 {strides = array<i32>} : memref<2x16x1024xf32, #tpu.memory_space<vmem>>, vector<1x1x16xf32>,
        %lt3A_601 = arith.constant 0 : i32
        %lt3A_602 = vector.broadcast %lt3A_601 : i32 to vector<16xi32>
        %lt3A_603 = arith.cmpi slt, %get3A_563, %lt3A_602 : vector<16xi32>
        %add3A_604 = arith.constant 16 : i32
        %add3A_605 = vector.broadcast %add3A_604 : i32 to vector<16xi32>
        %add3A_606 = arith.addi %get3A_563, %add3A_605 : vector<16xi32>
        %select_n3A_607 = arith.select %lt3A_603, %add3A_606, %get3A_563 : vector<16xi1>, vector<16xi32>
        %broadcast_in_dim3A_608 = vector.shape_cast %select_n3A_607 : vector<16xi32> to vector<16x1xi32>
        %gather3A_609 = vector.shape_cast %broadcast_in_dim3A_608 : vector<16x1xi32> to vector<16xi32>
        %gather3A_610 = tpu.dynamic_gather %get3A_468[%gather3A_609] in [0] : vector<16xf32>, vector<16xi32> -> vector<16xf32>
        %mul3A_611 = arith.constant 16 : i32
        %mul3A_612 = arith.muli %scan3A_557, %mul3A_611 : i32
        %swap3A_613 = arith.constant 1 : i32
        %swap3A_614 = arith.constant 2 : i32
        %swap3A_615 = arith.index_cast %swap3A_613 : i32 to index
        %swap3A_616 = arith.index_cast %swap3A_614 : i32 to index
        %swap3A_617 = arith.index_cast %mul3A_612 : i32 to index
        %swap3A_618 = tpu.vector_load %arg7[%swap3A_615, %swap3A_616, %swap3A_617] {strides = array<i32>} : memref<2x16x1024xf32, #tpu.memory_space<vmem>>, vector<1x1x16xf32>,
        %swap3A_619 = vector.shape_cast %swap3A_618 : vector<1x1x16xf32> to vector<16xf32>
        %swap3A_620 = vector.shape_cast %gather3A_610 : vector<16xf32> to vector<1x1x16xf32>
        tpu.vector_store %arg7[%swap3A_615, %swap3A_616, %swap3A_617], %swap3A_620 {strides = array<i32>} : memref<2x16x1024xf32, #tpu.memory_space<vmem>>, vector<1x1x16xf32>,
        %lt3A_621 = arith.constant 0 : i32
        %lt3A_622 = vector.broadcast %lt3A_621 : i32 to vector<16xi32>
        %lt3A_623 = arith.cmpi slt, %get3A_563, %lt3A_622 : vector<16xi32>
        %add3A_624 = arith.constant 16 : i32
        %add3A_625 = vector.broadcast %add3A_624 : i32 to vector<16xi32>
        %add3A_626 = arith.addi %get3A_563, %add3A_625 : vector<16xi32>
        %select_n3A_627 = arith.select %lt3A_623, %add3A_626, %get3A_563 : vector<16xi1>, vector<16xi32>
        %broadcast_in_dim3A_628 = vector.shape_cast %select_n3A_627 : vector<16xi32> to vector<16x1xi32>
        %gather3A_629 = vector.shape_cast %broadcast_in_dim3A_628 : vector<16x1xi32> to vector<16xi32>
        %gather3A_630 = tpu.dynamic_gather %get3A_473[%gather3A_629] in [0] : vector<16xf32>, vector<16xi32> -> vector<16xf32>
        %mul3A_631 = arith.constant 16 : i32
        %mul3A_632 = arith.muli %scan3A_557, %mul3A_631 : i32
        %swap3A_633 = arith.constant 1 : i32
        %swap3A_634 = arith.constant 3 : i32
        %swap3A_635 = arith.index_cast %swap3A_633 : i32 to index
        %swap3A_636 = arith.index_cast %swap3A_634 : i32 to index
        %swap3A_637 = arith.index_cast %mul3A_632 : i32 to index
        %swap3A_638 = tpu.vector_load %arg7[%swap3A_635, %swap3A_636, %swap3A_637] {strides = array<i32>} : memref<2x16x1024xf32, #tpu.memory_space<vmem>>, vector<1x1x16xf32>,
        %swap3A_639 = vector.shape_cast %swap3A_638 : vector<1x1x16xf32> to vector<16xf32>
        %swap3A_640 = vector.shape_cast %gather3A_630 : vector<16xf32> to vector<1x1x16xf32>
        tpu.vector_store %arg7[%swap3A_635, %swap3A_636, %swap3A_637], %swap3A_640 {strides = array<i32>} : memref<2x16x1024xf32, #tpu.memory_space<vmem>>, vector<1x1x16xf32>,
        %lt3A_641 = arith.constant 0 : i32
        %lt3A_642 = vector.broadcast %lt3A_641 : i32 to vector<16xi32>
        %lt3A_643 = arith.cmpi slt, %get3A_563, %lt3A_642 : vector<16xi32>
        %add3A_644 = arith.constant 16 : i32
        %add3A_645 = vector.broadcast %add3A_644 : i32 to vector<16xi32>
        %add3A_646 = arith.addi %get3A_563, %add3A_645 : vector<16xi32>
        %select_n3A_647 = arith.select %lt3A_643, %add3A_646, %get3A_563 : vector<16xi1>, vector<16xi32>
        %broadcast_in_dim3A_648 = vector.shape_cast %select_n3A_647 : vector<16xi32> to vector<16x1xi32>
        %gather3A_649 = vector.shape_cast %broadcast_in_dim3A_648 : vector<16x1xi32> to vector<16xi32>
        %gather3A_650 = tpu.dynamic_gather %get3A_478[%gather3A_649] in [0] : vector<16xf32>, vector<16xi32> -> vector<16xf32>
        %mul3A_651 = arith.constant 16 : i32
        %mul3A_652 = arith.muli %scan3A_557, %mul3A_651 : i32
        %swap3A_653 = arith.constant 1 : i32
        %swap3A_654 = arith.constant 4 : i32
        %swap3A_655 = arith.index_cast %swap3A_653 : i32 to index
        %swap3A_656 = arith.index_cast %swap3A_654 : i32 to index
        %swap3A_657 = arith.index_cast %mul3A_652 : i32 to index
        %swap3A_658 = tpu.vector_load %arg7[%swap3A_655, %swap3A_656, %swap3A_657] {strides = array<i32>} : memref<2x16x1024xf32, #tpu.memory_space<vmem>>, vector<1x1x16xf32>,
        %swap3A_659 = vector.shape_cast %swap3A_658 : vector<1x1x16xf32> to vector<16xf32>
        %swap3A_660 = vector.shape_cast %gather3A_650 : vector<16xf32> to vector<1x1x16xf32>
        tpu.vector_store %arg7[%swap3A_655, %swap3A_656, %swap3A_657], %swap3A_660 {strides = array<i32>} : memref<2x16x1024xf32, #tpu.memory_space<vmem>>, vector<1x1x16xf32>,
        %lt3A_661 = arith.constant 0 : i32
        %lt3A_662 = vector.broadcast %lt3A_661 : i32 to vector<16xi32>
        %lt3A_663 = arith.cmpi slt, %get3A_563, %lt3A_662 : vector<16xi32>
        %add3A_664 = arith.constant 16 : i32
        %add3A_665 = vector.broadcast %add3A_664 : i32 to vector<16xi32>
        %add3A_666 = arith.addi %get3A_563, %add3A_665 : vector<16xi32>
        %select_n3A_667 = arith.select %lt3A_663, %add3A_666, %get3A_563 : vector<16xi1>, vector<16xi32>
        %broadcast_in_dim3A_668 = vector.shape_cast %select_n3A_667 : vector<16xi32> to vector<16x1xi32>
        %gather3A_669 = vector.shape_cast %broadcast_in_dim3A_668 : vector<16x1xi32> to vector<16xi32>
        %gather3A_670 = tpu.dynamic_gather %get3A_483[%gather3A_669] in [0] : vector<16xf32>, vector<16xi32> -> vector<16xf32>
        %mul3A_671 = arith.constant 16 : i32
        %mul3A_672 = arith.muli %scan3A_557, %mul3A_671 : i32
        %swap3A_673 = arith.constant 1 : i32
        %swap3A_674 = arith.constant 5 : i32
        %swap3A_675 = arith.index_cast %swap3A_673 : i32 to index
        %swap3A_676 = arith.index_cast %swap3A_674 : i32 to index
        %swap3A_677 = arith.index_cast %mul3A_672 : i32 to index
        %swap3A_678 = tpu.vector_load %arg7[%swap3A_675, %swap3A_676, %swap3A_677] {strides = array<i32>} : memref<2x16x1024xf32, #tpu.memory_space<vmem>>, vector<1x1x16xf32>,
        %swap3A_679 = vector.shape_cast %swap3A_678 : vector<1x1x16xf32> to vector<16xf32>
        %swap3A_680 = vector.shape_cast %gather3A_670 : vector<16xf32> to vector<1x1x16xf32>
        tpu.vector_store %arg7[%swap3A_675, %swap3A_676, %swap3A_677], %swap3A_680 {strides = array<i32>} : memref<2x16x1024xf32, #tpu.memory_space<vmem>>, vector<1x1x16xf32>,
        %lt3A_681 = arith.constant 0 : i32
        %lt3A_682 = vector.broadcast %lt3A_681 : i32 to vector<16xi32>
        %lt3A_683 = arith.cmpi slt, %get3A_563, %lt3A_682 : vector<16xi32>
        %add3A_684 = arith.constant 16 : i32
        %add3A_685 = vector.broadcast %add3A_684 : i32 to vector<16xi32>
        %add3A_686 = arith.addi %get3A_563, %add3A_685 : vector<16xi32>
        %select_n3A_687 = arith.select %lt3A_683, %add3A_686, %get3A_563 : vector<16xi1>, vector<16xi32>
        %broadcast_in_dim3A_688 = vector.shape_cast %select_n3A_687 : vector<16xi32> to vector<16x1xi32>
        %gather3A_689 = vector.shape_cast %broadcast_in_dim3A_688 : vector<16x1xi32> to vector<16xi32>
        %gather3A_690 = tpu.dynamic_gather %get3A_488[%gather3A_689] in [0] : vector<16xf32>, vector<16xi32> -> vector<16xf32>
        %mul3A_691 = arith.constant 16 : i32
        %mul3A_692 = arith.muli %scan3A_557, %mul3A_691 : i32
        %swap3A_693 = arith.constant 1 : i32
        %swap3A_694 = arith.constant 6 : i32
        %swap3A_695 = arith.index_cast %swap3A_693 : i32 to index
        %swap3A_696 = arith.index_cast %swap3A_694 : i32 to index
        %swap3A_697 = arith.index_cast %mul3A_692 : i32 to index
        %swap3A_698 = tpu.vector_load %arg7[%swap3A_695, %swap3A_696, %swap3A_697] {strides = array<i32>} : memref<2x16x1024xf32, #tpu.memory_space<vmem>>, vector<1x1x16xf32>,
        %swap3A_699 = vector.shape_cast %swap3A_698 : vector<1x1x16xf32> to vector<16xf32>
        %swap3A_700 = vector.shape_cast %gather3A_690 : vector<16xf32> to vector<1x1x16xf32>
        tpu.vector_store %arg7[%swap3A_695, %swap3A_696, %swap3A_697], %swap3A_700 {strides = array<i32>} : memref<2x16x1024xf32, #tpu.memory_space<vmem>>, vector<1x1x16xf32>,
        %lt3A_701 = arith.constant 0 : i32
        %lt3A_702 = vector.broadcast %lt3A_701 : i32 to vector<16xi32>
        %lt3A_703 = arith.cmpi slt, %get3A_563, %lt3A_702 : vector<16xi32>
        %add3A_704 = arith.constant 16 : i32
        %add3A_705 = vector.broadcast %add3A_704 : i32 to vector<16xi32>
        %add3A_706 = arith.addi %get3A_563, %add3A_705 : vector<16xi32>
        %select_n3A_707 = arith.select %lt3A_703, %add3A_706, %get3A_563 : vector<16xi1>, vector<16xi32>
        %broadcast_in_dim3A_708 = vector.shape_cast %select_n3A_707 : vector<16xi32> to vector<16x1xi32>
        %gather3A_709 = vector.shape_cast %broadcast_in_dim3A_708 : vector<16x1xi32> to vector<16xi32>
        %gather3A_710 = tpu.dynamic_gather %get3A_493[%gather3A_709] in [0] : vector<16xf32>, vector<16xi32> -> vector<16xf32>
        %mul3A_711 = arith.constant 16 : i32
        %mul3A_712 = arith.muli %scan3A_557, %mul3A_711 : i32
        %swap3A_713 = arith.constant 1 : i32
        %swap3A_714 = arith.constant 7 : i32
        %swap3A_715 = arith.index_cast %swap3A_713 : i32 to index
        %swap3A_716 = arith.index_cast %swap3A_714 : i32 to index
        %swap3A_717 = arith.index_cast %mul3A_712 : i32 to index
        %swap3A_718 = tpu.vector_load %arg7[%swap3A_715, %swap3A_716, %swap3A_717] {strides = array<i32>} : memref<2x16x1024xf32, #tpu.memory_space<vmem>>, vector<1x1x16xf32>,
        %swap3A_719 = vector.shape_cast %swap3A_718 : vector<1x1x16xf32> to vector<16xf32>
        %swap3A_720 = vector.shape_cast %gather3A_710 : vector<16xf32> to vector<1x1x16xf32>
        tpu.vector_store %arg7[%swap3A_715, %swap3A_716, %swap3A_717], %swap3A_720 {strides = array<i32>} : memref<2x16x1024xf32, #tpu.memory_space<vmem>>, vector<1x1x16xf32>,
        %lt3A_721 = arith.constant 0 : i32
        %lt3A_722 = vector.broadcast %lt3A_721 : i32 to vector<16xi32>
        %lt3A_723 = arith.cmpi slt, %get3A_563, %lt3A_722 : vector<16xi32>
        %add3A_724 = arith.constant 16 : i32
        %add3A_725 = vector.broadcast %add3A_724 : i32 to vector<16xi32>
        %add3A_726 = arith.addi %get3A_563, %add3A_725 : vector<16xi32>
        %select_n3A_727 = arith.select %lt3A_723, %add3A_726, %get3A_563 : vector<16xi1>, vector<16xi32>
        %broadcast_in_dim3A_728 = vector.shape_cast %select_n3A_727 : vector<16xi32> to vector<16x1xi32>
        %gather3A_729 = vector.shape_cast %broadcast_in_dim3A_728 : vector<16x1xi32> to vector<16xi32>
        %gather3A_730 = tpu.dynamic_gather %get3A_498[%gather3A_729] in [0] : vector<16xf32>, vector<16xi32> -> vector<16xf32>
        %mul3A_731 = arith.constant 16 : i32
        %mul3A_732 = arith.muli %scan3A_557, %mul3A_731 : i32
        %swap3A_733 = arith.constant 1 : i32
        %swap3A_734 = arith.constant 8 : i32
        %swap3A_735 = arith.index_cast %swap3A_733 : i32 to index
        %swap3A_736 = arith.index_cast %swap3A_734 : i32 to index
        %swap3A_737 = arith.index_cast %mul3A_732 : i32 to index
        %swap3A_738 = tpu.vector_load %arg7[%swap3A_735, %swap3A_736, %swap3A_737] {strides = array<i32>} : memref<2x16x1024xf32, #tpu.memory_space<vmem>>, vector<1x1x16xf32>,
        %swap3A_739 = vector.shape_cast %swap3A_738 : vector<1x1x16xf32> to vector<16xf32>
        %swap3A_740 = vector.shape_cast %gather3A_730 : vector<16xf32> to vector<1x1x16xf32>
        tpu.vector_store %arg7[%swap3A_735, %swap3A_736, %swap3A_737], %swap3A_740 {strides = array<i32>} : memref<2x16x1024xf32, #tpu.memory_space<vmem>>, vector<1x1x16xf32>,
        %lt3A_741 = arith.constant 0 : i32
        %lt3A_742 = vector.broadcast %lt3A_741 : i32 to vector<16xi32>
        %lt3A_743 = arith.cmpi slt, %get3A_563, %lt3A_742 : vector<16xi32>
        %add3A_744 = arith.constant 16 : i32
        %add3A_745 = vector.broadcast %add3A_744 : i32 to vector<16xi32>
        %add3A_746 = arith.addi %get3A_563, %add3A_745 : vector<16xi32>
        %select_n3A_747 = arith.select %lt3A_743, %add3A_746, %get3A_563 : vector<16xi1>, vector<16xi32>
        %broadcast_in_dim3A_748 = vector.shape_cast %select_n3A_747 : vector<16xi32> to vector<16x1xi32>
        %gather3A_749 = vector.shape_cast %broadcast_in_dim3A_748 : vector<16x1xi32> to vector<16xi32>
        %gather3A_750 = tpu.dynamic_gather %get3A_503[%gather3A_749] in [0] : vector<16xf32>, vector<16xi32> -> vector<16xf32>
        %mul3A_751 = arith.constant 16 : i32
        %mul3A_752 = arith.muli %scan3A_557, %mul3A_751 : i32
        %swap3A_753 = arith.constant 1 : i32
        %swap3A_754 = arith.constant 9 : i32
        %swap3A_755 = arith.index_cast %swap3A_753 : i32 to index
        %swap3A_756 = arith.index_cast %swap3A_754 : i32 to index
        %swap3A_757 = arith.index_cast %mul3A_752 : i32 to index
        %swap3A_758 = tpu.vector_load %arg7[%swap3A_755, %swap3A_756, %swap3A_757] {strides = array<i32>} : memref<2x16x1024xf32, #tpu.memory_space<vmem>>, vector<1x1x16xf32>,
        %swap3A_759 = vector.shape_cast %swap3A_758 : vector<1x1x16xf32> to vector<16xf32>
        %swap3A_760 = vector.shape_cast %gather3A_750 : vector<16xf32> to vector<1x1x16xf32>
        tpu.vector_store %arg7[%swap3A_755, %swap3A_756, %swap3A_757], %swap3A_760 {strides = array<i32>} : memref<2x16x1024xf32, #tpu.memory_space<vmem>>, vector<1x1x16xf32>,
        %lt3A_761 = arith.constant 0 : i32
        %lt3A_762 = vector.broadcast %lt3A_761 : i32 to vector<16xi32>
        %lt3A_763 = arith.cmpi slt, %get3A_563, %lt3A_762 : vector<16xi32>
        %add3A_764 = arith.constant 16 : i32
        %add3A_765 = vector.broadcast %add3A_764 : i32 to vector<16xi32>
        %add3A_766 = arith.addi %get3A_563, %add3A_765 : vector<16xi32>
        %select_n3A_767 = arith.select %lt3A_763, %add3A_766, %get3A_563 : vector<16xi1>, vector<16xi32>
        %broadcast_in_dim3A_768 = vector.shape_cast %select_n3A_767 : vector<16xi32> to vector<16x1xi32>
        %gather3A_769 = vector.shape_cast %broadcast_in_dim3A_768 : vector<16x1xi32> to vector<16xi32>
        %gather3A_770 = tpu.dynamic_gather %get3A_508[%gather3A_769] in [0] : vector<16xf32>, vector<16xi32> -> vector<16xf32>
        %mul3A_771 = arith.constant 16 : i32
        %mul3A_772 = arith.muli %scan3A_557, %mul3A_771 : i32
        %swap3A_773 = arith.constant 1 : i32
        %swap3A_774 = arith.constant 10 : i32
        %swap3A_775 = arith.index_cast %swap3A_773 : i32 to index
        %swap3A_776 = arith.index_cast %swap3A_774 : i32 to index
        %swap3A_777 = arith.index_cast %mul3A_772 : i32 to index
        %swap3A_778 = tpu.vector_load %arg7[%swap3A_775, %swap3A_776, %swap3A_777] {strides = array<i32>} : memref<2x16x1024xf32, #tpu.memory_space<vmem>>, vector<1x1x16xf32>,
        %swap3A_779 = vector.shape_cast %swap3A_778 : vector<1x1x16xf32> to vector<16xf32>
        %swap3A_780 = vector.shape_cast %gather3A_770 : vector<16xf32> to vector<1x1x16xf32>
        tpu.vector_store %arg7[%swap3A_775, %swap3A_776, %swap3A_777], %swap3A_780 {strides = array<i32>} : memref<2x16x1024xf32, #tpu.memory_space<vmem>>, vector<1x1x16xf32>,
        %lt3A_781 = arith.constant 0 : i32
        %lt3A_782 = vector.broadcast %lt3A_781 : i32 to vector<16xi32>
        %lt3A_783 = arith.cmpi slt, %get3A_563, %lt3A_782 : vector<16xi32>
        %add3A_784 = arith.constant 16 : i32
        %add3A_785 = vector.broadcast %add3A_784 : i32 to vector<16xi32>
        %add3A_786 = arith.addi %get3A_563, %add3A_785 : vector<16xi32>
        %select_n3A_787 = arith.select %lt3A_783, %add3A_786, %get3A_563 : vector<16xi1>, vector<16xi32>
        %broadcast_in_dim3A_788 = vector.shape_cast %select_n3A_787 : vector<16xi32> to vector<16x1xi32>
        %gather3A_789 = vector.shape_cast %broadcast_in_dim3A_788 : vector<16x1xi32> to vector<16xi32>
        %gather3A_790 = tpu.dynamic_gather %get3A_513[%gather3A_789] in [0] : vector<16xf32>, vector<16xi32> -> vector<16xf32>
        %mul3A_791 = arith.constant 16 : i32
        %mul3A_792 = arith.muli %scan3A_557, %mul3A_791 : i32
        %swap3A_793 = arith.constant 1 : i32
        %swap3A_794 = arith.constant 11 : i32
        %swap3A_795 = arith.index_cast %swap3A_793 : i32 to index
        %swap3A_796 = arith.index_cast %swap3A_794 : i32 to index
        %swap3A_797 = arith.index_cast %mul3A_792 : i32 to index
        %swap3A_798 = tpu.vector_load %arg7[%swap3A_795, %swap3A_796, %swap3A_797] {strides = array<i32>} : memref<2x16x1024xf32, #tpu.memory_space<vmem>>, vector<1x1x16xf32>,
        %swap3A_799 = vector.shape_cast %swap3A_798 : vector<1x1x16xf32> to vector<16xf32>
        %swap3A_800 = vector.shape_cast %gather3A_790 : vector<16xf32> to vector<1x1x16xf32>
        tpu.vector_store %arg7[%swap3A_795, %swap3A_796, %swap3A_797], %swap3A_800 {strides = array<i32>} : memref<2x16x1024xf32, #tpu.memory_space<vmem>>, vector<1x1x16xf32>,
        %lt3A_801 = arith.constant 0 : i32
        %lt3A_802 = vector.broadcast %lt3A_801 : i32 to vector<16xi32>
        %lt3A_803 = arith.cmpi slt, %get3A_563, %lt3A_802 : vector<16xi32>
        %add3A_804 = arith.constant 16 : i32
        %add3A_805 = vector.broadcast %add3A_804 : i32 to vector<16xi32>
        %add3A_806 = arith.addi %get3A_563, %add3A_805 : vector<16xi32>
        %select_n3A_807 = arith.select %lt3A_803, %add3A_806, %get3A_563 : vector<16xi1>, vector<16xi32>
        %broadcast_in_dim3A_808 = vector.shape_cast %select_n3A_807 : vector<16xi32> to vector<16x1xi32>
        %gather3A_809 = vector.shape_cast %broadcast_in_dim3A_808 : vector<16x1xi32> to vector<16xi32>
        %gather3A_810 = tpu.dynamic_gather %get3A_518[%gather3A_809] in [0] : vector<16xf32>, vector<16xi32> -> vector<16xf32>
        %mul3A_811 = arith.constant 16 : i32
        %mul3A_812 = arith.muli %scan3A_557, %mul3A_811 : i32
        %swap3A_813 = arith.constant 1 : i32
        %swap3A_814 = arith.constant 12 : i32
        %swap3A_815 = arith.index_cast %swap3A_813 : i32 to index
        %swap3A_816 = arith.index_cast %swap3A_814 : i32 to index
        %swap3A_817 = arith.index_cast %mul3A_812 : i32 to index
        %swap3A_818 = tpu.vector_load %arg7[%swap3A_815, %swap3A_816, %swap3A_817] {strides = array<i32>} : memref<2x16x1024xf32, #tpu.memory_space<vmem>>, vector<1x1x16xf32>,
        %swap3A_819 = vector.shape_cast %swap3A_818 : vector<1x1x16xf32> to vector<16xf32>
        %swap3A_820 = vector.shape_cast %gather3A_810 : vector<16xf32> to vector<1x1x16xf32>
        tpu.vector_store %arg7[%swap3A_815, %swap3A_816, %swap3A_817], %swap3A_820 {strides = array<i32>} : memref<2x16x1024xf32, #tpu.memory_space<vmem>>, vector<1x1x16xf32>,
        %lt3A_821 = arith.constant 0 : i32
        %lt3A_822 = vector.broadcast %lt3A_821 : i32 to vector<16xi32>
        %lt3A_823 = arith.cmpi slt, %get3A_563, %lt3A_822 : vector<16xi32>
        %add3A_824 = arith.constant 16 : i32
        %add3A_825 = vector.broadcast %add3A_824 : i32 to vector<16xi32>
        %add3A_826 = arith.addi %get3A_563, %add3A_825 : vector<16xi32>
        %select_n3A_827 = arith.select %lt3A_823, %add3A_826, %get3A_563 : vector<16xi1>, vector<16xi32>
        %broadcast_in_dim3A_828 = vector.shape_cast %select_n3A_827 : vector<16xi32> to vector<16x1xi32>
        %gather3A_829 = vector.shape_cast %broadcast_in_dim3A_828 : vector<16x1xi32> to vector<16xi32>
        %gather3A_830 = tpu.dynamic_gather %get3A_523[%gather3A_829] in [0] : vector<16xf32>, vector<16xi32> -> vector<16xf32>
        %mul3A_831 = arith.constant 16 : i32
        %mul3A_832 = arith.muli %scan3A_557, %mul3A_831 : i32
        %swap3A_833 = arith.constant 1 : i32
        %swap3A_834 = arith.constant 13 : i32
        %swap3A_835 = arith.index_cast %swap3A_833 : i32 to index
        %swap3A_836 = arith.index_cast %swap3A_834 : i32 to index
        %swap3A_837 = arith.index_cast %mul3A_832 : i32 to index
        %swap3A_838 = tpu.vector_load %arg7[%swap3A_835, %swap3A_836, %swap3A_837] {strides = array<i32>} : memref<2x16x1024xf32, #tpu.memory_space<vmem>>, vector<1x1x16xf32>,
        %swap3A_839 = vector.shape_cast %swap3A_838 : vector<1x1x16xf32> to vector<16xf32>
        %swap3A_840 = vector.shape_cast %gather3A_830 : vector<16xf32> to vector<1x1x16xf32>
        tpu.vector_store %arg7[%swap3A_835, %swap3A_836, %swap3A_837], %swap3A_840 {strides = array<i32>} : memref<2x16x1024xf32, #tpu.memory_space<vmem>>, vector<1x1x16xf32>,
        %lt3A_841 = arith.constant 0 : i32
        %lt3A_842 = vector.broadcast %lt3A_841 : i32 to vector<16xi32>
        %lt3A_843 = arith.cmpi slt, %get3A_563, %lt3A_842 : vector<16xi32>
        %add3A_844 = arith.constant 16 : i32
        %add3A_845 = vector.broadcast %add3A_844 : i32 to vector<16xi32>
        %add3A_846 = arith.addi %get3A_563, %add3A_845 : vector<16xi32>
        %select_n3A_847 = arith.select %lt3A_843, %add3A_846, %get3A_563 : vector<16xi1>, vector<16xi32>
        %broadcast_in_dim3A_848 = vector.shape_cast %select_n3A_847 : vector<16xi32> to vector<16x1xi32>
        %gather3A_849 = vector.shape_cast %broadcast_in_dim3A_848 : vector<16x1xi32> to vector<16xi32>
        %gather3A_850 = tpu.dynamic_gather %get3A_528[%gather3A_849] in [0] : vector<16xf32>, vector<16xi32> -> vector<16xf32>
        %mul3A_851 = arith.constant 16 : i32
        %mul3A_852 = arith.muli %scan3A_557, %mul3A_851 : i32
        %swap3A_853 = arith.constant 1 : i32
        %swap3A_854 = arith.constant 14 : i32
        %swap3A_855 = arith.index_cast %swap3A_853 : i32 to index
        %swap3A_856 = arith.index_cast %swap3A_854 : i32 to index
        %swap3A_857 = arith.index_cast %mul3A_852 : i32 to index
        %swap3A_858 = tpu.vector_load %arg7[%swap3A_855, %swap3A_856, %swap3A_857] {strides = array<i32>} : memref<2x16x1024xf32, #tpu.memory_space<vmem>>, vector<1x1x16xf32>,
        %swap3A_859 = vector.shape_cast %swap3A_858 : vector<1x1x16xf32> to vector<16xf32>
        %swap3A_860 = vector.shape_cast %gather3A_850 : vector<16xf32> to vector<1x1x16xf32>
        tpu.vector_store %arg7[%swap3A_855, %swap3A_856, %swap3A_857], %swap3A_860 {strides = array<i32>} : memref<2x16x1024xf32, #tpu.memory_space<vmem>>, vector<1x1x16xf32>,
        %lt3A_861 = arith.constant 0 : i32
        %lt3A_862 = vector.broadcast %lt3A_861 : i32 to vector<16xi32>
        %lt3A_863 = arith.cmpi slt, %get3A_563, %lt3A_862 : vector<16xi32>
        %add3A_864 = arith.constant 16 : i32
        %add3A_865 = vector.broadcast %add3A_864 : i32 to vector<16xi32>
        %add3A_866 = arith.addi %get3A_563, %add3A_865 : vector<16xi32>
        %select_n3A_867 = arith.select %lt3A_863, %add3A_866, %get3A_563 : vector<16xi1>, vector<16xi32>
        %broadcast_in_dim3A_868 = vector.shape_cast %select_n3A_867 : vector<16xi32> to vector<16x1xi32>
        %gather3A_869 = vector.shape_cast %broadcast_in_dim3A_868 : vector<16x1xi32> to vector<16xi32>
        %gather3A_870 = tpu.dynamic_gather %get3A_533[%gather3A_869] in [0] : vector<16xf32>, vector<16xi32> -> vector<16xf32>
        %mul3A_871 = arith.constant 16 : i32
        %mul3A_872 = arith.muli %scan3A_557, %mul3A_871 : i32
        %swap3A_873 = arith.constant 1 : i32
        %swap3A_874 = arith.constant 15 : i32
        %swap3A_875 = arith.index_cast %swap3A_873 : i32 to index
        %swap3A_876 = arith.index_cast %swap3A_874 : i32 to index
        %swap3A_877 = arith.index_cast %mul3A_872 : i32 to index
        %swap3A_878 = tpu.vector_load %arg7[%swap3A_875, %swap3A_876, %swap3A_877] {strides = array<i32>} : memref<2x16x1024xf32, #tpu.memory_space<vmem>>, vector<1x1x16xf32>,
        %swap3A_879 = vector.shape_cast %swap3A_878 : vector<1x1x16xf32> to vector<16xf32>
        %swap3A_880 = vector.shape_cast %gather3A_870 : vector<16xf32> to vector<1x1x16xf32>
        tpu.vector_store %arg7[%swap3A_875, %swap3A_876, %swap3A_877], %swap3A_880 {strides = array<i32>} : memref<2x16x1024xf32, #tpu.memory_space<vmem>>, vector<1x1x16xf32>,
      }
      %scan3A_539 = arith.constant 64 : i32
      %dma_start3A_540 = arith.constant 1 : i32
      %dma_start3A_541 = arith.constant 0 : i32
      %dma_start3A_542 = arith.constant 0 : i32
      %dma_start3A_543 = tpu.memref_slice %arg7[%dma_start3A_540, %dma_start3A_541, %dma_start3A_542] : memref<2x16x1024xf32, #tpu.memory_space<vmem>> -> memref<1x16x1024xf32, #tpu.memory_space<vmem>>
      %dma_start3A_544 = tpu.memref_squeeze %dma_start3A_543 : memref<1x16x1024xf32, #tpu.memory_space<vmem>> -> memref<16x1024xf32, #tpu.memory_space<vmem>>
      %dma_start3A_545 = arith.constant 48 : i32
      %dma_start3A_546 = arith.constant 0 : i32
      %dma_start3A_547 = tpu.memref_slice %arg4[%add3A_78, %dma_start3A_545, %dma_start3A_546] : memref<900x64x1024xf32, #tpu.memory_space<hbm>> -> memref<1x16x1024xf32, #tpu.memory_space<hbm>>
      %dma_start3A_548 = tpu.memref_squeeze %dma_start3A_547 : memref<1x16x1024xf32, #tpu.memory_space<hbm>> -> memref<16x1024xf32, #tpu.memory_space<hbm>>
      %dma_start3A_549 = arith.constant 48 : i32
      %dma_start3A_550 = arith.constant 0 : i32
      %dma_start3A_551 = tpu.memref_slice %arg4[%add3A_78, %dma_start3A_549, %dma_start3A_550] : memref<900x64x1024xf32, #tpu.memory_space<hbm>> -> memref<1x16x1024xf32, #tpu.memory_space<hbm>>
      %dma_start3A_552 = tpu.memref_squeeze %dma_start3A_551 : memref<1x16x1024xf32, #tpu.memory_space<hbm>> -> memref<16x1024xf32, #tpu.memory_space<hbm>>
      %dma_start3A_553 = arith.constant 0 : i32
      %dma_start3A_554 = arith.constant 0 : i32
      %dma_start3A_555 = tpu.memref_slice %arg7[%dma_start3A_540, %dma_start3A_553, %dma_start3A_554] : memref<2x16x1024xf32, #tpu.memory_space<vmem>> -> memref<1x16x1024xf32, #tpu.memory_space<vmem>>
      %dma_start3A_556 = tpu.memref_squeeze %dma_start3A_555 : memref<1x16x1024xf32, #tpu.memory_space<vmem>> -> memref<16x1024xf32, #tpu.memory_space<vmem>>
      tpu.enqueue_dma source(%dma_start3A_556 : memref<16x1024xf32, #tpu.memory_space<vmem>>) target(%dma_start3A_552 : memref<16x1024xf32, #tpu.memory_space<hbm>>) target_semaphore(%arg10 : memref<!tpu.dma_semaphore, #tpu.memory_space<semaphore_mem>>)
    }
    %while3A_31 = arith.constant 1 : i32
    scf.for %while3A_65 = %while3A_29 to %while3A_25 step %while3A_31  : i32 {
      %jit3A_66 = arith.constant 2 : i32
      %eq3A = arith.constant 0 : i32
      %eq3A_67 = arith.cmpi eq, %jit3A_66, %eq3A : i32
      %jit3A_68 = arith.constant 1 : i32
      %select_n3A_69 = arith.select %eq3A_67, %jit3A_68, %jit3A_66 : i32
      %rem3A = arith.remsi %while3A_65, %select_n3A_69 : i32
      %ne3A = arith.constant 0 : i32
      %ne3A_70 = arith.cmpi ne, %rem3A, %ne3A : i32
      %lt3A_71 = arith.constant 0 : i32
      %lt3A_72 = arith.cmpi slt, %rem3A, %lt3A_71 : i32
      %lt3A_73 = arith.constant 0 : i32
      %lt3A_74 = arith.cmpi slt, %select_n3A_69, %lt3A_73 : i32
      %ne3A_75 = arith.xori %lt3A_72, %lt3A_74 : i1
      %and3A = arith.andi %ne3A_75, %ne3A_70 : i1
      %add3A_76 = arith.addi %rem3A, %select_n3A_69 : i32
      %select_n3A_77 = arith.select %and3A, %add3A_76, %rem3A : i32
      %add3A_78 = arith.addi %add3A_8, %while3A_65 : i32
      %add3A_79 = arith.addi %add3A_8, %while3A_65 : i32
      %jit3A_80 = arith.constant 2 : i32
      %eq3A_81 = arith.constant 0 : i32
      %eq3A_82 = arith.cmpi eq, %jit3A_80, %eq3A_81 : i32
      %jit3A_83 = arith.constant 1 : i32
      %select_n3A_84 = arith.select %eq3A_82, %jit3A_83, %jit3A_80 : i32
      %rem3A_85 = arith.remsi %while3A_65, %select_n3A_84 : i32
      %ne3A_86 = arith.constant 0 : i32
      %ne3A_87 = arith.cmpi ne, %rem3A_85, %ne3A_86 : i32
      %lt3A_88 = arith.constant 0 : i32
      %lt3A_89 = arith.cmpi slt, %rem3A_85, %lt3A_88 : i32
      %lt3A_90 = arith.constant 0 : i32
      %lt3A_91 = arith.cmpi slt, %select_n3A_84, %lt3A_90 : i32
      %ne3A_92 = arith.xori %lt3A_89, %lt3A_91 : i1
      %and3A_93 = arith.andi %ne3A_92, %ne3A_87 : i1
      %add3A_94 = arith.addi %rem3A_85, %select_n3A_84 : i32
      %select_n3A_95 = arith.select %and3A_93, %add3A_94, %rem3A_85 : i32
      %dma_wait3A_96 = arith.constant 0 : i32
      %dma_wait3A_97 = tpu.memref_slice %arg6[%select_n3A_95, %dma_wait3A_96] : memref<2x1024xi32, #tpu.memory_space<vmem>> -> memref<1x1024xi32, #tpu.memory_space<vmem>>
      %dma_wait3A_98 = tpu.memref_squeeze %dma_wait3A_97 : memref<1x1024xi32, #tpu.memory_space<vmem>> -> memref<1024xi32, #tpu.memory_space<vmem>>
      %dma_wait3A_99 = arith.constant 0 : i32
      %dma_wait3A_100 = tpu.memref_slice %arg3[%add3A_79, %dma_wait3A_99] : memref<900x1024xi32, #tpu.memory_space<hbm>> -> memref<1x1024xi32, #tpu.memory_space<hbm>>
      %dma_wait3A_101 = tpu.memref_squeeze %dma_wait3A_100 : memref<1x1024xi32, #tpu.memory_space<hbm>> -> memref<1024xi32, #tpu.memory_space<hbm>>
      %dma_wait3A_102 = arith.constant 0 : i32
      %dma_wait3A_103 = tpu.memref_slice %arg6[%select_n3A_95, %dma_wait3A_102] : memref<2x1024xi32, #tpu.memory_space<vmem>> -> memref<1x1024xi32, #tpu.memory_space<vmem>>
      %dma_wait3A_104 = tpu.memref_squeeze %dma_wait3A_103 : memref<1x1024xi32, #tpu.memory_space<vmem>> -> memref<1024xi32, #tpu.memory_space<vmem>>
      %dma_wait3A_105 = arith.constant 0 : i32
      %dma_wait3A_106 = tpu.memref_slice %arg3[%add3A_79, %dma_wait3A_105] : memref<900x1024xi32, #tpu.memory_space<hbm>> -> memref<1x1024xi32, #tpu.memory_space<hbm>>
      %dma_wait3A_107 = tpu.memref_squeeze %dma_wait3A_106 : memref<1x1024xi32, #tpu.memory_space<hbm>> -> memref<1024xi32, #tpu.memory_space<hbm>>
      tpu.wait_dma2 semaphore(%arg9 : memref<!tpu.dma_semaphore, #tpu.memory_space<semaphore_mem>>) src(%dma_wait3A_107 : memref<1024xi32, #tpu.memory_space<hbm>>) dst(%dma_wait3A_104 : memref<1024xi32, #tpu.memory_space<vmem>>)
      %add3A_108 = arith.constant 1 : i32
      %add3A_109 = arith.addi %while3A_65, %add3A_108 : i32
      %lt3A_110 = arith.cmpi slt, %add3A_109, %add3A_4 : i32
      %convert_element_type3A = arith.extui %lt3A_110 : i1 to i32
      %cond3A = arith.constant 0 : i32
      %cond3A_111 = arith.cmpi ne, %convert_element_type3A, %cond3A : i32
      scf.if %cond3A_111 {
        %add3A_557 = arith.constant 1 : i32
        %add3A_558 = arith.addi %while3A_65, %add3A_557 : i32
        %add3A_559 = arith.addi %add3A_8, %add3A_558 : i32
        %jit3A_560 = arith.constant 2 : i32
        %eq3A_561 = arith.constant 0 : i32
        %eq3A_562 = arith.cmpi eq, %jit3A_560, %eq3A_561 : i32
        %jit3A_563 = arith.constant 1 : i32
        %select_n3A_564 = arith.select %eq3A_562, %jit3A_563, %jit3A_560 : i32
        %rem3A_565 = arith.remsi %add3A_558, %select_n3A_564 : i32
        %ne3A_566 = arith.constant 0 : i32
        %ne3A_567 = arith.cmpi ne, %rem3A_565, %ne3A_566 : i32
        %lt3A_568 = arith.constant 0 : i32
        %lt3A_569 = arith.cmpi slt, %rem3A_565, %lt3A_568 : i32
        %lt3A_570 = arith.constant 0 : i32
        %lt3A_571 = arith.cmpi slt, %select_n3A_564, %lt3A_570 : i32
        %ne3A_572 = arith.xori %lt3A_569, %lt3A_571 : i1
        %and3A_573 = arith.andi %ne3A_572, %ne3A_567 : i1
        %add3A_574 = arith.addi %rem3A_565, %select_n3A_564 : i32
        %select_n3A_575 = arith.select %and3A_573, %add3A_574, %rem3A_565 : i32
        %dma_start3A_576 = arith.constant 0 : i32
        %dma_start3A_577 = tpu.memref_slice %arg6[%select_n3A_575, %dma_start3A_576] : memref<2x1024xi32, #tpu.memory_space<vmem>> -> memref<1x1024xi32, #tpu.memory_space<vmem>>
        %dma_start3A_578 = tpu.memref_squeeze %dma_start3A_577 : memref<1x1024xi32, #tpu.memory_space<vmem>> -> memref<1024xi32, #tpu.memory_space<vmem>>
        %dma_start3A_579 = arith.constant 0 : i32
        %dma_start3A_580 = tpu.memref_slice %arg3[%add3A_559, %dma_start3A_579] : memref<900x1024xi32, #tpu.memory_space<hbm>> -> memref<1x1024xi32, #tpu.memory_space<hbm>>
        %dma_start3A_581 = tpu.memref_squeeze %dma_start3A_580 : memref<1x1024xi32, #tpu.memory_space<hbm>> -> memref<1024xi32, #tpu.memory_space<hbm>>
        %dma_start3A_582 = arith.constant 0 : i32
        %dma_start3A_583 = tpu.memref_slice %arg6[%select_n3A_575, %dma_start3A_582] : memref<2x1024xi32, #tpu.memory_space<vmem>> -> memref<1x1024xi32, #tpu.memory_space<vmem>>
        %dma_start3A_584 = tpu.memref_squeeze %dma_start3A_583 : memref<1x1024xi32, #tpu.memory_space<vmem>> -> memref<1024xi32, #tpu.memory_space<vmem>>
        %dma_start3A_585 = arith.constant 0 : i32
        %dma_start3A_586 = tpu.memref_slice %arg3[%add3A_559, %dma_start3A_585] : memref<900x1024xi32, #tpu.memory_space<hbm>> -> memref<1x1024xi32, #tpu.memory_space<hbm>>
        %dma_start3A_587 = tpu.memref_squeeze %dma_start3A_586 : memref<1x1024xi32, #tpu.memory_space<hbm>> -> memref<1024xi32, #tpu.memory_space<hbm>>
        tpu.enqueue_dma source(%dma_start3A_587 : memref<1024xi32, #tpu.memory_space<hbm>>) target(%dma_start3A_584 : memref<1024xi32, #tpu.memory_space<vmem>>) target_semaphore(%arg9 : memref<!tpu.dma_semaphore, #tpu.memory_space<semaphore_mem>>)
      } else {
      }
      %mul3A_112 = arith.constant 4 : i32
      %mul3A_113 = arith.muli %while3A_65, %mul3A_112 : i32
      %add3A_114 = arith.constant 0 : i32
      %add3A_115 = arith.addi %mul3A_113, %add3A_114 : i32
      %ge3A = arith.constant 2 : i32
      %ge3A_116 = arith.cmpi sge, %add3A_115, %ge3A : i32
      %convert_element_type3A_117 = arith.extui %ge3A_116 : i1 to i32
      %cond3A_118 = arith.constant 0 : i32
      %cond3A_119 = arith.cmpi ne, %convert_element_type3A_117, %cond3A_118 : i32
      scf.if %cond3A_119 {
        %dma_wait3A_557 = arith.constant 0 : i32
        %dma_wait3A_558 = arith.constant 0 : i32
        %dma_wait3A_559 = arith.constant 0 : i32
        %dma_wait3A_560 = tpu.memref_slice %arg7[%dma_wait3A_557, %dma_wait3A_558, %dma_wait3A_559] : memref<2x16x1024xf32, #tpu.memory_space<vmem>> -> memref<1x16x1024xf32, #tpu.memory_space<vmem>>
        %dma_wait3A_561 = tpu.memref_squeeze %dma_wait3A_560 : memref<1x16x1024xf32, #tpu.memory_space<vmem>> -> memref<16x1024xf32, #tpu.memory_space<vmem>>
        %dma_wait3A_562 = arith.constant 0 : i32
        %dma_wait3A_563 = arith.constant 0 : i32
        %dma_wait3A_564 = tpu.memref_slice %arg4[%add3A_78, %dma_wait3A_562, %dma_wait3A_563] : memref<900x64x1024xf32, #tpu.memory_space<hbm>> -> memref<1x16x1024xf32, #tpu.memory_space<hbm>>
        %dma_wait3A_565 = tpu.memref_squeeze %dma_wait3A_564 : memref<1x16x1024xf32, #tpu.memory_space<hbm>> -> memref<16x1024xf32, #tpu.memory_space<hbm>>
        %dma_wait3A_566 = arith.constant 0 : i32
        %dma_wait3A_567 = arith.constant 0 : i32
        %dma_wait3A_568 = tpu.memref_slice %arg4[%add3A_78, %dma_wait3A_566, %dma_wait3A_567] : memref<900x64x1024xf32, #tpu.memory_space<hbm>> -> memref<1x16x1024xf32, #tpu.memory_space<hbm>>
        %dma_wait3A_569 = tpu.memref_squeeze %dma_wait3A_568 : memref<1x16x1024xf32, #tpu.memory_space<hbm>> -> memref<16x1024xf32, #tpu.memory_space<hbm>>
        %dma_wait3A_570 = arith.constant 0 : i32
        %dma_wait3A_571 = arith.constant 0 : i32
        %dma_wait3A_572 = tpu.memref_slice %arg7[%dma_wait3A_557, %dma_wait3A_570, %dma_wait3A_571] : memref<2x16x1024xf32, #tpu.memory_space<vmem>> -> memref<1x16x1024xf32, #tpu.memory_space<vmem>>
        %dma_wait3A_573 = tpu.memref_squeeze %dma_wait3A_572 : memref<1x16x1024xf32, #tpu.memory_space<vmem>> -> memref<16x1024xf32, #tpu.memory_space<vmem>>
        tpu.wait_dma2 semaphore(%arg10 : memref<!tpu.dma_semaphore, #tpu.memory_space<semaphore_mem>>) src(%dma_wait3A_573 : memref<16x1024xf32, #tpu.memory_space<vmem>>) dst(%dma_wait3A_569 : memref<16x1024xf32, #tpu.memory_space<hbm>>)
      } else {
      }
      %get3A = arith.constant 0 : i32
      %get3A_120 = arith.index_cast %get3A : i32 to index
      %get3A_121 = arith.constant 0 : index
      %get3A_122 = tpu.vector_load %arg5[%get3A_120, %get3A_121] {strides = array<i32>} : memref<64x16xf32, #tpu.memory_space<vmem>>, vector<1x16xf32>,
      %get3A_123 = vector.shape_cast %get3A_122 : vector<1x16xf32> to vector<16xf32>
      %get3A_124 = arith.constant 1 : i32
      %get3A_125 = arith.index_cast %get3A_124 : i32 to index
      %get3A_126 = arith.constant 0 : index
      %get3A_127 = tpu.vector_load %arg5[%get3A_125, %get3A_126] {strides = array<i32>} : memref<64x16xf32, #tpu.memory_space<vmem>>, vector<1x16xf32>,
      %get3A_128 = vector.shape_cast %get3A_127 : vector<1x16xf32> to vector<16xf32>
      %get3A_129 = arith.constant 2 : i32
      %get3A_130 = arith.index_cast %get3A_129 : i32 to index
      %get3A_131 = arith.constant 0 : index
      %get3A_132 = tpu.vector_load %arg5[%get3A_130, %get3A_131] {strides = array<i32>} : memref<64x16xf32, #tpu.memory_space<vmem>>, vector<1x16xf32>,
      %get3A_133 = vector.shape_cast %get3A_132 : vector<1x16xf32> to vector<16xf32>
      %get3A_134 = arith.constant 3 : i32
      %get3A_135 = arith.index_cast %get3A_134 : i32 to index
      %get3A_136 = arith.constant 0 : index
      %get3A_137 = tpu.vector_load %arg5[%get3A_135, %get3A_136] {strides = array<i32>} : memref<64x16xf32, #tpu.memory_space<vmem>>, vector<1x16xf32>,
      %get3A_138 = vector.shape_cast %get3A_137 : vector<1x16xf32> to vector<16xf32>
      %get3A_139 = arith.constant 4 : i32
      %get3A_140 = arith.index_cast %get3A_139 : i32 to index
      %get3A_141 = arith.constant 0 : index
      %get3A_142 = tpu.vector_load %arg5[%get3A_140, %get3A_141] {strides = array<i32>} : memref<64x16xf32, #tpu.memory_space<vmem>>, vector<1x16xf32>,
      %get3A_143 = vector.shape_cast %get3A_142 : vector<1x16xf32> to vector<16xf32>
      %get3A_144 = arith.constant 5 : i32
      %get3A_145 = arith.index_cast %get3A_144 : i32 to index
      %get3A_146 = arith.constant 0 : index
      %get3A_147 = tpu.vector_load %arg5[%get3A_145, %get3A_146] {strides = array<i32>} : memref<64x16xf32, #tpu.memory_space<vmem>>, vector<1x16xf32>,
      %get3A_148 = vector.shape_cast %get3A_147 : vector<1x16xf32> to vector<16xf32>
      %get3A_149 = arith.constant 6 : i32
      %get3A_150 = arith.index_cast %get3A_149 : i32 to index
      %get3A_151 = arith.constant 0 : index
      %get3A_152 = tpu.vector_load %arg5[%get3A_150, %get3A_151] {strides = array<i32>} : memref<64x16xf32, #tpu.memory_space<vmem>>, vector<1x16xf32>,
      %get3A_153 = vector.shape_cast %get3A_152 : vector<1x16xf32> to vector<16xf32>
      %get3A_154 = arith.constant 7 : i32
      %get3A_155 = arith.index_cast %get3A_154 : i32 to index
      %get3A_156 = arith.constant 0 : index
      %get3A_157 = tpu.vector_load %arg5[%get3A_155, %get3A_156] {strides = array<i32>} : memref<64x16xf32, #tpu.memory_space<vmem>>, vector<1x16xf32>,
      %get3A_158 = vector.shape_cast %get3A_157 : vector<1x16xf32> to vector<16xf32>
      %get3A_159 = arith.constant 8 : i32
      %get3A_160 = arith.index_cast %get3A_159 : i32 to index
      %get3A_161 = arith.constant 0 : index
      %get3A_162 = tpu.vector_load %arg5[%get3A_160, %get3A_161] {strides = array<i32>} : memref<64x16xf32, #tpu.memory_space<vmem>>, vector<1x16xf32>,
      %get3A_163 = vector.shape_cast %get3A_162 : vector<1x16xf32> to vector<16xf32>
      %get3A_164 = arith.constant 9 : i32
      %get3A_165 = arith.index_cast %get3A_164 : i32 to index
      %get3A_166 = arith.constant 0 : index
      %get3A_167 = tpu.vector_load %arg5[%get3A_165, %get3A_166] {strides = array<i32>} : memref<64x16xf32, #tpu.memory_space<vmem>>, vector<1x16xf32>,
      %get3A_168 = vector.shape_cast %get3A_167 : vector<1x16xf32> to vector<16xf32>
      %get3A_169 = arith.constant 10 : i32
      %get3A_170 = arith.index_cast %get3A_169 : i32 to index
      %get3A_171 = arith.constant 0 : index
      %get3A_172 = tpu.vector_load %arg5[%get3A_170, %get3A_171] {strides = array<i32>} : memref<64x16xf32, #tpu.memory_space<vmem>>, vector<1x16xf32>,
      %get3A_173 = vector.shape_cast %get3A_172 : vector<1x16xf32> to vector<16xf32>
      %get3A_174 = arith.constant 11 : i32
      %get3A_175 = arith.index_cast %get3A_174 : i32 to index
      %get3A_176 = arith.constant 0 : index
      %get3A_177 = tpu.vector_load %arg5[%get3A_175, %get3A_176] {strides = array<i32>} : memref<64x16xf32, #tpu.memory_space<vmem>>, vector<1x16xf32>,
      %get3A_178 = vector.shape_cast %get3A_177 : vector<1x16xf32> to vector<16xf32>
      %get3A_179 = arith.constant 12 : i32
      %get3A_180 = arith.index_cast %get3A_179 : i32 to index
      %get3A_181 = arith.constant 0 : index
      %get3A_182 = tpu.vector_load %arg5[%get3A_180, %get3A_181] {strides = array<i32>} : memref<64x16xf32, #tpu.memory_space<vmem>>, vector<1x16xf32>,
      %get3A_183 = vector.shape_cast %get3A_182 : vector<1x16xf32> to vector<16xf32>
      %get3A_184 = arith.constant 13 : i32
      %get3A_185 = arith.index_cast %get3A_184 : i32 to index
      %get3A_186 = arith.constant 0 : index
      %get3A_187 = tpu.vector_load %arg5[%get3A_185, %get3A_186] {strides = array<i32>} : memref<64x16xf32, #tpu.memory_space<vmem>>, vector<1x16xf32>,
      %get3A_188 = vector.shape_cast %get3A_187 : vector<1x16xf32> to vector<16xf32>
      %get3A_189 = arith.constant 14 : i32
      %get3A_190 = arith.index_cast %get3A_189 : i32 to index
      %get3A_191 = arith.constant 0 : index
      %get3A_192 = tpu.vector_load %arg5[%get3A_190, %get3A_191] {strides = array<i32>} : memref<64x16xf32, #tpu.memory_space<vmem>>, vector<1x16xf32>,
      %get3A_193 = vector.shape_cast %get3A_192 : vector<1x16xf32> to vector<16xf32>
      %get3A_194 = arith.constant 15 : i32
      %get3A_195 = arith.index_cast %get3A_194 : i32 to index
      %get3A_196 = arith.constant 0 : index
      %get3A_197 = tpu.vector_load %arg5[%get3A_195, %get3A_196] {strides = array<i32>} : memref<64x16xf32, #tpu.memory_space<vmem>>, vector<1x16xf32>,
      %get3A_198 = vector.shape_cast %get3A_197 : vector<1x16xf32> to vector<16xf32>
      %scan3A = arith.constant 0 : i32
      %scan3A_199 = arith.constant 0 : i32
      %scan3A_200 = arith.constant 64 : i32
      %scan3A_201 = arith.addi %scan3A_199, %scan3A_200 : i32
      %scan3A_202 = arith.constant 1 : i32
      scf.for %scan3A_557 = %scan3A_199 to %scan3A_201 step %scan3A_202  : i32 {
        %mul3A_558 = arith.constant 16 : i32
        %mul3A_559 = arith.muli %scan3A_557, %mul3A_558 : i32
        %get3A_560 = arith.index_cast %select_n3A_77 : i32 to index
        %get3A_561 = arith.index_cast %mul3A_559 : i32 to index
        %get3A_562 = tpu.vector_load %arg6[%get3A_560, %get3A_561] {strides = array<i32>} : memref<2x1024xi32, #tpu.memory_space<vmem>>, vector<1x16xi32>,
        %get3A_563 = vector.shape_cast %get3A_562 : vector<1x16xi32> to vector<16xi32>
        %lt3A_564 = arith.constant 0 : i32
        %lt3A_565 = vector.broadcast %lt3A_564 : i32 to vector<16xi32>
        %lt3A_566 = arith.cmpi slt, %get3A_563, %lt3A_565 : vector<16xi32>
        %add3A_567 = arith.constant 16 : i32
        %add3A_568 = vector.broadcast %add3A_567 : i32 to vector<16xi32>
        %add3A_569 = arith.addi %get3A_563, %add3A_568 : vector<16xi32>
        %select_n3A_570 = arith.select %lt3A_566, %add3A_569, %get3A_563 : vector<16xi1>, vector<16xi32>
        %broadcast_in_dim3A = vector.shape_cast %select_n3A_570 : vector<16xi32> to vector<16x1xi32>
        %gather3A = vector.shape_cast %broadcast_in_dim3A : vector<16x1xi32> to vector<16xi32>
        %gather3A_571 = tpu.dynamic_gather %get3A_123[%gather3A] in [0] : vector<16xf32>, vector<16xi32> -> vector<16xf32>
        %mul3A_572 = arith.constant 16 : i32
        %mul3A_573 = arith.muli %scan3A_557, %mul3A_572 : i32
        %swap3A = arith.constant 0 : i32
        %swap3A_574 = arith.constant 0 : i32
        %swap3A_575 = arith.index_cast %swap3A : i32 to index
        %swap3A_576 = arith.index_cast %swap3A_574 : i32 to index
        %swap3A_577 = arith.index_cast %mul3A_573 : i32 to index
        %swap3A_578 = tpu.vector_load %arg7[%swap3A_575, %swap3A_576, %swap3A_577] {strides = array<i32>} : memref<2x16x1024xf32, #tpu.memory_space<vmem>>, vector<1x1x16xf32>,
        %swap3A_579 = vector.shape_cast %swap3A_578 : vector<1x1x16xf32> to vector<16xf32>
        %swap3A_580 = vector.shape_cast %gather3A_571 : vector<16xf32> to vector<1x1x16xf32>
        tpu.vector_store %arg7[%swap3A_575, %swap3A_576, %swap3A_577], %swap3A_580 {strides = array<i32>} : memref<2x16x1024xf32, #tpu.memory_space<vmem>>, vector<1x1x16xf32>,
        %lt3A_581 = arith.constant 0 : i32
        %lt3A_582 = vector.broadcast %lt3A_581 : i32 to vector<16xi32>
        %lt3A_583 = arith.cmpi slt, %get3A_563, %lt3A_582 : vector<16xi32>
        %add3A_584 = arith.constant 16 : i32
        %add3A_585 = vector.broadcast %add3A_584 : i32 to vector<16xi32>
        %add3A_586 = arith.addi %get3A_563, %add3A_585 : vector<16xi32>
        %select_n3A_587 = arith.select %lt3A_583, %add3A_586, %get3A_563 : vector<16xi1>, vector<16xi32>
        %broadcast_in_dim3A_588 = vector.shape_cast %select_n3A_587 : vector<16xi32> to vector<16x1xi32>
        %gather3A_589 = vector.shape_cast %broadcast_in_dim3A_588 : vector<16x1xi32> to vector<16xi32>
        %gather3A_590 = tpu.dynamic_gather %get3A_128[%gather3A_589] in [0] : vector<16xf32>, vector<16xi32> -> vector<16xf32>
        %mul3A_591 = arith.constant 16 : i32
        %mul3A_592 = arith.muli %scan3A_557, %mul3A_591 : i32
        %swap3A_593 = arith.constant 0 : i32
        %swap3A_594 = arith.constant 1 : i32
        %swap3A_595 = arith.index_cast %swap3A_593 : i32 to index
        %swap3A_596 = arith.index_cast %swap3A_594 : i32 to index
        %swap3A_597 = arith.index_cast %mul3A_592 : i32 to index
        %swap3A_598 = tpu.vector_load %arg7[%swap3A_595, %swap3A_596, %swap3A_597] {strides = array<i32>} : memref<2x16x1024xf32, #tpu.memory_space<vmem>>, vector<1x1x16xf32>,
        %swap3A_599 = vector.shape_cast %swap3A_598 : vector<1x1x16xf32> to vector<16xf32>
        %swap3A_600 = vector.shape_cast %gather3A_590 : vector<16xf32> to vector<1x1x16xf32>
        tpu.vector_store %arg7[%swap3A_595, %swap3A_596, %swap3A_597], %swap3A_600 {strides = array<i32>} : memref<2x16x1024xf32, #tpu.memory_space<vmem>>, vector<1x1x16xf32>,
        %lt3A_601 = arith.constant 0 : i32
        %lt3A_602 = vector.broadcast %lt3A_601 : i32 to vector<16xi32>
        %lt3A_603 = arith.cmpi slt, %get3A_563, %lt3A_602 : vector<16xi32>
        %add3A_604 = arith.constant 16 : i32
        %add3A_605 = vector.broadcast %add3A_604 : i32 to vector<16xi32>
        %add3A_606 = arith.addi %get3A_563, %add3A_605 : vector<16xi32>
        %select_n3A_607 = arith.select %lt3A_603, %add3A_606, %get3A_563 : vector<16xi1>, vector<16xi32>
        %broadcast_in_dim3A_608 = vector.shape_cast %select_n3A_607 : vector<16xi32> to vector<16x1xi32>
        %gather3A_609 = vector.shape_cast %broadcast_in_dim3A_608 : vector<16x1xi32> to vector<16xi32>
        %gather3A_610 = tpu.dynamic_gather %get3A_133[%gather3A_609] in [0] : vector<16xf32>, vector<16xi32> -> vector<16xf32>
        %mul3A_611 = arith.constant 16 : i32
        %mul3A_612 = arith.muli %scan3A_557, %mul3A_611 : i32
        %swap3A_613 = arith.constant 0 : i32
        %swap3A_614 = arith.constant 2 : i32
        %swap3A_615 = arith.index_cast %swap3A_613 : i32 to index
        %swap3A_616 = arith.index_cast %swap3A_614 : i32 to index
        %swap3A_617 = arith.index_cast %mul3A_612 : i32 to index
        %swap3A_618 = tpu.vector_load %arg7[%swap3A_615, %swap3A_616, %swap3A_617] {strides = array<i32>} : memref<2x16x1024xf32, #tpu.memory_space<vmem>>, vector<1x1x16xf32>,
        %swap3A_619 = vector.shape_cast %swap3A_618 : vector<1x1x16xf32> to vector<16xf32>
        %swap3A_620 = vector.shape_cast %gather3A_610 : vector<16xf32> to vector<1x1x16xf32>
        tpu.vector_store %arg7[%swap3A_615, %swap3A_616, %swap3A_617], %swap3A_620 {strides = array<i32>} : memref<2x16x1024xf32, #tpu.memory_space<vmem>>, vector<1x1x16xf32>,
        %lt3A_621 = arith.constant 0 : i32
        %lt3A_622 = vector.broadcast %lt3A_621 : i32 to vector<16xi32>
        %lt3A_623 = arith.cmpi slt, %get3A_563, %lt3A_622 : vector<16xi32>
        %add3A_624 = arith.constant 16 : i32
        %add3A_625 = vector.broadcast %add3A_624 : i32 to vector<16xi32>
        %add3A_626 = arith.addi %get3A_563, %add3A_625 : vector<16xi32>
        %select_n3A_627 = arith.select %lt3A_623, %add3A_626, %get3A_563 : vector<16xi1>, vector<16xi32>
        %broadcast_in_dim3A_628 = vector.shape_cast %select_n3A_627 : vector<16xi32> to vector<16x1xi32>
        %gather3A_629 = vector.shape_cast %broadcast_in_dim3A_628 : vector<16x1xi32> to vector<16xi32>
        %gather3A_630 = tpu.dynamic_gather %get3A_138[%gather3A_629] in [0] : vector<16xf32>, vector<16xi32> -> vector<16xf32>
        %mul3A_631 = arith.constant 16 : i32
        %mul3A_632 = arith.muli %scan3A_557, %mul3A_631 : i32
        %swap3A_633 = arith.constant 0 : i32
        %swap3A_634 = arith.constant 3 : i32
        %swap3A_635 = arith.index_cast %swap3A_633 : i32 to index
        %swap3A_636 = arith.index_cast %swap3A_634 : i32 to index
        %swap3A_637 = arith.index_cast %mul3A_632 : i32 to index
        %swap3A_638 = tpu.vector_load %arg7[%swap3A_635, %swap3A_636, %swap3A_637] {strides = array<i32>} : memref<2x16x1024xf32, #tpu.memory_space<vmem>>, vector<1x1x16xf32>,
        %swap3A_639 = vector.shape_cast %swap3A_638 : vector<1x1x16xf32> to vector<16xf32>
        %swap3A_640 = vector.shape_cast %gather3A_630 : vector<16xf32> to vector<1x1x16xf32>
        tpu.vector_store %arg7[%swap3A_635, %swap3A_636, %swap3A_637], %swap3A_640 {strides = array<i32>} : memref<2x16x1024xf32, #tpu.memory_space<vmem>>, vector<1x1x16xf32>,
        %lt3A_641 = arith.constant 0 : i32
        %lt3A_642 = vector.broadcast %lt3A_641 : i32 to vector<16xi32>
        %lt3A_643 = arith.cmpi slt, %get3A_563, %lt3A_642 : vector<16xi32>
        %add3A_644 = arith.constant 16 : i32
        %add3A_645 = vector.broadcast %add3A_644 : i32 to vector<16xi32>
        %add3A_646 = arith.addi %get3A_563, %add3A_645 : vector<16xi32>
        %select_n3A_647 = arith.select %lt3A_643, %add3A_646, %get3A_563 : vector<16xi1>, vector<16xi32>
        %broadcast_in_dim3A_648 = vector.shape_cast %select_n3A_647 : vector<16xi32> to vector<16x1xi32>
        %gather3A_649 = vector.shape_cast %broadcast_in_dim3A_648 : vector<16x1xi32> to vector<16xi32>
        %gather3A_650 = tpu.dynamic_gather %get3A_143[%gather3A_649] in [0] : vector<16xf32>, vector<16xi32> -> vector<16xf32>
        %mul3A_651 = arith.constant 16 : i32
        %mul3A_652 = arith.muli %scan3A_557, %mul3A_651 : i32
        %swap3A_653 = arith.constant 0 : i32
        %swap3A_654 = arith.constant 4 : i32
        %swap3A_655 = arith.index_cast %swap3A_653 : i32 to index
        %swap3A_656 = arith.index_cast %swap3A_654 : i32 to index
        %swap3A_657 = arith.index_cast %mul3A_652 : i32 to index
        %swap3A_658 = tpu.vector_load %arg7[%swap3A_655, %swap3A_656, %swap3A_657] {strides = array<i32>} : memref<2x16x1024xf32, #tpu.memory_space<vmem>>, vector<1x1x16xf32>,
        %swap3A_659 = vector.shape_cast %swap3A_658 : vector<1x1x16xf32> to vector<16xf32>
        %swap3A_660 = vector.shape_cast %gather3A_650 : vector<16xf32> to vector<1x1x16xf32>
        tpu.vector_store %arg7[%swap3A_655, %swap3A_656, %swap3A_657], %swap3A_660 {strides = array<i32>} : memref<2x16x1024xf32, #tpu.memory_space<vmem>>, vector<1x1x16xf32>,
        %lt3A_661 = arith.constant 0 : i32
        %lt3A_662 = vector.broadcast %lt3A_661 : i32 to vector<16xi32>
        %lt3A_663 = arith.cmpi slt, %get3A_563, %lt3A_662 : vector<16xi32>
        %add3A_664 = arith.constant 16 : i32
        %add3A_665 = vector.broadcast %add3A_664 : i32 to vector<16xi32>
        %add3A_666 = arith.addi %get3A_563, %add3A_665 : vector<16xi32>
        %select_n3A_667 = arith.select %lt3A_663, %add3A_666, %get3A_563 : vector<16xi1>, vector<16xi32>
        %broadcast_in_dim3A_668 = vector.shape_cast %select_n3A_667 : vector<16xi32> to vector<16x1xi32>
        %gather3A_669 = vector.shape_cast %broadcast_in_dim3A_668 : vector<16x1xi32> to vector<16xi32>
        %gather3A_670 = tpu.dynamic_gather %get3A_148[%gather3A_669] in [0] : vector<16xf32>, vector<16xi32> -> vector<16xf32>
        %mul3A_671 = arith.constant 16 : i32
        %mul3A_672 = arith.muli %scan3A_557, %mul3A_671 : i32
        %swap3A_673 = arith.constant 0 : i32
        %swap3A_674 = arith.constant 5 : i32
        %swap3A_675 = arith.index_cast %swap3A_673 : i32 to index
        %swap3A_676 = arith.index_cast %swap3A_674 : i32 to index
        %swap3A_677 = arith.index_cast %mul3A_672 : i32 to index
        %swap3A_678 = tpu.vector_load %arg7[%swap3A_675, %swap3A_676, %swap3A_677] {strides = array<i32>} : memref<2x16x1024xf32, #tpu.memory_space<vmem>>, vector<1x1x16xf32>,
        %swap3A_679 = vector.shape_cast %swap3A_678 : vector<1x1x16xf32> to vector<16xf32>
        %swap3A_680 = vector.shape_cast %gather3A_670 : vector<16xf32> to vector<1x1x16xf32>
        tpu.vector_store %arg7[%swap3A_675, %swap3A_676, %swap3A_677], %swap3A_680 {strides = array<i32>} : memref<2x16x1024xf32, #tpu.memory_space<vmem>>, vector<1x1x16xf32>,
        %lt3A_681 = arith.constant 0 : i32
        %lt3A_682 = vector.broadcast %lt3A_681 : i32 to vector<16xi32>
        %lt3A_683 = arith.cmpi slt, %get3A_563, %lt3A_682 : vector<16xi32>
        %add3A_684 = arith.constant 16 : i32
        %add3A_685 = vector.broadcast %add3A_684 : i32 to vector<16xi32>
        %add3A_686 = arith.addi %get3A_563, %add3A_685 : vector<16xi32>
        %select_n3A_687 = arith.select %lt3A_683, %add3A_686, %get3A_563 : vector<16xi1>, vector<16xi32>
        %broadcast_in_dim3A_688 = vector.shape_cast %select_n3A_687 : vector<16xi32> to vector<16x1xi32>
        %gather3A_689 = vector.shape_cast %broadcast_in_dim3A_688 : vector<16x1xi32> to vector<16xi32>
        %gather3A_690 = tpu.dynamic_gather %get3A_153[%gather3A_689] in [0] : vector<16xf32>, vector<16xi32> -> vector<16xf32>
        %mul3A_691 = arith.constant 16 : i32
        %mul3A_692 = arith.muli %scan3A_557, %mul3A_691 : i32
        %swap3A_693 = arith.constant 0 : i32
        %swap3A_694 = arith.constant 6 : i32
        %swap3A_695 = arith.index_cast %swap3A_693 : i32 to index
        %swap3A_696 = arith.index_cast %swap3A_694 : i32 to index
        %swap3A_697 = arith.index_cast %mul3A_692 : i32 to index
        %swap3A_698 = tpu.vector_load %arg7[%swap3A_695, %swap3A_696, %swap3A_697] {strides = array<i32>} : memref<2x16x1024xf32, #tpu.memory_space<vmem>>, vector<1x1x16xf32>,
        %swap3A_699 = vector.shape_cast %swap3A_698 : vector<1x1x16xf32> to vector<16xf32>
        %swap3A_700 = vector.shape_cast %gather3A_690 : vector<16xf32> to vector<1x1x16xf32>
        tpu.vector_store %arg7[%swap3A_695, %swap3A_696, %swap3A_697], %swap3A_700 {strides = array<i32>} : memref<2x16x1024xf32, #tpu.memory_space<vmem>>, vector<1x1x16xf32>,
        %lt3A_701 = arith.constant 0 : i32
        %lt3A_702 = vector.broadcast %lt3A_701 : i32 to vector<16xi32>
        %lt3A_703 = arith.cmpi slt, %get3A_563, %lt3A_702 : vector<16xi32>
        %add3A_704 = arith.constant 16 : i32
        %add3A_705 = vector.broadcast %add3A_704 : i32 to vector<16xi32>
        %add3A_706 = arith.addi %get3A_563, %add3A_705 : vector<16xi32>
        %select_n3A_707 = arith.select %lt3A_703, %add3A_706, %get3A_563 : vector<16xi1>, vector<16xi32>
        %broadcast_in_dim3A_708 = vector.shape_cast %select_n3A_707 : vector<16xi32> to vector<16x1xi32>
        %gather3A_709 = vector.shape_cast %broadcast_in_dim3A_708 : vector<16x1xi32> to vector<16xi32>
        %gather3A_710 = tpu.dynamic_gather %get3A_158[%gather3A_709] in [0] : vector<16xf32>, vector<16xi32> -> vector<16xf32>
        %mul3A_711 = arith.constant 16 : i32
        %mul3A_712 = arith.muli %scan3A_557, %mul3A_711 : i32
        %swap3A_713 = arith.constant 0 : i32
        %swap3A_714 = arith.constant 7 : i32
        %swap3A_715 = arith.index_cast %swap3A_713 : i32 to index
        %swap3A_716 = arith.index_cast %swap3A_714 : i32 to index
        %swap3A_717 = arith.index_cast %mul3A_712 : i32 to index
        %swap3A_718 = tpu.vector_load %arg7[%swap3A_715, %swap3A_716, %swap3A_717] {strides = array<i32>} : memref<2x16x1024xf32, #tpu.memory_space<vmem>>, vector<1x1x16xf32>,
        %swap3A_719 = vector.shape_cast %swap3A_718 : vector<1x1x16xf32> to vector<16xf32>
        %swap3A_720 = vector.shape_cast %gather3A_710 : vector<16xf32> to vector<1x1x16xf32>
        tpu.vector_store %arg7[%swap3A_715, %swap3A_716, %swap3A_717], %swap3A_720 {strides = array<i32>} : memref<2x16x1024xf32, #tpu.memory_space<vmem>>, vector<1x1x16xf32>,
        %lt3A_721 = arith.constant 0 : i32
        %lt3A_722 = vector.broadcast %lt3A_721 : i32 to vector<16xi32>
        %lt3A_723 = arith.cmpi slt, %get3A_563, %lt3A_722 : vector<16xi32>
        %add3A_724 = arith.constant 16 : i32
        %add3A_725 = vector.broadcast %add3A_724 : i32 to vector<16xi32>
        %add3A_726 = arith.addi %get3A_563, %add3A_725 : vector<16xi32>
        %select_n3A_727 = arith.select %lt3A_723, %add3A_726, %get3A_563 : vector<16xi1>, vector<16xi32>
        %broadcast_in_dim3A_728 = vector.shape_cast %select_n3A_727 : vector<16xi32> to vector<16x1xi32>
        %gather3A_729 = vector.shape_cast %broadcast_in_dim3A_728 : vector<16x1xi32> to vector<16xi32>
        %gather3A_730 = tpu.dynamic_gather %get3A_163[%gather3A_729] in [0] : vector<16xf32>, vector<16xi32> -> vector<16xf32>
        %mul3A_731 = arith.constant 16 : i32
        %mul3A_732 = arith.muli %scan3A_557, %mul3A_731 : i32
        %swap3A_733 = arith.constant 0 : i32
        %swap3A_734 = arith.constant 8 : i32
        %swap3A_735 = arith.index_cast %swap3A_733 : i32 to index
        %swap3A_736 = arith.index_cast %swap3A_734 : i32 to index
        %swap3A_737 = arith.index_cast %mul3A_732 : i32 to index
        %swap3A_738 = tpu.vector_load %arg7[%swap3A_735, %swap3A_736, %swap3A_737] {strides = array<i32>} : memref<2x16x1024xf32, #tpu.memory_space<vmem>>, vector<1x1x16xf32>,
        %swap3A_739 = vector.shape_cast %swap3A_738 : vector<1x1x16xf32> to vector<16xf32>
        %swap3A_740 = vector.shape_cast %gather3A_730 : vector<16xf32> to vector<1x1x16xf32>
        tpu.vector_store %arg7[%swap3A_735, %swap3A_736, %swap3A_737], %swap3A_740 {strides = array<i32>} : memref<2x16x1024xf32, #tpu.memory_space<vmem>>, vector<1x1x16xf32>,
        %lt3A_741 = arith.constant 0 : i32
        %lt3A_742 = vector.broadcast %lt3A_741 : i32 to vector<16xi32>
        %lt3A_743 = arith.cmpi slt, %get3A_563, %lt3A_742 : vector<16xi32>
        %add3A_744 = arith.constant 16 : i32
        %add3A_745 = vector.broadcast %add3A_744 : i32 to vector<16xi32>
        %add3A_746 = arith.addi %get3A_563, %add3A_745 : vector<16xi32>
        %select_n3A_747 = arith.select %lt3A_743, %add3A_746, %get3A_563 : vector<16xi1>, vector<16xi32>
        %broadcast_in_dim3A_748 = vector.shape_cast %select_n3A_747 : vector<16xi32> to vector<16x1xi32>
        %gather3A_749 = vector.shape_cast %broadcast_in_dim3A_748 : vector<16x1xi32> to vector<16xi32>
        %gather3A_750 = tpu.dynamic_gather %get3A_168[%gather3A_749] in [0] : vector<16xf32>, vector<16xi32> -> vector<16xf32>
        %mul3A_751 = arith.constant 16 : i32
        %mul3A_752 = arith.muli %scan3A_557, %mul3A_751 : i32
        %swap3A_753 = arith.constant 0 : i32
        %swap3A_754 = arith.constant 9 : i32
        %swap3A_755 = arith.index_cast %swap3A_753 : i32 to index
        %swap3A_756 = arith.index_cast %swap3A_754 : i32 to index
        %swap3A_757 = arith.index_cast %mul3A_752 : i32 to index
        %swap3A_758 = tpu.vector_load %arg7[%swap3A_755, %swap3A_756, %swap3A_757] {strides = array<i32>} : memref<2x16x1024xf32, #tpu.memory_space<vmem>>, vector<1x1x16xf32>,
        %swap3A_759 = vector.shape_cast %swap3A_758 : vector<1x1x16xf32> to vector<16xf32>
        %swap3A_760 = vector.shape_cast %gather3A_750 : vector<16xf32> to vector<1x1x16xf32>
        tpu.vector_store %arg7[%swap3A_755, %swap3A_756, %swap3A_757], %swap3A_760 {strides = array<i32>} : memref<2x16x1024xf32, #tpu.memory_space<vmem>>, vector<1x1x16xf32>,
        %lt3A_761 = arith.constant 0 : i32
        %lt3A_762 = vector.broadcast %lt3A_761 : i32 to vector<16xi32>
        %lt3A_763 = arith.cmpi slt, %get3A_563, %lt3A_762 : vector<16xi32>
        %add3A_764 = arith.constant 16 : i32
        %add3A_765 = vector.broadcast %add3A_764 : i32 to vector<16xi32>
        %add3A_766 = arith.addi %get3A_563, %add3A_765 : vector<16xi32>
        %select_n3A_767 = arith.select %lt3A_763, %add3A_766, %get3A_563 : vector<16xi1>, vector<16xi32>
        %broadcast_in_dim3A_768 = vector.shape_cast %select_n3A_767 : vector<16xi32> to vector<16x1xi32>
        %gather3A_769 = vector.shape_cast %broadcast_in_dim3A_768 : vector<16x1xi32> to vector<16xi32>
        %gather3A_770 = tpu.dynamic_gather %get3A_173[%gather3A_769] in [0] : vector<16xf32>, vector<16xi32> -> vector<16xf32>
        %mul3A_771 = arith.constant 16 : i32
        %mul3A_772 = arith.muli %scan3A_557, %mul3A_771 : i32
        %swap3A_773 = arith.constant 0 : i32
        %swap3A_774 = arith.constant 10 : i32
        %swap3A_775 = arith.index_cast %swap3A_773 : i32 to index
        %swap3A_776 = arith.index_cast %swap3A_774 : i32 to index
        %swap3A_777 = arith.index_cast %mul3A_772 : i32 to index
        %swap3A_778 = tpu.vector_load %arg7[%swap3A_775, %swap3A_776, %swap3A_777] {strides = array<i32>} : memref<2x16x1024xf32, #tpu.memory_space<vmem>>, vector<1x1x16xf32>,
        %swap3A_779 = vector.shape_cast %swap3A_778 : vector<1x1x16xf32> to vector<16xf32>
        %swap3A_780 = vector.shape_cast %gather3A_770 : vector<16xf32> to vector<1x1x16xf32>
        tpu.vector_store %arg7[%swap3A_775, %swap3A_776, %swap3A_777], %swap3A_780 {strides = array<i32>} : memref<2x16x1024xf32, #tpu.memory_space<vmem>>, vector<1x1x16xf32>,
        %lt3A_781 = arith.constant 0 : i32
        %lt3A_782 = vector.broadcast %lt3A_781 : i32 to vector<16xi32>
        %lt3A_783 = arith.cmpi slt, %get3A_563, %lt3A_782 : vector<16xi32>
        %add3A_784 = arith.constant 16 : i32
        %add3A_785 = vector.broadcast %add3A_784 : i32 to vector<16xi32>
        %add3A_786 = arith.addi %get3A_563, %add3A_785 : vector<16xi32>
        %select_n3A_787 = arith.select %lt3A_783, %add3A_786, %get3A_563 : vector<16xi1>, vector<16xi32>
        %broadcast_in_dim3A_788 = vector.shape_cast %select_n3A_787 : vector<16xi32> to vector<16x1xi32>
        %gather3A_789 = vector.shape_cast %broadcast_in_dim3A_788 : vector<16x1xi32> to vector<16xi32>
        %gather3A_790 = tpu.dynamic_gather %get3A_178[%gather3A_789] in [0] : vector<16xf32>, vector<16xi32> -> vector<16xf32>
        %mul3A_791 = arith.constant 16 : i32
        %mul3A_792 = arith.muli %scan3A_557, %mul3A_791 : i32
        %swap3A_793 = arith.constant 0 : i32
        %swap3A_794 = arith.constant 11 : i32
        %swap3A_795 = arith.index_cast %swap3A_793 : i32 to index
        %swap3A_796 = arith.index_cast %swap3A_794 : i32 to index
        %swap3A_797 = arith.index_cast %mul3A_792 : i32 to index
        %swap3A_798 = tpu.vector_load %arg7[%swap3A_795, %swap3A_796, %swap3A_797] {strides = array<i32>} : memref<2x16x1024xf32, #tpu.memory_space<vmem>>, vector<1x1x16xf32>,
        %swap3A_799 = vector.shape_cast %swap3A_798 : vector<1x1x16xf32> to vector<16xf32>
        %swap3A_800 = vector.shape_cast %gather3A_790 : vector<16xf32> to vector<1x1x16xf32>
        tpu.vector_store %arg7[%swap3A_795, %swap3A_796, %swap3A_797], %swap3A_800 {strides = array<i32>} : memref<2x16x1024xf32, #tpu.memory_space<vmem>>, vector<1x1x16xf32>,
        %lt3A_801 = arith.constant 0 : i32
        %lt3A_802 = vector.broadcast %lt3A_801 : i32 to vector<16xi32>
        %lt3A_803 = arith.cmpi slt, %get3A_563, %lt3A_802 : vector<16xi32>
        %add3A_804 = arith.constant 16 : i32
        %add3A_805 = vector.broadcast %add3A_804 : i32 to vector<16xi32>
        %add3A_806 = arith.addi %get3A_563, %add3A_805 : vector<16xi32>
        %select_n3A_807 = arith.select %lt3A_803, %add3A_806, %get3A_563 : vector<16xi1>, vector<16xi32>
        %broadcast_in_dim3A_808 = vector.shape_cast %select_n3A_807 : vector<16xi32> to vector<16x1xi32>
        %gather3A_809 = vector.shape_cast %broadcast_in_dim3A_808 : vector<16x1xi32> to vector<16xi32>
        %gather3A_810 = tpu.dynamic_gather %get3A_183[%gather3A_809] in [0] : vector<16xf32>, vector<16xi32> -> vector<16xf32>
        %mul3A_811 = arith.constant 16 : i32
        %mul3A_812 = arith.muli %scan3A_557, %mul3A_811 : i32
        %swap3A_813 = arith.constant 0 : i32
        %swap3A_814 = arith.constant 12 : i32
        %swap3A_815 = arith.index_cast %swap3A_813 : i32 to index
        %swap3A_816 = arith.index_cast %swap3A_814 : i32 to index
        %swap3A_817 = arith.index_cast %mul3A_812 : i32 to index
        %swap3A_818 = tpu.vector_load %arg7[%swap3A_815, %swap3A_816, %swap3A_817] {strides = array<i32>} : memref<2x16x1024xf32, #tpu.memory_space<vmem>>, vector<1x1x16xf32>,
        %swap3A_819 = vector.shape_cast %swap3A_818 : vector<1x1x16xf32> to vector<16xf32>
        %swap3A_820 = vector.shape_cast %gather3A_810 : vector<16xf32> to vector<1x1x16xf32>
        tpu.vector_store %arg7[%swap3A_815, %swap3A_816, %swap3A_817], %swap3A_820 {strides = array<i32>} : memref<2x16x1024xf32, #tpu.memory_space<vmem>>, vector<1x1x16xf32>,
        %lt3A_821 = arith.constant 0 : i32
        %lt3A_822 = vector.broadcast %lt3A_821 : i32 to vector<16xi32>
        %lt3A_823 = arith.cmpi slt, %get3A_563, %lt3A_822 : vector<16xi32>
        %add3A_824 = arith.constant 16 : i32
        %add3A_825 = vector.broadcast %add3A_824 : i32 to vector<16xi32>
        %add3A_826 = arith.addi %get3A_563, %add3A_825 : vector<16xi32>
        %select_n3A_827 = arith.select %lt3A_823, %add3A_826, %get3A_563 : vector<16xi1>, vector<16xi32>
        %broadcast_in_dim3A_828 = vector.shape_cast %select_n3A_827 : vector<16xi32> to vector<16x1xi32>
        %gather3A_829 = vector.shape_cast %broadcast_in_dim3A_828 : vector<16x1xi32> to vector<16xi32>
        %gather3A_830 = tpu.dynamic_gather %get3A_188[%gather3A_829] in [0] : vector<16xf32>, vector<16xi32> -> vector<16xf32>
        %mul3A_831 = arith.constant 16 : i32
        %mul3A_832 = arith.muli %scan3A_557, %mul3A_831 : i32
        %swap3A_833 = arith.constant 0 : i32
        %swap3A_834 = arith.constant 13 : i32
        %swap3A_835 = arith.index_cast %swap3A_833 : i32 to index
        %swap3A_836 = arith.index_cast %swap3A_834 : i32 to index
        %swap3A_837 = arith.index_cast %mul3A_832 : i32 to index
        %swap3A_838 = tpu.vector_load %arg7[%swap3A_835, %swap3A_836, %swap3A_837] {strides = array<i32>} : memref<2x16x1024xf32, #tpu.memory_space<vmem>>, vector<1x1x16xf32>,
        %swap3A_839 = vector.shape_cast %swap3A_838 : vector<1x1x16xf32> to vector<16xf32>
        %swap3A_840 = vector.shape_cast %gather3A_830 : vector<16xf32> to vector<1x1x16xf32>
        tpu.vector_store %arg7[%swap3A_835, %swap3A_836, %swap3A_837], %swap3A_840 {strides = array<i32>} : memref<2x16x1024xf32, #tpu.memory_space<vmem>>, vector<1x1x16xf32>,
        %lt3A_841 = arith.constant 0 : i32
        %lt3A_842 = vector.broadcast %lt3A_841 : i32 to vector<16xi32>
        %lt3A_843 = arith.cmpi slt, %get3A_563, %lt3A_842 : vector<16xi32>
        %add3A_844 = arith.constant 16 : i32
        %add3A_845 = vector.broadcast %add3A_844 : i32 to vector<16xi32>
        %add3A_846 = arith.addi %get3A_563, %add3A_845 : vector<16xi32>
        %select_n3A_847 = arith.select %lt3A_843, %add3A_846, %get3A_563 : vector<16xi1>, vector<16xi32>
        %broadcast_in_dim3A_848 = vector.shape_cast %select_n3A_847 : vector<16xi32> to vector<16x1xi32>
        %gather3A_849 = vector.shape_cast %broadcast_in_dim3A_848 : vector<16x1xi32> to vector<16xi32>
        %gather3A_850 = tpu.dynamic_gather %get3A_193[%gather3A_849] in [0] : vector<16xf32>, vector<16xi32> -> vector<16xf32>
        %mul3A_851 = arith.constant 16 : i32
        %mul3A_852 = arith.muli %scan3A_557, %mul3A_851 : i32
        %swap3A_853 = arith.constant 0 : i32
        %swap3A_854 = arith.constant 14 : i32
        %swap3A_855 = arith.index_cast %swap3A_853 : i32 to index
        %swap3A_856 = arith.index_cast %swap3A_854 : i32 to index
        %swap3A_857 = arith.index_cast %mul3A_852 : i32 to index
        %swap3A_858 = tpu.vector_load %arg7[%swap3A_855, %swap3A_856, %swap3A_857] {strides = array<i32>} : memref<2x16x1024xf32, #tpu.memory_space<vmem>>, vector<1x1x16xf32>,
        %swap3A_859 = vector.shape_cast %swap3A_858 : vector<1x1x16xf32> to vector<16xf32>
        %swap3A_860 = vector.shape_cast %gather3A_850 : vector<16xf32> to vector<1x1x16xf32>
        tpu.vector_store %arg7[%swap3A_855, %swap3A_856, %swap3A_857], %swap3A_860 {strides = array<i32>} : memref<2x16x1024xf32, #tpu.memory_space<vmem>>, vector<1x1x16xf32>,
        %lt3A_861 = arith.constant 0 : i32
        %lt3A_862 = vector.broadcast %lt3A_861 : i32 to vector<16xi32>
        %lt3A_863 = arith.cmpi slt, %get3A_563, %lt3A_862 : vector<16xi32>
        %add3A_864 = arith.constant 16 : i32
        %add3A_865 = vector.broadcast %add3A_864 : i32 to vector<16xi32>
        %add3A_866 = arith.addi %get3A_563, %add3A_865 : vector<16xi32>
        %select_n3A_867 = arith.select %lt3A_863, %add3A_866, %get3A_563 : vector<16xi1>, vector<16xi32>
        %broadcast_in_dim3A_868 = vector.shape_cast %select_n3A_867 : vector<16xi32> to vector<16x1xi32>
        %gather3A_869 = vector.shape_cast %broadcast_in_dim3A_868 : vector<16x1xi32> to vector<16xi32>
        %gather3A_870 = tpu.dynamic_gather %get3A_198[%gather3A_869] in [0] : vector<16xf32>, vector<16xi32> -> vector<16xf32>
        %mul3A_871 = arith.constant 16 : i32
        %mul3A_872 = arith.muli %scan3A_557, %mul3A_871 : i32
        %swap3A_873 = arith.constant 0 : i32
        %swap3A_874 = arith.constant 15 : i32
        %swap3A_875 = arith.index_cast %swap3A_873 : i32 to index
        %swap3A_876 = arith.index_cast %swap3A_874 : i32 to index
        %swap3A_877 = arith.index_cast %mul3A_872 : i32 to index
        %swap3A_878 = tpu.vector_load %arg7[%swap3A_875, %swap3A_876, %swap3A_877] {strides = array<i32>} : memref<2x16x1024xf32, #tpu.memory_space<vmem>>, vector<1x1x16xf32>,
        %swap3A_879 = vector.shape_cast %swap3A_878 : vector<1x1x16xf32> to vector<16xf32>
        %swap3A_880 = vector.shape_cast %gather3A_870 : vector<16xf32> to vector<1x1x16xf32>
        tpu.vector_store %arg7[%swap3A_875, %swap3A_876, %swap3A_877], %swap3A_880 {strides = array<i32>} : memref<2x16x1024xf32, #tpu.memory_space<vmem>>, vector<1x1x16xf32>,
      }
      %scan3A_203 = arith.constant 64 : i32
      %dma_start3A_204 = arith.constant 0 : i32
      %dma_start3A_205 = arith.constant 0 : i32
      %dma_start3A_206 = arith.constant 0 : i32
      %dma_start3A_207 = tpu.memref_slice %arg7[%dma_start3A_204, %dma_start3A_205, %dma_start3A_206] : memref<2x16x1024xf32, #tpu.memory_space<vmem>> -> memref<1x16x1024xf32, #tpu.memory_space<vmem>>
      %dma_start3A_208 = tpu.memref_squeeze %dma_start3A_207 : memref<1x16x1024xf32, #tpu.memory_space<vmem>> -> memref<16x1024xf32, #tpu.memory_space<vmem>>
      %dma_start3A_209 = arith.constant 0 : i32
      %dma_start3A_210 = arith.constant 0 : i32
      %dma_start3A_211 = tpu.memref_slice %arg4[%add3A_78, %dma_start3A_209, %dma_start3A_210] : memref<900x64x1024xf32, #tpu.memory_space<hbm>> -> memref<1x16x1024xf32, #tpu.memory_space<hbm>>
      %dma_start3A_212 = tpu.memref_squeeze %dma_start3A_211 : memref<1x16x1024xf32, #tpu.memory_space<hbm>> -> memref<16x1024xf32, #tpu.memory_space<hbm>>
      %dma_start3A_213 = arith.constant 0 : i32
      %dma_start3A_214 = arith.constant 0 : i32
      %dma_start3A_215 = tpu.memref_slice %arg4[%add3A_78, %dma_start3A_213, %dma_start3A_214] : memref<900x64x1024xf32, #tpu.memory_space<hbm>> -> memref<1x16x1024xf32, #tpu.memory_space<hbm>>
      %dma_start3A_216 = tpu.memref_squeeze %dma_start3A_215 : memref<1x16x1024xf32, #tpu.memory_space<hbm>> -> memref<16x1024xf32, #tpu.memory_space<hbm>>
      %dma_start3A_217 = arith.constant 0 : i32
      %dma_start3A_218 = arith.constant 0 : i32
      %dma_start3A_219 = tpu.memref_slice %arg7[%dma_start3A_204, %dma_start3A_217, %dma_start3A_218] : memref<2x16x1024xf32, #tpu.memory_space<vmem>> -> memref<1x16x1024xf32, #tpu.memory_space<vmem>>
      %dma_start3A_220 = tpu.memref_squeeze %dma_start3A_219 : memref<1x16x1024xf32, #tpu.memory_space<vmem>> -> memref<16x1024xf32, #tpu.memory_space<vmem>>
      tpu.enqueue_dma source(%dma_start3A_220 : memref<16x1024xf32, #tpu.memory_space<vmem>>) target(%dma_start3A_216 : memref<16x1024xf32, #tpu.memory_space<hbm>>) target_semaphore(%arg10 : memref<!tpu.dma_semaphore, #tpu.memory_space<semaphore_mem>>)
      %mul3A_221 = arith.constant 4 : i32
      %mul3A_222 = arith.muli %while3A_65, %mul3A_221 : i32
      %add3A_223 = arith.constant 1 : i32
      %add3A_224 = arith.addi %mul3A_222, %add3A_223 : i32
      %ge3A_225 = arith.constant 2 : i32
      %ge3A_226 = arith.cmpi sge, %add3A_224, %ge3A_225 : i32
      %convert_element_type3A_227 = arith.extui %ge3A_226 : i1 to i32
      %cond3A_228 = arith.constant 0 : i32
      %cond3A_229 = arith.cmpi ne, %convert_element_type3A_227, %cond3A_228 : i32
      scf.if %cond3A_229 {
        %dma_wait3A_557 = arith.constant 1 : i32
        %dma_wait3A_558 = arith.constant 0 : i32
        %dma_wait3A_559 = arith.constant 0 : i32
        %dma_wait3A_560 = tpu.memref_slice %arg7[%dma_wait3A_557, %dma_wait3A_558, %dma_wait3A_559] : memref<2x16x1024xf32, #tpu.memory_space<vmem>> -> memref<1x16x1024xf32, #tpu.memory_space<vmem>>
        %dma_wait3A_561 = tpu.memref_squeeze %dma_wait3A_560 : memref<1x16x1024xf32, #tpu.memory_space<vmem>> -> memref<16x1024xf32, #tpu.memory_space<vmem>>
        %dma_wait3A_562 = arith.constant 16 : i32
        %dma_wait3A_563 = arith.constant 0 : i32
        %dma_wait3A_564 = tpu.memref_slice %arg4[%add3A_78, %dma_wait3A_562, %dma_wait3A_563] : memref<900x64x1024xf32, #tpu.memory_space<hbm>> -> memref<1x16x1024xf32, #tpu.memory_space<hbm>>
        %dma_wait3A_565 = tpu.memref_squeeze %dma_wait3A_564 : memref<1x16x1024xf32, #tpu.memory_space<hbm>> -> memref<16x1024xf32, #tpu.memory_space<hbm>>
        %dma_wait3A_566 = arith.constant 16 : i32
        %dma_wait3A_567 = arith.constant 0 : i32
        %dma_wait3A_568 = tpu.memref_slice %arg4[%add3A_78, %dma_wait3A_566, %dma_wait3A_567] : memref<900x64x1024xf32, #tpu.memory_space<hbm>> -> memref<1x16x1024xf32, #tpu.memory_space<hbm>>
        %dma_wait3A_569 = tpu.memref_squeeze %dma_wait3A_568 : memref<1x16x1024xf32, #tpu.memory_space<hbm>> -> memref<16x1024xf32, #tpu.memory_space<hbm>>
        %dma_wait3A_570 = arith.constant 0 : i32
        %dma_wait3A_571 = arith.constant 0 : i32
        %dma_wait3A_572 = tpu.memref_slice %arg7[%dma_wait3A_557, %dma_wait3A_570, %dma_wait3A_571] : memref<2x16x1024xf32, #tpu.memory_space<vmem>> -> memref<1x16x1024xf32, #tpu.memory_space<vmem>>
        %dma_wait3A_573 = tpu.memref_squeeze %dma_wait3A_572 : memref<1x16x1024xf32, #tpu.memory_space<vmem>> -> memref<16x1024xf32, #tpu.memory_space<vmem>>
        tpu.wait_dma2 semaphore(%arg10 : memref<!tpu.dma_semaphore, #tpu.memory_space<semaphore_mem>>) src(%dma_wait3A_573 : memref<16x1024xf32, #tpu.memory_space<vmem>>) dst(%dma_wait3A_569 : memref<16x1024xf32, #tpu.memory_space<hbm>>)
      } else {
      }
      %get3A_230 = arith.constant 16 : i32
      %get3A_231 = arith.index_cast %get3A_230 : i32 to index
      %get3A_232 = arith.constant 0 : index
      %get3A_233 = tpu.vector_load %arg5[%get3A_231, %get3A_232] {strides = array<i32>} : memref<64x16xf32, #tpu.memory_space<vmem>>, vector<1x16xf32>,
      %get3A_234 = vector.shape_cast %get3A_233 : vector<1x16xf32> to vector<16xf32>
      %get3A_235 = arith.constant 17 : i32
      %get3A_236 = arith.index_cast %get3A_235 : i32 to index
      %get3A_237 = arith.constant 0 : index
      %get3A_238 = tpu.vector_load %arg5[%get3A_236, %get3A_237] {strides = array<i32>} : memref<64x16xf32, #tpu.memory_space<vmem>>, vector<1x16xf32>,
      %get3A_239 = vector.shape_cast %get3A_238 : vector<1x16xf32> to vector<16xf32>
      %get3A_240 = arith.constant 18 : i32
      %get3A_241 = arith.index_cast %get3A_240 : i32 to index
      %get3A_242 = arith.constant 0 : index
      %get3A_243 = tpu.vector_load %arg5[%get3A_241, %get3A_242] {strides = array<i32>} : memref<64x16xf32, #tpu.memory_space<vmem>>, vector<1x16xf32>,
      %get3A_244 = vector.shape_cast %get3A_243 : vector<1x16xf32> to vector<16xf32>
      %get3A_245 = arith.constant 19 : i32
      %get3A_246 = arith.index_cast %get3A_245 : i32 to index
      %get3A_247 = arith.constant 0 : index
      %get3A_248 = tpu.vector_load %arg5[%get3A_246, %get3A_247] {strides = array<i32>} : memref<64x16xf32, #tpu.memory_space<vmem>>, vector<1x16xf32>,
      %get3A_249 = vector.shape_cast %get3A_248 : vector<1x16xf32> to vector<16xf32>
      %get3A_250 = arith.constant 20 : i32
      %get3A_251 = arith.index_cast %get3A_250 : i32 to index
      %get3A_252 = arith.constant 0 : index
      %get3A_253 = tpu.vector_load %arg5[%get3A_251, %get3A_252] {strides = array<i32>} : memref<64x16xf32, #tpu.memory_space<vmem>>, vector<1x16xf32>,
      %get3A_254 = vector.shape_cast %get3A_253 : vector<1x16xf32> to vector<16xf32>
      %get3A_255 = arith.constant 21 : i32
      %get3A_256 = arith.index_cast %get3A_255 : i32 to index
      %get3A_257 = arith.constant 0 : index
      %get3A_258 = tpu.vector_load %arg5[%get3A_256, %get3A_257] {strides = array<i32>} : memref<64x16xf32, #tpu.memory_space<vmem>>, vector<1x16xf32>,
      %get3A_259 = vector.shape_cast %get3A_258 : vector<1x16xf32> to vector<16xf32>
      %get3A_260 = arith.constant 22 : i32
      %get3A_261 = arith.index_cast %get3A_260 : i32 to index
      %get3A_262 = arith.constant 0 : index
      %get3A_263 = tpu.vector_load %arg5[%get3A_261, %get3A_262] {strides = array<i32>} : memref<64x16xf32, #tpu.memory_space<vmem>>, vector<1x16xf32>,
      %get3A_264 = vector.shape_cast %get3A_263 : vector<1x16xf32> to vector<16xf32>
      %get3A_265 = arith.constant 23 : i32
      %get3A_266 = arith.index_cast %get3A_265 : i32 to index
      %get3A_267 = arith.constant 0 : index
      %get3A_268 = tpu.vector_load %arg5[%get3A_266, %get3A_267] {strides = array<i32>} : memref<64x16xf32, #tpu.memory_space<vmem>>, vector<1x16xf32>,
      %get3A_269 = vector.shape_cast %get3A_268 : vector<1x16xf32> to vector<16xf32>
      %get3A_270 = arith.constant 24 : i32
      %get3A_271 = arith.index_cast %get3A_270 : i32 to index
      %get3A_272 = arith.constant 0 : index
      %get3A_273 = tpu.vector_load %arg5[%get3A_271, %get3A_272] {strides = array<i32>} : memref<64x16xf32, #tpu.memory_space<vmem>>, vector<1x16xf32>,
      %get3A_274 = vector.shape_cast %get3A_273 : vector<1x16xf32> to vector<16xf32>
      %get3A_275 = arith.constant 25 : i32
      %get3A_276 = arith.index_cast %get3A_275 : i32 to index
      %get3A_277 = arith.constant 0 : index
      %get3A_278 = tpu.vector_load %arg5[%get3A_276, %get3A_277] {strides = array<i32>} : memref<64x16xf32, #tpu.memory_space<vmem>>, vector<1x16xf32>,
      %get3A_279 = vector.shape_cast %get3A_278 : vector<1x16xf32> to vector<16xf32>
      %get3A_280 = arith.constant 26 : i32
      %get3A_281 = arith.index_cast %get3A_280 : i32 to index
      %get3A_282 = arith.constant 0 : index
      %get3A_283 = tpu.vector_load %arg5[%get3A_281, %get3A_282] {strides = array<i32>} : memref<64x16xf32, #tpu.memory_space<vmem>>, vector<1x16xf32>,
      %get3A_284 = vector.shape_cast %get3A_283 : vector<1x16xf32> to vector<16xf32>
      %get3A_285 = arith.constant 27 : i32
      %get3A_286 = arith.index_cast %get3A_285 : i32 to index
      %get3A_287 = arith.constant 0 : index
      %get3A_288 = tpu.vector_load %arg5[%get3A_286, %get3A_287] {strides = array<i32>} : memref<64x16xf32, #tpu.memory_space<vmem>>, vector<1x16xf32>,
      %get3A_289 = vector.shape_cast %get3A_288 : vector<1x16xf32> to vector<16xf32>
      %get3A_290 = arith.constant 28 : i32
      %get3A_291 = arith.index_cast %get3A_290 : i32 to index
      %get3A_292 = arith.constant 0 : index
      %get3A_293 = tpu.vector_load %arg5[%get3A_291, %get3A_292] {strides = array<i32>} : memref<64x16xf32, #tpu.memory_space<vmem>>, vector<1x16xf32>,
      %get3A_294 = vector.shape_cast %get3A_293 : vector<1x16xf32> to vector<16xf32>
      %get3A_295 = arith.constant 29 : i32
      %get3A_296 = arith.index_cast %get3A_295 : i32 to index
      %get3A_297 = arith.constant 0 : index
      %get3A_298 = tpu.vector_load %arg5[%get3A_296, %get3A_297] {strides = array<i32>} : memref<64x16xf32, #tpu.memory_space<vmem>>, vector<1x16xf32>,
      %get3A_299 = vector.shape_cast %get3A_298 : vector<1x16xf32> to vector<16xf32>
      %get3A_300 = arith.constant 30 : i32
      %get3A_301 = arith.index_cast %get3A_300 : i32 to index
      %get3A_302 = arith.constant 0 : index
      %get3A_303 = tpu.vector_load %arg5[%get3A_301, %get3A_302] {strides = array<i32>} : memref<64x16xf32, #tpu.memory_space<vmem>>, vector<1x16xf32>,
      %get3A_304 = vector.shape_cast %get3A_303 : vector<1x16xf32> to vector<16xf32>
      %get3A_305 = arith.constant 31 : i32
      %get3A_306 = arith.index_cast %get3A_305 : i32 to index
      %get3A_307 = arith.constant 0 : index
      %get3A_308 = tpu.vector_load %arg5[%get3A_306, %get3A_307] {strides = array<i32>} : memref<64x16xf32, #tpu.memory_space<vmem>>, vector<1x16xf32>,
      %get3A_309 = vector.shape_cast %get3A_308 : vector<1x16xf32> to vector<16xf32>
      %scan3A_310 = arith.constant 0 : i32
      %scan3A_311 = arith.constant 0 : i32
      %scan3A_312 = arith.constant 64 : i32
      %scan3A_313 = arith.addi %scan3A_311, %scan3A_312 : i32
      %scan3A_314 = arith.constant 1 : i32
      scf.for %scan3A_557 = %scan3A_311 to %scan3A_313 step %scan3A_314  : i32 {
        %mul3A_558 = arith.constant 16 : i32
        %mul3A_559 = arith.muli %scan3A_557, %mul3A_558 : i32
        %get3A_560 = arith.index_cast %select_n3A_77 : i32 to index
        %get3A_561 = arith.index_cast %mul3A_559 : i32 to index
        %get3A_562 = tpu.vector_load %arg6[%get3A_560, %get3A_561] {strides = array<i32>} : memref<2x1024xi32, #tpu.memory_space<vmem>>, vector<1x16xi32>,
        %get3A_563 = vector.shape_cast %get3A_562 : vector<1x16xi32> to vector<16xi32>
        %lt3A_564 = arith.constant 0 : i32
        %lt3A_565 = vector.broadcast %lt3A_564 : i32 to vector<16xi32>
        %lt3A_566 = arith.cmpi slt, %get3A_563, %lt3A_565 : vector<16xi32>
        %add3A_567 = arith.constant 16 : i32
        %add3A_568 = vector.broadcast %add3A_567 : i32 to vector<16xi32>
        %add3A_569 = arith.addi %get3A_563, %add3A_568 : vector<16xi32>
        %select_n3A_570 = arith.select %lt3A_566, %add3A_569, %get3A_563 : vector<16xi1>, vector<16xi32>
        %broadcast_in_dim3A = vector.shape_cast %select_n3A_570 : vector<16xi32> to vector<16x1xi32>
        %gather3A = vector.shape_cast %broadcast_in_dim3A : vector<16x1xi32> to vector<16xi32>
        %gather3A_571 = tpu.dynamic_gather %get3A_234[%gather3A] in [0] : vector<16xf32>, vector<16xi32> -> vector<16xf32>
        %mul3A_572 = arith.constant 16 : i32
        %mul3A_573 = arith.muli %scan3A_557, %mul3A_572 : i32
        %swap3A = arith.constant 1 : i32
        %swap3A_574 = arith.constant 0 : i32
        %swap3A_575 = arith.index_cast %swap3A : i32 to index
        %swap3A_576 = arith.index_cast %swap3A_574 : i32 to index
        %swap3A_577 = arith.index_cast %mul3A_573 : i32 to index
        %swap3A_578 = tpu.vector_load %arg7[%swap3A_575, %swap3A_576, %swap3A_577] {strides = array<i32>} : memref<2x16x1024xf32, #tpu.memory_space<vmem>>, vector<1x1x16xf32>,
        %swap3A_579 = vector.shape_cast %swap3A_578 : vector<1x1x16xf32> to vector<16xf32>
        %swap3A_580 = vector.shape_cast %gather3A_571 : vector<16xf32> to vector<1x1x16xf32>
        tpu.vector_store %arg7[%swap3A_575, %swap3A_576, %swap3A_577], %swap3A_580 {strides = array<i32>} : memref<2x16x1024xf32, #tpu.memory_space<vmem>>, vector<1x1x16xf32>,
        %lt3A_581 = arith.constant 0 : i32
        %lt3A_582 = vector.broadcast %lt3A_581 : i32 to vector<16xi32>
        %lt3A_583 = arith.cmpi slt, %get3A_563, %lt3A_582 : vector<16xi32>
        %add3A_584 = arith.constant 16 : i32
        %add3A_585 = vector.broadcast %add3A_584 : i32 to vector<16xi32>
        %add3A_586 = arith.addi %get3A_563, %add3A_585 : vector<16xi32>
        %select_n3A_587 = arith.select %lt3A_583, %add3A_586, %get3A_563 : vector<16xi1>, vector<16xi32>
        %broadcast_in_dim3A_588 = vector.shape_cast %select_n3A_587 : vector<16xi32> to vector<16x1xi32>
        %gather3A_589 = vector.shape_cast %broadcast_in_dim3A_588 : vector<16x1xi32> to vector<16xi32>
        %gather3A_590 = tpu.dynamic_gather %get3A_239[%gather3A_589] in [0] : vector<16xf32>, vector<16xi32> -> vector<16xf32>
        %mul3A_591 = arith.constant 16 : i32
        %mul3A_592 = arith.muli %scan3A_557, %mul3A_591 : i32
        %swap3A_593 = arith.constant 1 : i32
        %swap3A_594 = arith.constant 1 : i32
        %swap3A_595 = arith.index_cast %swap3A_593 : i32 to index
        %swap3A_596 = arith.index_cast %swap3A_594 : i32 to index
        %swap3A_597 = arith.index_cast %mul3A_592 : i32 to index
        %swap3A_598 = tpu.vector_load %arg7[%swap3A_595, %swap3A_596, %swap3A_597] {strides = array<i32>} : memref<2x16x1024xf32, #tpu.memory_space<vmem>>, vector<1x1x16xf32>,
        %swap3A_599 = vector.shape_cast %swap3A_598 : vector<1x1x16xf32> to vector<16xf32>
        %swap3A_600 = vector.shape_cast %gather3A_590 : vector<16xf32> to vector<1x1x16xf32>
        tpu.vector_store %arg7[%swap3A_595, %swap3A_596, %swap3A_597], %swap3A_600 {strides = array<i32>} : memref<2x16x1024xf32, #tpu.memory_space<vmem>>, vector<1x1x16xf32>,
        %lt3A_601 = arith.constant 0 : i32
        %lt3A_602 = vector.broadcast %lt3A_601 : i32 to vector<16xi32>
        %lt3A_603 = arith.cmpi slt, %get3A_563, %lt3A_602 : vector<16xi32>
        %add3A_604 = arith.constant 16 : i32
        %add3A_605 = vector.broadcast %add3A_604 : i32 to vector<16xi32>
        %add3A_606 = arith.addi %get3A_563, %add3A_605 : vector<16xi32>
        %select_n3A_607 = arith.select %lt3A_603, %add3A_606, %get3A_563 : vector<16xi1>, vector<16xi32>
        %broadcast_in_dim3A_608 = vector.shape_cast %select_n3A_607 : vector<16xi32> to vector<16x1xi32>
        %gather3A_609 = vector.shape_cast %broadcast_in_dim3A_608 : vector<16x1xi32> to vector<16xi32>
        %gather3A_610 = tpu.dynamic_gather %get3A_244[%gather3A_609] in [0] : vector<16xf32>, vector<16xi32> -> vector<16xf32>
        %mul3A_611 = arith.constant 16 : i32
        %mul3A_612 = arith.muli %scan3A_557, %mul3A_611 : i32
        %swap3A_613 = arith.constant 1 : i32
        %swap3A_614 = arith.constant 2 : i32
        %swap3A_615 = arith.index_cast %swap3A_613 : i32 to index
        %swap3A_616 = arith.index_cast %swap3A_614 : i32 to index
        %swap3A_617 = arith.index_cast %mul3A_612 : i32 to index
        %swap3A_618 = tpu.vector_load %arg7[%swap3A_615, %swap3A_616, %swap3A_617] {strides = array<i32>} : memref<2x16x1024xf32, #tpu.memory_space<vmem>>, vector<1x1x16xf32>,
        %swap3A_619 = vector.shape_cast %swap3A_618 : vector<1x1x16xf32> to vector<16xf32>
        %swap3A_620 = vector.shape_cast %gather3A_610 : vector<16xf32> to vector<1x1x16xf32>
        tpu.vector_store %arg7[%swap3A_615, %swap3A_616, %swap3A_617], %swap3A_620 {strides = array<i32>} : memref<2x16x1024xf32, #tpu.memory_space<vmem>>, vector<1x1x16xf32>,
        %lt3A_621 = arith.constant 0 : i32
        %lt3A_622 = vector.broadcast %lt3A_621 : i32 to vector<16xi32>
        %lt3A_623 = arith.cmpi slt, %get3A_563, %lt3A_622 : vector<16xi32>
        %add3A_624 = arith.constant 16 : i32
        %add3A_625 = vector.broadcast %add3A_624 : i32 to vector<16xi32>
        %add3A_626 = arith.addi %get3A_563, %add3A_625 : vector<16xi32>
        %select_n3A_627 = arith.select %lt3A_623, %add3A_626, %get3A_563 : vector<16xi1>, vector<16xi32>
        %broadcast_in_dim3A_628 = vector.shape_cast %select_n3A_627 : vector<16xi32> to vector<16x1xi32>
        %gather3A_629 = vector.shape_cast %broadcast_in_dim3A_628 : vector<16x1xi32> to vector<16xi32>
        %gather3A_630 = tpu.dynamic_gather %get3A_249[%gather3A_629] in [0] : vector<16xf32>, vector<16xi32> -> vector<16xf32>
        %mul3A_631 = arith.constant 16 : i32
        %mul3A_632 = arith.muli %scan3A_557, %mul3A_631 : i32
        %swap3A_633 = arith.constant 1 : i32
        %swap3A_634 = arith.constant 3 : i32
        %swap3A_635 = arith.index_cast %swap3A_633 : i32 to index
        %swap3A_636 = arith.index_cast %swap3A_634 : i32 to index
        %swap3A_637 = arith.index_cast %mul3A_632 : i32 to index
        %swap3A_638 = tpu.vector_load %arg7[%swap3A_635, %swap3A_636, %swap3A_637] {strides = array<i32>} : memref<2x16x1024xf32, #tpu.memory_space<vmem>>, vector<1x1x16xf32>,
        %swap3A_639 = vector.shape_cast %swap3A_638 : vector<1x1x16xf32> to vector<16xf32>
        %swap3A_640 = vector.shape_cast %gather3A_630 : vector<16xf32> to vector<1x1x16xf32>
        tpu.vector_store %arg7[%swap3A_635, %swap3A_636, %swap3A_637], %swap3A_640 {strides = array<i32>} : memref<2x16x1024xf32, #tpu.memory_space<vmem>>, vector<1x1x16xf32>,
        %lt3A_641 = arith.constant 0 : i32
        %lt3A_642 = vector.broadcast %lt3A_641 : i32 to vector<16xi32>
        %lt3A_643 = arith.cmpi slt, %get3A_563, %lt3A_642 : vector<16xi32>
        %add3A_644 = arith.constant 16 : i32
        %add3A_645 = vector.broadcast %add3A_644 : i32 to vector<16xi32>
        %add3A_646 = arith.addi %get3A_563, %add3A_645 : vector<16xi32>
        %select_n3A_647 = arith.select %lt3A_643, %add3A_646, %get3A_563 : vector<16xi1>, vector<16xi32>
        %broadcast_in_dim3A_648 = vector.shape_cast %select_n3A_647 : vector<16xi32> to vector<16x1xi32>
        %gather3A_649 = vector.shape_cast %broadcast_in_dim3A_648 : vector<16x1xi32> to vector<16xi32>
        %gather3A_650 = tpu.dynamic_gather %get3A_254[%gather3A_649] in [0] : vector<16xf32>, vector<16xi32> -> vector<16xf32>
        %mul3A_651 = arith.constant 16 : i32
        %mul3A_652 = arith.muli %scan3A_557, %mul3A_651 : i32
        %swap3A_653 = arith.constant 1 : i32
        %swap3A_654 = arith.constant 4 : i32
        %swap3A_655 = arith.index_cast %swap3A_653 : i32 to index
        %swap3A_656 = arith.index_cast %swap3A_654 : i32 to index
        %swap3A_657 = arith.index_cast %mul3A_652 : i32 to index
        %swap3A_658 = tpu.vector_load %arg7[%swap3A_655, %swap3A_656, %swap3A_657] {strides = array<i32>} : memref<2x16x1024xf32, #tpu.memory_space<vmem>>, vector<1x1x16xf32>,
        %swap3A_659 = vector.shape_cast %swap3A_658 : vector<1x1x16xf32> to vector<16xf32>
        %swap3A_660 = vector.shape_cast %gather3A_650 : vector<16xf32> to vector<1x1x16xf32>
        tpu.vector_store %arg7[%swap3A_655, %swap3A_656, %swap3A_657], %swap3A_660 {strides = array<i32>} : memref<2x16x1024xf32, #tpu.memory_space<vmem>>, vector<1x1x16xf32>,
        %lt3A_661 = arith.constant 0 : i32
        %lt3A_662 = vector.broadcast %lt3A_661 : i32 to vector<16xi32>
        %lt3A_663 = arith.cmpi slt, %get3A_563, %lt3A_662 : vector<16xi32>
        %add3A_664 = arith.constant 16 : i32
        %add3A_665 = vector.broadcast %add3A_664 : i32 to vector<16xi32>
        %add3A_666 = arith.addi %get3A_563, %add3A_665 : vector<16xi32>
        %select_n3A_667 = arith.select %lt3A_663, %add3A_666, %get3A_563 : vector<16xi1>, vector<16xi32>
        %broadcast_in_dim3A_668 = vector.shape_cast %select_n3A_667 : vector<16xi32> to vector<16x1xi32>
        %gather3A_669 = vector.shape_cast %broadcast_in_dim3A_668 : vector<16x1xi32> to vector<16xi32>
        %gather3A_670 = tpu.dynamic_gather %get3A_259[%gather3A_669] in [0] : vector<16xf32>, vector<16xi32> -> vector<16xf32>
        %mul3A_671 = arith.constant 16 : i32
        %mul3A_672 = arith.muli %scan3A_557, %mul3A_671 : i32
        %swap3A_673 = arith.constant 1 : i32
        %swap3A_674 = arith.constant 5 : i32
        %swap3A_675 = arith.index_cast %swap3A_673 : i32 to index
        %swap3A_676 = arith.index_cast %swap3A_674 : i32 to index
        %swap3A_677 = arith.index_cast %mul3A_672 : i32 to index
        %swap3A_678 = tpu.vector_load %arg7[%swap3A_675, %swap3A_676, %swap3A_677] {strides = array<i32>} : memref<2x16x1024xf32, #tpu.memory_space<vmem>>, vector<1x1x16xf32>,
        %swap3A_679 = vector.shape_cast %swap3A_678 : vector<1x1x16xf32> to vector<16xf32>
        %swap3A_680 = vector.shape_cast %gather3A_670 : vector<16xf32> to vector<1x1x16xf32>
        tpu.vector_store %arg7[%swap3A_675, %swap3A_676, %swap3A_677], %swap3A_680 {strides = array<i32>} : memref<2x16x1024xf32, #tpu.memory_space<vmem>>, vector<1x1x16xf32>,
        %lt3A_681 = arith.constant 0 : i32
        %lt3A_682 = vector.broadcast %lt3A_681 : i32 to vector<16xi32>
        %lt3A_683 = arith.cmpi slt, %get3A_563, %lt3A_682 : vector<16xi32>
        %add3A_684 = arith.constant 16 : i32
        %add3A_685 = vector.broadcast %add3A_684 : i32 to vector<16xi32>
        %add3A_686 = arith.addi %get3A_563, %add3A_685 : vector<16xi32>
        %select_n3A_687 = arith.select %lt3A_683, %add3A_686, %get3A_563 : vector<16xi1>, vector<16xi32>
        %broadcast_in_dim3A_688 = vector.shape_cast %select_n3A_687 : vector<16xi32> to vector<16x1xi32>
        %gather3A_689 = vector.shape_cast %broadcast_in_dim3A_688 : vector<16x1xi32> to vector<16xi32>
        %gather3A_690 = tpu.dynamic_gather %get3A_264[%gather3A_689] in [0] : vector<16xf32>, vector<16xi32> -> vector<16xf32>
        %mul3A_691 = arith.constant 16 : i32
        %mul3A_692 = arith.muli %scan3A_557, %mul3A_691 : i32
        %swap3A_693 = arith.constant 1 : i32
        %swap3A_694 = arith.constant 6 : i32
        %swap3A_695 = arith.index_cast %swap3A_693 : i32 to index
        %swap3A_696 = arith.index_cast %swap3A_694 : i32 to index
        %swap3A_697 = arith.index_cast %mul3A_692 : i32 to index
        %swap3A_698 = tpu.vector_load %arg7[%swap3A_695, %swap3A_696, %swap3A_697] {strides = array<i32>} : memref<2x16x1024xf32, #tpu.memory_space<vmem>>, vector<1x1x16xf32>,
        %swap3A_699 = vector.shape_cast %swap3A_698 : vector<1x1x16xf32> to vector<16xf32>
        %swap3A_700 = vector.shape_cast %gather3A_690 : vector<16xf32> to vector<1x1x16xf32>
        tpu.vector_store %arg7[%swap3A_695, %swap3A_696, %swap3A_697], %swap3A_700 {strides = array<i32>} : memref<2x16x1024xf32, #tpu.memory_space<vmem>>, vector<1x1x16xf32>,
        %lt3A_701 = arith.constant 0 : i32
        %lt3A_702 = vector.broadcast %lt3A_701 : i32 to vector<16xi32>
        %lt3A_703 = arith.cmpi slt, %get3A_563, %lt3A_702 : vector<16xi32>
        %add3A_704 = arith.constant 16 : i32
        %add3A_705 = vector.broadcast %add3A_704 : i32 to vector<16xi32>
        %add3A_706 = arith.addi %get3A_563, %add3A_705 : vector<16xi32>
        %select_n3A_707 = arith.select %lt3A_703, %add3A_706, %get3A_563 : vector<16xi1>, vector<16xi32>
        %broadcast_in_dim3A_708 = vector.shape_cast %select_n3A_707 : vector<16xi32> to vector<16x1xi32>
        %gather3A_709 = vector.shape_cast %broadcast_in_dim3A_708 : vector<16x1xi32> to vector<16xi32>
        %gather3A_710 = tpu.dynamic_gather %get3A_269[%gather3A_709] in [0] : vector<16xf32>, vector<16xi32> -> vector<16xf32>
        %mul3A_711 = arith.constant 16 : i32
        %mul3A_712 = arith.muli %scan3A_557, %mul3A_711 : i32
        %swap3A_713 = arith.constant 1 : i32
        %swap3A_714 = arith.constant 7 : i32
        %swap3A_715 = arith.index_cast %swap3A_713 : i32 to index
        %swap3A_716 = arith.index_cast %swap3A_714 : i32 to index
        %swap3A_717 = arith.index_cast %mul3A_712 : i32 to index
        %swap3A_718 = tpu.vector_load %arg7[%swap3A_715, %swap3A_716, %swap3A_717] {strides = array<i32>} : memref<2x16x1024xf32, #tpu.memory_space<vmem>>, vector<1x1x16xf32>,
        %swap3A_719 = vector.shape_cast %swap3A_718 : vector<1x1x16xf32> to vector<16xf32>
        %swap3A_720 = vector.shape_cast %gather3A_710 : vector<16xf32> to vector<1x1x16xf32>
        tpu.vector_store %arg7[%swap3A_715, %swap3A_716, %swap3A_717], %swap3A_720 {strides = array<i32>} : memref<2x16x1024xf32, #tpu.memory_space<vmem>>, vector<1x1x16xf32>,
        %lt3A_721 = arith.constant 0 : i32
        %lt3A_722 = vector.broadcast %lt3A_721 : i32 to vector<16xi32>
        %lt3A_723 = arith.cmpi slt, %get3A_563, %lt3A_722 : vector<16xi32>
        %add3A_724 = arith.constant 16 : i32
        %add3A_725 = vector.broadcast %add3A_724 : i32 to vector<16xi32>
        %add3A_726 = arith.addi %get3A_563, %add3A_725 : vector<16xi32>
        %select_n3A_727 = arith.select %lt3A_723, %add3A_726, %get3A_563 : vector<16xi1>, vector<16xi32>
        %broadcast_in_dim3A_728 = vector.shape_cast %select_n3A_727 : vector<16xi32> to vector<16x1xi32>
        %gather3A_729 = vector.shape_cast %broadcast_in_dim3A_728 : vector<16x1xi32> to vector<16xi32>
        %gather3A_730 = tpu.dynamic_gather %get3A_274[%gather3A_729] in [0] : vector<16xf32>, vector<16xi32> -> vector<16xf32>
        %mul3A_731 = arith.constant 16 : i32
        %mul3A_732 = arith.muli %scan3A_557, %mul3A_731 : i32
        %swap3A_733 = arith.constant 1 : i32
        %swap3A_734 = arith.constant 8 : i32
        %swap3A_735 = arith.index_cast %swap3A_733 : i32 to index
        %swap3A_736 = arith.index_cast %swap3A_734 : i32 to index
        %swap3A_737 = arith.index_cast %mul3A_732 : i32 to index
        %swap3A_738 = tpu.vector_load %arg7[%swap3A_735, %swap3A_736, %swap3A_737] {strides = array<i32>} : memref<2x16x1024xf32, #tpu.memory_space<vmem>>, vector<1x1x16xf32>,
        %swap3A_739 = vector.shape_cast %swap3A_738 : vector<1x1x16xf32> to vector<16xf32>
        %swap3A_740 = vector.shape_cast %gather3A_730 : vector<16xf32> to vector<1x1x16xf32>
        tpu.vector_store %arg7[%swap3A_735, %swap3A_736, %swap3A_737], %swap3A_740 {strides = array<i32>} : memref<2x16x1024xf32, #tpu.memory_space<vmem>>, vector<1x1x16xf32>,
        %lt3A_741 = arith.constant 0 : i32
        %lt3A_742 = vector.broadcast %lt3A_741 : i32 to vector<16xi32>
        %lt3A_743 = arith.cmpi slt, %get3A_563, %lt3A_742 : vector<16xi32>
        %add3A_744 = arith.constant 16 : i32
        %add3A_745 = vector.broadcast %add3A_744 : i32 to vector<16xi32>
        %add3A_746 = arith.addi %get3A_563, %add3A_745 : vector<16xi32>
        %select_n3A_747 = arith.select %lt3A_743, %add3A_746, %get3A_563 : vector<16xi1>, vector<16xi32>
        %broadcast_in_dim3A_748 = vector.shape_cast %select_n3A_747 : vector<16xi32> to vector<16x1xi32>
        %gather3A_749 = vector.shape_cast %broadcast_in_dim3A_748 : vector<16x1xi32> to vector<16xi32>
        %gather3A_750 = tpu.dynamic_gather %get3A_279[%gather3A_749] in [0] : vector<16xf32>, vector<16xi32> -> vector<16xf32>
        %mul3A_751 = arith.constant 16 : i32
        %mul3A_752 = arith.muli %scan3A_557, %mul3A_751 : i32
        %swap3A_753 = arith.constant 1 : i32
        %swap3A_754 = arith.constant 9 : i32
        %swap3A_755 = arith.index_cast %swap3A_753 : i32 to index
        %swap3A_756 = arith.index_cast %swap3A_754 : i32 to index
        %swap3A_757 = arith.index_cast %mul3A_752 : i32 to index
        %swap3A_758 = tpu.vector_load %arg7[%swap3A_755, %swap3A_756, %swap3A_757] {strides = array<i32>} : memref<2x16x1024xf32, #tpu.memory_space<vmem>>, vector<1x1x16xf32>,
        %swap3A_759 = vector.shape_cast %swap3A_758 : vector<1x1x16xf32> to vector<16xf32>
        %swap3A_760 = vector.shape_cast %gather3A_750 : vector<16xf32> to vector<1x1x16xf32>
        tpu.vector_store %arg7[%swap3A_755, %swap3A_756, %swap3A_757], %swap3A_760 {strides = array<i32>} : memref<2x16x1024xf32, #tpu.memory_space<vmem>>, vector<1x1x16xf32>,
        %lt3A_761 = arith.constant 0 : i32
        %lt3A_762 = vector.broadcast %lt3A_761 : i32 to vector<16xi32>
        %lt3A_763 = arith.cmpi slt, %get3A_563, %lt3A_762 : vector<16xi32>
        %add3A_764 = arith.constant 16 : i32
        %add3A_765 = vector.broadcast %add3A_764 : i32 to vector<16xi32>
        %add3A_766 = arith.addi %get3A_563, %add3A_765 : vector<16xi32>
        %select_n3A_767 = arith.select %lt3A_763, %add3A_766, %get3A_563 : vector<16xi1>, vector<16xi32>
        %broadcast_in_dim3A_768 = vector.shape_cast %select_n3A_767 : vector<16xi32> to vector<16x1xi32>
        %gather3A_769 = vector.shape_cast %broadcast_in_dim3A_768 : vector<16x1xi32> to vector<16xi32>
        %gather3A_770 = tpu.dynamic_gather %get3A_284[%gather3A_769] in [0] : vector<16xf32>, vector<16xi32> -> vector<16xf32>
        %mul3A_771 = arith.constant 16 : i32
        %mul3A_772 = arith.muli %scan3A_557, %mul3A_771 : i32
        %swap3A_773 = arith.constant 1 : i32
        %swap3A_774 = arith.constant 10 : i32
        %swap3A_775 = arith.index_cast %swap3A_773 : i32 to index
        %swap3A_776 = arith.index_cast %swap3A_774 : i32 to index
        %swap3A_777 = arith.index_cast %mul3A_772 : i32 to index
        %swap3A_778 = tpu.vector_load %arg7[%swap3A_775, %swap3A_776, %swap3A_777] {strides = array<i32>} : memref<2x16x1024xf32, #tpu.memory_space<vmem>>, vector<1x1x16xf32>,
        %swap3A_779 = vector.shape_cast %swap3A_778 : vector<1x1x16xf32> to vector<16xf32>
        %swap3A_780 = vector.shape_cast %gather3A_770 : vector<16xf32> to vector<1x1x16xf32>
        tpu.vector_store %arg7[%swap3A_775, %swap3A_776, %swap3A_777], %swap3A_780 {strides = array<i32>} : memref<2x16x1024xf32, #tpu.memory_space<vmem>>, vector<1x1x16xf32>,
        %lt3A_781 = arith.constant 0 : i32
        %lt3A_782 = vector.broadcast %lt3A_781 : i32 to vector<16xi32>
        %lt3A_783 = arith.cmpi slt, %get3A_563, %lt3A_782 : vector<16xi32>
        %add3A_784 = arith.constant 16 : i32
        %add3A_785 = vector.broadcast %add3A_784 : i32 to vector<16xi32>
        %add3A_786 = arith.addi %get3A_563, %add3A_785 : vector<16xi32>
        %select_n3A_787 = arith.select %lt3A_783, %add3A_786, %get3A_563 : vector<16xi1>, vector<16xi32>
        %broadcast_in_dim3A_788 = vector.shape_cast %select_n3A_787 : vector<16xi32> to vector<16x1xi32>
        %gather3A_789 = vector.shape_cast %broadcast_in_dim3A_788 : vector<16x1xi32> to vector<16xi32>
        %gather3A_790 = tpu.dynamic_gather %get3A_289[%gather3A_789] in [0] : vector<16xf32>, vector<16xi32> -> vector<16xf32>
        %mul3A_791 = arith.constant 16 : i32
        %mul3A_792 = arith.muli %scan3A_557, %mul3A_791 : i32
        %swap3A_793 = arith.constant 1 : i32
        %swap3A_794 = arith.constant 11 : i32
        %swap3A_795 = arith.index_cast %swap3A_793 : i32 to index
        %swap3A_796 = arith.index_cast %swap3A_794 : i32 to index
        %swap3A_797 = arith.index_cast %mul3A_792 : i32 to index
        %swap3A_798 = tpu.vector_load %arg7[%swap3A_795, %swap3A_796, %swap3A_797] {strides = array<i32>} : memref<2x16x1024xf32, #tpu.memory_space<vmem>>, vector<1x1x16xf32>,
        %swap3A_799 = vector.shape_cast %swap3A_798 : vector<1x1x16xf32> to vector<16xf32>
        %swap3A_800 = vector.shape_cast %gather3A_790 : vector<16xf32> to vector<1x1x16xf32>
        tpu.vector_store %arg7[%swap3A_795, %swap3A_796, %swap3A_797], %swap3A_800 {strides = array<i32>} : memref<2x16x1024xf32, #tpu.memory_space<vmem>>, vector<1x1x16xf32>,
        %lt3A_801 = arith.constant 0 : i32
        %lt3A_802 = vector.broadcast %lt3A_801 : i32 to vector<16xi32>
        %lt3A_803 = arith.cmpi slt, %get3A_563, %lt3A_802 : vector<16xi32>
        %add3A_804 = arith.constant 16 : i32
        %add3A_805 = vector.broadcast %add3A_804 : i32 to vector<16xi32>
        %add3A_806 = arith.addi %get3A_563, %add3A_805 : vector<16xi32>
        %select_n3A_807 = arith.select %lt3A_803, %add3A_806, %get3A_563 : vector<16xi1>, vector<16xi32>
        %broadcast_in_dim3A_808 = vector.shape_cast %select_n3A_807 : vector<16xi32> to vector<16x1xi32>
        %gather3A_809 = vector.shape_cast %broadcast_in_dim3A_808 : vector<16x1xi32> to vector<16xi32>
        %gather3A_810 = tpu.dynamic_gather %get3A_294[%gather3A_809] in [0] : vector<16xf32>, vector<16xi32> -> vector<16xf32>
        %mul3A_811 = arith.constant 16 : i32
        %mul3A_812 = arith.muli %scan3A_557, %mul3A_811 : i32
        %swap3A_813 = arith.constant 1 : i32
        %swap3A_814 = arith.constant 12 : i32
        %swap3A_815 = arith.index_cast %swap3A_813 : i32 to index
        %swap3A_816 = arith.index_cast %swap3A_814 : i32 to index
        %swap3A_817 = arith.index_cast %mul3A_812 : i32 to index
        %swap3A_818 = tpu.vector_load %arg7[%swap3A_815, %swap3A_816, %swap3A_817] {strides = array<i32>} : memref<2x16x1024xf32, #tpu.memory_space<vmem>>, vector<1x1x16xf32>,
        %swap3A_819 = vector.shape_cast %swap3A_818 : vector<1x1x16xf32> to vector<16xf32>
        %swap3A_820 = vector.shape_cast %gather3A_810 : vector<16xf32> to vector<1x1x16xf32>
        tpu.vector_store %arg7[%swap3A_815, %swap3A_816, %swap3A_817], %swap3A_820 {strides = array<i32>} : memref<2x16x1024xf32, #tpu.memory_space<vmem>>, vector<1x1x16xf32>,
        %lt3A_821 = arith.constant 0 : i32
        %lt3A_822 = vector.broadcast %lt3A_821 : i32 to vector<16xi32>
        %lt3A_823 = arith.cmpi slt, %get3A_563, %lt3A_822 : vector<16xi32>
        %add3A_824 = arith.constant 16 : i32
        %add3A_825 = vector.broadcast %add3A_824 : i32 to vector<16xi32>
        %add3A_826 = arith.addi %get3A_563, %add3A_825 : vector<16xi32>
        %select_n3A_827 = arith.select %lt3A_823, %add3A_826, %get3A_563 : vector<16xi1>, vector<16xi32>
        %broadcast_in_dim3A_828 = vector.shape_cast %select_n3A_827 : vector<16xi32> to vector<16x1xi32>
        %gather3A_829 = vector.shape_cast %broadcast_in_dim3A_828 : vector<16x1xi32> to vector<16xi32>
        %gather3A_830 = tpu.dynamic_gather %get3A_299[%gather3A_829] in [0] : vector<16xf32>, vector<16xi32> -> vector<16xf32>
        %mul3A_831 = arith.constant 16 : i32
        %mul3A_832 = arith.muli %scan3A_557, %mul3A_831 : i32
        %swap3A_833 = arith.constant 1 : i32
        %swap3A_834 = arith.constant 13 : i32
        %swap3A_835 = arith.index_cast %swap3A_833 : i32 to index
        %swap3A_836 = arith.index_cast %swap3A_834 : i32 to index
        %swap3A_837 = arith.index_cast %mul3A_832 : i32 to index
        %swap3A_838 = tpu.vector_load %arg7[%swap3A_835, %swap3A_836, %swap3A_837] {strides = array<i32>} : memref<2x16x1024xf32, #tpu.memory_space<vmem>>, vector<1x1x16xf32>,
        %swap3A_839 = vector.shape_cast %swap3A_838 : vector<1x1x16xf32> to vector<16xf32>
        %swap3A_840 = vector.shape_cast %gather3A_830 : vector<16xf32> to vector<1x1x16xf32>
        tpu.vector_store %arg7[%swap3A_835, %swap3A_836, %swap3A_837], %swap3A_840 {strides = array<i32>} : memref<2x16x1024xf32, #tpu.memory_space<vmem>>, vector<1x1x16xf32>,
        %lt3A_841 = arith.constant 0 : i32
        %lt3A_842 = vector.broadcast %lt3A_841 : i32 to vector<16xi32>
        %lt3A_843 = arith.cmpi slt, %get3A_563, %lt3A_842 : vector<16xi32>
        %add3A_844 = arith.constant 16 : i32
        %add3A_845 = vector.broadcast %add3A_844 : i32 to vector<16xi32>
        %add3A_846 = arith.addi %get3A_563, %add3A_845 : vector<16xi32>
        %select_n3A_847 = arith.select %lt3A_843, %add3A_846, %get3A_563 : vector<16xi1>, vector<16xi32>
        %broadcast_in_dim3A_848 = vector.shape_cast %select_n3A_847 : vector<16xi32> to vector<16x1xi32>
        %gather3A_849 = vector.shape_cast %broadcast_in_dim3A_848 : vector<16x1xi32> to vector<16xi32>
        %gather3A_850 = tpu.dynamic_gather %get3A_304[%gather3A_849] in [0] : vector<16xf32>, vector<16xi32> -> vector<16xf32>
        %mul3A_851 = arith.constant 16 : i32
        %mul3A_852 = arith.muli %scan3A_557, %mul3A_851 : i32
        %swap3A_853 = arith.constant 1 : i32
        %swap3A_854 = arith.constant 14 : i32
        %swap3A_855 = arith.index_cast %swap3A_853 : i32 to index
        %swap3A_856 = arith.index_cast %swap3A_854 : i32 to index
        %swap3A_857 = arith.index_cast %mul3A_852 : i32 to index
        %swap3A_858 = tpu.vector_load %arg7[%swap3A_855, %swap3A_856, %swap3A_857] {strides = array<i32>} : memref<2x16x1024xf32, #tpu.memory_space<vmem>>, vector<1x1x16xf32>,
        %swap3A_859 = vector.shape_cast %swap3A_858 : vector<1x1x16xf32> to vector<16xf32>
        %swap3A_860 = vector.shape_cast %gather3A_850 : vector<16xf32> to vector<1x1x16xf32>
        tpu.vector_store %arg7[%swap3A_855, %swap3A_856, %swap3A_857], %swap3A_860 {strides = array<i32>} : memref<2x16x1024xf32, #tpu.memory_space<vmem>>, vector<1x1x16xf32>,
        %lt3A_861 = arith.constant 0 : i32
        %lt3A_862 = vector.broadcast %lt3A_861 : i32 to vector<16xi32>
        %lt3A_863 = arith.cmpi slt, %get3A_563, %lt3A_862 : vector<16xi32>
        %add3A_864 = arith.constant 16 : i32
        %add3A_865 = vector.broadcast %add3A_864 : i32 to vector<16xi32>
        %add3A_866 = arith.addi %get3A_563, %add3A_865 : vector<16xi32>
        %select_n3A_867 = arith.select %lt3A_863, %add3A_866, %get3A_563 : vector<16xi1>, vector<16xi32>
        %broadcast_in_dim3A_868 = vector.shape_cast %select_n3A_867 : vector<16xi32> to vector<16x1xi32>
        %gather3A_869 = vector.shape_cast %broadcast_in_dim3A_868 : vector<16x1xi32> to vector<16xi32>
        %gather3A_870 = tpu.dynamic_gather %get3A_309[%gather3A_869] in [0] : vector<16xf32>, vector<16xi32> -> vector<16xf32>
        %mul3A_871 = arith.constant 16 : i32
        %mul3A_872 = arith.muli %scan3A_557, %mul3A_871 : i32
        %swap3A_873 = arith.constant 1 : i32
        %swap3A_874 = arith.constant 15 : i32
        %swap3A_875 = arith.index_cast %swap3A_873 : i32 to index
        %swap3A_876 = arith.index_cast %swap3A_874 : i32 to index
        %swap3A_877 = arith.index_cast %mul3A_872 : i32 to index
        %swap3A_878 = tpu.vector_load %arg7[%swap3A_875, %swap3A_876, %swap3A_877] {strides = array<i32>} : memref<2x16x1024xf32, #tpu.memory_space<vmem>>, vector<1x1x16xf32>,
        %swap3A_879 = vector.shape_cast %swap3A_878 : vector<1x1x16xf32> to vector<16xf32>
        %swap3A_880 = vector.shape_cast %gather3A_870 : vector<16xf32> to vector<1x1x16xf32>
        tpu.vector_store %arg7[%swap3A_875, %swap3A_876, %swap3A_877], %swap3A_880 {strides = array<i32>} : memref<2x16x1024xf32, #tpu.memory_space<vmem>>, vector<1x1x16xf32>,
      }
      %scan3A_315 = arith.constant 64 : i32
      %dma_start3A_316 = arith.constant 1 : i32
      %dma_start3A_317 = arith.constant 0 : i32
      %dma_start3A_318 = arith.constant 0 : i32
      %dma_start3A_319 = tpu.memref_slice %arg7[%dma_start3A_316, %dma_start3A_317, %dma_start3A_318] : memref<2x16x1024xf32, #tpu.memory_space<vmem>> -> memref<1x16x1024xf32, #tpu.memory_space<vmem>>
      %dma_start3A_320 = tpu.memref_squeeze %dma_start3A_319 : memref<1x16x1024xf32, #tpu.memory_space<vmem>> -> memref<16x1024xf32, #tpu.memory_space<vmem>>
      %dma_start3A_321 = arith.constant 16 : i32
      %dma_start3A_322 = arith.constant 0 : i32
      %dma_start3A_323 = tpu.memref_slice %arg4[%add3A_78, %dma_start3A_321, %dma_start3A_322] : memref<900x64x1024xf32, #tpu.memory_space<hbm>> -> memref<1x16x1024xf32, #tpu.memory_space<hbm>>
      %dma_start3A_324 = tpu.memref_squeeze %dma_start3A_323 : memref<1x16x1024xf32, #tpu.memory_space<hbm>> -> memref<16x1024xf32, #tpu.memory_space<hbm>>
      %dma_start3A_325 = arith.constant 16 : i32
      %dma_start3A_326 = arith.constant 0 : i32
      %dma_start3A_327 = tpu.memref_slice %arg4[%add3A_78, %dma_start3A_325, %dma_start3A_326] : memref<900x64x1024xf32, #tpu.memory_space<hbm>> -> memref<1x16x1024xf32, #tpu.memory_space<hbm>>
      %dma_start3A_328 = tpu.memref_squeeze %dma_start3A_327 : memref<1x16x1024xf32, #tpu.memory_space<hbm>> -> memref<16x1024xf32, #tpu.memory_space<hbm>>
      %dma_start3A_329 = arith.constant 0 : i32
      %dma_start3A_330 = arith.constant 0 : i32
      %dma_start3A_331 = tpu.memref_slice %arg7[%dma_start3A_316, %dma_start3A_329, %dma_start3A_330] : memref<2x16x1024xf32, #tpu.memory_space<vmem>> -> memref<1x16x1024xf32, #tpu.memory_space<vmem>>
      %dma_start3A_332 = tpu.memref_squeeze %dma_start3A_331 : memref<1x16x1024xf32, #tpu.memory_space<vmem>> -> memref<16x1024xf32, #tpu.memory_space<vmem>>
      tpu.enqueue_dma source(%dma_start3A_332 : memref<16x1024xf32, #tpu.memory_space<vmem>>) target(%dma_start3A_328 : memref<16x1024xf32, #tpu.memory_space<hbm>>) target_semaphore(%arg10 : memref<!tpu.dma_semaphore, #tpu.memory_space<semaphore_mem>>)
      %mul3A_333 = arith.constant 4 : i32
      %mul3A_334 = arith.muli %while3A_65, %mul3A_333 : i32
      %add3A_335 = arith.constant 2 : i32
      %add3A_336 = arith.addi %mul3A_334, %add3A_335 : i32
      %ge3A_337 = arith.constant 2 : i32
      %ge3A_338 = arith.cmpi sge, %add3A_336, %ge3A_337 : i32
      %convert_element_type3A_339 = arith.extui %ge3A_338 : i1 to i32
      %cond3A_340 = arith.constant 0 : i32
      %cond3A_341 = arith.cmpi ne, %convert_element_type3A_339, %cond3A_340 : i32
      scf.if %cond3A_341 {
        %dma_wait3A_557 = arith.constant 0 : i32
        %dma_wait3A_558 = arith.constant 0 : i32
        %dma_wait3A_559 = arith.constant 0 : i32
        %dma_wait3A_560 = tpu.memref_slice %arg7[%dma_wait3A_557, %dma_wait3A_558, %dma_wait3A_559] : memref<2x16x1024xf32, #tpu.memory_space<vmem>> -> memref<1x16x1024xf32, #tpu.memory_space<vmem>>
        %dma_wait3A_561 = tpu.memref_squeeze %dma_wait3A_560 : memref<1x16x1024xf32, #tpu.memory_space<vmem>> -> memref<16x1024xf32, #tpu.memory_space<vmem>>
        %dma_wait3A_562 = arith.constant 32 : i32
        %dma_wait3A_563 = arith.constant 0 : i32
        %dma_wait3A_564 = tpu.memref_slice %arg4[%add3A_78, %dma_wait3A_562, %dma_wait3A_563] : memref<900x64x1024xf32, #tpu.memory_space<hbm>> -> memref<1x16x1024xf32, #tpu.memory_space<hbm>>
        %dma_wait3A_565 = tpu.memref_squeeze %dma_wait3A_564 : memref<1x16x1024xf32, #tpu.memory_space<hbm>> -> memref<16x1024xf32, #tpu.memory_space<hbm>>
        %dma_wait3A_566 = arith.constant 32 : i32
        %dma_wait3A_567 = arith.constant 0 : i32
        %dma_wait3A_568 = tpu.memref_slice %arg4[%add3A_78, %dma_wait3A_566, %dma_wait3A_567] : memref<900x64x1024xf32, #tpu.memory_space<hbm>> -> memref<1x16x1024xf32, #tpu.memory_space<hbm>>
        %dma_wait3A_569 = tpu.memref_squeeze %dma_wait3A_568 : memref<1x16x1024xf32, #tpu.memory_space<hbm>> -> memref<16x1024xf32, #tpu.memory_space<hbm>>
        %dma_wait3A_570 = arith.constant 0 : i32
        %dma_wait3A_571 = arith.constant 0 : i32
        %dma_wait3A_572 = tpu.memref_slice %arg7[%dma_wait3A_557, %dma_wait3A_570, %dma_wait3A_571] : memref<2x16x1024xf32, #tpu.memory_space<vmem>> -> memref<1x16x1024xf32, #tpu.memory_space<vmem>>
        %dma_wait3A_573 = tpu.memref_squeeze %dma_wait3A_572 : memref<1x16x1024xf32, #tpu.memory_space<vmem>> -> memref<16x1024xf32, #tpu.memory_space<vmem>>
        tpu.wait_dma2 semaphore(%arg10 : memref<!tpu.dma_semaphore, #tpu.memory_space<semaphore_mem>>) src(%dma_wait3A_573 : memref<16x1024xf32, #tpu.memory_space<vmem>>) dst(%dma_wait3A_569 : memref<16x1024xf32, #tpu.memory_space<hbm>>)
      } else {
      }
      %get3A_342 = arith.constant 32 : i32
      %get3A_343 = arith.index_cast %get3A_342 : i32 to index
      %get3A_344 = arith.constant 0 : index
      %get3A_345 = tpu.vector_load %arg5[%get3A_343, %get3A_344] {strides = array<i32>} : memref<64x16xf32, #tpu.memory_space<vmem>>, vector<1x16xf32>,
      %get3A_346 = vector.shape_cast %get3A_345 : vector<1x16xf32> to vector<16xf32>
      %get3A_347 = arith.constant 33 : i32
      %get3A_348 = arith.index_cast %get3A_347 : i32 to index
      %get3A_349 = arith.constant 0 : index
      %get3A_350 = tpu.vector_load %arg5[%get3A_348, %get3A_349] {strides = array<i32>} : memref<64x16xf32, #tpu.memory_space<vmem>>, vector<1x16xf32>,
      %get3A_351 = vector.shape_cast %get3A_350 : vector<1x16xf32> to vector<16xf32>
      %get3A_352 = arith.constant 34 : i32
      %get3A_353 = arith.index_cast %get3A_352 : i32 to index
      %get3A_354 = arith.constant 0 : index
      %get3A_355 = tpu.vector_load %arg5[%get3A_353, %get3A_354] {strides = array<i32>} : memref<64x16xf32, #tpu.memory_space<vmem>>, vector<1x16xf32>,
      %get3A_356 = vector.shape_cast %get3A_355 : vector<1x16xf32> to vector<16xf32>
      %get3A_357 = arith.constant 35 : i32
      %get3A_358 = arith.index_cast %get3A_357 : i32 to index
      %get3A_359 = arith.constant 0 : index
      %get3A_360 = tpu.vector_load %arg5[%get3A_358, %get3A_359] {strides = array<i32>} : memref<64x16xf32, #tpu.memory_space<vmem>>, vector<1x16xf32>,
      %get3A_361 = vector.shape_cast %get3A_360 : vector<1x16xf32> to vector<16xf32>
      %get3A_362 = arith.constant 36 : i32
      %get3A_363 = arith.index_cast %get3A_362 : i32 to index
      %get3A_364 = arith.constant 0 : index
      %get3A_365 = tpu.vector_load %arg5[%get3A_363, %get3A_364] {strides = array<i32>} : memref<64x16xf32, #tpu.memory_space<vmem>>, vector<1x16xf32>,
      %get3A_366 = vector.shape_cast %get3A_365 : vector<1x16xf32> to vector<16xf32>
      %get3A_367 = arith.constant 37 : i32
      %get3A_368 = arith.index_cast %get3A_367 : i32 to index
      %get3A_369 = arith.constant 0 : index
      %get3A_370 = tpu.vector_load %arg5[%get3A_368, %get3A_369] {strides = array<i32>} : memref<64x16xf32, #tpu.memory_space<vmem>>, vector<1x16xf32>,
      %get3A_371 = vector.shape_cast %get3A_370 : vector<1x16xf32> to vector<16xf32>
      %get3A_372 = arith.constant 38 : i32
      %get3A_373 = arith.index_cast %get3A_372 : i32 to index
      %get3A_374 = arith.constant 0 : index
      %get3A_375 = tpu.vector_load %arg5[%get3A_373, %get3A_374] {strides = array<i32>} : memref<64x16xf32, #tpu.memory_space<vmem>>, vector<1x16xf32>,
      %get3A_376 = vector.shape_cast %get3A_375 : vector<1x16xf32> to vector<16xf32>
      %get3A_377 = arith.constant 39 : i32
      %get3A_378 = arith.index_cast %get3A_377 : i32 to index
      %get3A_379 = arith.constant 0 : index
      %get3A_380 = tpu.vector_load %arg5[%get3A_378, %get3A_379] {strides = array<i32>} : memref<64x16xf32, #tpu.memory_space<vmem>>, vector<1x16xf32>,
      %get3A_381 = vector.shape_cast %get3A_380 : vector<1x16xf32> to vector<16xf32>
      %get3A_382 = arith.constant 40 : i32
      %get3A_383 = arith.index_cast %get3A_382 : i32 to index
      %get3A_384 = arith.constant 0 : index
      %get3A_385 = tpu.vector_load %arg5[%get3A_383, %get3A_384] {strides = array<i32>} : memref<64x16xf32, #tpu.memory_space<vmem>>, vector<1x16xf32>,
      %get3A_386 = vector.shape_cast %get3A_385 : vector<1x16xf32> to vector<16xf32>
      %get3A_387 = arith.constant 41 : i32
      %get3A_388 = arith.index_cast %get3A_387 : i32 to index
      %get3A_389 = arith.constant 0 : index
      %get3A_390 = tpu.vector_load %arg5[%get3A_388, %get3A_389] {strides = array<i32>} : memref<64x16xf32, #tpu.memory_space<vmem>>, vector<1x16xf32>,
      %get3A_391 = vector.shape_cast %get3A_390 : vector<1x16xf32> to vector<16xf32>
      %get3A_392 = arith.constant 42 : i32
      %get3A_393 = arith.index_cast %get3A_392 : i32 to index
      %get3A_394 = arith.constant 0 : index
      %get3A_395 = tpu.vector_load %arg5[%get3A_393, %get3A_394] {strides = array<i32>} : memref<64x16xf32, #tpu.memory_space<vmem>>, vector<1x16xf32>,
      %get3A_396 = vector.shape_cast %get3A_395 : vector<1x16xf32> to vector<16xf32>
      %get3A_397 = arith.constant 43 : i32
      %get3A_398 = arith.index_cast %get3A_397 : i32 to index
      %get3A_399 = arith.constant 0 : index
      %get3A_400 = tpu.vector_load %arg5[%get3A_398, %get3A_399] {strides = array<i32>} : memref<64x16xf32, #tpu.memory_space<vmem>>, vector<1x16xf32>,
      %get3A_401 = vector.shape_cast %get3A_400 : vector<1x16xf32> to vector<16xf32>
      %get3A_402 = arith.constant 44 : i32
      %get3A_403 = arith.index_cast %get3A_402 : i32 to index
      %get3A_404 = arith.constant 0 : index
      %get3A_405 = tpu.vector_load %arg5[%get3A_403, %get3A_404] {strides = array<i32>} : memref<64x16xf32, #tpu.memory_space<vmem>>, vector<1x16xf32>,
      %get3A_406 = vector.shape_cast %get3A_405 : vector<1x16xf32> to vector<16xf32>
      %get3A_407 = arith.constant 45 : i32
      %get3A_408 = arith.index_cast %get3A_407 : i32 to index
      %get3A_409 = arith.constant 0 : index
      %get3A_410 = tpu.vector_load %arg5[%get3A_408, %get3A_409] {strides = array<i32>} : memref<64x16xf32, #tpu.memory_space<vmem>>, vector<1x16xf32>,
      %get3A_411 = vector.shape_cast %get3A_410 : vector<1x16xf32> to vector<16xf32>
      %get3A_412 = arith.constant 46 : i32
      %get3A_413 = arith.index_cast %get3A_412 : i32 to index
      %get3A_414 = arith.constant 0 : index
      %get3A_415 = tpu.vector_load %arg5[%get3A_413, %get3A_414] {strides = array<i32>} : memref<64x16xf32, #tpu.memory_space<vmem>>, vector<1x16xf32>,
      %get3A_416 = vector.shape_cast %get3A_415 : vector<1x16xf32> to vector<16xf32>
      %get3A_417 = arith.constant 47 : i32
      %get3A_418 = arith.index_cast %get3A_417 : i32 to index
      %get3A_419 = arith.constant 0 : index
      %get3A_420 = tpu.vector_load %arg5[%get3A_418, %get3A_419] {strides = array<i32>} : memref<64x16xf32, #tpu.memory_space<vmem>>, vector<1x16xf32>,
      %get3A_421 = vector.shape_cast %get3A_420 : vector<1x16xf32> to vector<16xf32>
      %scan3A_422 = arith.constant 0 : i32
      %scan3A_423 = arith.constant 0 : i32
      %scan3A_424 = arith.constant 64 : i32
      %scan3A_425 = arith.addi %scan3A_423, %scan3A_424 : i32
      %scan3A_426 = arith.constant 1 : i32
      scf.for %scan3A_557 = %scan3A_423 to %scan3A_425 step %scan3A_426  : i32 {
        %mul3A_558 = arith.constant 16 : i32
        %mul3A_559 = arith.muli %scan3A_557, %mul3A_558 : i32
        %get3A_560 = arith.index_cast %select_n3A_77 : i32 to index
        %get3A_561 = arith.index_cast %mul3A_559 : i32 to index
        %get3A_562 = tpu.vector_load %arg6[%get3A_560, %get3A_561] {strides = array<i32>} : memref<2x1024xi32, #tpu.memory_space<vmem>>, vector<1x16xi32>,
        %get3A_563 = vector.shape_cast %get3A_562 : vector<1x16xi32> to vector<16xi32>
        %lt3A_564 = arith.constant 0 : i32
        %lt3A_565 = vector.broadcast %lt3A_564 : i32 to vector<16xi32>
        %lt3A_566 = arith.cmpi slt, %get3A_563, %lt3A_565 : vector<16xi32>
        %add3A_567 = arith.constant 16 : i32
        %add3A_568 = vector.broadcast %add3A_567 : i32 to vector<16xi32>
        %add3A_569 = arith.addi %get3A_563, %add3A_568 : vector<16xi32>
        %select_n3A_570 = arith.select %lt3A_566, %add3A_569, %get3A_563 : vector<16xi1>, vector<16xi32>
        %broadcast_in_dim3A = vector.shape_cast %select_n3A_570 : vector<16xi32> to vector<16x1xi32>
        %gather3A = vector.shape_cast %broadcast_in_dim3A : vector<16x1xi32> to vector<16xi32>
        %gather3A_571 = tpu.dynamic_gather %get3A_346[%gather3A] in [0] : vector<16xf32>, vector<16xi32> -> vector<16xf32>
        %mul3A_572 = arith.constant 16 : i32
        %mul3A_573 = arith.muli %scan3A_557, %mul3A_572 : i32
        %swap3A = arith.constant 0 : i32
        %swap3A_574 = arith.constant 0 : i32
        %swap3A_575 = arith.index_cast %swap3A : i32 to index
        %swap3A_576 = arith.index_cast %swap3A_574 : i32 to index
        %swap3A_577 = arith.index_cast %mul3A_573 : i32 to index
        %swap3A_578 = tpu.vector_load %arg7[%swap3A_575, %swap3A_576, %swap3A_577] {strides = array<i32>} : memref<2x16x1024xf32, #tpu.memory_space<vmem>>, vector<1x1x16xf32>,
        %swap3A_579 = vector.shape_cast %swap3A_578 : vector<1x1x16xf32> to vector<16xf32>
        %swap3A_580 = vector.shape_cast %gather3A_571 : vector<16xf32> to vector<1x1x16xf32>
        tpu.vector_store %arg7[%swap3A_575, %swap3A_576, %swap3A_577], %swap3A_580 {strides = array<i32>} : memref<2x16x1024xf32, #tpu.memory_space<vmem>>, vector<1x1x16xf32>,
        %lt3A_581 = arith.constant 0 : i32
        %lt3A_582 = vector.broadcast %lt3A_581 : i32 to vector<16xi32>
        %lt3A_583 = arith.cmpi slt, %get3A_563, %lt3A_582 : vector<16xi32>
        %add3A_584 = arith.constant 16 : i32
        %add3A_585 = vector.broadcast %add3A_584 : i32 to vector<16xi32>
        %add3A_586 = arith.addi %get3A_563, %add3A_585 : vector<16xi32>
        %select_n3A_587 = arith.select %lt3A_583, %add3A_586, %get3A_563 : vector<16xi1>, vector<16xi32>
        %broadcast_in_dim3A_588 = vector.shape_cast %select_n3A_587 : vector<16xi32> to vector<16x1xi32>
        %gather3A_589 = vector.shape_cast %broadcast_in_dim3A_588 : vector<16x1xi32> to vector<16xi32>
        %gather3A_590 = tpu.dynamic_gather %get3A_351[%gather3A_589] in [0] : vector<16xf32>, vector<16xi32> -> vector<16xf32>
        %mul3A_591 = arith.constant 16 : i32
        %mul3A_592 = arith.muli %scan3A_557, %mul3A_591 : i32
        %swap3A_593 = arith.constant 0 : i32
        %swap3A_594 = arith.constant 1 : i32
        %swap3A_595 = arith.index_cast %swap3A_593 : i32 to index
        %swap3A_596 = arith.index_cast %swap3A_594 : i32 to index
        %swap3A_597 = arith.index_cast %mul3A_592 : i32 to index
        %swap3A_598 = tpu.vector_load %arg7[%swap3A_595, %swap3A_596, %swap3A_597] {strides = array<i32>} : memref<2x16x1024xf32, #tpu.memory_space<vmem>>, vector<1x1x16xf32>,
        %swap3A_599 = vector.shape_cast %swap3A_598 : vector<1x1x16xf32> to vector<16xf32>
        %swap3A_600 = vector.shape_cast %gather3A_590 : vector<16xf32> to vector<1x1x16xf32>
        tpu.vector_store %arg7[%swap3A_595, %swap3A_596, %swap3A_597], %swap3A_600 {strides = array<i32>} : memref<2x16x1024xf32, #tpu.memory_space<vmem>>, vector<1x1x16xf32>,
        %lt3A_601 = arith.constant 0 : i32
        %lt3A_602 = vector.broadcast %lt3A_601 : i32 to vector<16xi32>
        %lt3A_603 = arith.cmpi slt, %get3A_563, %lt3A_602 : vector<16xi32>
        %add3A_604 = arith.constant 16 : i32
        %add3A_605 = vector.broadcast %add3A_604 : i32 to vector<16xi32>
        %add3A_606 = arith.addi %get3A_563, %add3A_605 : vector<16xi32>
        %select_n3A_607 = arith.select %lt3A_603, %add3A_606, %get3A_563 : vector<16xi1>, vector<16xi32>
        %broadcast_in_dim3A_608 = vector.shape_cast %select_n3A_607 : vector<16xi32> to vector<16x1xi32>
        %gather3A_609 = vector.shape_cast %broadcast_in_dim3A_608 : vector<16x1xi32> to vector<16xi32>
        %gather3A_610 = tpu.dynamic_gather %get3A_356[%gather3A_609] in [0] : vector<16xf32>, vector<16xi32> -> vector<16xf32>
        %mul3A_611 = arith.constant 16 : i32
        %mul3A_612 = arith.muli %scan3A_557, %mul3A_611 : i32
        %swap3A_613 = arith.constant 0 : i32
        %swap3A_614 = arith.constant 2 : i32
        %swap3A_615 = arith.index_cast %swap3A_613 : i32 to index
        %swap3A_616 = arith.index_cast %swap3A_614 : i32 to index
        %swap3A_617 = arith.index_cast %mul3A_612 : i32 to index
        %swap3A_618 = tpu.vector_load %arg7[%swap3A_615, %swap3A_616, %swap3A_617] {strides = array<i32>} : memref<2x16x1024xf32, #tpu.memory_space<vmem>>, vector<1x1x16xf32>,
        %swap3A_619 = vector.shape_cast %swap3A_618 : vector<1x1x16xf32> to vector<16xf32>
        %swap3A_620 = vector.shape_cast %gather3A_610 : vector<16xf32> to vector<1x1x16xf32>
        tpu.vector_store %arg7[%swap3A_615, %swap3A_616, %swap3A_617], %swap3A_620 {strides = array<i32>} : memref<2x16x1024xf32, #tpu.memory_space<vmem>>, vector<1x1x16xf32>,
        %lt3A_621 = arith.constant 0 : i32
        %lt3A_622 = vector.broadcast %lt3A_621 : i32 to vector<16xi32>
        %lt3A_623 = arith.cmpi slt, %get3A_563, %lt3A_622 : vector<16xi32>
        %add3A_624 = arith.constant 16 : i32
        %add3A_625 = vector.broadcast %add3A_624 : i32 to vector<16xi32>
        %add3A_626 = arith.addi %get3A_563, %add3A_625 : vector<16xi32>
        %select_n3A_627 = arith.select %lt3A_623, %add3A_626, %get3A_563 : vector<16xi1>, vector<16xi32>
        %broadcast_in_dim3A_628 = vector.shape_cast %select_n3A_627 : vector<16xi32> to vector<16x1xi32>
        %gather3A_629 = vector.shape_cast %broadcast_in_dim3A_628 : vector<16x1xi32> to vector<16xi32>
        %gather3A_630 = tpu.dynamic_gather %get3A_361[%gather3A_629] in [0] : vector<16xf32>, vector<16xi32> -> vector<16xf32>
        %mul3A_631 = arith.constant 16 : i32
        %mul3A_632 = arith.muli %scan3A_557, %mul3A_631 : i32
        %swap3A_633 = arith.constant 0 : i32
        %swap3A_634 = arith.constant 3 : i32
        %swap3A_635 = arith.index_cast %swap3A_633 : i32 to index
        %swap3A_636 = arith.index_cast %swap3A_634 : i32 to index
        %swap3A_637 = arith.index_cast %mul3A_632 : i32 to index
        %swap3A_638 = tpu.vector_load %arg7[%swap3A_635, %swap3A_636, %swap3A_637] {strides = array<i32>} : memref<2x16x1024xf32, #tpu.memory_space<vmem>>, vector<1x1x16xf32>,
        %swap3A_639 = vector.shape_cast %swap3A_638 : vector<1x1x16xf32> to vector<16xf32>
        %swap3A_640 = vector.shape_cast %gather3A_630 : vector<16xf32> to vector<1x1x16xf32>
        tpu.vector_store %arg7[%swap3A_635, %swap3A_636, %swap3A_637], %swap3A_640 {strides = array<i32>} : memref<2x16x1024xf32, #tpu.memory_space<vmem>>, vector<1x1x16xf32>,
        %lt3A_641 = arith.constant 0 : i32
        %lt3A_642 = vector.broadcast %lt3A_641 : i32 to vector<16xi32>
        %lt3A_643 = arith.cmpi slt, %get3A_563, %lt3A_642 : vector<16xi32>
        %add3A_644 = arith.constant 16 : i32
        %add3A_645 = vector.broadcast %add3A_644 : i32 to vector<16xi32>
        %add3A_646 = arith.addi %get3A_563, %add3A_645 : vector<16xi32>
        %select_n3A_647 = arith.select %lt3A_643, %add3A_646, %get3A_563 : vector<16xi1>, vector<16xi32>
        %broadcast_in_dim3A_648 = vector.shape_cast %select_n3A_647 : vector<16xi32> to vector<16x1xi32>
        %gather3A_649 = vector.shape_cast %broadcast_in_dim3A_648 : vector<16x1xi32> to vector<16xi32>
        %gather3A_650 = tpu.dynamic_gather %get3A_366[%gather3A_649] in [0] : vector<16xf32>, vector<16xi32> -> vector<16xf32>
        %mul3A_651 = arith.constant 16 : i32
        %mul3A_652 = arith.muli %scan3A_557, %mul3A_651 : i32
        %swap3A_653 = arith.constant 0 : i32
        %swap3A_654 = arith.constant 4 : i32
        %swap3A_655 = arith.index_cast %swap3A_653 : i32 to index
        %swap3A_656 = arith.index_cast %swap3A_654 : i32 to index
        %swap3A_657 = arith.index_cast %mul3A_652 : i32 to index
        %swap3A_658 = tpu.vector_load %arg7[%swap3A_655, %swap3A_656, %swap3A_657] {strides = array<i32>} : memref<2x16x1024xf32, #tpu.memory_space<vmem>>, vector<1x1x16xf32>,
        %swap3A_659 = vector.shape_cast %swap3A_658 : vector<1x1x16xf32> to vector<16xf32>
        %swap3A_660 = vector.shape_cast %gather3A_650 : vector<16xf32> to vector<1x1x16xf32>
        tpu.vector_store %arg7[%swap3A_655, %swap3A_656, %swap3A_657], %swap3A_660 {strides = array<i32>} : memref<2x16x1024xf32, #tpu.memory_space<vmem>>, vector<1x1x16xf32>,
        %lt3A_661 = arith.constant 0 : i32
        %lt3A_662 = vector.broadcast %lt3A_661 : i32 to vector<16xi32>
        %lt3A_663 = arith.cmpi slt, %get3A_563, %lt3A_662 : vector<16xi32>
        %add3A_664 = arith.constant 16 : i32
        %add3A_665 = vector.broadcast %add3A_664 : i32 to vector<16xi32>
        %add3A_666 = arith.addi %get3A_563, %add3A_665 : vector<16xi32>
        %select_n3A_667 = arith.select %lt3A_663, %add3A_666, %get3A_563 : vector<16xi1>, vector<16xi32>
        %broadcast_in_dim3A_668 = vector.shape_cast %select_n3A_667 : vector<16xi32> to vector<16x1xi32>
        %gather3A_669 = vector.shape_cast %broadcast_in_dim3A_668 : vector<16x1xi32> to vector<16xi32>
        %gather3A_670 = tpu.dynamic_gather %get3A_371[%gather3A_669] in [0] : vector<16xf32>, vector<16xi32> -> vector<16xf32>
        %mul3A_671 = arith.constant 16 : i32
        %mul3A_672 = arith.muli %scan3A_557, %mul3A_671 : i32
        %swap3A_673 = arith.constant 0 : i32
        %swap3A_674 = arith.constant 5 : i32
        %swap3A_675 = arith.index_cast %swap3A_673 : i32 to index
        %swap3A_676 = arith.index_cast %swap3A_674 : i32 to index
        %swap3A_677 = arith.index_cast %mul3A_672 : i32 to index
        %swap3A_678 = tpu.vector_load %arg7[%swap3A_675, %swap3A_676, %swap3A_677] {strides = array<i32>} : memref<2x16x1024xf32, #tpu.memory_space<vmem>>, vector<1x1x16xf32>,
        %swap3A_679 = vector.shape_cast %swap3A_678 : vector<1x1x16xf32> to vector<16xf32>
        %swap3A_680 = vector.shape_cast %gather3A_670 : vector<16xf32> to vector<1x1x16xf32>
        tpu.vector_store %arg7[%swap3A_675, %swap3A_676, %swap3A_677], %swap3A_680 {strides = array<i32>} : memref<2x16x1024xf32, #tpu.memory_space<vmem>>, vector<1x1x16xf32>,
        %lt3A_681 = arith.constant 0 : i32
        %lt3A_682 = vector.broadcast %lt3A_681 : i32 to vector<16xi32>
        %lt3A_683 = arith.cmpi slt, %get3A_563, %lt3A_682 : vector<16xi32>
        %add3A_684 = arith.constant 16 : i32
        %add3A_685 = vector.broadcast %add3A_684 : i32 to vector<16xi32>
        %add3A_686 = arith.addi %get3A_563, %add3A_685 : vector<16xi32>
        %select_n3A_687 = arith.select %lt3A_683, %add3A_686, %get3A_563 : vector<16xi1>, vector<16xi32>
        %broadcast_in_dim3A_688 = vector.shape_cast %select_n3A_687 : vector<16xi32> to vector<16x1xi32>
        %gather3A_689 = vector.shape_cast %broadcast_in_dim3A_688 : vector<16x1xi32> to vector<16xi32>
        %gather3A_690 = tpu.dynamic_gather %get3A_376[%gather3A_689] in [0] : vector<16xf32>, vector<16xi32> -> vector<16xf32>
        %mul3A_691 = arith.constant 16 : i32
        %mul3A_692 = arith.muli %scan3A_557, %mul3A_691 : i32
        %swap3A_693 = arith.constant 0 : i32
        %swap3A_694 = arith.constant 6 : i32
        %swap3A_695 = arith.index_cast %swap3A_693 : i32 to index
        %swap3A_696 = arith.index_cast %swap3A_694 : i32 to index
        %swap3A_697 = arith.index_cast %mul3A_692 : i32 to index
        %swap3A_698 = tpu.vector_load %arg7[%swap3A_695, %swap3A_696, %swap3A_697] {strides = array<i32>} : memref<2x16x1024xf32, #tpu.memory_space<vmem>>, vector<1x1x16xf32>,
        %swap3A_699 = vector.shape_cast %swap3A_698 : vector<1x1x16xf32> to vector<16xf32>
        %swap3A_700 = vector.shape_cast %gather3A_690 : vector<16xf32> to vector<1x1x16xf32>
        tpu.vector_store %arg7[%swap3A_695, %swap3A_696, %swap3A_697], %swap3A_700 {strides = array<i32>} : memref<2x16x1024xf32, #tpu.memory_space<vmem>>, vector<1x1x16xf32>,
        %lt3A_701 = arith.constant 0 : i32
        %lt3A_702 = vector.broadcast %lt3A_701 : i32 to vector<16xi32>
        %lt3A_703 = arith.cmpi slt, %get3A_563, %lt3A_702 : vector<16xi32>
        %add3A_704 = arith.constant 16 : i32
        %add3A_705 = vector.broadcast %add3A_704 : i32 to vector<16xi32>
        %add3A_706 = arith.addi %get3A_563, %add3A_705 : vector<16xi32>
        %select_n3A_707 = arith.select %lt3A_703, %add3A_706, %get3A_563 : vector<16xi1>, vector<16xi32>
        %broadcast_in_dim3A_708 = vector.shape_cast %select_n3A_707 : vector<16xi32> to vector<16x1xi32>
        %gather3A_709 = vector.shape_cast %broadcast_in_dim3A_708 : vector<16x1xi32> to vector<16xi32>
        %gather3A_710 = tpu.dynamic_gather %get3A_381[%gather3A_709] in [0] : vector<16xf32>, vector<16xi32> -> vector<16xf32>
        %mul3A_711 = arith.constant 16 : i32
        %mul3A_712 = arith.muli %scan3A_557, %mul3A_711 : i32
        %swap3A_713 = arith.constant 0 : i32
        %swap3A_714 = arith.constant 7 : i32
        %swap3A_715 = arith.index_cast %swap3A_713 : i32 to index
        %swap3A_716 = arith.index_cast %swap3A_714 : i32 to index
        %swap3A_717 = arith.index_cast %mul3A_712 : i32 to index
        %swap3A_718 = tpu.vector_load %arg7[%swap3A_715, %swap3A_716, %swap3A_717] {strides = array<i32>} : memref<2x16x1024xf32, #tpu.memory_space<vmem>>, vector<1x1x16xf32>,
        %swap3A_719 = vector.shape_cast %swap3A_718 : vector<1x1x16xf32> to vector<16xf32>
        %swap3A_720 = vector.shape_cast %gather3A_710 : vector<16xf32> to vector<1x1x16xf32>
        tpu.vector_store %arg7[%swap3A_715, %swap3A_716, %swap3A_717], %swap3A_720 {strides = array<i32>} : memref<2x16x1024xf32, #tpu.memory_space<vmem>>, vector<1x1x16xf32>,
        %lt3A_721 = arith.constant 0 : i32
        %lt3A_722 = vector.broadcast %lt3A_721 : i32 to vector<16xi32>
        %lt3A_723 = arith.cmpi slt, %get3A_563, %lt3A_722 : vector<16xi32>
        %add3A_724 = arith.constant 16 : i32
        %add3A_725 = vector.broadcast %add3A_724 : i32 to vector<16xi32>
        %add3A_726 = arith.addi %get3A_563, %add3A_725 : vector<16xi32>
        %select_n3A_727 = arith.select %lt3A_723, %add3A_726, %get3A_563 : vector<16xi1>, vector<16xi32>
        %broadcast_in_dim3A_728 = vector.shape_cast %select_n3A_727 : vector<16xi32> to vector<16x1xi32>
        %gather3A_729 = vector.shape_cast %broadcast_in_dim3A_728 : vector<16x1xi32> to vector<16xi32>
        %gather3A_730 = tpu.dynamic_gather %get3A_386[%gather3A_729] in [0] : vector<16xf32>, vector<16xi32> -> vector<16xf32>
        %mul3A_731 = arith.constant 16 : i32
        %mul3A_732 = arith.muli %scan3A_557, %mul3A_731 : i32
        %swap3A_733 = arith.constant 0 : i32
        %swap3A_734 = arith.constant 8 : i32
        %swap3A_735 = arith.index_cast %swap3A_733 : i32 to index
        %swap3A_736 = arith.index_cast %swap3A_734 : i32 to index
        %swap3A_737 = arith.index_cast %mul3A_732 : i32 to index
        %swap3A_738 = tpu.vector_load %arg7[%swap3A_735, %swap3A_736, %swap3A_737] {strides = array<i32>} : memref<2x16x1024xf32, #tpu.memory_space<vmem>>, vector<1x1x16xf32>,
        %swap3A_739 = vector.shape_cast %swap3A_738 : vector<1x1x16xf32> to vector<16xf32>
        %swap3A_740 = vector.shape_cast %gather3A_730 : vector<16xf32> to vector<1x1x16xf32>
        tpu.vector_store %arg7[%swap3A_735, %swap3A_736, %swap3A_737], %swap3A_740 {strides = array<i32>} : memref<2x16x1024xf32, #tpu.memory_space<vmem>>, vector<1x1x16xf32>,
        %lt3A_741 = arith.constant 0 : i32
        %lt3A_742 = vector.broadcast %lt3A_741 : i32 to vector<16xi32>
        %lt3A_743 = arith.cmpi slt, %get3A_563, %lt3A_742 : vector<16xi32>
        %add3A_744 = arith.constant 16 : i32
        %add3A_745 = vector.broadcast %add3A_744 : i32 to vector<16xi32>
        %add3A_746 = arith.addi %get3A_563, %add3A_745 : vector<16xi32>
        %select_n3A_747 = arith.select %lt3A_743, %add3A_746, %get3A_563 : vector<16xi1>, vector<16xi32>
        %broadcast_in_dim3A_748 = vector.shape_cast %select_n3A_747 : vector<16xi32> to vector<16x1xi32>
        %gather3A_749 = vector.shape_cast %broadcast_in_dim3A_748 : vector<16x1xi32> to vector<16xi32>
        %gather3A_750 = tpu.dynamic_gather %get3A_391[%gather3A_749] in [0] : vector<16xf32>, vector<16xi32> -> vector<16xf32>
        %mul3A_751 = arith.constant 16 : i32
        %mul3A_752 = arith.muli %scan3A_557, %mul3A_751 : i32
        %swap3A_753 = arith.constant 0 : i32
        %swap3A_754 = arith.constant 9 : i32
        %swap3A_755 = arith.index_cast %swap3A_753 : i32 to index
        %swap3A_756 = arith.index_cast %swap3A_754 : i32 to index
        %swap3A_757 = arith.index_cast %mul3A_752 : i32 to index
        %swap3A_758 = tpu.vector_load %arg7[%swap3A_755, %swap3A_756, %swap3A_757] {strides = array<i32>} : memref<2x16x1024xf32, #tpu.memory_space<vmem>>, vector<1x1x16xf32>,
        %swap3A_759 = vector.shape_cast %swap3A_758 : vector<1x1x16xf32> to vector<16xf32>
        %swap3A_760 = vector.shape_cast %gather3A_750 : vector<16xf32> to vector<1x1x16xf32>
        tpu.vector_store %arg7[%swap3A_755, %swap3A_756, %swap3A_757], %swap3A_760 {strides = array<i32>} : memref<2x16x1024xf32, #tpu.memory_space<vmem>>, vector<1x1x16xf32>,
        %lt3A_761 = arith.constant 0 : i32
        %lt3A_762 = vector.broadcast %lt3A_761 : i32 to vector<16xi32>
        %lt3A_763 = arith.cmpi slt, %get3A_563, %lt3A_762 : vector<16xi32>
        %add3A_764 = arith.constant 16 : i32
        %add3A_765 = vector.broadcast %add3A_764 : i32 to vector<16xi32>
        %add3A_766 = arith.addi %get3A_563, %add3A_765 : vector<16xi32>
        %select_n3A_767 = arith.select %lt3A_763, %add3A_766, %get3A_563 : vector<16xi1>, vector<16xi32>
        %broadcast_in_dim3A_768 = vector.shape_cast %select_n3A_767 : vector<16xi32> to vector<16x1xi32>
        %gather3A_769 = vector.shape_cast %broadcast_in_dim3A_768 : vector<16x1xi32> to vector<16xi32>
        %gather3A_770 = tpu.dynamic_gather %get3A_396[%gather3A_769] in [0] : vector<16xf32>, vector<16xi32> -> vector<16xf32>
        %mul3A_771 = arith.constant 16 : i32
        %mul3A_772 = arith.muli %scan3A_557, %mul3A_771 : i32
        %swap3A_773 = arith.constant 0 : i32
        %swap3A_774 = arith.constant 10 : i32
        %swap3A_775 = arith.index_cast %swap3A_773 : i32 to index
        %swap3A_776 = arith.index_cast %swap3A_774 : i32 to index
        %swap3A_777 = arith.index_cast %mul3A_772 : i32 to index
        %swap3A_778 = tpu.vector_load %arg7[%swap3A_775, %swap3A_776, %swap3A_777] {strides = array<i32>} : memref<2x16x1024xf32, #tpu.memory_space<vmem>>, vector<1x1x16xf32>,
        %swap3A_779 = vector.shape_cast %swap3A_778 : vector<1x1x16xf32> to vector<16xf32>
        %swap3A_780 = vector.shape_cast %gather3A_770 : vector<16xf32> to vector<1x1x16xf32>
        tpu.vector_store %arg7[%swap3A_775, %swap3A_776, %swap3A_777], %swap3A_780 {strides = array<i32>} : memref<2x16x1024xf32, #tpu.memory_space<vmem>>, vector<1x1x16xf32>,
        %lt3A_781 = arith.constant 0 : i32
        %lt3A_782 = vector.broadcast %lt3A_781 : i32 to vector<16xi32>
        %lt3A_783 = arith.cmpi slt, %get3A_563, %lt3A_782 : vector<16xi32>
        %add3A_784 = arith.constant 16 : i32
        %add3A_785 = vector.broadcast %add3A_784 : i32 to vector<16xi32>
        %add3A_786 = arith.addi %get3A_563, %add3A_785 : vector<16xi32>
        %select_n3A_787 = arith.select %lt3A_783, %add3A_786, %get3A_563 : vector<16xi1>, vector<16xi32>
        %broadcast_in_dim3A_788 = vector.shape_cast %select_n3A_787 : vector<16xi32> to vector<16x1xi32>
        %gather3A_789 = vector.shape_cast %broadcast_in_dim3A_788 : vector<16x1xi32> to vector<16xi32>
        %gather3A_790 = tpu.dynamic_gather %get3A_401[%gather3A_789] in [0] : vector<16xf32>, vector<16xi32> -> vector<16xf32>
        %mul3A_791 = arith.constant 16 : i32
        %mul3A_792 = arith.muli %scan3A_557, %mul3A_791 : i32
        %swap3A_793 = arith.constant 0 : i32
        %swap3A_794 = arith.constant 11 : i32
        %swap3A_795 = arith.index_cast %swap3A_793 : i32 to index
        %swap3A_796 = arith.index_cast %swap3A_794 : i32 to index
        %swap3A_797 = arith.index_cast %mul3A_792 : i32 to index
        %swap3A_798 = tpu.vector_load %arg7[%swap3A_795, %swap3A_796, %swap3A_797] {strides = array<i32>} : memref<2x16x1024xf32, #tpu.memory_space<vmem>>, vector<1x1x16xf32>,
        %swap3A_799 = vector.shape_cast %swap3A_798 : vector<1x1x16xf32> to vector<16xf32>
        %swap3A_800 = vector.shape_cast %gather3A_790 : vector<16xf32> to vector<1x1x16xf32>
        tpu.vector_store %arg7[%swap3A_795, %swap3A_796, %swap3A_797], %swap3A_800 {strides = array<i32>} : memref<2x16x1024xf32, #tpu.memory_space<vmem>>, vector<1x1x16xf32>,
        %lt3A_801 = arith.constant 0 : i32
        %lt3A_802 = vector.broadcast %lt3A_801 : i32 to vector<16xi32>
        %lt3A_803 = arith.cmpi slt, %get3A_563, %lt3A_802 : vector<16xi32>
        %add3A_804 = arith.constant 16 : i32
        %add3A_805 = vector.broadcast %add3A_804 : i32 to vector<16xi32>
        %add3A_806 = arith.addi %get3A_563, %add3A_805 : vector<16xi32>
        %select_n3A_807 = arith.select %lt3A_803, %add3A_806, %get3A_563 : vector<16xi1>, vector<16xi32>
        %broadcast_in_dim3A_808 = vector.shape_cast %select_n3A_807 : vector<16xi32> to vector<16x1xi32>
        %gather3A_809 = vector.shape_cast %broadcast_in_dim3A_808 : vector<16x1xi32> to vector<16xi32>
        %gather3A_810 = tpu.dynamic_gather %get3A_406[%gather3A_809] in [0] : vector<16xf32>, vector<16xi32> -> vector<16xf32>
        %mul3A_811 = arith.constant 16 : i32
        %mul3A_812 = arith.muli %scan3A_557, %mul3A_811 : i32
        %swap3A_813 = arith.constant 0 : i32
        %swap3A_814 = arith.constant 12 : i32
        %swap3A_815 = arith.index_cast %swap3A_813 : i32 to index
        %swap3A_816 = arith.index_cast %swap3A_814 : i32 to index
        %swap3A_817 = arith.index_cast %mul3A_812 : i32 to index
        %swap3A_818 = tpu.vector_load %arg7[%swap3A_815, %swap3A_816, %swap3A_817] {strides = array<i32>} : memref<2x16x1024xf32, #tpu.memory_space<vmem>>, vector<1x1x16xf32>,
        %swap3A_819 = vector.shape_cast %swap3A_818 : vector<1x1x16xf32> to vector<16xf32>
        %swap3A_820 = vector.shape_cast %gather3A_810 : vector<16xf32> to vector<1x1x16xf32>
        tpu.vector_store %arg7[%swap3A_815, %swap3A_816, %swap3A_817], %swap3A_820 {strides = array<i32>} : memref<2x16x1024xf32, #tpu.memory_space<vmem>>, vector<1x1x16xf32>,
        %lt3A_821 = arith.constant 0 : i32
        %lt3A_822 = vector.broadcast %lt3A_821 : i32 to vector<16xi32>
        %lt3A_823 = arith.cmpi slt, %get3A_563, %lt3A_822 : vector<16xi32>
        %add3A_824 = arith.constant 16 : i32
        %add3A_825 = vector.broadcast %add3A_824 : i32 to vector<16xi32>
        %add3A_826 = arith.addi %get3A_563, %add3A_825 : vector<16xi32>
        %select_n3A_827 = arith.select %lt3A_823, %add3A_826, %get3A_563 : vector<16xi1>, vector<16xi32>
        %broadcast_in_dim3A_828 = vector.shape_cast %select_n3A_827 : vector<16xi32> to vector<16x1xi32>
        %gather3A_829 = vector.shape_cast %broadcast_in_dim3A_828 : vector<16x1xi32> to vector<16xi32>
        %gather3A_830 = tpu.dynamic_gather %get3A_411[%gather3A_829] in [0] : vector<16xf32>, vector<16xi32> -> vector<16xf32>
        %mul3A_831 = arith.constant 16 : i32
        %mul3A_832 = arith.muli %scan3A_557, %mul3A_831 : i32
        %swap3A_833 = arith.constant 0 : i32
        %swap3A_834 = arith.constant 13 : i32
        %swap3A_835 = arith.index_cast %swap3A_833 : i32 to index
        %swap3A_836 = arith.index_cast %swap3A_834 : i32 to index
        %swap3A_837 = arith.index_cast %mul3A_832 : i32 to index
        %swap3A_838 = tpu.vector_load %arg7[%swap3A_835, %swap3A_836, %swap3A_837] {strides = array<i32>} : memref<2x16x1024xf32, #tpu.memory_space<vmem>>, vector<1x1x16xf32>,
        %swap3A_839 = vector.shape_cast %swap3A_838 : vector<1x1x16xf32> to vector<16xf32>
        %swap3A_840 = vector.shape_cast %gather3A_830 : vector<16xf32> to vector<1x1x16xf32>
        tpu.vector_store %arg7[%swap3A_835, %swap3A_836, %swap3A_837], %swap3A_840 {strides = array<i32>} : memref<2x16x1024xf32, #tpu.memory_space<vmem>>, vector<1x1x16xf32>,
        %lt3A_841 = arith.constant 0 : i32
        %lt3A_842 = vector.broadcast %lt3A_841 : i32 to vector<16xi32>
        %lt3A_843 = arith.cmpi slt, %get3A_563, %lt3A_842 : vector<16xi32>
        %add3A_844 = arith.constant 16 : i32
        %add3A_845 = vector.broadcast %add3A_844 : i32 to vector<16xi32>
        %add3A_846 = arith.addi %get3A_563, %add3A_845 : vector<16xi32>
        %select_n3A_847 = arith.select %lt3A_843, %add3A_846, %get3A_563 : vector<16xi1>, vector<16xi32>
        %broadcast_in_dim3A_848 = vector.shape_cast %select_n3A_847 : vector<16xi32> to vector<16x1xi32>
        %gather3A_849 = vector.shape_cast %broadcast_in_dim3A_848 : vector<16x1xi32> to vector<16xi32>
        %gather3A_850 = tpu.dynamic_gather %get3A_416[%gather3A_849] in [0] : vector<16xf32>, vector<16xi32> -> vector<16xf32>
        %mul3A_851 = arith.constant 16 : i32
        %mul3A_852 = arith.muli %scan3A_557, %mul3A_851 : i32
        %swap3A_853 = arith.constant 0 : i32
        %swap3A_854 = arith.constant 14 : i32
        %swap3A_855 = arith.index_cast %swap3A_853 : i32 to index
        %swap3A_856 = arith.index_cast %swap3A_854 : i32 to index
        %swap3A_857 = arith.index_cast %mul3A_852 : i32 to index
        %swap3A_858 = tpu.vector_load %arg7[%swap3A_855, %swap3A_856, %swap3A_857] {strides = array<i32>} : memref<2x16x1024xf32, #tpu.memory_space<vmem>>, vector<1x1x16xf32>,
        %swap3A_859 = vector.shape_cast %swap3A_858 : vector<1x1x16xf32> to vector<16xf32>
        %swap3A_860 = vector.shape_cast %gather3A_850 : vector<16xf32> to vector<1x1x16xf32>
        tpu.vector_store %arg7[%swap3A_855, %swap3A_856, %swap3A_857], %swap3A_860 {strides = array<i32>} : memref<2x16x1024xf32, #tpu.memory_space<vmem>>, vector<1x1x16xf32>,
        %lt3A_861 = arith.constant 0 : i32
        %lt3A_862 = vector.broadcast %lt3A_861 : i32 to vector<16xi32>
        %lt3A_863 = arith.cmpi slt, %get3A_563, %lt3A_862 : vector<16xi32>
        %add3A_864 = arith.constant 16 : i32
        %add3A_865 = vector.broadcast %add3A_864 : i32 to vector<16xi32>
        %add3A_866 = arith.addi %get3A_563, %add3A_865 : vector<16xi32>
        %select_n3A_867 = arith.select %lt3A_863, %add3A_866, %get3A_563 : vector<16xi1>, vector<16xi32>
        %broadcast_in_dim3A_868 = vector.shape_cast %select_n3A_867 : vector<16xi32> to vector<16x1xi32>
        %gather3A_869 = vector.shape_cast %broadcast_in_dim3A_868 : vector<16x1xi32> to vector<16xi32>
        %gather3A_870 = tpu.dynamic_gather %get3A_421[%gather3A_869] in [0] : vector<16xf32>, vector<16xi32> -> vector<16xf32>
        %mul3A_871 = arith.constant 16 : i32
        %mul3A_872 = arith.muli %scan3A_557, %mul3A_871 : i32
        %swap3A_873 = arith.constant 0 : i32
        %swap3A_874 = arith.constant 15 : i32
        %swap3A_875 = arith.index_cast %swap3A_873 : i32 to index
        %swap3A_876 = arith.index_cast %swap3A_874 : i32 to index
        %swap3A_877 = arith.index_cast %mul3A_872 : i32 to index
        %swap3A_878 = tpu.vector_load %arg7[%swap3A_875, %swap3A_876, %swap3A_877] {strides = array<i32>} : memref<2x16x1024xf32, #tpu.memory_space<vmem>>, vector<1x1x16xf32>,
        %swap3A_879 = vector.shape_cast %swap3A_878 : vector<1x1x16xf32> to vector<16xf32>
        %swap3A_880 = vector.shape_cast %gather3A_870 : vector<16xf32> to vector<1x1x16xf32>
        tpu.vector_store %arg7[%swap3A_875, %swap3A_876, %swap3A_877], %swap3A_880 {strides = array<i32>} : memref<2x16x1024xf32, #tpu.memory_space<vmem>>, vector<1x1x16xf32>,
      }
      %scan3A_427 = arith.constant 64 : i32
      %dma_start3A_428 = arith.constant 0 : i32
      %dma_start3A_429 = arith.constant 0 : i32
      %dma_start3A_430 = arith.constant 0 : i32
      %dma_start3A_431 = tpu.memref_slice %arg7[%dma_start3A_428, %dma_start3A_429, %dma_start3A_430] : memref<2x16x1024xf32, #tpu.memory_space<vmem>> -> memref<1x16x1024xf32, #tpu.memory_space<vmem>>
      %dma_start3A_432 = tpu.memref_squeeze %dma_start3A_431 : memref<1x16x1024xf32, #tpu.memory_space<vmem>> -> memref<16x1024xf32, #tpu.memory_space<vmem>>
      %dma_start3A_433 = arith.constant 32 : i32
      %dma_start3A_434 = arith.constant 0 : i32
      %dma_start3A_435 = tpu.memref_slice %arg4[%add3A_78, %dma_start3A_433, %dma_start3A_434] : memref<900x64x1024xf32, #tpu.memory_space<hbm>> -> memref<1x16x1024xf32, #tpu.memory_space<hbm>>
      %dma_start3A_436 = tpu.memref_squeeze %dma_start3A_435 : memref<1x16x1024xf32, #tpu.memory_space<hbm>> -> memref<16x1024xf32, #tpu.memory_space<hbm>>
      %dma_start3A_437 = arith.constant 32 : i32
      %dma_start3A_438 = arith.constant 0 : i32
      %dma_start3A_439 = tpu.memref_slice %arg4[%add3A_78, %dma_start3A_437, %dma_start3A_438] : memref<900x64x1024xf32, #tpu.memory_space<hbm>> -> memref<1x16x1024xf32, #tpu.memory_space<hbm>>
      %dma_start3A_440 = tpu.memref_squeeze %dma_start3A_439 : memref<1x16x1024xf32, #tpu.memory_space<hbm>> -> memref<16x1024xf32, #tpu.memory_space<hbm>>
      %dma_start3A_441 = arith.constant 0 : i32
      %dma_start3A_442 = arith.constant 0 : i32
      %dma_start3A_443 = tpu.memref_slice %arg7[%dma_start3A_428, %dma_start3A_441, %dma_start3A_442] : memref<2x16x1024xf32, #tpu.memory_space<vmem>> -> memref<1x16x1024xf32, #tpu.memory_space<vmem>>
      %dma_start3A_444 = tpu.memref_squeeze %dma_start3A_443 : memref<1x16x1024xf32, #tpu.memory_space<vmem>> -> memref<16x1024xf32, #tpu.memory_space<vmem>>
      tpu.enqueue_dma source(%dma_start3A_444 : memref<16x1024xf32, #tpu.memory_space<vmem>>) target(%dma_start3A_440 : memref<16x1024xf32, #tpu.memory_space<hbm>>) target_semaphore(%arg10 : memref<!tpu.dma_semaphore, #tpu.memory_space<semaphore_mem>>)
      %mul3A_445 = arith.constant 4 : i32
      %mul3A_446 = arith.muli %while3A_65, %mul3A_445 : i32
      %add3A_447 = arith.constant 3 : i32
      %add3A_448 = arith.addi %mul3A_446, %add3A_447 : i32
      %ge3A_449 = arith.constant 2 : i32
      %ge3A_450 = arith.cmpi sge, %add3A_448, %ge3A_449 : i32
      %convert_element_type3A_451 = arith.extui %ge3A_450 : i1 to i32
      %cond3A_452 = arith.constant 0 : i32
      %cond3A_453 = arith.cmpi ne, %convert_element_type3A_451, %cond3A_452 : i32
      scf.if %cond3A_453 {
        %dma_wait3A_557 = arith.constant 1 : i32
        %dma_wait3A_558 = arith.constant 0 : i32
        %dma_wait3A_559 = arith.constant 0 : i32
        %dma_wait3A_560 = tpu.memref_slice %arg7[%dma_wait3A_557, %dma_wait3A_558, %dma_wait3A_559] : memref<2x16x1024xf32, #tpu.memory_space<vmem>> -> memref<1x16x1024xf32, #tpu.memory_space<vmem>>
        %dma_wait3A_561 = tpu.memref_squeeze %dma_wait3A_560 : memref<1x16x1024xf32, #tpu.memory_space<vmem>> -> memref<16x1024xf32, #tpu.memory_space<vmem>>
        %dma_wait3A_562 = arith.constant 48 : i32
        %dma_wait3A_563 = arith.constant 0 : i32
        %dma_wait3A_564 = tpu.memref_slice %arg4[%add3A_78, %dma_wait3A_562, %dma_wait3A_563] : memref<900x64x1024xf32, #tpu.memory_space<hbm>> -> memref<1x16x1024xf32, #tpu.memory_space<hbm>>
        %dma_wait3A_565 = tpu.memref_squeeze %dma_wait3A_564 : memref<1x16x1024xf32, #tpu.memory_space<hbm>> -> memref<16x1024xf32, #tpu.memory_space<hbm>>
        %dma_wait3A_566 = arith.constant 48 : i32
        %dma_wait3A_567 = arith.constant 0 : i32
        %dma_wait3A_568 = tpu.memref_slice %arg4[%add3A_78, %dma_wait3A_566, %dma_wait3A_567] : memref<900x64x1024xf32, #tpu.memory_space<hbm>> -> memref<1x16x1024xf32, #tpu.memory_space<hbm>>
        %dma_wait3A_569 = tpu.memref_squeeze %dma_wait3A_568 : memref<1x16x1024xf32, #tpu.memory_space<hbm>> -> memref<16x1024xf32, #tpu.memory_space<hbm>>
        %dma_wait3A_570 = arith.constant 0 : i32
        %dma_wait3A_571 = arith.constant 0 : i32
        %dma_wait3A_572 = tpu.memref_slice %arg7[%dma_wait3A_557, %dma_wait3A_570, %dma_wait3A_571] : memref<2x16x1024xf32, #tpu.memory_space<vmem>> -> memref<1x16x1024xf32, #tpu.memory_space<vmem>>
        %dma_wait3A_573 = tpu.memref_squeeze %dma_wait3A_572 : memref<1x16x1024xf32, #tpu.memory_space<vmem>> -> memref<16x1024xf32, #tpu.memory_space<vmem>>
        tpu.wait_dma2 semaphore(%arg10 : memref<!tpu.dma_semaphore, #tpu.memory_space<semaphore_mem>>) src(%dma_wait3A_573 : memref<16x1024xf32, #tpu.memory_space<vmem>>) dst(%dma_wait3A_569 : memref<16x1024xf32, #tpu.memory_space<hbm>>)
      } else {
      }
      %get3A_454 = arith.constant 48 : i32
      %get3A_455 = arith.index_cast %get3A_454 : i32 to index
      %get3A_456 = arith.constant 0 : index
      %get3A_457 = tpu.vector_load %arg5[%get3A_455, %get3A_456] {strides = array<i32>} : memref<64x16xf32, #tpu.memory_space<vmem>>, vector<1x16xf32>,
      %get3A_458 = vector.shape_cast %get3A_457 : vector<1x16xf32> to vector<16xf32>
      %get3A_459 = arith.constant 49 : i32
      %get3A_460 = arith.index_cast %get3A_459 : i32 to index
      %get3A_461 = arith.constant 0 : index
      %get3A_462 = tpu.vector_load %arg5[%get3A_460, %get3A_461] {strides = array<i32>} : memref<64x16xf32, #tpu.memory_space<vmem>>, vector<1x16xf32>,
      %get3A_463 = vector.shape_cast %get3A_462 : vector<1x16xf32> to vector<16xf32>
      %get3A_464 = arith.constant 50 : i32
      %get3A_465 = arith.index_cast %get3A_464 : i32 to index
      %get3A_466 = arith.constant 0 : index
      %get3A_467 = tpu.vector_load %arg5[%get3A_465, %get3A_466] {strides = array<i32>} : memref<64x16xf32, #tpu.memory_space<vmem>>, vector<1x16xf32>,
      %get3A_468 = vector.shape_cast %get3A_467 : vector<1x16xf32> to vector<16xf32>
      %get3A_469 = arith.constant 51 : i32
      %get3A_470 = arith.index_cast %get3A_469 : i32 to index
      %get3A_471 = arith.constant 0 : index
      %get3A_472 = tpu.vector_load %arg5[%get3A_470, %get3A_471] {strides = array<i32>} : memref<64x16xf32, #tpu.memory_space<vmem>>, vector<1x16xf32>,
      %get3A_473 = vector.shape_cast %get3A_472 : vector<1x16xf32> to vector<16xf32>
      %get3A_474 = arith.constant 52 : i32
      %get3A_475 = arith.index_cast %get3A_474 : i32 to index
      %get3A_476 = arith.constant 0 : index
      %get3A_477 = tpu.vector_load %arg5[%get3A_475, %get3A_476] {strides = array<i32>} : memref<64x16xf32, #tpu.memory_space<vmem>>, vector<1x16xf32>,
      %get3A_478 = vector.shape_cast %get3A_477 : vector<1x16xf32> to vector<16xf32>
      %get3A_479 = arith.constant 53 : i32
      %get3A_480 = arith.index_cast %get3A_479 : i32 to index
      %get3A_481 = arith.constant 0 : index
      %get3A_482 = tpu.vector_load %arg5[%get3A_480, %get3A_481] {strides = array<i32>} : memref<64x16xf32, #tpu.memory_space<vmem>>, vector<1x16xf32>,
      %get3A_483 = vector.shape_cast %get3A_482 : vector<1x16xf32> to vector<16xf32>
      %get3A_484 = arith.constant 54 : i32
      %get3A_485 = arith.index_cast %get3A_484 : i32 to index
      %get3A_486 = arith.constant 0 : index
      %get3A_487 = tpu.vector_load %arg5[%get3A_485, %get3A_486] {strides = array<i32>} : memref<64x16xf32, #tpu.memory_space<vmem>>, vector<1x16xf32>,
      %get3A_488 = vector.shape_cast %get3A_487 : vector<1x16xf32> to vector<16xf32>
      %get3A_489 = arith.constant 55 : i32
      %get3A_490 = arith.index_cast %get3A_489 : i32 to index
      %get3A_491 = arith.constant 0 : index
      %get3A_492 = tpu.vector_load %arg5[%get3A_490, %get3A_491] {strides = array<i32>} : memref<64x16xf32, #tpu.memory_space<vmem>>, vector<1x16xf32>,
      %get3A_493 = vector.shape_cast %get3A_492 : vector<1x16xf32> to vector<16xf32>
      %get3A_494 = arith.constant 56 : i32
      %get3A_495 = arith.index_cast %get3A_494 : i32 to index
      %get3A_496 = arith.constant 0 : index
      %get3A_497 = tpu.vector_load %arg5[%get3A_495, %get3A_496] {strides = array<i32>} : memref<64x16xf32, #tpu.memory_space<vmem>>, vector<1x16xf32>,
      %get3A_498 = vector.shape_cast %get3A_497 : vector<1x16xf32> to vector<16xf32>
      %get3A_499 = arith.constant 57 : i32
      %get3A_500 = arith.index_cast %get3A_499 : i32 to index
      %get3A_501 = arith.constant 0 : index
      %get3A_502 = tpu.vector_load %arg5[%get3A_500, %get3A_501] {strides = array<i32>} : memref<64x16xf32, #tpu.memory_space<vmem>>, vector<1x16xf32>,
      %get3A_503 = vector.shape_cast %get3A_502 : vector<1x16xf32> to vector<16xf32>
      %get3A_504 = arith.constant 58 : i32
      %get3A_505 = arith.index_cast %get3A_504 : i32 to index
      %get3A_506 = arith.constant 0 : index
      %get3A_507 = tpu.vector_load %arg5[%get3A_505, %get3A_506] {strides = array<i32>} : memref<64x16xf32, #tpu.memory_space<vmem>>, vector<1x16xf32>,
      %get3A_508 = vector.shape_cast %get3A_507 : vector<1x16xf32> to vector<16xf32>
      %get3A_509 = arith.constant 59 : i32
      %get3A_510 = arith.index_cast %get3A_509 : i32 to index
      %get3A_511 = arith.constant 0 : index
      %get3A_512 = tpu.vector_load %arg5[%get3A_510, %get3A_511] {strides = array<i32>} : memref<64x16xf32, #tpu.memory_space<vmem>>, vector<1x16xf32>,
      %get3A_513 = vector.shape_cast %get3A_512 : vector<1x16xf32> to vector<16xf32>
      %get3A_514 = arith.constant 60 : i32
      %get3A_515 = arith.index_cast %get3A_514 : i32 to index
      %get3A_516 = arith.constant 0 : index
      %get3A_517 = tpu.vector_load %arg5[%get3A_515, %get3A_516] {strides = array<i32>} : memref<64x16xf32, #tpu.memory_space<vmem>>, vector<1x16xf32>,
      %get3A_518 = vector.shape_cast %get3A_517 : vector<1x16xf32> to vector<16xf32>
      %get3A_519 = arith.constant 61 : i32
      %get3A_520 = arith.index_cast %get3A_519 : i32 to index
      %get3A_521 = arith.constant 0 : index
      %get3A_522 = tpu.vector_load %arg5[%get3A_520, %get3A_521] {strides = array<i32>} : memref<64x16xf32, #tpu.memory_space<vmem>>, vector<1x16xf32>,
      %get3A_523 = vector.shape_cast %get3A_522 : vector<1x16xf32> to vector<16xf32>
      %get3A_524 = arith.constant 62 : i32
      %get3A_525 = arith.index_cast %get3A_524 : i32 to index
      %get3A_526 = arith.constant 0 : index
      %get3A_527 = tpu.vector_load %arg5[%get3A_525, %get3A_526] {strides = array<i32>} : memref<64x16xf32, #tpu.memory_space<vmem>>, vector<1x16xf32>,
      %get3A_528 = vector.shape_cast %get3A_527 : vector<1x16xf32> to vector<16xf32>
      %get3A_529 = arith.constant 63 : i32
      %get3A_530 = arith.index_cast %get3A_529 : i32 to index
      %get3A_531 = arith.constant 0 : index
      %get3A_532 = tpu.vector_load %arg5[%get3A_530, %get3A_531] {strides = array<i32>} : memref<64x16xf32, #tpu.memory_space<vmem>>, vector<1x16xf32>,
      %get3A_533 = vector.shape_cast %get3A_532 : vector<1x16xf32> to vector<16xf32>
      %scan3A_534 = arith.constant 0 : i32
      %scan3A_535 = arith.constant 0 : i32
      %scan3A_536 = arith.constant 64 : i32
      %scan3A_537 = arith.addi %scan3A_535, %scan3A_536 : i32
      %scan3A_538 = arith.constant 1 : i32
      scf.for %scan3A_557 = %scan3A_535 to %scan3A_537 step %scan3A_538  : i32 {
        %mul3A_558 = arith.constant 16 : i32
        %mul3A_559 = arith.muli %scan3A_557, %mul3A_558 : i32
        %get3A_560 = arith.index_cast %select_n3A_77 : i32 to index
        %get3A_561 = arith.index_cast %mul3A_559 : i32 to index
        %get3A_562 = tpu.vector_load %arg6[%get3A_560, %get3A_561] {strides = array<i32>} : memref<2x1024xi32, #tpu.memory_space<vmem>>, vector<1x16xi32>,
        %get3A_563 = vector.shape_cast %get3A_562 : vector<1x16xi32> to vector<16xi32>
        %lt3A_564 = arith.constant 0 : i32
        %lt3A_565 = vector.broadcast %lt3A_564 : i32 to vector<16xi32>
        %lt3A_566 = arith.cmpi slt, %get3A_563, %lt3A_565 : vector<16xi32>
        %add3A_567 = arith.constant 16 : i32
        %add3A_568 = vector.broadcast %add3A_567 : i32 to vector<16xi32>
        %add3A_569 = arith.addi %get3A_563, %add3A_568 : vector<16xi32>
        %select_n3A_570 = arith.select %lt3A_566, %add3A_569, %get3A_563 : vector<16xi1>, vector<16xi32>
        %broadcast_in_dim3A = vector.shape_cast %select_n3A_570 : vector<16xi32> to vector<16x1xi32>
        %gather3A = vector.shape_cast %broadcast_in_dim3A : vector<16x1xi32> to vector<16xi32>
        %gather3A_571 = tpu.dynamic_gather %get3A_458[%gather3A] in [0] : vector<16xf32>, vector<16xi32> -> vector<16xf32>
        %mul3A_572 = arith.constant 16 : i32
        %mul3A_573 = arith.muli %scan3A_557, %mul3A_572 : i32
        %swap3A = arith.constant 1 : i32
        %swap3A_574 = arith.constant 0 : i32
        %swap3A_575 = arith.index_cast %swap3A : i32 to index
        %swap3A_576 = arith.index_cast %swap3A_574 : i32 to index
        %swap3A_577 = arith.index_cast %mul3A_573 : i32 to index
        %swap3A_578 = tpu.vector_load %arg7[%swap3A_575, %swap3A_576, %swap3A_577] {strides = array<i32>} : memref<2x16x1024xf32, #tpu.memory_space<vmem>>, vector<1x1x16xf32>,
        %swap3A_579 = vector.shape_cast %swap3A_578 : vector<1x1x16xf32> to vector<16xf32>
        %swap3A_580 = vector.shape_cast %gather3A_571 : vector<16xf32> to vector<1x1x16xf32>
        tpu.vector_store %arg7[%swap3A_575, %swap3A_576, %swap3A_577], %swap3A_580 {strides = array<i32>} : memref<2x16x1024xf32, #tpu.memory_space<vmem>>, vector<1x1x16xf32>,
        %lt3A_581 = arith.constant 0 : i32
        %lt3A_582 = vector.broadcast %lt3A_581 : i32 to vector<16xi32>
        %lt3A_583 = arith.cmpi slt, %get3A_563, %lt3A_582 : vector<16xi32>
        %add3A_584 = arith.constant 16 : i32
        %add3A_585 = vector.broadcast %add3A_584 : i32 to vector<16xi32>
        %add3A_586 = arith.addi %get3A_563, %add3A_585 : vector<16xi32>
        %select_n3A_587 = arith.select %lt3A_583, %add3A_586, %get3A_563 : vector<16xi1>, vector<16xi32>
        %broadcast_in_dim3A_588 = vector.shape_cast %select_n3A_587 : vector<16xi32> to vector<16x1xi32>
        %gather3A_589 = vector.shape_cast %broadcast_in_dim3A_588 : vector<16x1xi32> to vector<16xi32>
        %gather3A_590 = tpu.dynamic_gather %get3A_463[%gather3A_589] in [0] : vector<16xf32>, vector<16xi32> -> vector<16xf32>
        %mul3A_591 = arith.constant 16 : i32
        %mul3A_592 = arith.muli %scan3A_557, %mul3A_591 : i32
        %swap3A_593 = arith.constant 1 : i32
        %swap3A_594 = arith.constant 1 : i32
        %swap3A_595 = arith.index_cast %swap3A_593 : i32 to index
        %swap3A_596 = arith.index_cast %swap3A_594 : i32 to index
        %swap3A_597 = arith.index_cast %mul3A_592 : i32 to index
        %swap3A_598 = tpu.vector_load %arg7[%swap3A_595, %swap3A_596, %swap3A_597] {strides = array<i32>} : memref<2x16x1024xf32, #tpu.memory_space<vmem>>, vector<1x1x16xf32>,
        %swap3A_599 = vector.shape_cast %swap3A_598 : vector<1x1x16xf32> to vector<16xf32>
        %swap3A_600 = vector.shape_cast %gather3A_590 : vector<16xf32> to vector<1x1x16xf32>
        tpu.vector_store %arg7[%swap3A_595, %swap3A_596, %swap3A_597], %swap3A_600 {strides = array<i32>} : memref<2x16x1024xf32, #tpu.memory_space<vmem>>, vector<1x1x16xf32>,
        %lt3A_601 = arith.constant 0 : i32
        %lt3A_602 = vector.broadcast %lt3A_601 : i32 to vector<16xi32>
        %lt3A_603 = arith.cmpi slt, %get3A_563, %lt3A_602 : vector<16xi32>
        %add3A_604 = arith.constant 16 : i32
        %add3A_605 = vector.broadcast %add3A_604 : i32 to vector<16xi32>
        %add3A_606 = arith.addi %get3A_563, %add3A_605 : vector<16xi32>
        %select_n3A_607 = arith.select %lt3A_603, %add3A_606, %get3A_563 : vector<16xi1>, vector<16xi32>
        %broadcast_in_dim3A_608 = vector.shape_cast %select_n3A_607 : vector<16xi32> to vector<16x1xi32>
        %gather3A_609 = vector.shape_cast %broadcast_in_dim3A_608 : vector<16x1xi32> to vector<16xi32>
        %gather3A_610 = tpu.dynamic_gather %get3A_468[%gather3A_609] in [0] : vector<16xf32>, vector<16xi32> -> vector<16xf32>
        %mul3A_611 = arith.constant 16 : i32
        %mul3A_612 = arith.muli %scan3A_557, %mul3A_611 : i32
        %swap3A_613 = arith.constant 1 : i32
        %swap3A_614 = arith.constant 2 : i32
        %swap3A_615 = arith.index_cast %swap3A_613 : i32 to index
        %swap3A_616 = arith.index_cast %swap3A_614 : i32 to index
        %swap3A_617 = arith.index_cast %mul3A_612 : i32 to index
        %swap3A_618 = tpu.vector_load %arg7[%swap3A_615, %swap3A_616, %swap3A_617] {strides = array<i32>} : memref<2x16x1024xf32, #tpu.memory_space<vmem>>, vector<1x1x16xf32>,
        %swap3A_619 = vector.shape_cast %swap3A_618 : vector<1x1x16xf32> to vector<16xf32>
        %swap3A_620 = vector.shape_cast %gather3A_610 : vector<16xf32> to vector<1x1x16xf32>
        tpu.vector_store %arg7[%swap3A_615, %swap3A_616, %swap3A_617], %swap3A_620 {strides = array<i32>} : memref<2x16x1024xf32, #tpu.memory_space<vmem>>, vector<1x1x16xf32>,
        %lt3A_621 = arith.constant 0 : i32
        %lt3A_622 = vector.broadcast %lt3A_621 : i32 to vector<16xi32>
        %lt3A_623 = arith.cmpi slt, %get3A_563, %lt3A_622 : vector<16xi32>
        %add3A_624 = arith.constant 16 : i32
        %add3A_625 = vector.broadcast %add3A_624 : i32 to vector<16xi32>
        %add3A_626 = arith.addi %get3A_563, %add3A_625 : vector<16xi32>
        %select_n3A_627 = arith.select %lt3A_623, %add3A_626, %get3A_563 : vector<16xi1>, vector<16xi32>
        %broadcast_in_dim3A_628 = vector.shape_cast %select_n3A_627 : vector<16xi32> to vector<16x1xi32>
        %gather3A_629 = vector.shape_cast %broadcast_in_dim3A_628 : vector<16x1xi32> to vector<16xi32>
        %gather3A_630 = tpu.dynamic_gather %get3A_473[%gather3A_629] in [0] : vector<16xf32>, vector<16xi32> -> vector<16xf32>
        %mul3A_631 = arith.constant 16 : i32
        %mul3A_632 = arith.muli %scan3A_557, %mul3A_631 : i32
        %swap3A_633 = arith.constant 1 : i32
        %swap3A_634 = arith.constant 3 : i32
        %swap3A_635 = arith.index_cast %swap3A_633 : i32 to index
        %swap3A_636 = arith.index_cast %swap3A_634 : i32 to index
        %swap3A_637 = arith.index_cast %mul3A_632 : i32 to index
        %swap3A_638 = tpu.vector_load %arg7[%swap3A_635, %swap3A_636, %swap3A_637] {strides = array<i32>} : memref<2x16x1024xf32, #tpu.memory_space<vmem>>, vector<1x1x16xf32>,
        %swap3A_639 = vector.shape_cast %swap3A_638 : vector<1x1x16xf32> to vector<16xf32>
        %swap3A_640 = vector.shape_cast %gather3A_630 : vector<16xf32> to vector<1x1x16xf32>
        tpu.vector_store %arg7[%swap3A_635, %swap3A_636, %swap3A_637], %swap3A_640 {strides = array<i32>} : memref<2x16x1024xf32, #tpu.memory_space<vmem>>, vector<1x1x16xf32>,
        %lt3A_641 = arith.constant 0 : i32
        %lt3A_642 = vector.broadcast %lt3A_641 : i32 to vector<16xi32>
        %lt3A_643 = arith.cmpi slt, %get3A_563, %lt3A_642 : vector<16xi32>
        %add3A_644 = arith.constant 16 : i32
        %add3A_645 = vector.broadcast %add3A_644 : i32 to vector<16xi32>
        %add3A_646 = arith.addi %get3A_563, %add3A_645 : vector<16xi32>
        %select_n3A_647 = arith.select %lt3A_643, %add3A_646, %get3A_563 : vector<16xi1>, vector<16xi32>
        %broadcast_in_dim3A_648 = vector.shape_cast %select_n3A_647 : vector<16xi32> to vector<16x1xi32>
        %gather3A_649 = vector.shape_cast %broadcast_in_dim3A_648 : vector<16x1xi32> to vector<16xi32>
        %gather3A_650 = tpu.dynamic_gather %get3A_478[%gather3A_649] in [0] : vector<16xf32>, vector<16xi32> -> vector<16xf32>
        %mul3A_651 = arith.constant 16 : i32
        %mul3A_652 = arith.muli %scan3A_557, %mul3A_651 : i32
        %swap3A_653 = arith.constant 1 : i32
        %swap3A_654 = arith.constant 4 : i32
        %swap3A_655 = arith.index_cast %swap3A_653 : i32 to index
        %swap3A_656 = arith.index_cast %swap3A_654 : i32 to index
        %swap3A_657 = arith.index_cast %mul3A_652 : i32 to index
        %swap3A_658 = tpu.vector_load %arg7[%swap3A_655, %swap3A_656, %swap3A_657] {strides = array<i32>} : memref<2x16x1024xf32, #tpu.memory_space<vmem>>, vector<1x1x16xf32>,
        %swap3A_659 = vector.shape_cast %swap3A_658 : vector<1x1x16xf32> to vector<16xf32>
        %swap3A_660 = vector.shape_cast %gather3A_650 : vector<16xf32> to vector<1x1x16xf32>
        tpu.vector_store %arg7[%swap3A_655, %swap3A_656, %swap3A_657], %swap3A_660 {strides = array<i32>} : memref<2x16x1024xf32, #tpu.memory_space<vmem>>, vector<1x1x16xf32>,
        %lt3A_661 = arith.constant 0 : i32
        %lt3A_662 = vector.broadcast %lt3A_661 : i32 to vector<16xi32>
        %lt3A_663 = arith.cmpi slt, %get3A_563, %lt3A_662 : vector<16xi32>
        %add3A_664 = arith.constant 16 : i32
        %add3A_665 = vector.broadcast %add3A_664 : i32 to vector<16xi32>
        %add3A_666 = arith.addi %get3A_563, %add3A_665 : vector<16xi32>
        %select_n3A_667 = arith.select %lt3A_663, %add3A_666, %get3A_563 : vector<16xi1>, vector<16xi32>
        %broadcast_in_dim3A_668 = vector.shape_cast %select_n3A_667 : vector<16xi32> to vector<16x1xi32>
        %gather3A_669 = vector.shape_cast %broadcast_in_dim3A_668 : vector<16x1xi32> to vector<16xi32>
        %gather3A_670 = tpu.dynamic_gather %get3A_483[%gather3A_669] in [0] : vector<16xf32>, vector<16xi32> -> vector<16xf32>
        %mul3A_671 = arith.constant 16 : i32
        %mul3A_672 = arith.muli %scan3A_557, %mul3A_671 : i32
        %swap3A_673 = arith.constant 1 : i32
        %swap3A_674 = arith.constant 5 : i32
        %swap3A_675 = arith.index_cast %swap3A_673 : i32 to index
        %swap3A_676 = arith.index_cast %swap3A_674 : i32 to index
        %swap3A_677 = arith.index_cast %mul3A_672 : i32 to index
        %swap3A_678 = tpu.vector_load %arg7[%swap3A_675, %swap3A_676, %swap3A_677] {strides = array<i32>} : memref<2x16x1024xf32, #tpu.memory_space<vmem>>, vector<1x1x16xf32>,
        %swap3A_679 = vector.shape_cast %swap3A_678 : vector<1x1x16xf32> to vector<16xf32>
        %swap3A_680 = vector.shape_cast %gather3A_670 : vector<16xf32> to vector<1x1x16xf32>
        tpu.vector_store %arg7[%swap3A_675, %swap3A_676, %swap3A_677], %swap3A_680 {strides = array<i32>} : memref<2x16x1024xf32, #tpu.memory_space<vmem>>, vector<1x1x16xf32>,
        %lt3A_681 = arith.constant 0 : i32
        %lt3A_682 = vector.broadcast %lt3A_681 : i32 to vector<16xi32>
        %lt3A_683 = arith.cmpi slt, %get3A_563, %lt3A_682 : vector<16xi32>
        %add3A_684 = arith.constant 16 : i32
        %add3A_685 = vector.broadcast %add3A_684 : i32 to vector<16xi32>
        %add3A_686 = arith.addi %get3A_563, %add3A_685 : vector<16xi32>
        %select_n3A_687 = arith.select %lt3A_683, %add3A_686, %get3A_563 : vector<16xi1>, vector<16xi32>
        %broadcast_in_dim3A_688 = vector.shape_cast %select_n3A_687 : vector<16xi32> to vector<16x1xi32>
        %gather3A_689 = vector.shape_cast %broadcast_in_dim3A_688 : vector<16x1xi32> to vector<16xi32>
        %gather3A_690 = tpu.dynamic_gather %get3A_488[%gather3A_689] in [0] : vector<16xf32>, vector<16xi32> -> vector<16xf32>
        %mul3A_691 = arith.constant 16 : i32
        %mul3A_692 = arith.muli %scan3A_557, %mul3A_691 : i32
        %swap3A_693 = arith.constant 1 : i32
        %swap3A_694 = arith.constant 6 : i32
        %swap3A_695 = arith.index_cast %swap3A_693 : i32 to index
        %swap3A_696 = arith.index_cast %swap3A_694 : i32 to index
        %swap3A_697 = arith.index_cast %mul3A_692 : i32 to index
        %swap3A_698 = tpu.vector_load %arg7[%swap3A_695, %swap3A_696, %swap3A_697] {strides = array<i32>} : memref<2x16x1024xf32, #tpu.memory_space<vmem>>, vector<1x1x16xf32>,
        %swap3A_699 = vector.shape_cast %swap3A_698 : vector<1x1x16xf32> to vector<16xf32>
        %swap3A_700 = vector.shape_cast %gather3A_690 : vector<16xf32> to vector<1x1x16xf32>
        tpu.vector_store %arg7[%swap3A_695, %swap3A_696, %swap3A_697], %swap3A_700 {strides = array<i32>} : memref<2x16x1024xf32, #tpu.memory_space<vmem>>, vector<1x1x16xf32>,
        %lt3A_701 = arith.constant 0 : i32
        %lt3A_702 = vector.broadcast %lt3A_701 : i32 to vector<16xi32>
        %lt3A_703 = arith.cmpi slt, %get3A_563, %lt3A_702 : vector<16xi32>
        %add3A_704 = arith.constant 16 : i32
        %add3A_705 = vector.broadcast %add3A_704 : i32 to vector<16xi32>
        %add3A_706 = arith.addi %get3A_563, %add3A_705 : vector<16xi32>
        %select_n3A_707 = arith.select %lt3A_703, %add3A_706, %get3A_563 : vector<16xi1>, vector<16xi32>
        %broadcast_in_dim3A_708 = vector.shape_cast %select_n3A_707 : vector<16xi32> to vector<16x1xi32>
        %gather3A_709 = vector.shape_cast %broadcast_in_dim3A_708 : vector<16x1xi32> to vector<16xi32>
        %gather3A_710 = tpu.dynamic_gather %get3A_493[%gather3A_709] in [0] : vector<16xf32>, vector<16xi32> -> vector<16xf32>
        %mul3A_711 = arith.constant 16 : i32
        %mul3A_712 = arith.muli %scan3A_557, %mul3A_711 : i32
        %swap3A_713 = arith.constant 1 : i32
        %swap3A_714 = arith.constant 7 : i32
        %swap3A_715 = arith.index_cast %swap3A_713 : i32 to index
        %swap3A_716 = arith.index_cast %swap3A_714 : i32 to index
        %swap3A_717 = arith.index_cast %mul3A_712 : i32 to index
        %swap3A_718 = tpu.vector_load %arg7[%swap3A_715, %swap3A_716, %swap3A_717] {strides = array<i32>} : memref<2x16x1024xf32, #tpu.memory_space<vmem>>, vector<1x1x16xf32>,
        %swap3A_719 = vector.shape_cast %swap3A_718 : vector<1x1x16xf32> to vector<16xf32>
        %swap3A_720 = vector.shape_cast %gather3A_710 : vector<16xf32> to vector<1x1x16xf32>
        tpu.vector_store %arg7[%swap3A_715, %swap3A_716, %swap3A_717], %swap3A_720 {strides = array<i32>} : memref<2x16x1024xf32, #tpu.memory_space<vmem>>, vector<1x1x16xf32>,
        %lt3A_721 = arith.constant 0 : i32
        %lt3A_722 = vector.broadcast %lt3A_721 : i32 to vector<16xi32>
        %lt3A_723 = arith.cmpi slt, %get3A_563, %lt3A_722 : vector<16xi32>
        %add3A_724 = arith.constant 16 : i32
        %add3A_725 = vector.broadcast %add3A_724 : i32 to vector<16xi32>
        %add3A_726 = arith.addi %get3A_563, %add3A_725 : vector<16xi32>
        %select_n3A_727 = arith.select %lt3A_723, %add3A_726, %get3A_563 : vector<16xi1>, vector<16xi32>
        %broadcast_in_dim3A_728 = vector.shape_cast %select_n3A_727 : vector<16xi32> to vector<16x1xi32>
        %gather3A_729 = vector.shape_cast %broadcast_in_dim3A_728 : vector<16x1xi32> to vector<16xi32>
        %gather3A_730 = tpu.dynamic_gather %get3A_498[%gather3A_729] in [0] : vector<16xf32>, vector<16xi32> -> vector<16xf32>
        %mul3A_731 = arith.constant 16 : i32
        %mul3A_732 = arith.muli %scan3A_557, %mul3A_731 : i32
        %swap3A_733 = arith.constant 1 : i32
        %swap3A_734 = arith.constant 8 : i32
        %swap3A_735 = arith.index_cast %swap3A_733 : i32 to index
        %swap3A_736 = arith.index_cast %swap3A_734 : i32 to index
        %swap3A_737 = arith.index_cast %mul3A_732 : i32 to index
        %swap3A_738 = tpu.vector_load %arg7[%swap3A_735, %swap3A_736, %swap3A_737] {strides = array<i32>} : memref<2x16x1024xf32, #tpu.memory_space<vmem>>, vector<1x1x16xf32>,
        %swap3A_739 = vector.shape_cast %swap3A_738 : vector<1x1x16xf32> to vector<16xf32>
        %swap3A_740 = vector.shape_cast %gather3A_730 : vector<16xf32> to vector<1x1x16xf32>
        tpu.vector_store %arg7[%swap3A_735, %swap3A_736, %swap3A_737], %swap3A_740 {strides = array<i32>} : memref<2x16x1024xf32, #tpu.memory_space<vmem>>, vector<1x1x16xf32>,
        %lt3A_741 = arith.constant 0 : i32
        %lt3A_742 = vector.broadcast %lt3A_741 : i32 to vector<16xi32>
        %lt3A_743 = arith.cmpi slt, %get3A_563, %lt3A_742 : vector<16xi32>
        %add3A_744 = arith.constant 16 : i32
        %add3A_745 = vector.broadcast %add3A_744 : i32 to vector<16xi32>
        %add3A_746 = arith.addi %get3A_563, %add3A_745 : vector<16xi32>
        %select_n3A_747 = arith.select %lt3A_743, %add3A_746, %get3A_563 : vector<16xi1>, vector<16xi32>
        %broadcast_in_dim3A_748 = vector.shape_cast %select_n3A_747 : vector<16xi32> to vector<16x1xi32>
        %gather3A_749 = vector.shape_cast %broadcast_in_dim3A_748 : vector<16x1xi32> to vector<16xi32>
        %gather3A_750 = tpu.dynamic_gather %get3A_503[%gather3A_749] in [0] : vector<16xf32>, vector<16xi32> -> vector<16xf32>
        %mul3A_751 = arith.constant 16 : i32
        %mul3A_752 = arith.muli %scan3A_557, %mul3A_751 : i32
        %swap3A_753 = arith.constant 1 : i32
        %swap3A_754 = arith.constant 9 : i32
        %swap3A_755 = arith.index_cast %swap3A_753 : i32 to index
        %swap3A_756 = arith.index_cast %swap3A_754 : i32 to index
        %swap3A_757 = arith.index_cast %mul3A_752 : i32 to index
        %swap3A_758 = tpu.vector_load %arg7[%swap3A_755, %swap3A_756, %swap3A_757] {strides = array<i32>} : memref<2x16x1024xf32, #tpu.memory_space<vmem>>, vector<1x1x16xf32>,
        %swap3A_759 = vector.shape_cast %swap3A_758 : vector<1x1x16xf32> to vector<16xf32>
        %swap3A_760 = vector.shape_cast %gather3A_750 : vector<16xf32> to vector<1x1x16xf32>
        tpu.vector_store %arg7[%swap3A_755, %swap3A_756, %swap3A_757], %swap3A_760 {strides = array<i32>} : memref<2x16x1024xf32, #tpu.memory_space<vmem>>, vector<1x1x16xf32>,
        %lt3A_761 = arith.constant 0 : i32
        %lt3A_762 = vector.broadcast %lt3A_761 : i32 to vector<16xi32>
        %lt3A_763 = arith.cmpi slt, %get3A_563, %lt3A_762 : vector<16xi32>
        %add3A_764 = arith.constant 16 : i32
        %add3A_765 = vector.broadcast %add3A_764 : i32 to vector<16xi32>
        %add3A_766 = arith.addi %get3A_563, %add3A_765 : vector<16xi32>
        %select_n3A_767 = arith.select %lt3A_763, %add3A_766, %get3A_563 : vector<16xi1>, vector<16xi32>
        %broadcast_in_dim3A_768 = vector.shape_cast %select_n3A_767 : vector<16xi32> to vector<16x1xi32>
        %gather3A_769 = vector.shape_cast %broadcast_in_dim3A_768 : vector<16x1xi32> to vector<16xi32>
        %gather3A_770 = tpu.dynamic_gather %get3A_508[%gather3A_769] in [0] : vector<16xf32>, vector<16xi32> -> vector<16xf32>
        %mul3A_771 = arith.constant 16 : i32
        %mul3A_772 = arith.muli %scan3A_557, %mul3A_771 : i32
        %swap3A_773 = arith.constant 1 : i32
        %swap3A_774 = arith.constant 10 : i32
        %swap3A_775 = arith.index_cast %swap3A_773 : i32 to index
        %swap3A_776 = arith.index_cast %swap3A_774 : i32 to index
        %swap3A_777 = arith.index_cast %mul3A_772 : i32 to index
        %swap3A_778 = tpu.vector_load %arg7[%swap3A_775, %swap3A_776, %swap3A_777] {strides = array<i32>} : memref<2x16x1024xf32, #tpu.memory_space<vmem>>, vector<1x1x16xf32>,
        %swap3A_779 = vector.shape_cast %swap3A_778 : vector<1x1x16xf32> to vector<16xf32>
        %swap3A_780 = vector.shape_cast %gather3A_770 : vector<16xf32> to vector<1x1x16xf32>
        tpu.vector_store %arg7[%swap3A_775, %swap3A_776, %swap3A_777], %swap3A_780 {strides = array<i32>} : memref<2x16x1024xf32, #tpu.memory_space<vmem>>, vector<1x1x16xf32>,
        %lt3A_781 = arith.constant 0 : i32
        %lt3A_782 = vector.broadcast %lt3A_781 : i32 to vector<16xi32>
        %lt3A_783 = arith.cmpi slt, %get3A_563, %lt3A_782 : vector<16xi32>
        %add3A_784 = arith.constant 16 : i32
        %add3A_785 = vector.broadcast %add3A_784 : i32 to vector<16xi32>
        %add3A_786 = arith.addi %get3A_563, %add3A_785 : vector<16xi32>
        %select_n3A_787 = arith.select %lt3A_783, %add3A_786, %get3A_563 : vector<16xi1>, vector<16xi32>
        %broadcast_in_dim3A_788 = vector.shape_cast %select_n3A_787 : vector<16xi32> to vector<16x1xi32>
        %gather3A_789 = vector.shape_cast %broadcast_in_dim3A_788 : vector<16x1xi32> to vector<16xi32>
        %gather3A_790 = tpu.dynamic_gather %get3A_513[%gather3A_789] in [0] : vector<16xf32>, vector<16xi32> -> vector<16xf32>
        %mul3A_791 = arith.constant 16 : i32
        %mul3A_792 = arith.muli %scan3A_557, %mul3A_791 : i32
        %swap3A_793 = arith.constant 1 : i32
        %swap3A_794 = arith.constant 11 : i32
        %swap3A_795 = arith.index_cast %swap3A_793 : i32 to index
        %swap3A_796 = arith.index_cast %swap3A_794 : i32 to index
        %swap3A_797 = arith.index_cast %mul3A_792 : i32 to index
        %swap3A_798 = tpu.vector_load %arg7[%swap3A_795, %swap3A_796, %swap3A_797] {strides = array<i32>} : memref<2x16x1024xf32, #tpu.memory_space<vmem>>, vector<1x1x16xf32>,
        %swap3A_799 = vector.shape_cast %swap3A_798 : vector<1x1x16xf32> to vector<16xf32>
        %swap3A_800 = vector.shape_cast %gather3A_790 : vector<16xf32> to vector<1x1x16xf32>
        tpu.vector_store %arg7[%swap3A_795, %swap3A_796, %swap3A_797], %swap3A_800 {strides = array<i32>} : memref<2x16x1024xf32, #tpu.memory_space<vmem>>, vector<1x1x16xf32>,
        %lt3A_801 = arith.constant 0 : i32
        %lt3A_802 = vector.broadcast %lt3A_801 : i32 to vector<16xi32>
        %lt3A_803 = arith.cmpi slt, %get3A_563, %lt3A_802 : vector<16xi32>
        %add3A_804 = arith.constant 16 : i32
        %add3A_805 = vector.broadcast %add3A_804 : i32 to vector<16xi32>
        %add3A_806 = arith.addi %get3A_563, %add3A_805 : vector<16xi32>
        %select_n3A_807 = arith.select %lt3A_803, %add3A_806, %get3A_563 : vector<16xi1>, vector<16xi32>
        %broadcast_in_dim3A_808 = vector.shape_cast %select_n3A_807 : vector<16xi32> to vector<16x1xi32>
        %gather3A_809 = vector.shape_cast %broadcast_in_dim3A_808 : vector<16x1xi32> to vector<16xi32>
        %gather3A_810 = tpu.dynamic_gather %get3A_518[%gather3A_809] in [0] : vector<16xf32>, vector<16xi32> -> vector<16xf32>
        %mul3A_811 = arith.constant 16 : i32
        %mul3A_812 = arith.muli %scan3A_557, %mul3A_811 : i32
        %swap3A_813 = arith.constant 1 : i32
        %swap3A_814 = arith.constant 12 : i32
        %swap3A_815 = arith.index_cast %swap3A_813 : i32 to index
        %swap3A_816 = arith.index_cast %swap3A_814 : i32 to index
        %swap3A_817 = arith.index_cast %mul3A_812 : i32 to index
        %swap3A_818 = tpu.vector_load %arg7[%swap3A_815, %swap3A_816, %swap3A_817] {strides = array<i32>} : memref<2x16x1024xf32, #tpu.memory_space<vmem>>, vector<1x1x16xf32>,
        %swap3A_819 = vector.shape_cast %swap3A_818 : vector<1x1x16xf32> to vector<16xf32>
        %swap3A_820 = vector.shape_cast %gather3A_810 : vector<16xf32> to vector<1x1x16xf32>
        tpu.vector_store %arg7[%swap3A_815, %swap3A_816, %swap3A_817], %swap3A_820 {strides = array<i32>} : memref<2x16x1024xf32, #tpu.memory_space<vmem>>, vector<1x1x16xf32>,
        %lt3A_821 = arith.constant 0 : i32
        %lt3A_822 = vector.broadcast %lt3A_821 : i32 to vector<16xi32>
        %lt3A_823 = arith.cmpi slt, %get3A_563, %lt3A_822 : vector<16xi32>
        %add3A_824 = arith.constant 16 : i32
        %add3A_825 = vector.broadcast %add3A_824 : i32 to vector<16xi32>
        %add3A_826 = arith.addi %get3A_563, %add3A_825 : vector<16xi32>
        %select_n3A_827 = arith.select %lt3A_823, %add3A_826, %get3A_563 : vector<16xi1>, vector<16xi32>
        %broadcast_in_dim3A_828 = vector.shape_cast %select_n3A_827 : vector<16xi32> to vector<16x1xi32>
        %gather3A_829 = vector.shape_cast %broadcast_in_dim3A_828 : vector<16x1xi32> to vector<16xi32>
        %gather3A_830 = tpu.dynamic_gather %get3A_523[%gather3A_829] in [0] : vector<16xf32>, vector<16xi32> -> vector<16xf32>
        %mul3A_831 = arith.constant 16 : i32
        %mul3A_832 = arith.muli %scan3A_557, %mul3A_831 : i32
        %swap3A_833 = arith.constant 1 : i32
        %swap3A_834 = arith.constant 13 : i32
        %swap3A_835 = arith.index_cast %swap3A_833 : i32 to index
        %swap3A_836 = arith.index_cast %swap3A_834 : i32 to index
        %swap3A_837 = arith.index_cast %mul3A_832 : i32 to index
        %swap3A_838 = tpu.vector_load %arg7[%swap3A_835, %swap3A_836, %swap3A_837] {strides = array<i32>} : memref<2x16x1024xf32, #tpu.memory_space<vmem>>, vector<1x1x16xf32>,
        %swap3A_839 = vector.shape_cast %swap3A_838 : vector<1x1x16xf32> to vector<16xf32>
        %swap3A_840 = vector.shape_cast %gather3A_830 : vector<16xf32> to vector<1x1x16xf32>
        tpu.vector_store %arg7[%swap3A_835, %swap3A_836, %swap3A_837], %swap3A_840 {strides = array<i32>} : memref<2x16x1024xf32, #tpu.memory_space<vmem>>, vector<1x1x16xf32>,
        %lt3A_841 = arith.constant 0 : i32
        %lt3A_842 = vector.broadcast %lt3A_841 : i32 to vector<16xi32>
        %lt3A_843 = arith.cmpi slt, %get3A_563, %lt3A_842 : vector<16xi32>
        %add3A_844 = arith.constant 16 : i32
        %add3A_845 = vector.broadcast %add3A_844 : i32 to vector<16xi32>
        %add3A_846 = arith.addi %get3A_563, %add3A_845 : vector<16xi32>
        %select_n3A_847 = arith.select %lt3A_843, %add3A_846, %get3A_563 : vector<16xi1>, vector<16xi32>
        %broadcast_in_dim3A_848 = vector.shape_cast %select_n3A_847 : vector<16xi32> to vector<16x1xi32>
        %gather3A_849 = vector.shape_cast %broadcast_in_dim3A_848 : vector<16x1xi32> to vector<16xi32>
        %gather3A_850 = tpu.dynamic_gather %get3A_528[%gather3A_849] in [0] : vector<16xf32>, vector<16xi32> -> vector<16xf32>
        %mul3A_851 = arith.constant 16 : i32
        %mul3A_852 = arith.muli %scan3A_557, %mul3A_851 : i32
        %swap3A_853 = arith.constant 1 : i32
        %swap3A_854 = arith.constant 14 : i32
        %swap3A_855 = arith.index_cast %swap3A_853 : i32 to index
        %swap3A_856 = arith.index_cast %swap3A_854 : i32 to index
        %swap3A_857 = arith.index_cast %mul3A_852 : i32 to index
        %swap3A_858 = tpu.vector_load %arg7[%swap3A_855, %swap3A_856, %swap3A_857] {strides = array<i32>} : memref<2x16x1024xf32, #tpu.memory_space<vmem>>, vector<1x1x16xf32>,
        %swap3A_859 = vector.shape_cast %swap3A_858 : vector<1x1x16xf32> to vector<16xf32>
        %swap3A_860 = vector.shape_cast %gather3A_850 : vector<16xf32> to vector<1x1x16xf32>
        tpu.vector_store %arg7[%swap3A_855, %swap3A_856, %swap3A_857], %swap3A_860 {strides = array<i32>} : memref<2x16x1024xf32, #tpu.memory_space<vmem>>, vector<1x1x16xf32>,
        %lt3A_861 = arith.constant 0 : i32
        %lt3A_862 = vector.broadcast %lt3A_861 : i32 to vector<16xi32>
        %lt3A_863 = arith.cmpi slt, %get3A_563, %lt3A_862 : vector<16xi32>
        %add3A_864 = arith.constant 16 : i32
        %add3A_865 = vector.broadcast %add3A_864 : i32 to vector<16xi32>
        %add3A_866 = arith.addi %get3A_563, %add3A_865 : vector<16xi32>
        %select_n3A_867 = arith.select %lt3A_863, %add3A_866, %get3A_563 : vector<16xi1>, vector<16xi32>
        %broadcast_in_dim3A_868 = vector.shape_cast %select_n3A_867 : vector<16xi32> to vector<16x1xi32>
        %gather3A_869 = vector.shape_cast %broadcast_in_dim3A_868 : vector<16x1xi32> to vector<16xi32>
        %gather3A_870 = tpu.dynamic_gather %get3A_533[%gather3A_869] in [0] : vector<16xf32>, vector<16xi32> -> vector<16xf32>
        %mul3A_871 = arith.constant 16 : i32
        %mul3A_872 = arith.muli %scan3A_557, %mul3A_871 : i32
        %swap3A_873 = arith.constant 1 : i32
        %swap3A_874 = arith.constant 15 : i32
        %swap3A_875 = arith.index_cast %swap3A_873 : i32 to index
        %swap3A_876 = arith.index_cast %swap3A_874 : i32 to index
        %swap3A_877 = arith.index_cast %mul3A_872 : i32 to index
        %swap3A_878 = tpu.vector_load %arg7[%swap3A_875, %swap3A_876, %swap3A_877] {strides = array<i32>} : memref<2x16x1024xf32, #tpu.memory_space<vmem>>, vector<1x1x16xf32>,
        %swap3A_879 = vector.shape_cast %swap3A_878 : vector<1x1x16xf32> to vector<16xf32>
        %swap3A_880 = vector.shape_cast %gather3A_870 : vector<16xf32> to vector<1x1x16xf32>
        tpu.vector_store %arg7[%swap3A_875, %swap3A_876, %swap3A_877], %swap3A_880 {strides = array<i32>} : memref<2x16x1024xf32, #tpu.memory_space<vmem>>, vector<1x1x16xf32>,
      }
      %scan3A_539 = arith.constant 64 : i32
      %dma_start3A_540 = arith.constant 1 : i32
      %dma_start3A_541 = arith.constant 0 : i32
      %dma_start3A_542 = arith.constant 0 : i32
      %dma_start3A_543 = tpu.memref_slice %arg7[%dma_start3A_540, %dma_start3A_541, %dma_start3A_542] : memref<2x16x1024xf32, #tpu.memory_space<vmem>> -> memref<1x16x1024xf32, #tpu.memory_space<vmem>>
      %dma_start3A_544 = tpu.memref_squeeze %dma_start3A_543 : memref<1x16x1024xf32, #tpu.memory_space<vmem>> -> memref<16x1024xf32, #tpu.memory_space<vmem>>
      %dma_start3A_545 = arith.constant 48 : i32
      %dma_start3A_546 = arith.constant 0 : i32
      %dma_start3A_547 = tpu.memref_slice %arg4[%add3A_78, %dma_start3A_545, %dma_start3A_546] : memref<900x64x1024xf32, #tpu.memory_space<hbm>> -> memref<1x16x1024xf32, #tpu.memory_space<hbm>>
      %dma_start3A_548 = tpu.memref_squeeze %dma_start3A_547 : memref<1x16x1024xf32, #tpu.memory_space<hbm>> -> memref<16x1024xf32, #tpu.memory_space<hbm>>
      %dma_start3A_549 = arith.constant 48 : i32
      %dma_start3A_550 = arith.constant 0 : i32
      %dma_start3A_551 = tpu.memref_slice %arg4[%add3A_78, %dma_start3A_549, %dma_start3A_550] : memref<900x64x1024xf32, #tpu.memory_space<hbm>> -> memref<1x16x1024xf32, #tpu.memory_space<hbm>>
      %dma_start3A_552 = tpu.memref_squeeze %dma_start3A_551 : memref<1x16x1024xf32, #tpu.memory_space<hbm>> -> memref<16x1024xf32, #tpu.memory_space<hbm>>
      %dma_start3A_553 = arith.constant 0 : i32
      %dma_start3A_554 = arith.constant 0 : i32
      %dma_start3A_555 = tpu.memref_slice %arg7[%dma_start3A_540, %dma_start3A_553, %dma_start3A_554] : memref<2x16x1024xf32, #tpu.memory_space<vmem>> -> memref<1x16x1024xf32, #tpu.memory_space<vmem>>
      %dma_start3A_556 = tpu.memref_squeeze %dma_start3A_555 : memref<1x16x1024xf32, #tpu.memory_space<vmem>> -> memref<16x1024xf32, #tpu.memory_space<vmem>>
      tpu.enqueue_dma source(%dma_start3A_556 : memref<16x1024xf32, #tpu.memory_space<vmem>>) target(%dma_start3A_552 : memref<16x1024xf32, #tpu.memory_space<hbm>>) target_semaphore(%arg10 : memref<!tpu.dma_semaphore, #tpu.memory_space<semaphore_mem>>)
    }
    %dma_wait3A = arith.constant 0 : i32
    %dma_wait3A_32 = arith.constant 0 : i32
    %dma_wait3A_33 = arith.constant 0 : i32
    %dma_wait3A_34 = tpu.memref_slice %arg7[%dma_wait3A, %dma_wait3A_32, %dma_wait3A_33] : memref<2x16x1024xf32, #tpu.memory_space<vmem>> -> memref<1x16x1024xf32, #tpu.memory_space<vmem>>
    %dma_wait3A_35 = tpu.memref_squeeze %dma_wait3A_34 : memref<1x16x1024xf32, #tpu.memory_space<vmem>> -> memref<16x1024xf32, #tpu.memory_space<vmem>>
    %dma_wait3A_36 = arith.constant 0 : i32
    %dma_wait3A_37 = arith.constant 0 : i32
    %dma_wait3A_38 = tpu.memref_slice %arg4[%add3A_8, %dma_wait3A_36, %dma_wait3A_37] : memref<900x64x1024xf32, #tpu.memory_space<hbm>> -> memref<1x16x1024xf32, #tpu.memory_space<hbm>>
    %dma_wait3A_39 = tpu.memref_squeeze %dma_wait3A_38 : memref<1x16x1024xf32, #tpu.memory_space<hbm>> -> memref<16x1024xf32, #tpu.memory_space<hbm>>
    %dma_wait3A_40 = arith.constant 0 : i32
    %dma_wait3A_41 = arith.constant 0 : i32
    %dma_wait3A_42 = tpu.memref_slice %arg4[%add3A_8, %dma_wait3A_40, %dma_wait3A_41] : memref<900x64x1024xf32, #tpu.memory_space<hbm>> -> memref<1x16x1024xf32, #tpu.memory_space<hbm>>
    %dma_wait3A_43 = tpu.memref_squeeze %dma_wait3A_42 : memref<1x16x1024xf32, #tpu.memory_space<hbm>> -> memref<16x1024xf32, #tpu.memory_space<hbm>>
    %dma_wait3A_44 = arith.constant 0 : i32
    %dma_wait3A_45 = arith.constant 0 : i32
    %dma_wait3A_46 = tpu.memref_slice %arg7[%dma_wait3A, %dma_wait3A_44, %dma_wait3A_45] : memref<2x16x1024xf32, #tpu.memory_space<vmem>> -> memref<1x16x1024xf32, #tpu.memory_space<vmem>>
    %dma_wait3A_47 = tpu.memref_squeeze %dma_wait3A_46 : memref<1x16x1024xf32, #tpu.memory_space<vmem>> -> memref<16x1024xf32, #tpu.memory_space<vmem>>
    tpu.wait_dma2 semaphore(%arg10 : memref<!tpu.dma_semaphore, #tpu.memory_space<semaphore_mem>>) src(%dma_wait3A_47 : memref<16x1024xf32, #tpu.memory_space<vmem>>) dst(%dma_wait3A_43 : memref<16x1024xf32, #tpu.memory_space<hbm>>)
    %dma_wait3A_48 = arith.constant 0 : i32
    %dma_wait3A_49 = arith.constant 0 : i32
    %dma_wait3A_50 = arith.constant 0 : i32
    %dma_wait3A_51 = tpu.memref_slice %arg7[%dma_wait3A_48, %dma_wait3A_49, %dma_wait3A_50] : memref<2x16x1024xf32, #tpu.memory_space<vmem>> -> memref<1x16x1024xf32, #tpu.memory_space<vmem>>
    %dma_wait3A_52 = tpu.memref_squeeze %dma_wait3A_51 : memref<1x16x1024xf32, #tpu.memory_space<vmem>> -> memref<16x1024xf32, #tpu.memory_space<vmem>>
    %dma_wait3A_53 = arith.constant 0 : i32
    %dma_wait3A_54 = arith.constant 0 : i32
    %dma_wait3A_55 = tpu.memref_slice %arg4[%add3A_8, %dma_wait3A_53, %dma_wait3A_54] : memref<900x64x1024xf32, #tpu.memory_space<hbm>> -> memref<1x16x1024xf32, #tpu.memory_space<hbm>>
    %dma_wait3A_56 = tpu.memref_squeeze %dma_wait3A_55 : memref<1x16x1024xf32, #tpu.memory_space<hbm>> -> memref<16x1024xf32, #tpu.memory_space<hbm>>
    %dma_wait3A_57 = arith.constant 0 : i32
    %dma_wait3A_58 = arith.constant 0 : i32
    %dma_wait3A_59 = tpu.memref_slice %arg4[%add3A_8, %dma_wait3A_57, %dma_wait3A_58] : memref<900x64x1024xf32, #tpu.memory_space<hbm>> -> memref<1x16x1024xf32, #tpu.memory_space<hbm>>
    %dma_wait3A_60 = tpu.memref_squeeze %dma_wait3A_59 : memref<1x16x1024xf32, #tpu.memory_space<hbm>> -> memref<16x1024xf32, #tpu.memory_space<hbm>>
    %dma_wait3A_61 = arith.constant 0 : i32
    %dma_wait3A_62 = arith.constant 0 : i32
    %dma_wait3A_63 = tpu.memref_slice %arg7[%dma_wait3A_48, %dma_wait3A_61, %dma_wait3A_62] : memref<2x16x1024xf32, #tpu.memory_space<vmem>> -> memref<1x16x1024xf32, #tpu.memory_space<vmem>>
    %dma_wait3A_64 = tpu.memref_squeeze %dma_wait3A_63 : memref<1x16x1024xf32, #tpu.memory_space<vmem>> -> memref<16x1024xf32, #tpu.memory_space<vmem>>
    tpu.wait_dma2 semaphore(%arg10 : memref<!tpu.dma_semaphore, #tpu.memory_space<semaphore_mem>>) src(%dma_wait3A_64 : memref<16x1024xf32, #tpu.memory_space<vmem>>) dst(%dma_wait3A_60 : memref<16x1024xf32, #tpu.memory_space<hbm>>)
    return
  }
}

module attributes {stable_mosaic.version = 14 : i64} {
  func.func @_prep_body(%arg0: memref<10x64xf32, #tpu.memory_space<vmem>>, %arg1: memref<1x64xf32, #tpu.memory_space<vmem>>, %arg2: memref<1x64xf32, #tpu.memory_space<vmem>>, %arg3: memref<64x16xf32, #tpu.memory_space<vmem>>) attributes {dimension_semantics = [], scalar_prefetch = 0 : i64, scratch_operands = 0 : i64, tpu.core_type = #tpu.core_type<tc>} {
    %get3A = arith.constant 0 : index
    %get3A_0 = arith.constant 0 : index
    %get3A_1 = vector.load %arg0[%get3A, %get3A_0] : memref<10x64xf32, #tpu.memory_space<vmem>>, vector<10x64xf32>
    %reduce_sum3A = arith.constant dense<0.000000e+00> : vector<10xf32>
    %reduce_sum3A_2 = vector.multi_reduction <add>, %get3A_1, %reduce_sum3A [1] : vector<10x64xf32> to vector<10xf32>
    %broadcast_in_dim3A = vector.shape_cast %reduce_sum3A_2 : vector<10xf32> to vector<10x1xf32>
    %div3A = arith.constant 6.400000e+01 : f32
    %div3A_3 = vector.broadcast %div3A : f32 to vector<10x1xf32>
    %div3A_4 = arith.divf %broadcast_in_dim3A, %div3A_3 : vector<10x1xf32>
    %sub3A = vector.broadcast %div3A_4 : vector<10x1xf32> to vector<10x64xf32>
    %sub3A_5 = arith.subf %get3A_1, %sub3A : vector<10x64xf32>
    %sub3A_6 = vector.broadcast %div3A_4 : vector<10x1xf32> to vector<10x64xf32>
    %sub3A_7 = arith.subf %get3A_1, %sub3A_6 : vector<10x64xf32>
    %mul3A = arith.mulf %sub3A_5, %sub3A_7 : vector<10x64xf32>
    %reduce_sum3A_8 = arith.constant dense<0.000000e+00> : vector<10xf32>
    %reduce_sum3A_9 = vector.multi_reduction <add>, %mul3A, %reduce_sum3A_8 [1] : vector<10x64xf32> to vector<10xf32>
    %broadcast_in_dim3A_10 = vector.shape_cast %reduce_sum3A_9 : vector<10xf32> to vector<10x1xf32>
    %div3A_11 = arith.constant 6.400000e+01 : f32
    %div3A_12 = vector.broadcast %div3A_11 : f32 to vector<10x1xf32>
    %div3A_13 = arith.divf %broadcast_in_dim3A_10, %div3A_12 : vector<10x1xf32>
    %sub3A_14 = vector.broadcast %div3A_4 : vector<10x1xf32> to vector<10x64xf32>
    %sub3A_15 = arith.subf %get3A_1, %sub3A_14 : vector<10x64xf32>
    %add3A = arith.constant 9.99999974E-6 : f32
    %add3A_16 = vector.broadcast %add3A : f32 to vector<10x1xf32>
    %add3A_17 = arith.addf %div3A_13, %add3A_16 : vector<10x1xf32>
    %sqrt3A = math.sqrt %add3A_17 : vector<10x1xf32>
    %div3A_18 = vector.broadcast %sqrt3A : vector<10x1xf32> to vector<10x64xf32>
    %div3A_19 = arith.divf %sub3A_15, %div3A_18 : vector<10x64xf32>
    %get3A_20 = arith.constant 0 : index
    %get3A_21 = arith.constant 0 : index
    %get3A_22 = vector.load %arg1[%get3A_20, %get3A_21] : memref<1x64xf32, #tpu.memory_space<vmem>>, vector<1x64xf32>
    %mul3A_23 = vector.broadcast %get3A_22 : vector<1x64xf32> to vector<10x64xf32>
    %mul3A_24 = arith.mulf %div3A_19, %mul3A_23 : vector<10x64xf32>
    %get3A_25 = arith.constant 0 : index
    %get3A_26 = arith.constant 0 : index
    %get3A_27 = vector.load %arg2[%get3A_25, %get3A_26] : memref<1x64xf32, #tpu.memory_space<vmem>>, vector<1x64xf32>
    %add3A_28 = vector.broadcast %get3A_27 : vector<1x64xf32> to vector<10x64xf32>
    %add3A_29 = arith.addf %mul3A_24, %add3A_28 : vector<10x64xf32>
    %transpose3A = tpu.transpose %add3A_29, [1, 0] : vector<10x64xf32> -> vector<64x10xf32>
    %broadcast_in_dim3A_30 = arith.constant 0.000000e+00 : f32
    %broadcast_in_dim3A_31 = vector.broadcast %broadcast_in_dim3A_30 : f32 to vector<64x6xf32>
    %concatenate3A = tpu.concatenate %transpose3A, %broadcast_in_dim3A_31 in 1 : vector<64x10xf32>, vector<64x6xf32> -> vector<64x16xf32>
    %swap3A = arith.constant 0 : index
    %swap3A_32 = arith.constant 0 : index
    %swap3A_33 = vector.load %arg3[%swap3A, %swap3A_32] : memref<64x16xf32, #tpu.memory_space<vmem>>, vector<64x16xf32>
    tpu.vector_store %arg3[%swap3A, %swap3A_32], %concatenate3A {strides = array<i32>} : memref<64x16xf32, #tpu.memory_space<vmem>>, vector<64x16xf32>,
    return
  }
}

</mosaic_0001>

<sc_bundles>
// kernel: kernel.4.cloned.1.call-start
scs
__scs_entry_jumppad:
0x0: {  	(pc) =	sbr.rel $0x88, $3  }
0x1: {  	(tag) =	ssettag $0x0;
	lr =	simm.s32 $0x1  }
0x2: {  	[smem:$0x3F9D] =	sst lr;
	_ =	strace $0xD0000000  }
0x3: {  	_ = 	snop  }
0x4: {  	_ = 	snop  }
0x5: {  	_ = 	snop  }
0x6: {  	_ = 	snop  }
0x7: {  	_ = 	snop  }
__scs_overlays_trampoline_lowered:
0x8: {  	[smem:$0x3FAC] =	sst s0  }
0x9: {  	[smem:$0x3FAD] =	sst s1  }
0xa: {  	[smem:$0x3FAE] =	sst s2  }
0xb: {  	[smem:$0x3FAF] =	sst s3  }
0xc: {  	[smem:$0x3FB0] =	sst s4  }
0xd: {  	[smem:$0x3FB1] =	sst s5  }
0xe: {  	[smem:$0x3FB2] =	sst s6  }
0xf: {  	[smem:$0x3FB3] =	sst s7  }
0x10: {  	[smem:$0x3FB4] =	sst s8  }
0x11: {  	[smem:$0x3FB5] =	sst s9;
	s0 =	simm.s32 @!p0 $0x0  }
0x12: {  	s1 =	sld [smem:$0x3F9B];
	s0 =	simm.s32 @p0 $0x1  }
0x13: {  	[smem:$0x3FB6] =	sst s0;
	s0 =	simm.s32 @!p1 $0x0  }
0x14: {  	s2 =	sld [smem:$0x3F9A];
	s0 =	simm.s32 @p1 $0x1  }
0x15: {  	[smem:$0x3FB7] =	sst s0;
	s0 =	simm.s32 @!p2 $0x0  }
0x16: {  	s3 =	sld [smem:$0x3FDB];
	s0 =	simm.s32 @p2 $0x1  }
0x17: {  	s4 =	simm.s32 $0x1BF5;
	[smem:$0x3FB9] =	sst s0  }
0x18: {  	s0 =	sld [smem:$0x3F9C];
	_ =	swait.ge [sflag:s4], $0x0  }
0x19: {  	s7 =	sld [smem:$0x3F9D]  }
0x1a: {  	s8 =	sadd.s32 $0xFFFFE003, lr  }
0x1b: {  	s9 =	sadd.s32 $0xFFFFFEF7, lr;
	s5 =	simm.s32 $0xFFFFFFFF;
	p2 =	slt.u32 s8, $0xFFFFF086  }
0x1c: {  	p1 =	slt.u32 s9, $0xF7A;
	s5 =	simm.s32 @!p2 $0x0  }
0x1d: {  	s5 =	simm.s32 @p1 $0x1;
	p0 =	seq.s32 s7, s2  }
0x1e: {  	s7 =	smul.u32 @!p0 $0xF7A, s2;
	p2 =	seq.s32 @!p0 s5, $0x0  }
0x1f: {  	s9 =	smul.u32 $0xF7A, s1;
	s8 =	simm.s32 @!p0 $0x1BF5;
	p2 =	por !p2, p0  }
0x20: {  	[sflag:s8] =	ssyncset.s32 @!p0 $0xFFFFF086;
	s6 =	sadd.s32 @!p0 s3, s7;
	s7 =	simm.s32 @!p0 $0x108  }
0x21: {  	s3 =	sadd.s32 s3, s9;
	s6 =	sadd.s32 @!p0 $0x88, s6;
	s7 =	simm.s32 @p2 $0x1082  }
0x22: {  	[simem:s7], [sflag:s8] =	dma.local @!p0 [hbm:s6], $0xF7A  }
0x23: {  	s9 =	sor.u32 $0xD0000000, s2;
	s6 =	simm.s32 $0x108;
	_ =	swait.ge @!p0 [sflag:s8], $0x0  }
0x24: {  	s3 =	sadd.s32 $0x88, s3;
	s6 =	simm.s32 @!p1 $0x1082;
	[sflag:s4] =	ssyncset.s32 $0xFFFFF086  }
0x25: {  	[simem:s6], [sflag:s4] =	dma.local [hbm:s3], $0xF7A  }
0x26: {  	[smem:$0x3F9D] =	sst s1;
	(tag) =	ssettag s2;
	_ =	strace s9  }
0x27: {  	s1 =	sld [smem:$0x3FAD]  }
0x28: {  	s2 =	sld [smem:$0x3FAE]  }
0x29: {  	s4 =	sld [smem:$0x3FB0]  }
0x2a: {  	p0 =	seq.s32 s5, $0x0;
	s5 =	sld [smem:$0x3FB1]  }
0x2b: {  	s6 =	sld [smem:$0x3FB2]  }
0x2c: {  	s7 =	sld [smem:$0x3FB3]  }
0x2d: {  	s3 =	simm.s32 $0x108;
	s8 =	sld [smem:$0x3FB4]  }
0x2e: {  	s3 =	simm.s32 @!p0 $0x1082;
	s9 =	sld [smem:$0x3FB5]  }
0x2f: {  	lr =	sadd.s32 s0, s3;
	s0 =	sld [smem:$0x3FAC]  }
0x30: {  	s3 =	sld [smem:$0x3FAF]  }
0x31: {  	[smem:$0x3FB8] =	sst s10  }
0x32: {  	s10 =	sld [smem:$0x3FB6];
	_ =	sdelay $0x3  }
0x33: {  	p0 =	seq.s32 s10, $0x1;
	s10 =	sld [smem:$0x3FB8];
	_ =	sdelay $0x3  }
0x34: {  	[smem:$0x3FB8] =	sst s10  }
0x35: {  	s10 =	sld [smem:$0x3FB7];
	_ =	sdelay $0x3  }
0x36: {  	p1 =	seq.s32 s10, $0x1;
	s10 =	sld [smem:$0x3FB8];
	_ =	sdelay $0x3  }
0x37: {  	[smem:$0x3FB8] =	sst s10  }
0x38: {  	s10 =	sld [smem:$0x3FB9]  }
0x39: {  	_ = 	snop;
	(pc) =	sbr.ind lr, $3  }
0x3a: {  	_ = 	snop  }
0x3b: {  	_ = 	snop  }
0x3c: {  	p2 =	seq.s32 s10, $0x1;
	s10 =	sld [smem:$0x3FB8]  }
0x3d: {  	_ =	shalt  }
0x3e: {  	_ =	shalt  }
0x3f: {  	_ =	shalt  }
0x40: {  	_ =	shalt  }
0x41: {  	_ =	shalt  }
0x42: {  	_ =	shalt  }
0x43: {  	_ =	shalt  }
0x44: {  	_ =	shalt  }
0x45: {  	_ =	shalt  }
0x46: {  	_ =	shalt  }
0x47: {  	_ =	shalt  }
0x48: {  	_ =	shalt  }
0x49: {  	_ =	shalt  }
0x4a: {  	_ =	shalt  }
0x4b: {  	_ =	shalt  }
0x4c: {  	_ =	shalt  }
0x4d: {  	_ =	shalt  }
0x4e: {  	_ =	shalt  }
0x4f: {  	_ =	shalt  }
0x50: {  	_ =	shalt  }
0x51: {  	_ =	shalt  }
0x52: {  	_ =	shalt  }
0x53: {  	_ =	shalt  }
0x54: {  	_ =	shalt  }
0x55: {  	_ =	shalt  }
0x56: {  	_ =	shalt  }
0x57: {  	_ =	shalt  }
0x58: {  	_ =	shalt  }
0x59: {  	_ =	shalt  }
0x5a: {  	_ =	shalt  }
0x5b: {  	_ =	shalt  }
0x5c: {  	_ =	shalt  }
0x5d: {  	_ =	shalt  }
0x5e: {  	_ =	shalt  }
0x5f: {  	_ =	shalt  }
0x60: {  	_ =	shalt  }
0x61: {  	_ =	shalt  }
0x62: {  	_ =	shalt  }
0x63: {  	_ =	shalt  }
0x64: {  	_ =	shalt  }
0x65: {  	_ =	shalt  }
0x66: {  	_ =	shalt  }
0x67: {  	_ =	shalt  }
0x68: {  	_ =	shalt  }
0x69: {  	_ =	shalt  }
0x6a: {  	_ =	shalt  }
0x6b: {  	_ =	shalt  }
0x6c: {  	_ =	shalt  }
0x6d: {  	_ =	shalt  }
0x6e: {  	_ =	shalt  }
0x6f: {  	_ =	shalt  }
0x70: {  	_ =	shalt  }
0x71: {  	_ =	shalt  }
0x72: {  	_ =	shalt  }
0x73: {  	_ =	shalt  }
0x74: {  	_ =	shalt  }
0x75: {  	_ =	shalt  }
0x76: {  	_ =	shalt  }
0x77: {  	_ =	shalt  }
0x78: {  	_ =	shalt  }
0x79: {  	_ =	shalt  }
0x7a: {  	_ =	shalt  }
0x7b: {  	_ =	shalt  }
0x7c: {  	_ =	shalt  }
0x7d: {  	_ =	shalt  }
0x7e: {  	_ =	shalt  }
0x7f: {  	_ =	shalt  }
0x80: {  	_ =	shalt  }
0x81: {  	_ =	shalt  }
0x82: {  	_ =	shalt  }
0x83: {  	_ =	shalt  }
0x84: {  	_ =	shalt  }
0x85: {  	_ =	shalt  }
0x86: {  	_ =	shalt  }
0x87: {  	_ =	shalt  }
.Lfunc_end0:
.L_simem_size_0:
called_computation_lowered:
.L_overlay_start_0:
0x88: {  	s2 =	sld [smem:$0x3FD9]  }
0x89: {  	s3 =	sld [smem:$0x3FFE];
	_ =	sdelay $0x1  }
0x8a: {  	s1 =	srdreg.scid  }
0x8b: {  	s0 =	sand.u32 $0x1, s1  }
0x8c: {  	s17 =	sshll.u32 s0, $0xA;
	s2 =	sadd.s32 s3, s2  }
0x8d: {  	s2 =	sadd.s32 s2, s17  }
0x8e: {  	[smem:$0x3FC4] =	sst s2  }
0x8f: {  	_ = 	snop  }
0x90: {  	s2 =	sld [smem:$0x3FD0];
	(tm) =	ssettm $0x1  }
0x91: {  	s18 =	sld [smem:$0x3FFB];
	_ =	sdelay $0x3  }
0x92: {  	_ =	strace s18  }
0x93: {  	s3 =	sld [smem:$0x3FFC];
	_ =	sdelay $0x3  }
0x94: {  	_ =	strace s3  }
0x95: {  	s3 =	sld [smem:$0x3FFD];
	_ =	sdelay $0x3  }
0x96: {  	_ =	strace s3  }
0x97: {  	_ =	strace $0x8FFFFFFF  }
0x98: {  	s19 =	sld [smem:$0x3FDB];
	_ =	sdelay $0x1  }
0x99: {  	s4 =	simm.s32 $_scs_section_size  }
0x9a: {  	s5 =	simm.s32 $_size__tile_overlayer_lowered;
	s6 =	simm.s32 $_tile_overlayer_lowered  }
0x9b: {  	s22 =	simm.s32 $0x1BFF;
	s21 =	sshll.u32 s6, $0x1;
	s3 =	sadd.s32 s4, s19  }
0x9c: {  	s7 =	simm.s32 $0x0;
	s20 =	sshll.u32 s5, $0x1;
	s5 =	sadd.s32 s21, s3  }
0x9d: {  	[timem:s7], [sflag:s22] =	dma.local [hbm:s5], s20  }
0x9e: {  	_ =	swait.ge [sflag:s22], s20  }
0x9f: {  	s4 =	ssub.s32 $0x0, s20;
	[sflag:s22] =	ssyncset.done $0x0  }
0xa0: {  	[sflag:s22] =	ssyncadd.s32 s4;
	_ =	sdelay $0x1  }
0xa1: {  	s23 =	simm.s32 $0x1B8B  }
0xa2: {  	_ =	swait.ge [sflag:s23], $0x1  }
0xa3: {  	[sflag:s23] =	ssyncset.done $0x0  }
0xa4: {  	s25 =	simm.s32 $0x1B8E;
	s24 =	sld [smem:$0x3FFE];
	[sflag:s23] =	ssyncadd.s32 $0xFFFFFFFF  }
0xa5: {  	s26 =	simm.s32 $execute0_lowered;
	[smem:$0x3FD2] =	sst s25  }
0xa6: {  	s5 =	sshll.u32 s26, $0x1;
	_ =	strace $0x80000046;
	[dreg:$0x1] =	wrdreg $0xFFFFFFFF  }
0xa7: {  	s28 =	simm.s32 $_size_execute0_lowered;
	s3 =	sadd.s32 s3, s5;
	[dreg:$0x0] =	wrdreg $0x0  }
0xa8: {  	s5 =	sshll.u32 s28, $0x1;
	[dreg:$0x2] =	wrdreg s3  }
0xa9: {  	[dreg:$0x3] =	wrdreg s5  }
0xaa: {  	[dreg:$0x4] =	wrdreg $0xC0  }
0xab: {  	_ =	task [dreg:s7], $0x5FFFF  }
0xac: {  	[dreg:$0x1] =	wrdreg $0xFFFFFFFF  }
0xad: {  	[dreg:$0x0] =	wrdreg $0x60  }
0xae: {  	[dreg:$0x2] =	wrdreg s24  }
0xaf: {  	[dreg:$0x3] =	wrdreg s2  }
0xb0: {  	[dreg:$0x4] =	wrdreg $0x9  }
0xb1: {  	_ =	task.clear_ibuf [dreg:s7], $0x5FFFF;
	_ =	strace $0x90000046  }
0xb2: {  	s29 =	simm.s32 $0x9;
	_ =	strace $0x80000048  }
0xb3: {  	_ =	swait.ge [sflag:s29], $0x1  }
0xb4: {  	[sflag:s29] =	ssyncadd.s32 $0xFFFFFFFF  }
0xb5: {  	_ =	strace $0x90000048  }
0xb6: {  	_ =	sfence  }
0xb7: {  	s30 =	sld [smem:$0x0];
	_ =	sdelay $0x2  }
0xb8: {  	s31 =	sshll.u32 s1, $0xD;
	s1 =	sshrl.u32 s1, $0x2  }
0xb9: {  	s3 =	sand.u32 $0x4000, s31;
	s1 =	sadd.s32 s1, s30  }
0xba: {  	s0 =	sor.u32 s3, s0;
	s1 =	sshll.u32 s1, $0x11  }
0xbb: {  	s0 =	sor.u32 s1, s0  }
0xbc: {  	s0 =	sadd.s32 $0x8F2B, s0  }
0xbd: {  	[sflag:s0] =	ssyncadd.remote.s32 $0x1  }
0xbe: {  	_ =	sfence.sel $0xFFFF  }
0xbf: {  	[dreg:$0x0] =	wrdreg $0xFFFFFFFF;
	(pc) =	sbr.abs _section_cstart, $3  }
0xc0: {  	[dreg:$0x1] =	wrdreg $0xFFFFFFFF  }
0xc1: {  	_ =	task.clear_ibuf [dreg:s7], $0x2FFFF;
	_ =	strace $0x9FFFFFFF  }
0xc2: {  	(tm) =	ssettm $0x7FFFFFFF  }
0xc3: {  	_ =	shalt  }
tec
execute0_lowered:
.L_overlay_start_1:
0x0: {  	(tag) =	ssettag $0x1  }
0x1: {  	s0 =	rddreg [dreg:$0x0];
	s1 =	srdreg.scid  }
0x2: {  	s8 =	stileid.u32;
	s2 =	rddreg [dreg:$0x1]  }
0x3: {  	s3 =	simm.s32 $0x0;
	s29 =	simm.s32 $0x1;
	s30 =	simm.s32 $0x2  }
0x4: {  	s31 =	simm.s32 $0x2800;
	s20 =	simm.s32 $0x0;
	s1 =	sand.u32 $0x1, s1  }
0x5: {  	s4 =	sshll.u32 s8, $0x1;
	[smem:$0x7FF] =	sst s3;
	s24 =	sadd.s32 $0x1D000, s0  }
0x6: {  	p0 =	slt.u32 s8, $0x2;
	s9 =	sadd.s32 $0x800, s2;
	s4 =	sor.u32 s1, s4  }
0x7: {  	s10 =	sadd.s32 $0x1000, s2;
	s11 =	sadd.s32 $0x1800, s2;
	s5 =	smul.u32 $0x1C, s4  }
0x8: {  	_ =	strace $0x80000047;
	s1 =	ssub.s32 $0x2, s1;
	s6 =	smin.u32 s4, $0x4  }
0x9: {  	[dreg:$0x3] =	wrdreg s24;
	s7 =	sshrl.u32 s1, $0x1;
	s5 =	sadd.s32 s6, s5  }
0xa: {  	s25 =	ssub.s32 s1, s7;
	s7 =	simm.s32 $0x1D;
	s26 =	sshll.u32 s5, $0x4  }
0xb: {  	s6 =	sadd.s32 $0xC00, s0;
	s28 =	sshll.u32 s5, $0x7;
	s1 =	sand.u32 $0x70, s26  }
0xc: {  	s0 =	smax.u32 s25, $0x1;
	s8 =	sand.u32 $0x3FC00, s28;
	s1 =	sadd.s32 s6, s1  }
0xd: {  	s7 =	simm.s32 @!p0 $0x1C;
	[dreg:$0x4] =	wrdreg s0;
	s8 =	sadd.s32 s8, s1  }
0xe: {  	s0 =	simm.s32 $0x3;
	s1 =	simm.s32 $0x6800;
	s13 =	sadd.s32 $0x80, s8  }
0xf: {  	s14 =	sadd.s32 $0x100, s8;
	s15 =	sadd.s32 $0x180, s8;
	s16 =	sadd.s32 $0x200, s8  }
0x10: {  	s17 =	sadd.s32 $0x280, s8;
	s18 =	sadd.s32 $0x300, s8;
	s19 =	sadd.s32 $0x380, s8  }
.LBB2_1:
0x11: {  	s4 =	rddreg [dreg:$0x3]  }
0x12: {  	[tilespmem:s3], [sflag:$0x1] =	stream.linear.gather [hbm4b:s4+s3], $0x2000, $0x38;
	[tilespmem:$0xA800] =	vst v63  }
0x13: {  	s12 =	simm.s32 $0x2000  }
0x14: {  	[tilespmem:s12], [sflag:$0x2] =	stream.linear.gather [hbm4b:s8+s3], $0x80, $0x38;
	[tilespmem:$0xA800] =	vst v63  }
0x15: {  	s21 =	simm.s32 $0x2100  }
0x16: {  	[tilespmem:s21], [sflag:$0x2] =	stream.linear.gather [hbm4b:s13+s3], $0x80, $0x38;
	[tilespmem:$0xA800] =	vst v63  }
0x17: {  	s22 =	simm.s32 $0x2200  }
0x18: {  	[tilespmem:s22], [sflag:$0x2] =	stream.linear.gather [hbm4b:s14+s3], $0x80, $0x38;
	[tilespmem:$0xA800] =	vst v63  }
0x19: {  	s23 =	simm.s32 $0x2300  }
0x1a: {  	[tilespmem:s23], [sflag:$0x2] =	stream.linear.gather [hbm4b:s15+s3], $0x80, $0x38;
	[tilespmem:$0xA800] =	vst v63  }
0x1b: {  	s24 =	simm.s32 $0x2400  }
0x1c: {  	[tilespmem:s24], [sflag:$0x2] =	stream.linear.gather [hbm4b:s16+s3], $0x80, $0x38;
	[tilespmem:$0xA800] =	vst v63  }
0x1d: {  	s25 =	simm.s32 $0x2500  }
0x1e: {  	[tilespmem:s25], [sflag:$0x2] =	stream.linear.gather [hbm4b:s17+s3], $0x80, $0x38;
	[tilespmem:$0xA800] =	vst v63  }
0x1f: {  	s26 =	simm.s32 $0x2600  }
0x20: {  	[tilespmem:s26], [sflag:$0x2] =	stream.linear.gather [hbm4b:s18+s3], $0x80, $0x38;
	[tilespmem:$0xA800] =	vst v63  }
0x21: {  	s28 =	simm.s32 $0x2700  }
0x22: {  	[tilespmem:s28], [sflag:$0x2] =	stream.linear.gather [hbm4b:s19+s3], $0x80, $0x38;
	[tilespmem:$0xA800] =	vst v63  }
0x23: {  	_ =	swait.ge [sflag:s29], $0x2000  }
0x24: {  	[sflag:s29] =	ssyncset.done $0x0  }
0x25: {  	s21 =	simm.s32 $0x0;
	[sflag:s29] =	ssyncadd.s32 $0xFFFFE000  }
.LBB2_2:
0x26: {  	s24 =	smov.u32 s21;
	s21 =	sadd.s32 $0x1, s21  }
0x27: {  	p0 =	sge.u32 s21, s7  }
0x28: {  	s22 =	sadd.s32 @!p0 s5, s21  }
0x29: {  	s23 =	sshll.u32 @!p0 s22, $0xA;
	s22 =	sshll.u32 @!p0 s22, $0x7  }
0x2a: {  	_ =	swait.ge [sflag:s30], $0x400;
	s23 =	sand.u32 @!p0 $0x7FFFE000, s23;
	s22 =	sand.u32 @!p0 $0x380, s22  }
0x2b: {  	[sflag:s30] =	ssyncset.done $0x0;
	s25 =	sshll.u32 @!p0 s21, $0x7;
	s22 =	sor.u32 @!p0 s22, s23  }
0x2c: {  	[sflag:s30] =	ssyncadd.s32 $0xFFFFFC00;
	s23 =	sand.u32 @!p0 $0x80, s25;
	s22 =	sshrl.u32 @!p0 s22, $0x3  }
0x2d: {  	s26 =	simm.s32 @!p0 $0x0;
	s25 =	sor.u32 @!p0 $0x2000, s23;
	s22 =	sadd.s32 @!p0 s6, s22  }
0x2e: {  	[tilespmem:s25], [sflag:$0x2] =	stream.linear.gather @!p0 [hbm4b:s22+s26], $0x80, $0x38;
	[tilespmem:$0xA800] =	vst v63  }
0x2f: {  	s28 =	sor.u32 @!p0 $0x2100, s23;
	s25 =	sadd.s32 @!p0 $0x80, s22  }
0x30: {  	[tilespmem:s28], [sflag:$0x2] =	stream.linear.gather @!p0 [hbm4b:s25+s26], $0x80, $0x38;
	[tilespmem:$0xA800] =	vst v63  }
0x31: {  	s25 =	sadd.s32 @!p0 $0x100, s22;
	s28 =	sor.u32 @!p0 $0x2200, s23  }
0x32: {  	[tilespmem:s28], [sflag:$0x2] =	stream.linear.gather @!p0 [hbm4b:s25+s26], $0x80, $0x38;
	[tilespmem:$0xA800] =	vst v63  }
0x33: {  	s25 =	sadd.s32 @!p0 $0x180, s22;
	s28 =	sor.u32 @!p0 $0x2300, s23  }
0x34: {  	[tilespmem:s28], [sflag:$0x2] =	stream.linear.gather @!p0 [hbm4b:s25+s26], $0x80, $0x38;
	[tilespmem:$0xA800] =	vst v63  }
0x35: {  	s25 =	sadd.s32 @!p0 $0x200, s22;
	s28 =	sor.u32 @!p0 $0x2400, s23  }
0x36: {  	[tilespmem:s28], [sflag:$0x2] =	stream.linear.gather @!p0 [hbm4b:s25+s26], $0x80, $0x38;
	[tilespmem:$0xA800] =	vst v63  }
0x37: {  	s25 =	sadd.s32 @!p0 $0x280, s22;
	s28 =	sor.u32 @!p0 $0x2500, s23  }
0x38: {  	[tilespmem:s28], [sflag:$0x2] =	stream.linear.gather @!p0 [hbm4b:s25+s26], $0x80, $0x38;
	[tilespmem:$0xA800] =	vst v63  }
0x39: {  	s25 =	sadd.s32 @!p0 $0x300, s22;
	s28 =	sor.u32 @!p0 $0x2600, s23  }
0x3a: {  	[tilespmem:s28], [sflag:$0x2] =	stream.linear.gather @!p0 [hbm4b:s25+s26], $0x80, $0x38;
	[tilespmem:$0xA800] =	vst v63  }
0x3b: {  	s22 =	sadd.s32 @!p0 $0x380, s22;
	s23 =	sor.u32 @!p0 $0x2700, s23  }
0x3c: {  	[tilespmem:s23], [sflag:$0x2] =	stream.linear.gather @!p0 [hbm4b:s22+s26], $0x80, $0x38;
	[tilespmem:$0xA800] =	vst v63  }
0x3d: {  	s26 =	sand.u32 $0x3FFFFFFF, s24  }
0x3e: {  	p0 =	seq.s32 s26, $0x0  }
0x3f: {  	s22 =	simm.s32 @!p0 $0x3  }
0x40: {  	_ =	swait.ge @!p0 [sflag:s22], $0x4000  }
0x41: {  	[sflag:s22] =	ssyncset.done @!p0 $0x0  }
0x42: {  	[sflag:s22] =	ssyncadd.s32 @!p0 $0xFFFFC000  }
0x43: {  	v9 =	vld [tilespmem:$0x0]  }
0x44: {  	v10 =	vld [tilespmem:$0x80]  }
0x45: {  	v6 =	vld [tilespmem:$0x100]  }
0x46: {  	s4 =	sshll.u32 s24, $0x7;
	s23 =	simm.s32 $0x0;
	v1 =	vld [tilespmem:$0x180]  }
0x47: {  	s12 =	sand.u32 $0x1C00, s23;
	s22 =	sand.u32 $0x80, s4;
	v0 =	vld [tilespmem:$0x200]  }
0x48: {  	s4 =	sshrl.u32 s12, $0x2;
	v2 =	vld [tilespmem:$0x280];
	s22 =	sor.u32 $0x2000, s22  }
0x49: {  	s28 =	sand.u32 $0x70, s23;
	v7 =	vld [tilespmem:$0x300];
	s26 =	sadd.s32 s4, s22  }
0x4a: {  	v11 =	vld [tilespmem:$0x380];
	s26 =	sadd.s32 s28, s26  }
0x4b: {  	v4 =	vld [tilespmem:s26+$0x0]  }
0x4c: {  	v13 =	vld [tilespmem:$0x400]  }
0x4d: {  	v15 =	vld [tilespmem:$0x480]  }
0x4e: {  	v14 =	vld [tilespmem:$0x500]  }
0x4f: {  	v8 =	vld [tilespmem:$0x600]  }
0x50: {  	v12 =	vld [tilespmem:$0x580];
	v16 =	vand.u32 $0xF, v4  }
0x51: {  	v3 =	vld [tilespmem:$0x680];
	v17 =	vperm.xlane v9, v16  }
0x52: {  	s25 =	sor.u32 s28, s12;
	v5 =	vld [tilespmem:$0x780];
	v18 =	vperm.xlane v10, v16  }
0x53: {  	v4 =	vld [tilespmem:$0x700];
	v19 =	vperm.xlane v6, v16;
	[tilespmem:s25+$0x2800] =	vst v17  }
0x54: {  	v20 =	vperm.xlane v8, v16;
	[tilespmem:s25+$0x2880] =	vst v18  }
0x55: {  	v17 =	vperm.xlane v1, v16;
	[tilespmem:s25+$0x2900] =	vst v19  }
0x56: {  	v18 =	vperm.xlane v0, v16;
	[tilespmem:s25+$0x4A00] =	vst v20  }
0x57: {  	v19 =	vperm.xlane v2, v16;
	[tilespmem:s25+$0x2980] =	vst v17  }
0x58: {  	v17 =	vperm.xlane v7, v16;
	[tilespmem:s25+$0x2A00] =	vst v18  }
0x59: {  	v18 =	vperm.xlane v11, v16;
	[tilespmem:s25+$0x2A80] =	vst v19  }
0x5a: {  	v19 =	vperm.xlane v13, v16;
	[tilespmem:s25+$0x2B00] =	vst v17  }
0x5b: {  	v17 =	vperm.xlane v15, v16;
	[tilespmem:s25+$0x2B80] =	vst v18  }
0x5c: {  	v18 =	vperm.xlane v14, v16;
	[tilespmem:s25+$0x4800] =	vst v19  }
0x5d: {  	v19 =	vperm.xlane v12, v16;
	[tilespmem:s25+$0x4880] =	vst v17  }
0x5e: {  	s12 =	simm.s32 $0x80;
	[tilespmem:s25+$0x4900] =	vst v18;
	v18 =	vperm.xlane v3, v16  }
0x5f: {  	s24 =	sadd.s32 s5, s24;
	s28 =	sand.u32 $0x1C00, s12;
	s26 =	simm.s32 $0x100;
	[tilespmem:s25+$0x4980] =	vst v19;
	v17 =	vperm.xlane v4, v16;
	v16 =	vperm.xlane v5, v16  }
.LBB2_3:
0x60: {  	p1 =	sne.s32 s26, $0x1F80;
	s4 =	sshrl.u32 s28, $0x2;
	[tilespmem:s25+$0x4A80] =	vst v18;
	s23 =	sadd.s32 $0x10, s23  }
0x61: {  	s12 =	sand.u32 $0x70, s23;
	s4 =	sadd.s32 s4, s22;
	[tilespmem:s25+$0x4B00] =	vst v17  }
0x62: {  	s4 =	sadd.s32 s12, s4;
	[tilespmem:s25+$0x4B80] =	vst v16  }
0x63: {  	v16 =	vld [tilespmem:s4+$0x0];
	_ =	sdelay $0x4  }
0x64: {  	v16 =	vand.u32 $0xF, v16  }
0x65: {  	v17 =	vperm.xlane v9, v16;
	v18 =	vperm.xlane v10, v16  }
0x66: {  	s25 =	sor.u32 s12, s28;
	v19 =	vperm.xlane v6, v16;
	v20 =	vperm.xlane v1, v16  }
0x67: {  	v21 =	vperm.xlane v2, v16;
	[tilespmem:s25+$0x2800] =	vst v17;
	v17 =	vperm.xlane v0, v16  }
0x68: {  	v22 =	vperm.xlane v7, v16;
	v23 =	vperm.xlane v11, v16;
	[tilespmem:s25+$0x2880] =	vst v18  }
0x69: {  	v24 =	vperm.xlane v15, v16;
	[tilespmem:s25+$0x2900] =	vst v19;
	v19 =	vperm.xlane v13, v16  }
0x6a: {  	v25 =	vperm.xlane v12, v16;
	[tilespmem:s25+$0x2980] =	vst v20;
	v20 =	vperm.xlane v14, v16  }
0x6b: {  	v26 =	vperm.xlane v8, v16;
	v18 =	vperm.xlane v3, v16;
	[tilespmem:s25+$0x2A00] =	vst v17  }
0x6c: {  	v17 =	vperm.xlane v4, v16;
	v16 =	vperm.xlane v5, v16;
	[tilespmem:s25+$0x2A80] =	vst v21  }
0x6d: {  	[tilespmem:s25+$0x2B00] =	vst v22  }
0x6e: {  	[tilespmem:s25+$0x2B80] =	vst v23  }
.Ltmp0:
0x6f: {  	[tilespmem:s25+$0x4800] =	vst v19;
	(pc) =	sbr.rel @p1 .LBB2_3-.Ltmp0, $4  }
0x70: {  	[tilespmem:s25+$0x4880] =	vst v24  }
0x71: {  	[tilespmem:s25+$0x4900] =	vst v20  }
0x72: {  	[tilespmem:s25+$0x4980] =	vst v25  }
0x73: {  	s28 =	sand.u32 $0x1C00, s26;
	s26 =	sadd.s32 $0x80, s26;
	[tilespmem:s25+$0x4A00] =	vst v26  }
0x74: {  	s4 =	sshrl.u32 s28, $0x2;
	[tilespmem:s25+$0x4A80] =	vst v18;
	s12 =	sadd.s32 $0x10, s23  }
0x75: {  	[tilespmem:s25+$0x4B00] =	vst v17;
	s12 =	sand.u32 $0x70, s12;
	s4 =	sadd.s32 s4, s22  }
0x76: {  	[tilespmem:s25+$0x4B80] =	vst v16;
	s4 =	sadd.s32 s12, s4  }
0x77: {  	v16 =	vld [tilespmem:s4+$0x0];
	_ =	sdelay $0x4  }
0x78: {  	v16 =	vand.u32 $0xF, v16  }
0x79: {  	v9 =	vperm.xlane v9, v16  }
0x7a: {  	s26 =	sor.u32 s12, s28;
	v10 =	vperm.xlane v10, v16  }
0x7b: {  	v6 =	vperm.xlane v6, v16;
	[tilespmem:s26+$0x2800] =	vst v9  }
0x7c: {  	v1 =	vperm.xlane v1, v16;
	[tilespmem:s26+$0x2880] =	vst v10  }
0x7d: {  	v0 =	vperm.xlane v0, v16;
	[tilespmem:s26+$0x2900] =	vst v6  }
0x7e: {  	v2 =	vperm.xlane v2, v16;
	[tilespmem:s26+$0x2980] =	vst v1  }
0x7f: {  	v1 =	vperm.xlane v7, v16;
	[tilespmem:s26+$0x2A00] =	vst v0  }
0x80: {  	v0 =	vperm.xlane v11, v16;
	[tilespmem:s26+$0x2A80] =	vst v2  }
0x81: {  	v2 =	vperm.xlane v13, v16;
	[tilespmem:s26+$0x2B00] =	vst v1  }
0x82: {  	v1 =	vperm.xlane v15, v16;
	[tilespmem:s26+$0x2B80] =	vst v0  }
0x83: {  	v0 =	vperm.xlane v14, v16;
	[tilespmem:s26+$0x4800] =	vst v2  }
0x84: {  	v2 =	vperm.xlane v12, v16;
	[tilespmem:s26+$0x4880] =	vst v1  }
0x85: {  	v1 =	vperm.xlane v8, v16;
	[tilespmem:s26+$0x4900] =	vst v0  }
0x86: {  	v0 =	vperm.xlane v3, v16;
	[tilespmem:s26+$0x4980] =	vst v2  }
0x87: {  	v2 =	vperm.xlane v4, v16;
	[tilespmem:s26+$0x4A00] =	vst v1  }
0x88: {  	s23 =	sshll.u32 s24, $0xD;
	v1 =	vperm.xlane v5, v16;
	[tilespmem:s26+$0x4A80] =	vst v0  }
0x89: {  	s23 =	sand.u32 $0x1FFFE000, s23;
	[tilespmem:s26+$0x4B00] =	vst v2  }
0x8a: {  	s24 =	sadd.s32 s2, s23;
	s4 =	simm.s32 @!p0 $0x3;
	[tilespmem:s26+$0x4B80] =	vst v1  }
0x8b: {  	[hbm4b:s24+s3] =	stream.linear.scatter [tilespmem:s31], [sflag:$0x3], $0x4000, $0x38;
	[tilespmem:$0xA800] =	vst v63  }
0x8c: {  	_ =	swait.ge @!p0 [sflag:s4], $0x4000  }
0x8d: {  	[sflag:s4] =	ssyncset.done @!p0 $0x0  }
0x8e: {  	[sflag:s4] =	ssyncadd.s32 @!p0 $0xFFFFC000  }
0x8f: {  	v14 =	vld [tilespmem:$0x800]  }
0x90: {  	v15 =	vld [tilespmem:$0x880]  }
0x91: {  	v12 =	vld [tilespmem:$0x900]  }
0x92: {  	s24 =	simm.s32 $0x0;
	v9 =	vld [tilespmem:$0x980]  }
0x93: {  	s4 =	sand.u32 $0x1C00, s24;
	v4 =	vld [tilespmem:$0xA00]  }
0x94: {  	v5 =	vld [tilespmem:$0xA80];
	s25 =	sshrl.u32 s4, $0x2  }
0x95: {  	s26 =	sand.u32 $0x70, s24;
	v6 =	vld [tilespmem:$0xB00];
	s12 =	sadd.s32 s25, s22  }
0x96: {  	v7 =	vld [tilespmem:$0xB80];
	s12 =	sadd.s32 s26, s12  }
0x97: {  	v1 =	vld [tilespmem:s12+$0x0]  }
0x98: {  	v10 =	vld [tilespmem:$0xC00]  }
0x99: {  	v13 =	vld [tilespmem:$0xC80]  }
0x9a: {  	v11 =	vld [tilespmem:$0xD00]  }
0x9b: {  	v3 =	vld [tilespmem:$0xE00]  }
0x9c: {  	v8 =	vld [tilespmem:$0xD80];
	v16 =	vand.u32 $0xF, v1  }
0x9d: {  	v0 =	vld [tilespmem:$0xE80];
	v17 =	vperm.xlane v14, v16  }
0x9e: {  	v2 =	vld [tilespmem:$0xF80];
	s25 =	sor.u32 s26, s4;
	v18 =	vperm.xlane v15, v16  }
0x9f: {  	v1 =	vld [tilespmem:$0xF00];
	v19 =	vperm.xlane v12, v16;
	[tilespmem:s25+$0x6800] =	vst v17  }
0xa0: {  	v20 =	vperm.xlane v3, v16;
	[tilespmem:s25+$0x6880] =	vst v18  }
0xa1: {  	v17 =	vperm.xlane v9, v16;
	[tilespmem:s25+$0x6900] =	vst v19  }
0xa2: {  	v18 =	vperm.xlane v4, v16;
	[tilespmem:s25+$0x8A00] =	vst v20  }
0xa3: {  	v19 =	vperm.xlane v5, v16;
	[tilespmem:s25+$0x6980] =	vst v17  }
0xa4: {  	v17 =	vperm.xlane v6, v16;
	[tilespmem:s25+$0x6A00] =	vst v18  }
0xa5: {  	v18 =	vperm.xlane v7, v16;
	[tilespmem:s25+$0x6A80] =	vst v19  }
0xa6: {  	v19 =	vperm.xlane v10, v16;
	[tilespmem:s25+$0x6B00] =	vst v17  }
0xa7: {  	v17 =	vperm.xlane v13, v16;
	[tilespmem:s25+$0x6B80] =	vst v18  }
0xa8: {  	v18 =	vperm.xlane v11, v16;
	[tilespmem:s25+$0x8800] =	vst v19  }
0xa9: {  	v19 =	vperm.xlane v8, v16;
	[tilespmem:s25+$0x8880] =	vst v17  }
0xaa: {  	s26 =	simm.s32 $0x80;
	[tilespmem:s25+$0x8900] =	vst v18;
	v18 =	vperm.xlane v0, v16  }
0xab: {  	s28 =	sand.u32 $0x1C00, s26;
	s26 =	simm.s32 $0x100;
	[tilespmem:s25+$0x8980] =	vst v19;
	v17 =	vperm.xlane v1, v16;
	v16 =	vperm.xlane v2, v16  }
.LBB2_5:
0xac: {  	p0 =	sne.s32 s26, $0x1F80;
	s4 =	sshrl.u32 s28, $0x2;
	[tilespmem:s25+$0x8A80] =	vst v18;
	s24 =	sadd.s32 $0x10, s24  }
0xad: {  	s12 =	sand.u32 $0x70, s24;
	s4 =	sadd.s32 s4, s22;
	[tilespmem:s25+$0x8B00] =	vst v17  }
0xae: {  	s4 =	sadd.s32 s12, s4;
	[tilespmem:s25+$0x8B80] =	vst v16  }
0xaf: {  	v16 =	vld [tilespmem:s4+$0x0];
	_ =	sdelay $0x4  }
0xb0: {  	v16 =	vand.u32 $0xF, v16  }
0xb1: {  	v17 =	vperm.xlane v14, v16;
	v18 =	vperm.xlane v15, v16  }
0xb2: {  	s25 =	sor.u32 s12, s28;
	v19 =	vperm.xlane v12, v16;
	v20 =	vperm.xlane v9, v16  }
0xb3: {  	v21 =	vperm.xlane v5, v16;
	[tilespmem:s25+$0x6800] =	vst v17;
	v17 =	vperm.xlane v4, v16  }
0xb4: {  	v22 =	vperm.xlane v6, v16;
	v23 =	vperm.xlane v7, v16;
	[tilespmem:s25+$0x6880] =	vst v18  }
0xb5: {  	v24 =	vperm.xlane v13, v16;
	[tilespmem:s25+$0x6900] =	vst v19;
	v19 =	vperm.xlane v10, v16  }
0xb6: {  	v25 =	vperm.xlane v8, v16;
	[tilespmem:s25+$0x6980] =	vst v20;
	v20 =	vperm.xlane v11, v16  }
0xb7: {  	v26 =	vperm.xlane v3, v16;
	v18 =	vperm.xlane v0, v16;
	[tilespmem:s25+$0x6A00] =	vst v17  }
0xb8: {  	v17 =	vperm.xlane v1, v16;
	v16 =	vperm.xlane v2, v16;
	[tilespmem:s25+$0x6A80] =	vst v21  }
0xb9: {  	[tilespmem:s25+$0x6B00] =	vst v22  }
0xba: {  	[tilespmem:s25+$0x6B80] =	vst v23  }
.Ltmp1:
0xbb: {  	[tilespmem:s25+$0x8800] =	vst v19;
	(pc) =	sbr.rel @p0 .LBB2_5-.Ltmp1, $4  }
0xbc: {  	[tilespmem:s25+$0x8880] =	vst v24  }
0xbd: {  	[tilespmem:s25+$0x8900] =	vst v20  }
0xbe: {  	[tilespmem:s25+$0x8980] =	vst v25  }
0xbf: {  	s28 =	sand.u32 $0x1C00, s26;
	s26 =	sadd.s32 $0x80, s26;
	[tilespmem:s25+$0x8A00] =	vst v26  }
0xc0: {  	s4 =	sshrl.u32 s28, $0x2;
	[tilespmem:s25+$0x8A80] =	vst v18;
	s12 =	sadd.s32 $0x10, s24  }
0xc1: {  	[tilespmem:s25+$0x8B00] =	vst v17;
	s12 =	sand.u32 $0x70, s12;
	s4 =	sadd.s32 s4, s22  }
0xc2: {  	[tilespmem:s25+$0x8B80] =	vst v16;
	s4 =	sadd.s32 s12, s4  }
0xc3: {  	v16 =	vld [tilespmem:s4+$0x0];
	_ =	sdelay $0x4  }
0xc4: {  	v16 =	vand.u32 $0xF, v16  }
0xc5: {  	v14 =	vperm.xlane v14, v16  }
0xc6: {  	s26 =	sor.u32 s12, s28;
	v15 =	vperm.xlane v15, v16  }
0xc7: {  	v12 =	vperm.xlane v12, v16;
	[tilespmem:s26+$0x6800] =	vst v14  }
0xc8: {  	v9 =	vperm.xlane v9, v16;
	[tilespmem:s26+$0x6880] =	vst v15  }
0xc9: {  	v4 =	vperm.xlane v4, v16;
	[tilespmem:s26+$0x6900] =	vst v12  }
0xca: {  	v5 =	vperm.xlane v5, v16;
	[tilespmem:s26+$0x6980] =	vst v9  }
0xcb: {  	v6 =	vperm.xlane v6, v16;
	[tilespmem:s26+$0x6A00] =	vst v4  }
0xcc: {  	v3 =	vperm.xlane v3, v16;
	[tilespmem:s26+$0x6A80] =	vst v5  }
0xcd: {  	v0 =	vperm.xlane v0, v16;
	[tilespmem:s26+$0x6B00] =	vst v6  }
0xce: {  	v1 =	vperm.xlane v1, v16;
	[tilespmem:s26+$0x8A00] =	vst v3  }
0xcf: {  	v2 =	vperm.xlane v2, v16;
	[tilespmem:s26+$0x8A80] =	vst v0  }
0xd0: {  	v4 =	vperm.xlane v7, v16;
	[tilespmem:s26+$0x8B00] =	vst v1  }
0xd1: {  	v5 =	vperm.xlane v10, v16;
	[tilespmem:s26+$0x8B80] =	vst v2  }
0xd2: {  	v6 =	vperm.xlane v13, v16;
	[tilespmem:s26+$0x6B80] =	vst v4  }
0xd3: {  	v4 =	vperm.xlane v11, v16;
	[tilespmem:s26+$0x8800] =	vst v5  }
0xd4: {  	v5 =	vperm.xlane v8, v16;
	[tilespmem:s26+$0x8880] =	vst v6  }
0xd5: {  	[tilespmem:s26+$0x8900] =	vst v4  }
0xd6: {  	s24 =	simm.s32 $0x0;
	s12 =	sadd.s32 s23, s9;
	[tilespmem:s26+$0x8980] =	vst v5  }
0xd7: {  	[hbm4b:s12+s24] =	stream.linear.scatter [tilespmem:s1], [sflag:$0x3], $0x4000, $0x38;
	[tilespmem:$0xA800] =	vst v63  }
0xd8: {  	_ =	swait.ge [sflag:s0], $0x4000  }
0xd9: {  	[sflag:s0] =	ssyncset.done $0x0  }
0xda: {  	[sflag:s0] =	ssyncadd.s32 $0xFFFFC000  }
0xdb: {  	v14 =	vld [tilespmem:$0x1000]  }
0xdc: {  	v15 =	vld [tilespmem:$0x1080]  }
0xdd: {  	v13 =	vld [tilespmem:$0x1100]  }
0xde: {  	v11 =	vld [tilespmem:$0x1180]  }
0xdf: {  	s4 =	sand.u32 $0x1C00, s24;
	v8 =	vld [tilespmem:$0x1200]  }
0xe0: {  	s25 =	sshrl.u32 s4, $0x2;
	v4 =	vld [tilespmem:$0x1280]  }
0xe1: {  	s26 =	sand.u32 $0x70, s24;
	s12 =	sadd.s32 s25, s22;
	v5 =	vld [tilespmem:$0x1300]  }
0xe2: {  	s12 =	sadd.s32 s26, s12;
	v6 =	vld [tilespmem:$0x1380]  }
0xe3: {  	v1 =	vld [tilespmem:s12+$0x0]  }
0xe4: {  	v9 =	vld [tilespmem:$0x1400]  }
0xe5: {  	v12 =	vld [tilespmem:$0x1480]  }
0xe6: {  	v10 =	vld [tilespmem:$0x1500]  }
0xe7: {  	v3 =	vld [tilespmem:$0x1600]  }
0xe8: {  	v7 =	vld [tilespmem:$0x1580];
	v16 =	vand.u32 $0xF, v1  }
0xe9: {  	v0 =	vld [tilespmem:$0x1680];
	v17 =	vperm.xlane v14, v16  }
0xea: {  	s25 =	sor.u32 s26, s4;
	v2 =	vld [tilespmem:$0x1780];
	v18 =	vperm.xlane v15, v16  }
0xeb: {  	v1 =	vld [tilespmem:$0x1700];
	v19 =	vperm.xlane v13, v16;
	[tilespmem:s25+$0x2800] =	vst v17  }
0xec: {  	v20 =	vperm.xlane v3, v16;
	[tilespmem:s25+$0x2880] =	vst v18  }
0xed: {  	v17 =	vperm.xlane v11, v16;
	[tilespmem:s25+$0x2900] =	vst v19  }
0xee: {  	v18 =	vperm.xlane v8, v16;
	[tilespmem:s25+$0x4A00] =	vst v20  }
0xef: {  	v19 =	vperm.xlane v4, v16;
	[tilespmem:s25+$0x2980] =	vst v17  }
0xf0: {  	v17 =	vperm.xlane v5, v16;
	[tilespmem:s25+$0x2A00] =	vst v18  }
0xf1: {  	v18 =	vperm.xlane v6, v16;
	[tilespmem:s25+$0x2A80] =	vst v19  }
0xf2: {  	v19 =	vperm.xlane v9, v16;
	[tilespmem:s25+$0x2B00] =	vst v17  }
0xf3: {  	v17 =	vperm.xlane v12, v16;
	[tilespmem:s25+$0x2B80] =	vst v18  }
0xf4: {  	v18 =	vperm.xlane v10, v16;
	[tilespmem:s25+$0x4800] =	vst v19  }
0xf5: {  	v19 =	vperm.xlane v7, v16;
	[tilespmem:s25+$0x4880] =	vst v17  }
0xf6: {  	s26 =	simm.s32 $0x80;
	[tilespmem:s25+$0x4900] =	vst v18;
	v18 =	vperm.xlane v0, v16  }
0xf7: {  	s28 =	sand.u32 $0x1C00, s26;
	s26 =	simm.s32 $0x100;
	[tilespmem:s25+$0x4980] =	vst v19;
	v17 =	vperm.xlane v1, v16;
	v16 =	vperm.xlane v2, v16  }
.LBB2_7:
0xf8: {  	p0 =	sne.s32 s26, $0x1F80;
	s4 =	sshrl.u32 s28, $0x2;
	[tilespmem:s25+$0x4A80] =	vst v18;
	s24 =	sadd.s32 $0x10, s24  }
0xf9: {  	s12 =	sand.u32 $0x70, s24;
	s4 =	sadd.s32 s4, s22;
	[tilespmem:s25+$0x4B00] =	vst v17  }
0xfa: {  	s4 =	sadd.s32 s12, s4;
	[tilespmem:s25+$0x4B80] =	vst v16  }
0xfb: {  	v16 =	vld [tilespmem:s4+$0x0];
	_ =	sdelay $0x4  }
0xfc: {  	v16 =	vand.u32 $0xF, v16  }
0xfd: {  	v17 =	vperm.xlane v14, v16;
	v18 =	vperm.xlane v15, v16  }
0xfe: {  	s25 =	sor.u32 s12, s28;
	v19 =	vperm.xlane v13, v16;
	v20 =	vperm.xlane v11, v16  }
0xff: {  	v21 =	vperm.xlane v4, v16;
	[tilespmem:s25+$0x2800] =	vst v17;
	v17 =	vperm.xlane v8, v16  }
0x100: {  	v22 =	vperm.xlane v5, v16;
	v23 =	vperm.xlane v6, v16;
	[tilespmem:s25+$0x2880] =	vst v18  }
0x101: {  	v24 =	vperm.xlane v12, v16;
	[tilespmem:s25+$0x2900] =	vst v19;
	v19 =	vperm.xlane v9, v16  }
0x102: {  	v25 =	vperm.xlane v7, v16;
	[tilespmem:s25+$0x2980] =	vst v20;
	v20 =	vperm.xlane v10, v16  }
0x103: {  	v26 =	vperm.xlane v3, v16;
	v18 =	vperm.xlane v0, v16;
	[tilespmem:s25+$0x2A00] =	vst v17  }
0x104: {  	v17 =	vperm.xlane v1, v16;
	v16 =	vperm.xlane v2, v16;
	[tilespmem:s25+$0x2A80] =	vst v21  }
0x105: {  	[tilespmem:s25+$0x2B00] =	vst v22  }
0x106: {  	[tilespmem:s25+$0x2B80] =	vst v23  }
.Ltmp2:
0x107: {  	[tilespmem:s25+$0x4800] =	vst v19;
	(pc) =	sbr.rel @p0 .LBB2_7-.Ltmp2, $4  }
0x108: {  	[tilespmem:s25+$0x4880] =	vst v24  }
0x109: {  	[tilespmem:s25+$0x4900] =	vst v20  }
0x10a: {  	[tilespmem:s25+$0x4980] =	vst v25  }
0x10b: {  	s28 =	sand.u32 $0x1C00, s26;
	s26 =	sadd.s32 $0x80, s26;
	[tilespmem:s25+$0x4A00] =	vst v26  }
0x10c: {  	s4 =	sshrl.u32 s28, $0x2;
	[tilespmem:s25+$0x4A80] =	vst v18;
	s12 =	sadd.s32 $0x10, s24  }
0x10d: {  	[tilespmem:s25+$0x4B00] =	vst v17;
	s12 =	sand.u32 $0x70, s12;
	s4 =	sadd.s32 s4, s22  }
0x10e: {  	[tilespmem:s25+$0x4B80] =	vst v16;
	s4 =	sadd.s32 s12, s4  }
0x10f: {  	v16 =	vld [tilespmem:s4+$0x0];
	_ =	sdelay $0x4  }
0x110: {  	v16 =	vand.u32 $0xF, v16  }
0x111: {  	v14 =	vperm.xlane v14, v16  }
0x112: {  	s26 =	sor.u32 s12, s28;
	v15 =	vperm.xlane v15, v16  }
0x113: {  	v13 =	vperm.xlane v13, v16;
	[tilespmem:s26+$0x2800] =	vst v14  }
0x114: {  	v11 =	vperm.xlane v11, v16;
	[tilespmem:s26+$0x2880] =	vst v15  }
0x115: {  	v8 =	vperm.xlane v8, v16;
	[tilespmem:s26+$0x2900] =	vst v13  }
0x116: {  	v4 =	vperm.xlane v4, v16;
	[tilespmem:s26+$0x2980] =	vst v11  }
0x117: {  	v5 =	vperm.xlane v5, v16;
	[tilespmem:s26+$0x2A00] =	vst v8  }
0x118: {  	v6 =	vperm.xlane v6, v16;
	[tilespmem:s26+$0x2A80] =	vst v4  }
0x119: {  	v3 =	vperm.xlane v3, v16;
	[tilespmem:s26+$0x2B00] =	vst v5  }
0x11a: {  	v0 =	vperm.xlane v0, v16;
	[tilespmem:s26+$0x2B80] =	vst v6  }
0x11b: {  	v1 =	vperm.xlane v1, v16;
	[tilespmem:s26+$0x4A00] =	vst v3  }
0x11c: {  	v2 =	vperm.xlane v2, v16;
	[tilespmem:s26+$0x4A80] =	vst v0  }
0x11d: {  	v4 =	vperm.xlane v9, v16;
	[tilespmem:s26+$0x4B00] =	vst v1  }
0x11e: {  	v5 =	vperm.xlane v12, v16;
	[tilespmem:s26+$0x4B80] =	vst v2  }
0x11f: {  	v6 =	vperm.xlane v10, v16;
	[tilespmem:s26+$0x4800] =	vst v4  }
0x120: {  	v4 =	vperm.xlane v7, v16;
	[tilespmem:s26+$0x4880] =	vst v5  }
0x121: {  	[tilespmem:s26+$0x4900] =	vst v6  }
0x122: {  	s24 =	simm.s32 $0x0;
	s12 =	sadd.s32 s23, s10;
	[tilespmem:s26+$0x4980] =	vst v4  }
0x123: {  	[hbm4b:s12+s24] =	stream.linear.scatter [tilespmem:s31], [sflag:$0x3], $0x4000, $0x38;
	[tilespmem:$0xA800] =	vst v63  }
0x124: {  	_ =	swait.ge [sflag:s0], $0x4000  }
0x125: {  	[sflag:s0] =	ssyncset.done $0x0  }
0x126: {  	[sflag:s0] =	ssyncadd.s32 $0xFFFFC000  }
0x127: {  	v14 =	vld [tilespmem:$0x1800]  }
0x128: {  	v15 =	vld [tilespmem:$0x1880]  }
0x129: {  	v13 =	vld [tilespmem:$0x1900]  }
0x12a: {  	v11 =	vld [tilespmem:$0x1980]  }
0x12b: {  	s4 =	sand.u32 $0x1C00, s24;
	v8 =	vld [tilespmem:$0x1A00]  }
0x12c: {  	s25 =	sshrl.u32 s4, $0x2;
	v4 =	vld [tilespmem:$0x1A80]  }
0x12d: {  	s26 =	sand.u32 $0x70, s24;
	s12 =	sadd.s32 s25, s22;
	v5 =	vld [tilespmem:$0x1B00]  }
0x12e: {  	s12 =	sadd.s32 s26, s12;
	v6 =	vld [tilespmem:$0x1B80]  }
0x12f: {  	v1 =	vld [tilespmem:s12+$0x0]  }
0x130: {  	v9 =	vld [tilespmem:$0x1C00]  }
0x131: {  	v12 =	vld [tilespmem:$0x1C80]  }
0x132: {  	v10 =	vld [tilespmem:$0x1D00]  }
0x133: {  	v3 =	vld [tilespmem:$0x1E00]  }
0x134: {  	v7 =	vld [tilespmem:$0x1D80];
	v16 =	vand.u32 $0xF, v1  }
0x135: {  	v0 =	vld [tilespmem:$0x1E80];
	v17 =	vperm.xlane v14, v16  }
0x136: {  	s25 =	sor.u32 s26, s4;
	v2 =	vld [tilespmem:$0x1F80];
	v18 =	vperm.xlane v15, v16  }
0x137: {  	v1 =	vld [tilespmem:$0x1F00];
	v19 =	vperm.xlane v13, v16;
	[tilespmem:s25+$0x6800] =	vst v17  }
0x138: {  	v20 =	vperm.xlane v3, v16;
	[tilespmem:s25+$0x6880] =	vst v18  }
0x139: {  	v17 =	vperm.xlane v11, v16;
	[tilespmem:s25+$0x6900] =	vst v19  }
0x13a: {  	v18 =	vperm.xlane v8, v16;
	[tilespmem:s25+$0x8A00] =	vst v20  }
0x13b: {  	v19 =	vperm.xlane v4, v16;
	[tilespmem:s25+$0x6980] =	vst v17  }
0x13c: {  	v17 =	vperm.xlane v5, v16;
	[tilespmem:s25+$0x6A00] =	vst v18  }
0x13d: {  	v18 =	vperm.xlane v6, v16;
	[tilespmem:s25+$0x6A80] =	vst v19  }
0x13e: {  	v19 =	vperm.xlane v9, v16;
	[tilespmem:s25+$0x6B00] =	vst v17  }
0x13f: {  	v17 =	vperm.xlane v12, v16;
	[tilespmem:s25+$0x6B80] =	vst v18  }
0x140: {  	v18 =	vperm.xlane v10, v16;
	[tilespmem:s25+$0x8800] =	vst v19  }
0x141: {  	v19 =	vperm.xlane v7, v16;
	[tilespmem:s25+$0x8880] =	vst v17  }
0x142: {  	s26 =	simm.s32 $0x80;
	[tilespmem:s25+$0x8900] =	vst v18;
	v18 =	vperm.xlane v0, v16  }
0x143: {  	s28 =	sand.u32 $0x1C00, s26;
	s26 =	simm.s32 $0x100;
	[tilespmem:s25+$0x8980] =	vst v19;
	v17 =	vperm.xlane v1, v16;
	v16 =	vperm.xlane v2, v16  }
.LBB2_9:
0x144: {  	p0 =	sne.s32 s26, $0x1F80;
	s4 =	sshrl.u32 s28, $0x2;
	[tilespmem:s25+$0x8A80] =	vst v18;
	s24 =	sadd.s32 $0x10, s24  }
0x145: {  	s12 =	sand.u32 $0x70, s24;
	s4 =	sadd.s32 s4, s22;
	[tilespmem:s25+$0x8B00] =	vst v17  }
0x146: {  	s4 =	sadd.s32 s12, s4;
	[tilespmem:s25+$0x8B80] =	vst v16  }
0x147: {  	v16 =	vld [tilespmem:s4+$0x0];
	_ =	sdelay $0x4  }
0x148: {  	v16 =	vand.u32 $0xF, v16  }
0x149: {  	v17 =	vperm.xlane v14, v16;
	v18 =	vperm.xlane v15, v16  }
0x14a: {  	s25 =	sor.u32 s12, s28;
	v19 =	vperm.xlane v13, v16;
	v20 =	vperm.xlane v11, v16  }
0x14b: {  	v21 =	vperm.xlane v4, v16;
	[tilespmem:s25+$0x6800] =	vst v17;
	v17 =	vperm.xlane v8, v16  }
0x14c: {  	v22 =	vperm.xlane v5, v16;
	v23 =	vperm.xlane v6, v16;
	[tilespmem:s25+$0x6880] =	vst v18  }
0x14d: {  	v24 =	vperm.xlane v12, v16;
	[tilespmem:s25+$0x6900] =	vst v19;
	v19 =	vperm.xlane v9, v16  }
0x14e: {  	v25 =	vperm.xlane v7, v16;
	[tilespmem:s25+$0x6980] =	vst v20;
	v20 =	vperm.xlane v10, v16  }
0x14f: {  	v26 =	vperm.xlane v3, v16;
	v18 =	vperm.xlane v0, v16;
	[tilespmem:s25+$0x6A00] =	vst v17  }
0x150: {  	v17 =	vperm.xlane v1, v16;
	v16 =	vperm.xlane v2, v16;
	[tilespmem:s25+$0x6A80] =	vst v21  }
0x151: {  	[tilespmem:s25+$0x6B00] =	vst v22  }
0x152: {  	[tilespmem:s25+$0x6B80] =	vst v23  }
.Ltmp3:
0x153: {  	[tilespmem:s25+$0x8800] =	vst v19;
	(pc) =	sbr.rel @p0 .LBB2_9-.Ltmp3, $4  }
0x154: {  	[tilespmem:s25+$0x8880] =	vst v24  }
0x155: {  	[tilespmem:s25+$0x8900] =	vst v20  }
0x156: {  	[tilespmem:s25+$0x8980] =	vst v25  }
0x157: {  	s28 =	sand.u32 $0x1C00, s26;
	s26 =	sadd.s32 $0x80, s26;
	[tilespmem:s25+$0x8A00] =	vst v26  }
0x158: {  	s4 =	sshrl.u32 s28, $0x2;
	[tilespmem:s25+$0x8A80] =	vst v18;
	s12 =	sadd.s32 $0x10, s24  }
0x159: {  	[tilespmem:s25+$0x8B00] =	vst v17;
	s12 =	sand.u32 $0x70, s12;
	s4 =	sadd.s32 s4, s22  }
0x15a: {  	[tilespmem:s25+$0x8B80] =	vst v16;
	s4 =	sadd.s32 s12, s4  }
0x15b: {  	v16 =	vld [tilespmem:s4+$0x0];
	_ =	sdelay $0x4  }
0x15c: {  	v16 =	vand.u32 $0xF, v16  }
0x15d: {  	v14 =	vperm.xlane v14, v16  }
0x15e: {  	s26 =	sor.u32 s12, s28;
	v15 =	vperm.xlane v15, v16  }
0x15f: {  	v13 =	vperm.xlane v13, v16;
	[tilespmem:s26+$0x6800] =	vst v14  }
0x160: {  	v11 =	vperm.xlane v11, v16;
	[tilespmem:s26+$0x6880] =	vst v15  }
0x161: {  	v8 =	vperm.xlane v8, v16;
	[tilespmem:s26+$0x6900] =	vst v13  }
0x162: {  	v4 =	vperm.xlane v4, v16;
	[tilespmem:s26+$0x6980] =	vst v11  }
0x163: {  	v5 =	vperm.xlane v5, v16;
	[tilespmem:s26+$0x6A00] =	vst v8  }
0x164: {  	v6 =	vperm.xlane v6, v16;
	[tilespmem:s26+$0x6A80] =	vst v4  }
0x165: {  	v60 =	vperm.xlane v9, v16;
	[tilespmem:s26+$0x6B00] =	vst v5  }
0x166: {  	v61 =	vperm.xlane v12, v16;
	[tilespmem:s26+$0x6B80] =	vst v6  }
0x167: {  	v62 =	vperm.xlane v10, v16;
	[tilespmem:s26+$0x8800] =	vst v60  }
0x168: {  	v63 =	vperm.xlane v7, v16;
	[tilespmem:s26+$0x8880] =	vst v61  }
0x169: {  	v3 =	vperm.xlane v3, v16;
	[tilespmem:s26+$0x8900] =	vst v62  }
0x16a: {  	p0 =	sne.s32 s21, s7;
	v0 =	vperm.xlane v0, v16;
	[tilespmem:s26+$0x8980] =	vst v63  }
.Ltmp4:
0x16b: {  	v1 =	vperm.xlane v1, v16;
	[tilespmem:s26+$0x8A00] =	vst v3;
	(pc) =	sbr.rel @p0 .LBB2_2-.Ltmp4, $4  }
0x16c: {  	v2 =	vperm.xlane v2, v16;
	[tilespmem:s26+$0x8A80] =	vst v0  }
0x16d: {  	[tilespmem:s26+$0x8B00] =	vst v1  }
0x16e: {  	s28 =	sadd.s32 s23, s11;
	[tilespmem:s26+$0x8B80] =	vst v2  }
0x16f: {  	[hbm4b:s28+s3] =	stream.linear.scatter [tilespmem:s1], [sflag:$0x3], $0x4000, $0x38;
	[tilespmem:$0xA800] =	vst v63  }
0x170: {  	_ =	swait.ge [sflag:s0], $0x4000  }
0x171: {  	[sflag:s0] =	ssyncset.done $0x0  }
0x172: {  	[sflag:s0] =	ssyncadd.s32 $0xFFFFC000  }
0x173: {  	_ =	swait.ge [sflag:s0], $0x4000  }
0x174: {  	s20 =	sadd.s32 $0x1, s20;
	s4 =	rddreg [dreg:$0x4]  }
0x175: {  	p0 =	sne.s32 s20, s4  }
.Ltmp5:
0x176: {  	_ = 	snop;
	(pc) =	sbr.rel @p0 .LBB2_1-.Ltmp5, $3  }
0x177: {  	_ =	sdelay $0x1  }
0x178: {  	[sflag:s0] =	ssyncset.done $0x0  }
0x179: {  	[sflag:s0] =	ssyncadd.s32 $0xFFFFC000  }
0x17a: {  	_ =	sfence.sel $0x180000  }
0x17b: {  	[bflag:$0x0] =	sbarrier.arrive $0xFFFF  }
0x17c: {  	_ =	strace $0x90000047  }
0x17d: {  	s0 =	stileid.u32;
	[bflag:$0x2] =	sbarrier.arrive $0xFFFF  }
0x17e: {  	p0 =	sne.s32 s0, $0x0;
	s0 =	rddreg [dreg:$0x2]  }
0x17f: {  	s0 =	sadd.s32 @!p0 $0x100000, s0  }
0x180: {  	[sflag:s0] =	ssyncadd.tile.s32 @!p0 $0x1;
	_ =	shalt  }
.Lfunc_end2:
_tile_overlayer_lowered:
.L_overlay_start_2:
0x181: {  	(tag) =	ssettag $0x2  }
0x182: {  	s0 =	rddreg [dreg:$0x0];
	s2 =	stileid.u32  }
0x183: {  	s1 =	rddreg [dreg:$0x1];
	p0 =	sne.s32 s2, $0x0  }
0x184: {  	s3 =	rddreg [dreg:$0x2];
	[bflag:$0x3] =	sbarrier.arrive $0xFFFF;
	s2 =	simm.s32 @!p0 $0x1C04  }
0x185: {  	[timem:s3], [sflag:s2] =	dma.local @!p0 [hbm:s0], s1  }
0x186: {  	s0 =	simm.s32 @!p0 $0x4  }
0x187: {  	_ =	swait.ge @!p0 [sflag:s0], s1  }
0x188: {  	s1 =	ssub.s32 @!p0 $0x0, s1;
	[sflag:s0] =	ssyncset.done @!p0 $0x0  }
0x189: {  	[sflag:s0] =	ssyncadd.s32 @!p0 s1  }
0x18a: {  	[bflag:$0x3] =	sbarrier.arrive $0xFFFF  }
0x18b: {  	_ =	shalt  }

</sc_bundles>
